<compile_context>
chip_gen: v7x
topology: tpu7x:2x2x1
jax: 0.10.2.dev20260603
libtpu: 0.0.44.dev20260713+nightly
codegen_flags: <defaults>
</compile_context>

<pallas_src>
import functools

import jax
import jax.numpy as jnp
import numpy as np
from jax import lax
from jax.experimental import pallas as pl
from jax.experimental.pallas import tpu as pltpu
from jax.experimental.pallas import tpu_sc as plsc

_INTERPRET = False

_P = 4
_L = 4
_H = 8
_HD = 32
_D = 256
_J = _P * _L * _H * 4

_NW = 32


def _ka_body(q_ref, aux_ref, woffT_ref, waT_ref, ey_ref, ex_ref, msum_ref,
             ea_ref, ft_ref, bt_ref, it_ref, idx_ref, wgt_ref):
    q = q_ref[...]
    ft = ft_ref[...]
    off = (jnp.dot(q, woffT_ref[...], preferred_element_type=jnp.float32)
           + bt_ref[0:1, :])
    yoff = jnp.dot(off, ey_ref[...], preferred_element_type=jnp.float32)
    xoff = jnp.dot(off, ex_ref[...], preferred_element_type=jnp.float32)
    alin = (jnp.dot(q, waT_ref[...], preferred_element_type=jnp.float32)
            + bt_ref[1:2, 0:128])
    e = jnp.exp(alin)
    den = jnp.dot(e, msum_ref[...], preferred_element_type=jnp.float32)
    aw = e / den
    aexp = jnp.dot(aw, ea_ref[...], preferred_element_type=jnp.float32)

    posy = aux_ref[:, 0:1]
    posx = aux_ref[:, 1:2]
    bcol = aux_ref[:, 2:3]

    y = jnp.clip(posy * ft[0:1, :] + yoff, 0.0, ft[2:3, :])
    x = jnp.clip(posx * ft[1:2, :] + xoff, 0.0, ft[3:4, :])
    y0 = jnp.floor(y)
    x0 = jnp.floor(x)
    ty = y - y0
    tx = x - x0

    jcol = lax.broadcasted_iota(jnp.int32, y.shape, 1)
    cy = (jcol & 2) != 0
    cx = (jcol & 1) != 0
    yi = jnp.clip(jnp.where(cy, y0 + 1.0, y0), 0.0, ft[2:3, :] - 1.0).astype(jnp.int32)
    xi = jnp.clip(jnp.where(cx, x0 + 1.0, x0), 0.0, ft[3:4, :] - 1.0).astype(jnp.int32)
    wyb = jnp.where(cy, ty, 1.0 - ty)
    wxb = jnp.where(cx, tx, 1.0 - tx)

    hcol = (jcol >> 2) & 7
    cell = (it_ref[0:1, :] + bcol.astype(jnp.int32) * it_ref[1:2, :]
            + yi * it_ref[2:3, :] + xi)
    idx_ref[...] = ((hcol >> 2) * _CTOT + cell) * 4 + (hcol & 3)
    wgt_ref[...] = aexp * wyb * wxb


def _proj_perm_body(x_ref, p_ref, wT_ref, b_ref, o_ref):
    v = jnp.dot(x_ref[...], p_ref[...], preferred_element_type=jnp.float32)
    o_ref[...] = (jnp.dot(v, wT_ref[...], preferred_element_type=jnp.float32)
                  + b_ref[0:1, :])


def _tc_proj_ragged(x, w, b, block, n_out, pmat):
    n, d_in = x.shape
    d_out = w.shape[0]
    bt = jnp.zeros((8, d_out), jnp.float32).at[0, :].set(b)
    grid = n // block
    return pl.pallas_call(
        _proj_perm_body,
        grid=(grid,),
        in_specs=[
            pl.BlockSpec((block, d_in), lambda i: (i, 0)),
            pl.BlockSpec((d_in, d_in), lambda i: (0, 0)),
            pl.BlockSpec((d_in, d_out), lambda i: (0, 0)),
            pl.BlockSpec((8, d_out), lambda i: (0, 0)),
        ],
        out_specs=pl.BlockSpec((block, d_out), lambda i: (i, 0)),
        out_shape=jax.ShapeDtypeStruct((n_out, d_out), jnp.float32),
        interpret=_INTERPRET,
    )(x, pmat, w.T, bt)


_LSHAPES = ((64, 64), (32, 32), (16, 16), (8, 8))
_SL = tuple(h * w for h, w in _LSHAPES)
_BASEL = (0, 8192, 10240, 10752)
_CTOT = 10880


def _kb_body(x_ref, wvT_ref, bv_ref, o_ref, *, ycx):
    b = pl.program_id(0)
    i = pl.program_id(1)
    wvT = wvT_ref[...]
    for l, (hl, wl) in enumerate(_LSHAPES):
        nby = hl // ycx

        @pl.when(i < nby)
        def _():
            xl = x_ref[0, :, 0:wl, l, :].reshape(ycx * wl, _D)
            off = _BASEL[l] + b * _SL[l] + i * ycx * wl
            for half in range(2):
                p = (jnp.dot(xl, wvT[:, half * 128:(half + 1) * 128],
                             preferred_element_type=jnp.float32)
                     + bv_ref[0:1, half * 128:(half + 1) * 128])
                o_ref[half, pl.ds(off, ycx * wl), :] = p.astype(jnp.bfloat16)


def _value_table(sfm, W_val, b_val):
    bn, hm, wm, nl, d = sfm.shape
    ycx = 8
    grid = (bn, hm // ycx)
    bvt = jnp.zeros((8, d), jnp.float32).at[0, :].set(b_val)
    out = pl.pallas_call(
        functools.partial(_kb_body, ycx=ycx),
        grid=grid,
        in_specs=[
            pl.BlockSpec((1, ycx, wm, nl, d), lambda b, i: (b, i, 0, 0, 0)),
            pl.BlockSpec((d, d), lambda b, i: (0, 0)),
            pl.BlockSpec((8, d), lambda b, i: (0, 0)),
        ],
        out_specs=pl.BlockSpec((2, _CTOT, 128), lambda b, i: (0, 0, 0)),
        out_shape=jax.ShapeDtypeStruct((2, _CTOT, 128), jnp.bfloat16),
        interpret=_INTERPRET,
    )(sfm, W_val.T, bvt)
    return out


_NBUF = 4


def _kc_body(table, idx_hbm, wgt_hbm, out, idx_all, wgt_all, rows_bufs,
             out_all, sems, *, qpt):
    cid = lax.axis_index("c")
    sid = lax.axis_index("s")
    wid = sid * 2 + cid
    base = wid * qpt

    pltpu.sync_copy(idx_hbm.at[pl.ds(base, qpt)], idx_all)
    pltpu.sync_copy(wgt_hbm.at[pl.ds(base, qpt)], wgt_all)

    def issue(qloc, b):
        for k in range(4):
            pltpu.async_copy(table.at[idx_all.at[qloc, pl.ds(k * 128, 128)]],
                             rows_bufs[b].at[pl.ds(k * 128, 128)], sems[b])

    def drain(b):
        pltpu.make_async_copy(table.at[pl.ds(0, _J)], rows_bufs[b],
                              sems[b]).wait()

    def compute(qloc, rows):
        zero = jnp.zeros((16,), jnp.float32)
        accs0 = (zero,) * 16

        def sbody(s, accs):
            new = list(accs)
            jbase = s * 32
            wv0 = wgt_all[qloc, pl.ds(jbase, 16)]
            wv1 = wgt_all[qloc, pl.ds(jbase + 16, 16)]
            for h in range(_H):
                for c4 in range(4):
                    j = jbase + h * 4 + c4
                    k = h * 4 + c4
                    w = wv0[k] if k < 16 else wv1[k - 16]
                    rv = rows[j]
                    a, b = plsc.unpack(rv, format=plsc.PackFormat.INTERLEAVED)
                    new[2 * h] = new[2 * h] + w * a
                    new[2 * h + 1] = new[2 * h + 1] + w * b
            return tuple(new)

        accs = lax.fori_loop(0, 16, sbody, accs0)
        for h in range(_H):
            out_all[qloc, pl.ds(32 * h, 16)] = accs[2 * h]
            out_all[qloc, pl.ds(32 * h + 16, 16)] = accs[2 * h + 1]

    for b in range(_NBUF):
        issue(b, b)

    def quad(k4, carry):
        q = k4 * _NBUF
        for b in range(_NBUF):
            drain(b)
            compute(q + b, rows_bufs[b])
            issue(jnp.minimum(q + b + _NBUF, qpt - 1), b)
        return carry

    lax.fori_loop(0, qpt // _NBUF, quad, 0)
    for b in range(_NBUF):
        drain(b)

    pltpu.sync_copy(out_all, out.at[pl.ds(base, qpt)])


def _kc_wrap(table, idx_hbm, wgt_hbm, out, idx_all, wgt_all, r0, r1, r2, r3,
             out_all, s0, s1, s2, s3, *, qpt):
    _kc_body(table, idx_hbm, wgt_hbm, out, idx_all, wgt_all,
             (r0, r1, r2, r3), out_all, (s0, s1, s2, s3), qpt=qpt)


def _sc_gather(table, idx, wgt, np_pad):
    qpt = np_pad // _NW
    mesh = plsc.VectorSubcoreMesh(core_axis_name="c", subcore_axis_name="s",
                                  num_cores=2, num_subcores=16)
    k = pl.kernel(
        functools.partial(_kc_wrap, qpt=qpt),
        out_type=jax.ShapeDtypeStruct((np_pad, _D), jnp.float32),
        mesh=mesh,
        scratch_types=(
            [pltpu.VMEM((qpt, _J), jnp.int32),
             pltpu.VMEM((qpt, _J), jnp.float32)]
            + [pltpu.VMEM((_J, _HD), jnp.bfloat16) for _ in range(_NBUF)]
            + [pltpu.VMEM((qpt, _D), jnp.float32)]
            + [pltpu.SemaphoreType.DMA for _ in range(_NBUF)]
        ),
        compiler_params=pltpu.CompilerParams(use_tc_tiling_on_sc=False,
                                             needs_layout_passes=False),
        interpret=_INTERPRET,
    )
    return k(table, idx, wgt)


def kernel(query, query_spatial_positions, query_batch_offsets,
           stacked_feature_maps, level_spatial_shapes,
           W_off, b_off, W_attn, b_attn, W_val, b_val, W_out, b_out):
    n = query.shape[0]
    bn, hm, wm, nl, d = stacked_feature_maps.shape
    np_pad = ((n + 255) // 256) * 256

    jj = np.arange(_J)
    ll = (jj >> 5) & 3
    aa = np.arange(_D)
    ey = jnp.asarray((aa[:, None] == (jj[None, :] >> 2) * 2), jnp.float32)
    ex = jnp.asarray((aa[:, None] == (jj[None, :] >> 2) * 2 + 1), jnp.float32)
    a128 = np.arange(128)
    msum = jnp.asarray((a128[:, None] % 8) == (a128[None, :] % 8), jnp.float32)
    ea = jnp.asarray(a128[:, None] == (jj[None, :] >> 2), jnp.float32)

    shapes_f = level_spatial_shapes.astype(jnp.float32)
    max_shape = jnp.max(shapes_f, axis=0)
    scale_y = shapes_f[ll, 0] / max_shape[0]
    scale_x = shapes_f[ll, 1] / max_shape[1]
    h_col = shapes_f[ll, 0]
    w_col = shapes_f[ll, 1]
    zrow = jnp.zeros((_J,), jnp.float32)
    ft = jnp.stack([scale_y, scale_x, h_col, w_col, zrow, zrow, zrow, zrow])
    basel = np.asarray(_BASEL)[ll]
    sl = np.asarray(_SL)[ll]
    wl = np.asarray([s[1] for s in _LSHAPES])[ll]
    zi = np.zeros(_J, np.int32)
    itab = jnp.asarray(np.stack([basel, sl, wl, zi, zi, zi, zi, zi]),
                       jnp.int32)
    bt = jnp.zeros((8, d), jnp.float32)
    bt = bt.at[0, :].set(b_off)
    bt = bt.at[1, :128].set(b_attn)

    b_ids = (jnp.arange(n) >= query_batch_offsets[1]).astype(jnp.float32)
    aux = jnp.concatenate(
        [query_spatial_positions, b_ids[:, None]], axis=1)
    aux = jnp.pad(aux, ((0, np_pad - n), (0, 125)))
    qp = jnp.pad(query, ((0, np_pad - n), (0, 0)))

    block = 256
    grid = np_pad // block
    idx, wgt = pl.pallas_call(
        _ka_body,
        grid=(grid,),
        in_specs=[
            pl.BlockSpec((block, d), lambda i: (i, 0)),
            pl.BlockSpec((block, 128), lambda i: (i, 0)),
            pl.BlockSpec((d, d), lambda i: (0, 0)),
            pl.BlockSpec((d, 128), lambda i: (0, 0)),
            pl.BlockSpec((d, _J), lambda i: (0, 0)),
            pl.BlockSpec((d, _J), lambda i: (0, 0)),
            pl.BlockSpec((128, 128), lambda i: (0, 0)),
            pl.BlockSpec((128, _J), lambda i: (0, 0)),
            pl.BlockSpec((8, _J), lambda i: (0, 0)),
            pl.BlockSpec((8, d), lambda i: (0, 0)),
            pl.BlockSpec((8, _J), lambda i: (0, 0)),
        ],
        out_specs=[
            pl.BlockSpec((block, _J), lambda i: (i, 0)),
            pl.BlockSpec((block, _J), lambda i: (i, 0)),
        ],
        out_shape=[
            jax.ShapeDtypeStruct((np_pad, _J), jnp.int32),
            jax.ShapeDtypeStruct((np_pad, _J), jnp.float32),
        ],
        interpret=_INTERPRET,
    )(qp, aux, W_off.T, W_attn.T, ey, ex, msum, ea, ft, bt, itab)

    table4 = _value_table(stacked_feature_maps, W_val, b_val)
    table = table4.reshape(-1, _HD)

    sc_out = _sc_gather(table, idx, wgt, np_pad)

    cc = np.arange(_D)
    hh = cc >> 5
    kk = cc & 31
    tperm = hh * 32 + np.where(kk < 16, 2 * kk, 2 * (kk - 16) + 1)
    pmat = jnp.asarray(tperm[:, None] == cc[None, :], jnp.float32)
    return _tc_proj_ragged(sc_out, W_out, b_out, 256, n, pmat)

# --- scband reference (transcript-rebuilt; emitter-appended) ---
"""Pipeline reference for scband-sparse-msdeformable-attention-30202210025500 (READ-ONLY COPY).

The authoritative reference and input builder live on the scoring server;
editing this copy changes nothing except your own understanding.
"""

import jax, jax.numpy as jnp
import numpy as np

EMBED_DIM = 256
N_HEADS = 8
N_LEVELS = 4
N_POINTS = 4
HEAD_DIM = EMBED_DIM // N_HEADS
B = 2
HM = 64
WM = 64
NQ = 2000


def setup_inputs(seed: int = 0):
    key = jax.random.key(seed)
    ks = jax.random.split(key, 12)
    query = jax.random.normal(ks[0], (NQ, EMBED_DIM), dtype=jnp.float32)
    query_spatial_positions = jax.random.uniform(ks[1], (NQ, 2), dtype=jnp.float32) * 64.0
    query_batch_offsets = jnp.array([0, NQ // 2, NQ], dtype=jnp.int32)
    stacked_feature_maps = jax.random.normal(ks[2], (B, HM, WM, N_LEVELS, EMBED_DIM), dtype=jnp.float32) * 0.1
    level_spatial_shapes = jnp.array([[64, 64], [32, 32], [16, 16], [8, 8]], dtype=jnp.int32)
    W_off = jax.random.normal(ks[3], (N_POINTS * N_LEVELS * N_HEADS * 2, EMBED_DIM), dtype=jnp.float32) * 0.01
    b_off = jax.random.normal(ks[4], (N_POINTS * N_LEVELS * N_HEADS * 2,), dtype=jnp.float32)
    W_attn = jax.random.normal(ks[5], (N_POINTS * N_LEVELS * N_HEADS, EMBED_DIM), dtype=jnp.float32) * 0.05
    b_attn = jnp.zeros((N_POINTS * N_LEVELS * N_HEADS,), dtype=jnp.float32)
    W_val = jax.random.normal(ks[6], (EMBED_DIM, EMBED_DIM), dtype=jnp.float32) * 0.05
    b_val = jnp.zeros((EMBED_DIM,), dtype=jnp.float32)
    W_out = jax.random.normal(ks[7], (EMBED_DIM, EMBED_DIM), dtype=jnp.float32) * 0.05
    b_out = jnp.zeros((EMBED_DIM,), dtype=jnp.float32)
    return {"query": query, "query_spatial_positions": query_spatial_positions, "query_batch_offsets": query_batch_offsets, "stacked_feature_maps": stacked_feature_maps, "level_spatial_shapes": level_spatial_shapes, "W_off": W_off, "b_off": b_off, "W_attn": W_attn, "b_attn": b_attn, "W_val": W_val, "b_val": b_val, "W_out": W_out, "b_out": b_out}


def _forward(query, query_spatial_positions, stacked_feature_maps, W_off, b_off, W_attn, b_attn, W_val, b_val, W_out, b_out, query_batch_offsets, level_spatial_shapes):
    N = query.shape[0]
    Bn, Hm, Wm, L, D = stacked_feature_maps.shape
    # value projection applied to feature map values
    value = stacked_feature_maps @ W_val.T + b_val
    # sampling offsets: [N, P, L, H, 2]
    off = (query @ W_off.T + b_off).reshape(N, N_POINTS, N_LEVELS, N_HEADS, 2)
    # attention weights: softmax over P*L jointly
    attn = (query @ W_attn.T + b_attn).reshape(N, N_POINTS * N_LEVELS, N_HEADS)
    attn = jax.nn.softmax(attn, axis=-2).reshape(N, N_POINTS, N_LEVELS, N_HEADS)
    # scale single-level positions (default: max-shape level) to all levels
    shapes_f = level_spatial_shapes.astype(jnp.float32)  # [L, 2]
    max_shape = jnp.max(shapes_f, axis=0)  # [2]
    scaled = query_spatial_positions[:, None, :] * (shapes_f[None, :, :] / max_shape[None, None, :])  # [N, L, 2]
    locs = scaled[:, None, :, None, :] + off  # [N, P, L, H, 2] (h, w)
    locs = jnp.clip(locs, 0.0, shapes_f[:, None, :])
    y = locs[..., 0]
    x = locs[..., 1]
    hmax = shapes_f[:, 0][None, None, :, None]
    wmax = shapes_f[:, 1][None, None, :, None]
    y0 = jnp.floor(y)
    x0 = jnp.floor(x)
    ty = y - y0
    tx = x - x0
    y0i = jnp.clip(y0, 0.0, hmax - 1.0).astype(jnp.int32)
    y1i = jnp.clip(y0 + 1.0, 0.0, hmax - 1.0).astype(jnp.int32)
    x0i = jnp.clip(x0, 0.0, wmax - 1.0).astype(jnp.int32)
    x1i = jnp.clip(x0 + 1.0, 0.0, wmax - 1.0).astype(jnp.int32)
    b_ids = (jnp.searchsorted(query_batch_offsets, jnp.arange(N), side='right') - 1).astype(jnp.int32)
    value_h = value.reshape(Bn, Hm, Wm, L, N_HEADS, HEAD_DIM).reshape(-1, HEAD_DIM)
    l_idx = jnp.arange(L, dtype=jnp.int32)[None, None, :, None]
    h_idx = jnp.arange(N_HEADS, dtype=jnp.int32)[None, None, None, :]
    bb = b_ids[:, None, None, None]

    def gather(yi, xi):
        flat = (((bb * Hm + yi) * Wm + xi) * L + l_idx) * N_HEADS + h_idx
        return value_h[flat]  # [N, P, L, H, HEAD_DIM]

    v = (gather(y0i, x0i) * ((1.0 - ty) * (1.0 - tx))[..., None]
         + gather(y0i, x1i) * ((1.0 - ty) * tx)[..., None]
         + gather(y1i, x0i) * (ty * (1.0 - tx))[..., None]
         + gather(y1i, x1i) * (ty * tx)[..., None])
    out = jnp.einsum('nplh,nplhd->nhd', attn, v).reshape(N, D)
    return out @ W_out.T + b_out


def reference(query, query_spatial_positions, query_batch_offsets, stacked_feature_maps, level_spatial_shapes, W_off, b_off, W_attn, b_attn, W_val, b_val, W_out, b_out):
    return _forward(query, query_spatial_positions, stacked_feature_maps, W_off, b_off, W_attn, b_attn, W_val, b_val, W_out, b_out, query_batch_offsets, level_spatial_shapes)

if __name__ == "__main__":
    import jax
    _d = setup_inputs()
    print(jax.jit(kernel)(*tuple(_d.values())))

</pallas_src>

<mosaic_0001>
#map = affine_map<(d0, d1) -> (0, 0)>
module attributes {stable_mosaic.version = 14 : i64} {
  func.func @_kc_wrap(%arg0: i32, %arg1: i32, %arg2: memref<87040x32xbf16, #tpu.memory_space<hbm>>, %arg3: memref<2048x512xi32, #tpu.memory_space<hbm>>, %arg4: memref<2048x512xf32, #tpu.memory_space<hbm>>, %arg5: memref<2048x256xf32, #tpu.memory_space<hbm>>, %arg6: memref<64x512xi32, #tpu.memory_space<vmem>>, %arg7: memref<64x512xf32, #tpu.memory_space<vmem>>, %arg8: memref<512x32xbf16, #tpu.memory_space<vmem>>, %arg9: memref<512x32xbf16, #tpu.memory_space<vmem>>, %arg10: memref<512x32xbf16, #tpu.memory_space<vmem>>, %arg11: memref<512x32xbf16, #tpu.memory_space<vmem>>, %arg12: memref<64x256xf32, #tpu.memory_space<vmem>>, %arg13: memref<!tpu.dma_semaphore, #tpu.memory_space<semaphore_mem>>, %arg14: memref<!tpu.dma_semaphore, #tpu.memory_space<semaphore_mem>>, %arg15: memref<!tpu.dma_semaphore, #tpu.memory_space<semaphore_mem>>, %arg16: memref<!tpu.dma_semaphore, #tpu.memory_space<semaphore_mem>>) attributes {dimension_semantics = [#tpu.dimension_semantics<core_parallel>, #tpu.dimension_semantics<subcore_parallel>], iteration_bounds = array<i64: 2, 16>, scalar_prefetch = 0 : i64, scratch_operands = 11 : i64, tpu.core_type = #tpu.core_type<sc_vector_subcore>, window_params = [{transform_indices = #map}, {transform_indices = #map}, {transform_indices = #map}, {transform_indices = #map}]} {
    %mul3A = arith.constant 2 : i32
    %mul3A_0 = arith.muli %arg1, %mul3A : i32
    %add3A = arith.addi %mul3A_0, %arg0 : i32
    %mul3A_1 = arith.constant 64 : i32
    %mul3A_2 = arith.muli %add3A, %mul3A_1 : i32
    "tpu.region"() ({
      %run_scoped3A = tpu.sem_alloc : memref<!tpu.dma_semaphore, #tpu.memory_space<semaphore_mem>>
      %dma_start3A_190 = arith.constant 0 : i32
      %dma_start3A_191 = tpu.memref_slice %arg3[%mul3A_2, %dma_start3A_190] : memref<2048x512xi32, #tpu.memory_space<hbm>> -> memref<64x512xi32, #tpu.memory_space<hbm>>
      %dma_start3A_192 = arith.constant 0 : i32
      %dma_start3A_193 = tpu.memref_slice %arg3[%mul3A_2, %dma_start3A_192] : memref<2048x512xi32, #tpu.memory_space<hbm>> -> memref<64x512xi32, #tpu.memory_space<hbm>>
      tpu.enqueue_dma source(%dma_start3A_193 : memref<64x512xi32, #tpu.memory_space<hbm>>) target(%arg6 : memref<64x512xi32, #tpu.memory_space<vmem>>) target_semaphore(%run_scoped3A : memref<!tpu.dma_semaphore, #tpu.memory_space<semaphore_mem>>)
      %dma_wait3A_194 = arith.constant 0 : i32
      %dma_wait3A_195 = tpu.memref_slice %arg3[%mul3A_2, %dma_wait3A_194] : memref<2048x512xi32, #tpu.memory_space<hbm>> -> memref<64x512xi32, #tpu.memory_space<hbm>>
      %dma_wait3A_196 = arith.constant 0 : i32
      %dma_wait3A_197 = tpu.memref_slice %arg3[%mul3A_2, %dma_wait3A_196] : memref<2048x512xi32, #tpu.memory_space<hbm>> -> memref<64x512xi32, #tpu.memory_space<hbm>>
      tpu.wait_dma2 semaphore(%run_scoped3A : memref<!tpu.dma_semaphore, #tpu.memory_space<semaphore_mem>>) src(%dma_wait3A_197 : memref<64x512xi32, #tpu.memory_space<hbm>>) dst(%arg6 : memref<64x512xi32, #tpu.memory_space<vmem>>)
      tpu.yield
    }) : () -> ()
    "tpu.region"() ({
      %run_scoped3A = tpu.sem_alloc : memref<!tpu.dma_semaphore, #tpu.memory_space<semaphore_mem>>
      %dma_start3A_190 = arith.constant 0 : i32
      %dma_start3A_191 = tpu.memref_slice %arg4[%mul3A_2, %dma_start3A_190] : memref<2048x512xf32, #tpu.memory_space<hbm>> -> memref<64x512xf32, #tpu.memory_space<hbm>>
      %dma_start3A_192 = arith.constant 0 : i32
      %dma_start3A_193 = tpu.memref_slice %arg4[%mul3A_2, %dma_start3A_192] : memref<2048x512xf32, #tpu.memory_space<hbm>> -> memref<64x512xf32, #tpu.memory_space<hbm>>
      tpu.enqueue_dma source(%dma_start3A_193 : memref<64x512xf32, #tpu.memory_space<hbm>>) target(%arg7 : memref<64x512xf32, #tpu.memory_space<vmem>>) target_semaphore(%run_scoped3A : memref<!tpu.dma_semaphore, #tpu.memory_space<semaphore_mem>>)
      %dma_wait3A_194 = arith.constant 0 : i32
      %dma_wait3A_195 = tpu.memref_slice %arg4[%mul3A_2, %dma_wait3A_194] : memref<2048x512xf32, #tpu.memory_space<hbm>> -> memref<64x512xf32, #tpu.memory_space<hbm>>
      %dma_wait3A_196 = arith.constant 0 : i32
      %dma_wait3A_197 = tpu.memref_slice %arg4[%mul3A_2, %dma_wait3A_196] : memref<2048x512xf32, #tpu.memory_space<hbm>> -> memref<64x512xf32, #tpu.memory_space<hbm>>
      tpu.wait_dma2 semaphore(%run_scoped3A : memref<!tpu.dma_semaphore, #tpu.memory_space<semaphore_mem>>) src(%dma_wait3A_197 : memref<64x512xf32, #tpu.memory_space<hbm>>) dst(%arg7 : memref<64x512xf32, #tpu.memory_space<vmem>>)
      tpu.yield
    }) : () -> ()
    %dma_start3A = arith.constant 0 : i32
    %dma_start3A_3 = arith.constant 0 : i32
    %dma_start3A_4 = arith.constant 0 : i32
    %dma_start3A_5 = tpu.memref_slice %arg8[%dma_start3A_3, %dma_start3A_4] : memref<512x32xbf16, #tpu.memory_space<vmem>> -> memref<128x32xbf16, #tpu.memory_space<vmem>>
    %dma_start3A_6 = arith.constant 0 : i32
    %dma_start3A_7 = tpu.memref_slice %arg6[%dma_start3A, %dma_start3A_6] : memref<64x512xi32, #tpu.memory_space<vmem>> -> memref<1x128xi32, #tpu.memory_space<vmem>>
    %dma_start3A_8 = tpu.memref_squeeze %dma_start3A_7 : memref<1x128xi32, #tpu.memory_space<vmem>> -> memref<128xi32, #tpu.memory_space<vmem>>
    %dma_start3A_9 = arith.constant 0 : i32
    %dma_start3A_10 = arith.constant 0 : i32
    %dma_start3A_11 = tpu.memref_slice %arg2[%dma_start3A_9, %dma_start3A_10] : memref<87040x32xbf16, #tpu.memory_space<hbm>> -> memref<87040x32xbf16, #tpu.memory_space<hbm>>
    tpu.enqueue_indirect_dma source(%dma_start3A_11 : memref<87040x32xbf16, #tpu.memory_space<hbm>>) target(%dma_start3A_5 : memref<128x32xbf16, #tpu.memory_space<vmem>>) offsets(%dma_start3A_8 : memref<128xi32, #tpu.memory_space<vmem>>) semaphore(%arg13 : memref<!tpu.dma_semaphore, #tpu.memory_space<semaphore_mem>>)
    %dma_start3A_12 = arith.constant 0 : i32
    %dma_start3A_13 = arith.constant 128 : i32
    %dma_start3A_14 = arith.constant 0 : i32
    %dma_start3A_15 = tpu.memref_slice %arg8[%dma_start3A_13, %dma_start3A_14] : memref<512x32xbf16, #tpu.memory_space<vmem>> -> memref<128x32xbf16, #tpu.memory_space<vmem>>
    %dma_start3A_16 = arith.constant 128 : i32
    %dma_start3A_17 = tpu.memref_slice %arg6[%dma_start3A_12, %dma_start3A_16] : memref<64x512xi32, #tpu.memory_space<vmem>> -> memref<1x128xi32, #tpu.memory_space<vmem>>
    %dma_start3A_18 = tpu.memref_squeeze %dma_start3A_17 : memref<1x128xi32, #tpu.memory_space<vmem>> -> memref<128xi32, #tpu.memory_space<vmem>>
    %dma_start3A_19 = arith.constant 0 : i32
    %dma_start3A_20 = arith.constant 0 : i32
    %dma_start3A_21 = tpu.memref_slice %arg2[%dma_start3A_19, %dma_start3A_20] : memref<87040x32xbf16, #tpu.memory_space<hbm>> -> memref<87040x32xbf16, #tpu.memory_space<hbm>>
    tpu.enqueue_indirect_dma source(%dma_start3A_21 : memref<87040x32xbf16, #tpu.memory_space<hbm>>) target(%dma_start3A_15 : memref<128x32xbf16, #tpu.memory_space<vmem>>) offsets(%dma_start3A_18 : memref<128xi32, #tpu.memory_space<vmem>>) semaphore(%arg13 : memref<!tpu.dma_semaphore, #tpu.memory_space<semaphore_mem>>)
    %dma_start3A_22 = arith.constant 0 : i32
    %dma_start3A_23 = arith.constant 256 : i32
    %dma_start3A_24 = arith.constant 0 : i32
    %dma_start3A_25 = tpu.memref_slice %arg8[%dma_start3A_23, %dma_start3A_24] : memref<512x32xbf16, #tpu.memory_space<vmem>> -> memref<128x32xbf16, #tpu.memory_space<vmem>>
    %dma_start3A_26 = arith.constant 256 : i32
    %dma_start3A_27 = tpu.memref_slice %arg6[%dma_start3A_22, %dma_start3A_26] : memref<64x512xi32, #tpu.memory_space<vmem>> -> memref<1x128xi32, #tpu.memory_space<vmem>>
    %dma_start3A_28 = tpu.memref_squeeze %dma_start3A_27 : memref<1x128xi32, #tpu.memory_space<vmem>> -> memref<128xi32, #tpu.memory_space<vmem>>
    %dma_start3A_29 = arith.constant 0 : i32
    %dma_start3A_30 = arith.constant 0 : i32
    %dma_start3A_31 = tpu.memref_slice %arg2[%dma_start3A_29, %dma_start3A_30] : memref<87040x32xbf16, #tpu.memory_space<hbm>> -> memref<87040x32xbf16, #tpu.memory_space<hbm>>
    tpu.enqueue_indirect_dma source(%dma_start3A_31 : memref<87040x32xbf16, #tpu.memory_space<hbm>>) target(%dma_start3A_25 : memref<128x32xbf16, #tpu.memory_space<vmem>>) offsets(%dma_start3A_28 : memref<128xi32, #tpu.memory_space<vmem>>) semaphore(%arg13 : memref<!tpu.dma_semaphore, #tpu.memory_space<semaphore_mem>>)
    %dma_start3A_32 = arith.constant 0 : i32
    %dma_start3A_33 = arith.constant 384 : i32
    %dma_start3A_34 = arith.constant 0 : i32
    %dma_start3A_35 = tpu.memref_slice %arg8[%dma_start3A_33, %dma_start3A_34] : memref<512x32xbf16, #tpu.memory_space<vmem>> -> memref<128x32xbf16, #tpu.memory_space<vmem>>
    %dma_start3A_36 = arith.constant 384 : i32
    %dma_start3A_37 = tpu.memref_slice %arg6[%dma_start3A_32, %dma_start3A_36] : memref<64x512xi32, #tpu.memory_space<vmem>> -> memref<1x128xi32, #tpu.memory_space<vmem>>
    %dma_start3A_38 = tpu.memref_squeeze %dma_start3A_37 : memref<1x128xi32, #tpu.memory_space<vmem>> -> memref<128xi32, #tpu.memory_space<vmem>>
    %dma_start3A_39 = arith.constant 0 : i32
    %dma_start3A_40 = arith.constant 0 : i32
    %dma_start3A_41 = tpu.memref_slice %arg2[%dma_start3A_39, %dma_start3A_40] : memref<87040x32xbf16, #tpu.memory_space<hbm>> -> memref<87040x32xbf16, #tpu.memory_space<hbm>>
    tpu.enqueue_indirect_dma source(%dma_start3A_41 : memref<87040x32xbf16, #tpu.memory_space<hbm>>) target(%dma_start3A_35 : memref<128x32xbf16, #tpu.memory_space<vmem>>) offsets(%dma_start3A_38 : memref<128xi32, #tpu.memory_space<vmem>>) semaphore(%arg13 : memref<!tpu.dma_semaphore, #tpu.memory_space<semaphore_mem>>)
    %dma_start3A_42 = arith.constant 1 : i32
    %dma_start3A_43 = arith.constant 0 : i32
    %dma_start3A_44 = arith.constant 0 : i32
    %dma_start3A_45 = tpu.memref_slice %arg9[%dma_start3A_43, %dma_start3A_44] : memref<512x32xbf16, #tpu.memory_space<vmem>> -> memref<128x32xbf16, #tpu.memory_space<vmem>>
    %dma_start3A_46 = arith.constant 0 : i32
    %dma_start3A_47 = tpu.memref_slice %arg6[%dma_start3A_42, %dma_start3A_46] : memref<64x512xi32, #tpu.memory_space<vmem>> -> memref<1x128xi32, #tpu.memory_space<vmem>>
    %dma_start3A_48 = tpu.memref_squeeze %dma_start3A_47 : memref<1x128xi32, #tpu.memory_space<vmem>> -> memref<128xi32, #tpu.memory_space<vmem>>
    %dma_start3A_49 = arith.constant 0 : i32
    %dma_start3A_50 = arith.constant 0 : i32
    %dma_start3A_51 = tpu.memref_slice %arg2[%dma_start3A_49, %dma_start3A_50] : memref<87040x32xbf16, #tpu.memory_space<hbm>> -> memref<87040x32xbf16, #tpu.memory_space<hbm>>
    tpu.enqueue_indirect_dma source(%dma_start3A_51 : memref<87040x32xbf16, #tpu.memory_space<hbm>>) target(%dma_start3A_45 : memref<128x32xbf16, #tpu.memory_space<vmem>>) offsets(%dma_start3A_48 : memref<128xi32, #tpu.memory_space<vmem>>) semaphore(%arg14 : memref<!tpu.dma_semaphore, #tpu.memory_space<semaphore_mem>>)
    %dma_start3A_52 = arith.constant 1 : i32
    %dma_start3A_53 = arith.constant 128 : i32
    %dma_start3A_54 = arith.constant 0 : i32
    %dma_start3A_55 = tpu.memref_slice %arg9[%dma_start3A_53, %dma_start3A_54] : memref<512x32xbf16, #tpu.memory_space<vmem>> -> memref<128x32xbf16, #tpu.memory_space<vmem>>
    %dma_start3A_56 = arith.constant 128 : i32
    %dma_start3A_57 = tpu.memref_slice %arg6[%dma_start3A_52, %dma_start3A_56] : memref<64x512xi32, #tpu.memory_space<vmem>> -> memref<1x128xi32, #tpu.memory_space<vmem>>
    %dma_start3A_58 = tpu.memref_squeeze %dma_start3A_57 : memref<1x128xi32, #tpu.memory_space<vmem>> -> memref<128xi32, #tpu.memory_space<vmem>>
    %dma_start3A_59 = arith.constant 0 : i32
    %dma_start3A_60 = arith.constant 0 : i32
    %dma_start3A_61 = tpu.memref_slice %arg2[%dma_start3A_59, %dma_start3A_60] : memref<87040x32xbf16, #tpu.memory_space<hbm>> -> memref<87040x32xbf16, #tpu.memory_space<hbm>>
    tpu.enqueue_indirect_dma source(%dma_start3A_61 : memref<87040x32xbf16, #tpu.memory_space<hbm>>) target(%dma_start3A_55 : memref<128x32xbf16, #tpu.memory_space<vmem>>) offsets(%dma_start3A_58 : memref<128xi32, #tpu.memory_space<vmem>>) semaphore(%arg14 : memref<!tpu.dma_semaphore, #tpu.memory_space<semaphore_mem>>)
    %dma_start3A_62 = arith.constant 1 : i32
    %dma_start3A_63 = arith.constant 256 : i32
    %dma_start3A_64 = arith.constant 0 : i32
    %dma_start3A_65 = tpu.memref_slice %arg9[%dma_start3A_63, %dma_start3A_64] : memref<512x32xbf16, #tpu.memory_space<vmem>> -> memref<128x32xbf16, #tpu.memory_space<vmem>>
    %dma_start3A_66 = arith.constant 256 : i32
    %dma_start3A_67 = tpu.memref_slice %arg6[%dma_start3A_62, %dma_start3A_66] : memref<64x512xi32, #tpu.memory_space<vmem>> -> memref<1x128xi32, #tpu.memory_space<vmem>>
    %dma_start3A_68 = tpu.memref_squeeze %dma_start3A_67 : memref<1x128xi32, #tpu.memory_space<vmem>> -> memref<128xi32, #tpu.memory_space<vmem>>
    %dma_start3A_69 = arith.constant 0 : i32
    %dma_start3A_70 = arith.constant 0 : i32
    %dma_start3A_71 = tpu.memref_slice %arg2[%dma_start3A_69, %dma_start3A_70] : memref<87040x32xbf16, #tpu.memory_space<hbm>> -> memref<87040x32xbf16, #tpu.memory_space<hbm>>
    tpu.enqueue_indirect_dma source(%dma_start3A_71 : memref<87040x32xbf16, #tpu.memory_space<hbm>>) target(%dma_start3A_65 : memref<128x32xbf16, #tpu.memory_space<vmem>>) offsets(%dma_start3A_68 : memref<128xi32, #tpu.memory_space<vmem>>) semaphore(%arg14 : memref<!tpu.dma_semaphore, #tpu.memory_space<semaphore_mem>>)
    %dma_start3A_72 = arith.constant 1 : i32
    %dma_start3A_73 = arith.constant 384 : i32
    %dma_start3A_74 = arith.constant 0 : i32
    %dma_start3A_75 = tpu.memref_slice %arg9[%dma_start3A_73, %dma_start3A_74] : memref<512x32xbf16, #tpu.memory_space<vmem>> -> memref<128x32xbf16, #tpu.memory_space<vmem>>
    %dma_start3A_76 = arith.constant 384 : i32
    %dma_start3A_77 = tpu.memref_slice %arg6[%dma_start3A_72, %dma_start3A_76] : memref<64x512xi32, #tpu.memory_space<vmem>> -> memref<1x128xi32, #tpu.memory_space<vmem>>
    %dma_start3A_78 = tpu.memref_squeeze %dma_start3A_77 : memref<1x128xi32, #tpu.memory_space<vmem>> -> memref<128xi32, #tpu.memory_space<vmem>>
    %dma_start3A_79 = arith.constant 0 : i32
    %dma_start3A_80 = arith.constant 0 : i32
    %dma_start3A_81 = tpu.memref_slice %arg2[%dma_start3A_79, %dma_start3A_80] : memref<87040x32xbf16, #tpu.memory_space<hbm>> -> memref<87040x32xbf16, #tpu.memory_space<hbm>>
    tpu.enqueue_indirect_dma source(%dma_start3A_81 : memref<87040x32xbf16, #tpu.memory_space<hbm>>) target(%dma_start3A_75 : memref<128x32xbf16, #tpu.memory_space<vmem>>) offsets(%dma_start3A_78 : memref<128xi32, #tpu.memory_space<vmem>>) semaphore(%arg14 : memref<!tpu.dma_semaphore, #tpu.memory_space<semaphore_mem>>)
    %dma_start3A_82 = arith.constant 2 : i32
    %dma_start3A_83 = arith.constant 0 : i32
    %dma_start3A_84 = arith.constant 0 : i32
    %dma_start3A_85 = tpu.memref_slice %arg10[%dma_start3A_83, %dma_start3A_84] : memref<512x32xbf16, #tpu.memory_space<vmem>> -> memref<128x32xbf16, #tpu.memory_space<vmem>>
    %dma_start3A_86 = arith.constant 0 : i32
    %dma_start3A_87 = tpu.memref_slice %arg6[%dma_start3A_82, %dma_start3A_86] : memref<64x512xi32, #tpu.memory_space<vmem>> -> memref<1x128xi32, #tpu.memory_space<vmem>>
    %dma_start3A_88 = tpu.memref_squeeze %dma_start3A_87 : memref<1x128xi32, #tpu.memory_space<vmem>> -> memref<128xi32, #tpu.memory_space<vmem>>
    %dma_start3A_89 = arith.constant 0 : i32
    %dma_start3A_90 = arith.constant 0 : i32
    %dma_start3A_91 = tpu.memref_slice %arg2[%dma_start3A_89, %dma_start3A_90] : memref<87040x32xbf16, #tpu.memory_space<hbm>> -> memref<87040x32xbf16, #tpu.memory_space<hbm>>
    tpu.enqueue_indirect_dma source(%dma_start3A_91 : memref<87040x32xbf16, #tpu.memory_space<hbm>>) target(%dma_start3A_85 : memref<128x32xbf16, #tpu.memory_space<vmem>>) offsets(%dma_start3A_88 : memref<128xi32, #tpu.memory_space<vmem>>) semaphore(%arg15 : memref<!tpu.dma_semaphore, #tpu.memory_space<semaphore_mem>>)
    %dma_start3A_92 = arith.constant 2 : i32
    %dma_start3A_93 = arith.constant 128 : i32
    %dma_start3A_94 = arith.constant 0 : i32
    %dma_start3A_95 = tpu.memref_slice %arg10[%dma_start3A_93, %dma_start3A_94] : memref<512x32xbf16, #tpu.memory_space<vmem>> -> memref<128x32xbf16, #tpu.memory_space<vmem>>
    %dma_start3A_96 = arith.constant 128 : i32
    %dma_start3A_97 = tpu.memref_slice %arg6[%dma_start3A_92, %dma_start3A_96] : memref<64x512xi32, #tpu.memory_space<vmem>> -> memref<1x128xi32, #tpu.memory_space<vmem>>
    %dma_start3A_98 = tpu.memref_squeeze %dma_start3A_97 : memref<1x128xi32, #tpu.memory_space<vmem>> -> memref<128xi32, #tpu.memory_space<vmem>>
    %dma_start3A_99 = arith.constant 0 : i32
    %dma_start3A_100 = arith.constant 0 : i32
    %dma_start3A_101 = tpu.memref_slice %arg2[%dma_start3A_99, %dma_start3A_100] : memref<87040x32xbf16, #tpu.memory_space<hbm>> -> memref<87040x32xbf16, #tpu.memory_space<hbm>>
    tpu.enqueue_indirect_dma source(%dma_start3A_101 : memref<87040x32xbf16, #tpu.memory_space<hbm>>) target(%dma_start3A_95 : memref<128x32xbf16, #tpu.memory_space<vmem>>) offsets(%dma_start3A_98 : memref<128xi32, #tpu.memory_space<vmem>>) semaphore(%arg15 : memref<!tpu.dma_semaphore, #tpu.memory_space<semaphore_mem>>)
    %dma_start3A_102 = arith.constant 2 : i32
    %dma_start3A_103 = arith.constant 256 : i32
    %dma_start3A_104 = arith.constant 0 : i32
    %dma_start3A_105 = tpu.memref_slice %arg10[%dma_start3A_103, %dma_start3A_104] : memref<512x32xbf16, #tpu.memory_space<vmem>> -> memref<128x32xbf16, #tpu.memory_space<vmem>>
    %dma_start3A_106 = arith.constant 256 : i32
    %dma_start3A_107 = tpu.memref_slice %arg6[%dma_start3A_102, %dma_start3A_106] : memref<64x512xi32, #tpu.memory_space<vmem>> -> memref<1x128xi32, #tpu.memory_space<vmem>>
    %dma_start3A_108 = tpu.memref_squeeze %dma_start3A_107 : memref<1x128xi32, #tpu.memory_space<vmem>> -> memref<128xi32, #tpu.memory_space<vmem>>
    %dma_start3A_109 = arith.constant 0 : i32
    %dma_start3A_110 = arith.constant 0 : i32
    %dma_start3A_111 = tpu.memref_slice %arg2[%dma_start3A_109, %dma_start3A_110] : memref<87040x32xbf16, #tpu.memory_space<hbm>> -> memref<87040x32xbf16, #tpu.memory_space<hbm>>
    tpu.enqueue_indirect_dma source(%dma_start3A_111 : memref<87040x32xbf16, #tpu.memory_space<hbm>>) target(%dma_start3A_105 : memref<128x32xbf16, #tpu.memory_space<vmem>>) offsets(%dma_start3A_108 : memref<128xi32, #tpu.memory_space<vmem>>) semaphore(%arg15 : memref<!tpu.dma_semaphore, #tpu.memory_space<semaphore_mem>>)
    %dma_start3A_112 = arith.constant 2 : i32
    %dma_start3A_113 = arith.constant 384 : i32
    %dma_start3A_114 = arith.constant 0 : i32
    %dma_start3A_115 = tpu.memref_slice %arg10[%dma_start3A_113, %dma_start3A_114] : memref<512x32xbf16, #tpu.memory_space<vmem>> -> memref<128x32xbf16, #tpu.memory_space<vmem>>
    %dma_start3A_116 = arith.constant 384 : i32
    %dma_start3A_117 = tpu.memref_slice %arg6[%dma_start3A_112, %dma_start3A_116] : memref<64x512xi32, #tpu.memory_space<vmem>> -> memref<1x128xi32, #tpu.memory_space<vmem>>
    %dma_start3A_118 = tpu.memref_squeeze %dma_start3A_117 : memref<1x128xi32, #tpu.memory_space<vmem>> -> memref<128xi32, #tpu.memory_space<vmem>>
    %dma_start3A_119 = arith.constant 0 : i32
    %dma_start3A_120 = arith.constant 0 : i32
    %dma_start3A_121 = tpu.memref_slice %arg2[%dma_start3A_119, %dma_start3A_120] : memref<87040x32xbf16, #tpu.memory_space<hbm>> -> memref<87040x32xbf16, #tpu.memory_space<hbm>>
    tpu.enqueue_indirect_dma source(%dma_start3A_121 : memref<87040x32xbf16, #tpu.memory_space<hbm>>) target(%dma_start3A_115 : memref<128x32xbf16, #tpu.memory_space<vmem>>) offsets(%dma_start3A_118 : memref<128xi32, #tpu.memory_space<vmem>>) semaphore(%arg15 : memref<!tpu.dma_semaphore, #tpu.memory_space<semaphore_mem>>)
    %dma_start3A_122 = arith.constant 3 : i32
    %dma_start3A_123 = arith.constant 0 : i32
    %dma_start3A_124 = arith.constant 0 : i32
    %dma_start3A_125 = tpu.memref_slice %arg11[%dma_start3A_123, %dma_start3A_124] : memref<512x32xbf16, #tpu.memory_space<vmem>> -> memref<128x32xbf16, #tpu.memory_space<vmem>>
    %dma_start3A_126 = arith.constant 0 : i32
    %dma_start3A_127 = tpu.memref_slice %arg6[%dma_start3A_122, %dma_start3A_126] : memref<64x512xi32, #tpu.memory_space<vmem>> -> memref<1x128xi32, #tpu.memory_space<vmem>>
    %dma_start3A_128 = tpu.memref_squeeze %dma_start3A_127 : memref<1x128xi32, #tpu.memory_space<vmem>> -> memref<128xi32, #tpu.memory_space<vmem>>
    %dma_start3A_129 = arith.constant 0 : i32
    %dma_start3A_130 = arith.constant 0 : i32
    %dma_start3A_131 = tpu.memref_slice %arg2[%dma_start3A_129, %dma_start3A_130] : memref<87040x32xbf16, #tpu.memory_space<hbm>> -> memref<87040x32xbf16, #tpu.memory_space<hbm>>
    tpu.enqueue_indirect_dma source(%dma_start3A_131 : memref<87040x32xbf16, #tpu.memory_space<hbm>>) target(%dma_start3A_125 : memref<128x32xbf16, #tpu.memory_space<vmem>>) offsets(%dma_start3A_128 : memref<128xi32, #tpu.memory_space<vmem>>) semaphore(%arg16 : memref<!tpu.dma_semaphore, #tpu.memory_space<semaphore_mem>>)
    %dma_start3A_132 = arith.constant 3 : i32
    %dma_start3A_133 = arith.constant 128 : i32
    %dma_start3A_134 = arith.constant 0 : i32
    %dma_start3A_135 = tpu.memref_slice %arg11[%dma_start3A_133, %dma_start3A_134] : memref<512x32xbf16, #tpu.memory_space<vmem>> -> memref<128x32xbf16, #tpu.memory_space<vmem>>
    %dma_start3A_136 = arith.constant 128 : i32
    %dma_start3A_137 = tpu.memref_slice %arg6[%dma_start3A_132, %dma_start3A_136] : memref<64x512xi32, #tpu.memory_space<vmem>> -> memref<1x128xi32, #tpu.memory_space<vmem>>
    %dma_start3A_138 = tpu.memref_squeeze %dma_start3A_137 : memref<1x128xi32, #tpu.memory_space<vmem>> -> memref<128xi32, #tpu.memory_space<vmem>>
    %dma_start3A_139 = arith.constant 0 : i32
    %dma_start3A_140 = arith.constant 0 : i32
    %dma_start3A_141 = tpu.memref_slice %arg2[%dma_start3A_139, %dma_start3A_140] : memref<87040x32xbf16, #tpu.memory_space<hbm>> -> memref<87040x32xbf16, #tpu.memory_space<hbm>>
    tpu.enqueue_indirect_dma source(%dma_start3A_141 : memref<87040x32xbf16, #tpu.memory_space<hbm>>) target(%dma_start3A_135 : memref<128x32xbf16, #tpu.memory_space<vmem>>) offsets(%dma_start3A_138 : memref<128xi32, #tpu.memory_space<vmem>>) semaphore(%arg16 : memref<!tpu.dma_semaphore, #tpu.memory_space<semaphore_mem>>)
    %dma_start3A_142 = arith.constant 3 : i32
    %dma_start3A_143 = arith.constant 256 : i32
    %dma_start3A_144 = arith.constant 0 : i32
    %dma_start3A_145 = tpu.memref_slice %arg11[%dma_start3A_143, %dma_start3A_144] : memref<512x32xbf16, #tpu.memory_space<vmem>> -> memref<128x32xbf16, #tpu.memory_space<vmem>>
    %dma_start3A_146 = arith.constant 256 : i32
    %dma_start3A_147 = tpu.memref_slice %arg6[%dma_start3A_142, %dma_start3A_146] : memref<64x512xi32, #tpu.memory_space<vmem>> -> memref<1x128xi32, #tpu.memory_space<vmem>>
    %dma_start3A_148 = tpu.memref_squeeze %dma_start3A_147 : memref<1x128xi32, #tpu.memory_space<vmem>> -> memref<128xi32, #tpu.memory_space<vmem>>
    %dma_start3A_149 = arith.constant 0 : i32
    %dma_start3A_150 = arith.constant 0 : i32
    %dma_start3A_151 = tpu.memref_slice %arg2[%dma_start3A_149, %dma_start3A_150] : memref<87040x32xbf16, #tpu.memory_space<hbm>> -> memref<87040x32xbf16, #tpu.memory_space<hbm>>
    tpu.enqueue_indirect_dma source(%dma_start3A_151 : memref<87040x32xbf16, #tpu.memory_space<hbm>>) target(%dma_start3A_145 : memref<128x32xbf16, #tpu.memory_space<vmem>>) offsets(%dma_start3A_148 : memref<128xi32, #tpu.memory_space<vmem>>) semaphore(%arg16 : memref<!tpu.dma_semaphore, #tpu.memory_space<semaphore_mem>>)
    %dma_start3A_152 = arith.constant 3 : i32
    %dma_start3A_153 = arith.constant 384 : i32
    %dma_start3A_154 = arith.constant 0 : i32
    %dma_start3A_155 = tpu.memref_slice %arg11[%dma_start3A_153, %dma_start3A_154] : memref<512x32xbf16, #tpu.memory_space<vmem>> -> memref<128x32xbf16, #tpu.memory_space<vmem>>
    %dma_start3A_156 = arith.constant 384 : i32
    %dma_start3A_157 = tpu.memref_slice %arg6[%dma_start3A_152, %dma_start3A_156] : memref<64x512xi32, #tpu.memory_space<vmem>> -> memref<1x128xi32, #tpu.memory_space<vmem>>
    %dma_start3A_158 = tpu.memref_squeeze %dma_start3A_157 : memref<1x128xi32, #tpu.memory_space<vmem>> -> memref<128xi32, #tpu.memory_space<vmem>>
    %dma_start3A_159 = arith.constant 0 : i32
    %dma_start3A_160 = arith.constant 0 : i32
    %dma_start3A_161 = tpu.memref_slice %arg2[%dma_start3A_159, %dma_start3A_160] : memref<87040x32xbf16, #tpu.memory_space<hbm>> -> memref<87040x32xbf16, #tpu.memory_space<hbm>>
    tpu.enqueue_indirect_dma source(%dma_start3A_161 : memref<87040x32xbf16, #tpu.memory_space<hbm>>) target(%dma_start3A_155 : memref<128x32xbf16, #tpu.memory_space<vmem>>) offsets(%dma_start3A_158 : memref<128xi32, #tpu.memory_space<vmem>>) semaphore(%arg16 : memref<!tpu.dma_semaphore, #tpu.memory_space<semaphore_mem>>)
    %scan3A = arith.constant 0 : i32
    %scan3A_162 = arith.constant 0 : i32
    %scan3A_163 = arith.constant 16 : i32
    %scan3A_164 = arith.addi %scan3A_162, %scan3A_163 : i32
    %scan3A_165 = arith.constant 1 : i32
    scf.for %scan3A_190 = %scan3A_162 to %scan3A_164 step %scan3A_165  : i32 {
      %mul3A_191 = arith.constant 4 : i32
      %mul3A_192 = arith.muli %scan3A_190, %mul3A_191 : i32
      %dma_wait3A_193 = arith.constant 0 : i32
      %dma_wait3A_194 = arith.constant 0 : i32
      %dma_wait3A_195 = tpu.memref_slice %arg2[%dma_wait3A_193, %dma_wait3A_194] : memref<87040x32xbf16, #tpu.memory_space<hbm>> -> memref<512x32xbf16, #tpu.memory_space<hbm>>
      %dma_wait3A_196 = arith.constant 0 : i32
      %dma_wait3A_197 = arith.constant 0 : i32
      %dma_wait3A_198 = tpu.memref_slice %arg2[%dma_wait3A_196, %dma_wait3A_197] : memref<87040x32xbf16, #tpu.memory_space<hbm>> -> memref<512x32xbf16, #tpu.memory_space<hbm>>
      tpu.wait_dma2 semaphore(%arg13 : memref<!tpu.dma_semaphore, #tpu.memory_space<semaphore_mem>>) src(%dma_wait3A_198 : memref<512x32xbf16, #tpu.memory_space<hbm>>) dst(%arg8 : memref<512x32xbf16, #tpu.memory_space<vmem>>)
      %add3A_199 = arith.constant 0 : i32
      %add3A_200 = arith.addi %mul3A_192, %add3A_199 : i32
      %broadcast_in_dim3A = arith.constant 0.000000e+00 : f32
      %broadcast_in_dim3A_201 = vector.broadcast %broadcast_in_dim3A : f32 to vector<16xf32>
      %scan3A_202 = arith.constant 0 : i32
      %scan3A_203 = arith.constant 16 : i32
      %scan3A_204 = arith.addi %scan3A_202, %scan3A_203 : i32
      %scan3A_205 = arith.constant 1 : i32
      %scan3A_206:16 = scf.for %scan3A_614 = %scan3A_202 to %scan3A_204 step %scan3A_205 iter_args(%scan3A_615 = %broadcast_in_dim3A_201, %scan3A_616 = %broadcast_in_dim3A_201, %scan3A_617 = %broadcast_in_dim3A_201, %scan3A_618 = %broadcast_in_dim3A_201, %scan3A_619 = %broadcast_in_dim3A_201, %scan3A_620 = %broadcast_in_dim3A_201, %scan3A_621 = %broadcast_in_dim3A_201, %scan3A_622 = %broadcast_in_dim3A_201, %scan3A_623 = %broadcast_in_dim3A_201, %scan3A_624 = %broadcast_in_dim3A_201, %scan3A_625 = %broadcast_in_dim3A_201, %scan3A_626 = %broadcast_in_dim3A_201, %scan3A_627 = %broadcast_in_dim3A_201, %scan3A_628 = %broadcast_in_dim3A_201, %scan3A_629 = %broadcast_in_dim3A_201, %scan3A_630 = %broadcast_in_dim3A_201) -> (vector<16xf32>, vector<16xf32>, vector<16xf32>, vector<16xf32>, vector<16xf32>, vector<16xf32>, vector<16xf32>, vector<16xf32>, vector<16xf32>, vector<16xf32>, vector<16xf32>, vector<16xf32>, vector<16xf32>, vector<16xf32>, vector<16xf32>, vector<16xf32>)  : i32 {
        %mul3A_631 = arith.constant 32 : i32
        %mul3A_632 = arith.muli %scan3A_614, %mul3A_631 : i32
        %get3A = arith.index_cast %add3A_200 : i32 to index
        %get3A_633 = arith.index_cast %mul3A_632 : i32 to index
        %get3A_634 = tpu.vector_load %arg7[%get3A, %get3A_633] {strides = array<i32>} : memref<64x512xf32, #tpu.memory_space<vmem>>, vector<16xf32>,
        %add3A_635 = arith.constant 16 : i32
        %add3A_636 = arith.addi %mul3A_632, %add3A_635 : i32
        %get3A_637 = arith.index_cast %add3A_200 : i32 to index
        %get3A_638 = arith.index_cast %add3A_636 : i32 to index
        %get3A_639 = tpu.vector_load %arg7[%get3A_637, %get3A_638] {strides = array<i32>} : memref<64x512xf32, #tpu.memory_space<vmem>>, vector<16xf32>,
        %add3A_640 = arith.constant 0 : i32
        %add3A_641 = arith.addi %mul3A_632, %add3A_640 : i32
        %add3A_642 = arith.constant 0 : i32
        %add3A_643 = arith.addi %add3A_641, %add3A_642 : i32
        %slice3A = vector.extract_strided_slice %get3A_634 {offsets = [0], sizes = [1], strides = [1]} : vector<16xf32> to vector<1xf32>
        %squeeze3A = vector.extract %slice3A[0] : f32 from vector<1xf32>
        %get3A_644 = arith.index_cast %add3A_643 : i32 to index
        %get3A_645 = arith.constant 0 : index
        %get3A_646 = tpu.vector_load %arg8[%get3A_644, %get3A_645] {strides = array<i32>} : memref<512x32xbf16, #tpu.memory_space<vmem>>, vector<32xbf16>,
        %unpack3A = tpu.unpack_subelements %get3A_646, 0 {pack_format = #tpu.pack_format<interleaved>} : vector<32xbf16> -> vector<16xf32>
        %unpack3A_647 = tpu.unpack_subelements %get3A_646, 1 {pack_format = #tpu.pack_format<interleaved>} : vector<32xbf16> -> vector<16xf32>
        %mul3A_648 = vector.broadcast %squeeze3A : f32 to vector<16xf32>
        %mul3A_649 = arith.mulf %mul3A_648, %unpack3A : vector<16xf32>
        %add3A_650 = arith.addf %scan3A_615, %mul3A_649 : vector<16xf32>
        %mul3A_651 = vector.broadcast %squeeze3A : f32 to vector<16xf32>
        %mul3A_652 = arith.mulf %mul3A_651, %unpack3A_647 : vector<16xf32>
        %add3A_653 = arith.addf %scan3A_616, %mul3A_652 : vector<16xf32>
        %add3A_654 = arith.constant 0 : i32
        %add3A_655 = arith.addi %mul3A_632, %add3A_654 : i32
        %add3A_656 = arith.constant 1 : i32
        %add3A_657 = arith.addi %add3A_655, %add3A_656 : i32
        %slice3A_658 = vector.extract_strided_slice %get3A_634 {offsets = [1], sizes = [1], strides = [1]} : vector<16xf32> to vector<1xf32>
        %squeeze3A_659 = vector.extract %slice3A_658[0] : f32 from vector<1xf32>
        %get3A_660 = arith.index_cast %add3A_657 : i32 to index
        %get3A_661 = arith.constant 0 : index
        %get3A_662 = tpu.vector_load %arg8[%get3A_660, %get3A_661] {strides = array<i32>} : memref<512x32xbf16, #tpu.memory_space<vmem>>, vector<32xbf16>,
        %unpack3A_663 = tpu.unpack_subelements %get3A_662, 0 {pack_format = #tpu.pack_format<interleaved>} : vector<32xbf16> -> vector<16xf32>
        %unpack3A_664 = tpu.unpack_subelements %get3A_662, 1 {pack_format = #tpu.pack_format<interleaved>} : vector<32xbf16> -> vector<16xf32>
        %mul3A_665 = vector.broadcast %squeeze3A_659 : f32 to vector<16xf32>
        %mul3A_666 = arith.mulf %mul3A_665, %unpack3A_663 : vector<16xf32>
        %add3A_667 = arith.addf %add3A_650, %mul3A_666 : vector<16xf32>
        %mul3A_668 = vector.broadcast %squeeze3A_659 : f32 to vector<16xf32>
        %mul3A_669 = arith.mulf %mul3A_668, %unpack3A_664 : vector<16xf32>
        %add3A_670 = arith.addf %add3A_653, %mul3A_669 : vector<16xf32>
        %add3A_671 = arith.constant 0 : i32
        %add3A_672 = arith.addi %mul3A_632, %add3A_671 : i32
        %add3A_673 = arith.constant 2 : i32
        %add3A_674 = arith.addi %add3A_672, %add3A_673 : i32
        %slice3A_675 = vector.extract_strided_slice %get3A_634 {offsets = [2], sizes = [1], strides = [1]} : vector<16xf32> to vector<1xf32>
        %squeeze3A_676 = vector.extract %slice3A_675[0] : f32 from vector<1xf32>
        %get3A_677 = arith.index_cast %add3A_674 : i32 to index
        %get3A_678 = arith.constant 0 : index
        %get3A_679 = tpu.vector_load %arg8[%get3A_677, %get3A_678] {strides = array<i32>} : memref<512x32xbf16, #tpu.memory_space<vmem>>, vector<32xbf16>,
        %unpack3A_680 = tpu.unpack_subelements %get3A_679, 0 {pack_format = #tpu.pack_format<interleaved>} : vector<32xbf16> -> vector<16xf32>
        %unpack3A_681 = tpu.unpack_subelements %get3A_679, 1 {pack_format = #tpu.pack_format<interleaved>} : vector<32xbf16> -> vector<16xf32>
        %mul3A_682 = vector.broadcast %squeeze3A_676 : f32 to vector<16xf32>
        %mul3A_683 = arith.mulf %mul3A_682, %unpack3A_680 : vector<16xf32>
        %add3A_684 = arith.addf %add3A_667, %mul3A_683 : vector<16xf32>
        %mul3A_685 = vector.broadcast %squeeze3A_676 : f32 to vector<16xf32>
        %mul3A_686 = arith.mulf %mul3A_685, %unpack3A_681 : vector<16xf32>
        %add3A_687 = arith.addf %add3A_670, %mul3A_686 : vector<16xf32>
        %add3A_688 = arith.constant 0 : i32
        %add3A_689 = arith.addi %mul3A_632, %add3A_688 : i32
        %add3A_690 = arith.constant 3 : i32
        %add3A_691 = arith.addi %add3A_689, %add3A_690 : i32
        %slice3A_692 = vector.extract_strided_slice %get3A_634 {offsets = [3], sizes = [1], strides = [1]} : vector<16xf32> to vector<1xf32>
        %squeeze3A_693 = vector.extract %slice3A_692[0] : f32 from vector<1xf32>
        %get3A_694 = arith.index_cast %add3A_691 : i32 to index
        %get3A_695 = arith.constant 0 : index
        %get3A_696 = tpu.vector_load %arg8[%get3A_694, %get3A_695] {strides = array<i32>} : memref<512x32xbf16, #tpu.memory_space<vmem>>, vector<32xbf16>,
        %unpack3A_697 = tpu.unpack_subelements %get3A_696, 0 {pack_format = #tpu.pack_format<interleaved>} : vector<32xbf16> -> vector<16xf32>
        %unpack3A_698 = tpu.unpack_subelements %get3A_696, 1 {pack_format = #tpu.pack_format<interleaved>} : vector<32xbf16> -> vector<16xf32>
        %mul3A_699 = vector.broadcast %squeeze3A_693 : f32 to vector<16xf32>
        %mul3A_700 = arith.mulf %mul3A_699, %unpack3A_697 : vector<16xf32>
        %add3A_701 = arith.addf %add3A_684, %mul3A_700 : vector<16xf32>
        %mul3A_702 = vector.broadcast %squeeze3A_693 : f32 to vector<16xf32>
        %mul3A_703 = arith.mulf %mul3A_702, %unpack3A_698 : vector<16xf32>
        %add3A_704 = arith.addf %add3A_687, %mul3A_703 : vector<16xf32>
        %add3A_705 = arith.constant 4 : i32
        %add3A_706 = arith.addi %mul3A_632, %add3A_705 : i32
        %add3A_707 = arith.constant 0 : i32
        %add3A_708 = arith.addi %add3A_706, %add3A_707 : i32
        %slice3A_709 = vector.extract_strided_slice %get3A_634 {offsets = [4], sizes = [1], strides = [1]} : vector<16xf32> to vector<1xf32>
        %squeeze3A_710 = vector.extract %slice3A_709[0] : f32 from vector<1xf32>
        %get3A_711 = arith.index_cast %add3A_708 : i32 to index
        %get3A_712 = arith.constant 0 : index
        %get3A_713 = tpu.vector_load %arg8[%get3A_711, %get3A_712] {strides = array<i32>} : memref<512x32xbf16, #tpu.memory_space<vmem>>, vector<32xbf16>,
        %unpack3A_714 = tpu.unpack_subelements %get3A_713, 0 {pack_format = #tpu.pack_format<interleaved>} : vector<32xbf16> -> vector<16xf32>
        %unpack3A_715 = tpu.unpack_subelements %get3A_713, 1 {pack_format = #tpu.pack_format<interleaved>} : vector<32xbf16> -> vector<16xf32>
        %mul3A_716 = vector.broadcast %squeeze3A_710 : f32 to vector<16xf32>
        %mul3A_717 = arith.mulf %mul3A_716, %unpack3A_714 : vector<16xf32>
        %add3A_718 = arith.addf %scan3A_617, %mul3A_717 : vector<16xf32>
        %mul3A_719 = vector.broadcast %squeeze3A_710 : f32 to vector<16xf32>
        %mul3A_720 = arith.mulf %mul3A_719, %unpack3A_715 : vector<16xf32>
        %add3A_721 = arith.addf %scan3A_618, %mul3A_720 : vector<16xf32>
        %add3A_722 = arith.constant 4 : i32
        %add3A_723 = arith.addi %mul3A_632, %add3A_722 : i32
        %add3A_724 = arith.constant 1 : i32
        %add3A_725 = arith.addi %add3A_723, %add3A_724 : i32
        %slice3A_726 = vector.extract_strided_slice %get3A_634 {offsets = [5], sizes = [1], strides = [1]} : vector<16xf32> to vector<1xf32>
        %squeeze3A_727 = vector.extract %slice3A_726[0] : f32 from vector<1xf32>
        %get3A_728 = arith.index_cast %add3A_725 : i32 to index
        %get3A_729 = arith.constant 0 : index
        %get3A_730 = tpu.vector_load %arg8[%get3A_728, %get3A_729] {strides = array<i32>} : memref<512x32xbf16, #tpu.memory_space<vmem>>, vector<32xbf16>,
        %unpack3A_731 = tpu.unpack_subelements %get3A_730, 0 {pack_format = #tpu.pack_format<interleaved>} : vector<32xbf16> -> vector<16xf32>
        %unpack3A_732 = tpu.unpack_subelements %get3A_730, 1 {pack_format = #tpu.pack_format<interleaved>} : vector<32xbf16> -> vector<16xf32>
        %mul3A_733 = vector.broadcast %squeeze3A_727 : f32 to vector<16xf32>
        %mul3A_734 = arith.mulf %mul3A_733, %unpack3A_731 : vector<16xf32>
        %add3A_735 = arith.addf %add3A_718, %mul3A_734 : vector<16xf32>
        %mul3A_736 = vector.broadcast %squeeze3A_727 : f32 to vector<16xf32>
        %mul3A_737 = arith.mulf %mul3A_736, %unpack3A_732 : vector<16xf32>
        %add3A_738 = arith.addf %add3A_721, %mul3A_737 : vector<16xf32>
        %add3A_739 = arith.constant 4 : i32
        %add3A_740 = arith.addi %mul3A_632, %add3A_739 : i32
        %add3A_741 = arith.constant 2 : i32
        %add3A_742 = arith.addi %add3A_740, %add3A_741 : i32
        %slice3A_743 = vector.extract_strided_slice %get3A_634 {offsets = [6], sizes = [1], strides = [1]} : vector<16xf32> to vector<1xf32>
        %squeeze3A_744 = vector.extract %slice3A_743[0] : f32 from vector<1xf32>
        %get3A_745 = arith.index_cast %add3A_742 : i32 to index
        %get3A_746 = arith.constant 0 : index
        %get3A_747 = tpu.vector_load %arg8[%get3A_745, %get3A_746] {strides = array<i32>} : memref<512x32xbf16, #tpu.memory_space<vmem>>, vector<32xbf16>,
        %unpack3A_748 = tpu.unpack_subelements %get3A_747, 0 {pack_format = #tpu.pack_format<interleaved>} : vector<32xbf16> -> vector<16xf32>
        %unpack3A_749 = tpu.unpack_subelements %get3A_747, 1 {pack_format = #tpu.pack_format<interleaved>} : vector<32xbf16> -> vector<16xf32>
        %mul3A_750 = vector.broadcast %squeeze3A_744 : f32 to vector<16xf32>
        %mul3A_751 = arith.mulf %mul3A_750, %unpack3A_748 : vector<16xf32>
        %add3A_752 = arith.addf %add3A_735, %mul3A_751 : vector<16xf32>
        %mul3A_753 = vector.broadcast %squeeze3A_744 : f32 to vector<16xf32>
        %mul3A_754 = arith.mulf %mul3A_753, %unpack3A_749 : vector<16xf32>
        %add3A_755 = arith.addf %add3A_738, %mul3A_754 : vector<16xf32>
        %add3A_756 = arith.constant 4 : i32
        %add3A_757 = arith.addi %mul3A_632, %add3A_756 : i32
        %add3A_758 = arith.constant 3 : i32
        %add3A_759 = arith.addi %add3A_757, %add3A_758 : i32
        %slice3A_760 = vector.extract_strided_slice %get3A_634 {offsets = [7], sizes = [1], strides = [1]} : vector<16xf32> to vector<1xf32>
        %squeeze3A_761 = vector.extract %slice3A_760[0] : f32 from vector<1xf32>
        %get3A_762 = arith.index_cast %add3A_759 : i32 to index
        %get3A_763 = arith.constant 0 : index
        %get3A_764 = tpu.vector_load %arg8[%get3A_762, %get3A_763] {strides = array<i32>} : memref<512x32xbf16, #tpu.memory_space<vmem>>, vector<32xbf16>,
        %unpack3A_765 = tpu.unpack_subelements %get3A_764, 0 {pack_format = #tpu.pack_format<interleaved>} : vector<32xbf16> -> vector<16xf32>
        %unpack3A_766 = tpu.unpack_subelements %get3A_764, 1 {pack_format = #tpu.pack_format<interleaved>} : vector<32xbf16> -> vector<16xf32>
        %mul3A_767 = vector.broadcast %squeeze3A_761 : f32 to vector<16xf32>
        %mul3A_768 = arith.mulf %mul3A_767, %unpack3A_765 : vector<16xf32>
        %add3A_769 = arith.addf %add3A_752, %mul3A_768 : vector<16xf32>
        %mul3A_770 = vector.broadcast %squeeze3A_761 : f32 to vector<16xf32>
        %mul3A_771 = arith.mulf %mul3A_770, %unpack3A_766 : vector<16xf32>
        %add3A_772 = arith.addf %add3A_755, %mul3A_771 : vector<16xf32>
        %add3A_773 = arith.constant 8 : i32
        %add3A_774 = arith.addi %mul3A_632, %add3A_773 : i32
        %add3A_775 = arith.constant 0 : i32
        %add3A_776 = arith.addi %add3A_774, %add3A_775 : i32
        %slice3A_777 = vector.extract_strided_slice %get3A_634 {offsets = [8], sizes = [1], strides = [1]} : vector<16xf32> to vector<1xf32>
        %squeeze3A_778 = vector.extract %slice3A_777[0] : f32 from vector<1xf32>
        %get3A_779 = arith.index_cast %add3A_776 : i32 to index
        %get3A_780 = arith.constant 0 : index
        %get3A_781 = tpu.vector_load %arg8[%get3A_779, %get3A_780] {strides = array<i32>} : memref<512x32xbf16, #tpu.memory_space<vmem>>, vector<32xbf16>,
        %unpack3A_782 = tpu.unpack_subelements %get3A_781, 0 {pack_format = #tpu.pack_format<interleaved>} : vector<32xbf16> -> vector<16xf32>
        %unpack3A_783 = tpu.unpack_subelements %get3A_781, 1 {pack_format = #tpu.pack_format<interleaved>} : vector<32xbf16> -> vector<16xf32>
        %mul3A_784 = vector.broadcast %squeeze3A_778 : f32 to vector<16xf32>
        %mul3A_785 = arith.mulf %mul3A_784, %unpack3A_782 : vector<16xf32>
        %add3A_786 = arith.addf %scan3A_619, %mul3A_785 : vector<16xf32>
        %mul3A_787 = vector.broadcast %squeeze3A_778 : f32 to vector<16xf32>
        %mul3A_788 = arith.mulf %mul3A_787, %unpack3A_783 : vector<16xf32>
        %add3A_789 = arith.addf %scan3A_620, %mul3A_788 : vector<16xf32>
        %add3A_790 = arith.constant 8 : i32
        %add3A_791 = arith.addi %mul3A_632, %add3A_790 : i32
        %add3A_792 = arith.constant 1 : i32
        %add3A_793 = arith.addi %add3A_791, %add3A_792 : i32
        %slice3A_794 = vector.extract_strided_slice %get3A_634 {offsets = [9], sizes = [1], strides = [1]} : vector<16xf32> to vector<1xf32>
        %squeeze3A_795 = vector.extract %slice3A_794[0] : f32 from vector<1xf32>
        %get3A_796 = arith.index_cast %add3A_793 : i32 to index
        %get3A_797 = arith.constant 0 : index
        %get3A_798 = tpu.vector_load %arg8[%get3A_796, %get3A_797] {strides = array<i32>} : memref<512x32xbf16, #tpu.memory_space<vmem>>, vector<32xbf16>,
        %unpack3A_799 = tpu.unpack_subelements %get3A_798, 0 {pack_format = #tpu.pack_format<interleaved>} : vector<32xbf16> -> vector<16xf32>
        %unpack3A_800 = tpu.unpack_subelements %get3A_798, 1 {pack_format = #tpu.pack_format<interleaved>} : vector<32xbf16> -> vector<16xf32>
        %mul3A_801 = vector.broadcast %squeeze3A_795 : f32 to vector<16xf32>
        %mul3A_802 = arith.mulf %mul3A_801, %unpack3A_799 : vector<16xf32>
        %add3A_803 = arith.addf %add3A_786, %mul3A_802 : vector<16xf32>
        %mul3A_804 = vector.broadcast %squeeze3A_795 : f32 to vector<16xf32>
        %mul3A_805 = arith.mulf %mul3A_804, %unpack3A_800 : vector<16xf32>
        %add3A_806 = arith.addf %add3A_789, %mul3A_805 : vector<16xf32>
        %add3A_807 = arith.constant 8 : i32
        %add3A_808 = arith.addi %mul3A_632, %add3A_807 : i32
        %add3A_809 = arith.constant 2 : i32
        %add3A_810 = arith.addi %add3A_808, %add3A_809 : i32
        %slice3A_811 = vector.extract_strided_slice %get3A_634 {offsets = [10], sizes = [1], strides = [1]} : vector<16xf32> to vector<1xf32>
        %squeeze3A_812 = vector.extract %slice3A_811[0] : f32 from vector<1xf32>
        %get3A_813 = arith.index_cast %add3A_810 : i32 to index
        %get3A_814 = arith.constant 0 : index
        %get3A_815 = tpu.vector_load %arg8[%get3A_813, %get3A_814] {strides = array<i32>} : memref<512x32xbf16, #tpu.memory_space<vmem>>, vector<32xbf16>,
        %unpack3A_816 = tpu.unpack_subelements %get3A_815, 0 {pack_format = #tpu.pack_format<interleaved>} : vector<32xbf16> -> vector<16xf32>
        %unpack3A_817 = tpu.unpack_subelements %get3A_815, 1 {pack_format = #tpu.pack_format<interleaved>} : vector<32xbf16> -> vector<16xf32>
        %mul3A_818 = vector.broadcast %squeeze3A_812 : f32 to vector<16xf32>
        %mul3A_819 = arith.mulf %mul3A_818, %unpack3A_816 : vector<16xf32>
        %add3A_820 = arith.addf %add3A_803, %mul3A_819 : vector<16xf32>
        %mul3A_821 = vector.broadcast %squeeze3A_812 : f32 to vector<16xf32>
        %mul3A_822 = arith.mulf %mul3A_821, %unpack3A_817 : vector<16xf32>
        %add3A_823 = arith.addf %add3A_806, %mul3A_822 : vector<16xf32>
        %add3A_824 = arith.constant 8 : i32
        %add3A_825 = arith.addi %mul3A_632, %add3A_824 : i32
        %add3A_826 = arith.constant 3 : i32
        %add3A_827 = arith.addi %add3A_825, %add3A_826 : i32
        %slice3A_828 = vector.extract_strided_slice %get3A_634 {offsets = [11], sizes = [1], strides = [1]} : vector<16xf32> to vector<1xf32>
        %squeeze3A_829 = vector.extract %slice3A_828[0] : f32 from vector<1xf32>
        %get3A_830 = arith.index_cast %add3A_827 : i32 to index
        %get3A_831 = arith.constant 0 : index
        %get3A_832 = tpu.vector_load %arg8[%get3A_830, %get3A_831] {strides = array<i32>} : memref<512x32xbf16, #tpu.memory_space<vmem>>, vector<32xbf16>,
        %unpack3A_833 = tpu.unpack_subelements %get3A_832, 0 {pack_format = #tpu.pack_format<interleaved>} : vector<32xbf16> -> vector<16xf32>
        %unpack3A_834 = tpu.unpack_subelements %get3A_832, 1 {pack_format = #tpu.pack_format<interleaved>} : vector<32xbf16> -> vector<16xf32>
        %mul3A_835 = vector.broadcast %squeeze3A_829 : f32 to vector<16xf32>
        %mul3A_836 = arith.mulf %mul3A_835, %unpack3A_833 : vector<16xf32>
        %add3A_837 = arith.addf %add3A_820, %mul3A_836 : vector<16xf32>
        %mul3A_838 = vector.broadcast %squeeze3A_829 : f32 to vector<16xf32>
        %mul3A_839 = arith.mulf %mul3A_838, %unpack3A_834 : vector<16xf32>
        %add3A_840 = arith.addf %add3A_823, %mul3A_839 : vector<16xf32>
        %add3A_841 = arith.constant 12 : i32
        %add3A_842 = arith.addi %mul3A_632, %add3A_841 : i32
        %add3A_843 = arith.constant 0 : i32
        %add3A_844 = arith.addi %add3A_842, %add3A_843 : i32
        %slice3A_845 = vector.extract_strided_slice %get3A_634 {offsets = [12], sizes = [1], strides = [1]} : vector<16xf32> to vector<1xf32>
        %squeeze3A_846 = vector.extract %slice3A_845[0] : f32 from vector<1xf32>
        %get3A_847 = arith.index_cast %add3A_844 : i32 to index
        %get3A_848 = arith.constant 0 : index
        %get3A_849 = tpu.vector_load %arg8[%get3A_847, %get3A_848] {strides = array<i32>} : memref<512x32xbf16, #tpu.memory_space<vmem>>, vector<32xbf16>,
        %unpack3A_850 = tpu.unpack_subelements %get3A_849, 0 {pack_format = #tpu.pack_format<interleaved>} : vector<32xbf16> -> vector<16xf32>
        %unpack3A_851 = tpu.unpack_subelements %get3A_849, 1 {pack_format = #tpu.pack_format<interleaved>} : vector<32xbf16> -> vector<16xf32>
        %mul3A_852 = vector.broadcast %squeeze3A_846 : f32 to vector<16xf32>
        %mul3A_853 = arith.mulf %mul3A_852, %unpack3A_850 : vector<16xf32>
        %add3A_854 = arith.addf %scan3A_621, %mul3A_853 : vector<16xf32>
        %mul3A_855 = vector.broadcast %squeeze3A_846 : f32 to vector<16xf32>
        %mul3A_856 = arith.mulf %mul3A_855, %unpack3A_851 : vector<16xf32>
        %add3A_857 = arith.addf %scan3A_622, %mul3A_856 : vector<16xf32>
        %add3A_858 = arith.constant 12 : i32
        %add3A_859 = arith.addi %mul3A_632, %add3A_858 : i32
        %add3A_860 = arith.constant 1 : i32
        %add3A_861 = arith.addi %add3A_859, %add3A_860 : i32
        %slice3A_862 = vector.extract_strided_slice %get3A_634 {offsets = [13], sizes = [1], strides = [1]} : vector<16xf32> to vector<1xf32>
        %squeeze3A_863 = vector.extract %slice3A_862[0] : f32 from vector<1xf32>
        %get3A_864 = arith.index_cast %add3A_861 : i32 to index
        %get3A_865 = arith.constant 0 : index
        %get3A_866 = tpu.vector_load %arg8[%get3A_864, %get3A_865] {strides = array<i32>} : memref<512x32xbf16, #tpu.memory_space<vmem>>, vector<32xbf16>,
        %unpack3A_867 = tpu.unpack_subelements %get3A_866, 0 {pack_format = #tpu.pack_format<interleaved>} : vector<32xbf16> -> vector<16xf32>
        %unpack3A_868 = tpu.unpack_subelements %get3A_866, 1 {pack_format = #tpu.pack_format<interleaved>} : vector<32xbf16> -> vector<16xf32>
        %mul3A_869 = vector.broadcast %squeeze3A_863 : f32 to vector<16xf32>
        %mul3A_870 = arith.mulf %mul3A_869, %unpack3A_867 : vector<16xf32>
        %add3A_871 = arith.addf %add3A_854, %mul3A_870 : vector<16xf32>
        %mul3A_872 = vector.broadcast %squeeze3A_863 : f32 to vector<16xf32>
        %mul3A_873 = arith.mulf %mul3A_872, %unpack3A_868 : vector<16xf32>
        %add3A_874 = arith.addf %add3A_857, %mul3A_873 : vector<16xf32>
        %add3A_875 = arith.constant 12 : i32
        %add3A_876 = arith.addi %mul3A_632, %add3A_875 : i32
        %add3A_877 = arith.constant 2 : i32
        %add3A_878 = arith.addi %add3A_876, %add3A_877 : i32
        %slice3A_879 = vector.extract_strided_slice %get3A_634 {offsets = [14], sizes = [1], strides = [1]} : vector<16xf32> to vector<1xf32>
        %squeeze3A_880 = vector.extract %slice3A_879[0] : f32 from vector<1xf32>
        %get3A_881 = arith.index_cast %add3A_878 : i32 to index
        %get3A_882 = arith.constant 0 : index
        %get3A_883 = tpu.vector_load %arg8[%get3A_881, %get3A_882] {strides = array<i32>} : memref<512x32xbf16, #tpu.memory_space<vmem>>, vector<32xbf16>,
        %unpack3A_884 = tpu.unpack_subelements %get3A_883, 0 {pack_format = #tpu.pack_format<interleaved>} : vector<32xbf16> -> vector<16xf32>
        %unpack3A_885 = tpu.unpack_subelements %get3A_883, 1 {pack_format = #tpu.pack_format<interleaved>} : vector<32xbf16> -> vector<16xf32>
        %mul3A_886 = vector.broadcast %squeeze3A_880 : f32 to vector<16xf32>
        %mul3A_887 = arith.mulf %mul3A_886, %unpack3A_884 : vector<16xf32>
        %add3A_888 = arith.addf %add3A_871, %mul3A_887 : vector<16xf32>
        %mul3A_889 = vector.broadcast %squeeze3A_880 : f32 to vector<16xf32>
        %mul3A_890 = arith.mulf %mul3A_889, %unpack3A_885 : vector<16xf32>
        %add3A_891 = arith.addf %add3A_874, %mul3A_890 : vector<16xf32>
        %add3A_892 = arith.constant 12 : i32
        %add3A_893 = arith.addi %mul3A_632, %add3A_892 : i32
        %add3A_894 = arith.constant 3 : i32
        %add3A_895 = arith.addi %add3A_893, %add3A_894 : i32
        %slice3A_896 = vector.extract_strided_slice %get3A_634 {offsets = [15], sizes = [1], strides = [1]} : vector<16xf32> to vector<1xf32>
        %squeeze3A_897 = vector.extract %slice3A_896[0] : f32 from vector<1xf32>
        %get3A_898 = arith.index_cast %add3A_895 : i32 to index
        %get3A_899 = arith.constant 0 : index
        %get3A_900 = tpu.vector_load %arg8[%get3A_898, %get3A_899] {strides = array<i32>} : memref<512x32xbf16, #tpu.memory_space<vmem>>, vector<32xbf16>,
        %unpack3A_901 = tpu.unpack_subelements %get3A_900, 0 {pack_format = #tpu.pack_format<interleaved>} : vector<32xbf16> -> vector<16xf32>
        %unpack3A_902 = tpu.unpack_subelements %get3A_900, 1 {pack_format = #tpu.pack_format<interleaved>} : vector<32xbf16> -> vector<16xf32>
        %mul3A_903 = vector.broadcast %squeeze3A_897 : f32 to vector<16xf32>
        %mul3A_904 = arith.mulf %mul3A_903, %unpack3A_901 : vector<16xf32>
        %add3A_905 = arith.addf %add3A_888, %mul3A_904 : vector<16xf32>
        %mul3A_906 = vector.broadcast %squeeze3A_897 : f32 to vector<16xf32>
        %mul3A_907 = arith.mulf %mul3A_906, %unpack3A_902 : vector<16xf32>
        %add3A_908 = arith.addf %add3A_891, %mul3A_907 : vector<16xf32>
        %add3A_909 = arith.constant 16 : i32
        %add3A_910 = arith.addi %mul3A_632, %add3A_909 : i32
        %add3A_911 = arith.constant 0 : i32
        %add3A_912 = arith.addi %add3A_910, %add3A_911 : i32
        %slice3A_913 = vector.extract_strided_slice %get3A_639 {offsets = [0], sizes = [1], strides = [1]} : vector<16xf32> to vector<1xf32>
        %squeeze3A_914 = vector.extract %slice3A_913[0] : f32 from vector<1xf32>
        %get3A_915 = arith.index_cast %add3A_912 : i32 to index
        %get3A_916 = arith.constant 0 : index
        %get3A_917 = tpu.vector_load %arg8[%get3A_915, %get3A_916] {strides = array<i32>} : memref<512x32xbf16, #tpu.memory_space<vmem>>, vector<32xbf16>,
        %unpack3A_918 = tpu.unpack_subelements %get3A_917, 0 {pack_format = #tpu.pack_format<interleaved>} : vector<32xbf16> -> vector<16xf32>
        %unpack3A_919 = tpu.unpack_subelements %get3A_917, 1 {pack_format = #tpu.pack_format<interleaved>} : vector<32xbf16> -> vector<16xf32>
        %mul3A_920 = vector.broadcast %squeeze3A_914 : f32 to vector<16xf32>
        %mul3A_921 = arith.mulf %mul3A_920, %unpack3A_918 : vector<16xf32>
        %add3A_922 = arith.addf %scan3A_623, %mul3A_921 : vector<16xf32>
        %mul3A_923 = vector.broadcast %squeeze3A_914 : f32 to vector<16xf32>
        %mul3A_924 = arith.mulf %mul3A_923, %unpack3A_919 : vector<16xf32>
        %add3A_925 = arith.addf %scan3A_624, %mul3A_924 : vector<16xf32>
        %add3A_926 = arith.constant 16 : i32
        %add3A_927 = arith.addi %mul3A_632, %add3A_926 : i32
        %add3A_928 = arith.constant 1 : i32
        %add3A_929 = arith.addi %add3A_927, %add3A_928 : i32
        %slice3A_930 = vector.extract_strided_slice %get3A_639 {offsets = [1], sizes = [1], strides = [1]} : vector<16xf32> to vector<1xf32>
        %squeeze3A_931 = vector.extract %slice3A_930[0] : f32 from vector<1xf32>
        %get3A_932 = arith.index_cast %add3A_929 : i32 to index
        %get3A_933 = arith.constant 0 : index
        %get3A_934 = tpu.vector_load %arg8[%get3A_932, %get3A_933] {strides = array<i32>} : memref<512x32xbf16, #tpu.memory_space<vmem>>, vector<32xbf16>,
        %unpack3A_935 = tpu.unpack_subelements %get3A_934, 0 {pack_format = #tpu.pack_format<interleaved>} : vector<32xbf16> -> vector<16xf32>
        %unpack3A_936 = tpu.unpack_subelements %get3A_934, 1 {pack_format = #tpu.pack_format<interleaved>} : vector<32xbf16> -> vector<16xf32>
        %mul3A_937 = vector.broadcast %squeeze3A_931 : f32 to vector<16xf32>
        %mul3A_938 = arith.mulf %mul3A_937, %unpack3A_935 : vector<16xf32>
        %add3A_939 = arith.addf %add3A_922, %mul3A_938 : vector<16xf32>
        %mul3A_940 = vector.broadcast %squeeze3A_931 : f32 to vector<16xf32>
        %mul3A_941 = arith.mulf %mul3A_940, %unpack3A_936 : vector<16xf32>
        %add3A_942 = arith.addf %add3A_925, %mul3A_941 : vector<16xf32>
        %add3A_943 = arith.constant 16 : i32
        %add3A_944 = arith.addi %mul3A_632, %add3A_943 : i32
        %add3A_945 = arith.constant 2 : i32
        %add3A_946 = arith.addi %add3A_944, %add3A_945 : i32
        %slice3A_947 = vector.extract_strided_slice %get3A_639 {offsets = [2], sizes = [1], strides = [1]} : vector<16xf32> to vector<1xf32>
        %squeeze3A_948 = vector.extract %slice3A_947[0] : f32 from vector<1xf32>
        %get3A_949 = arith.index_cast %add3A_946 : i32 to index
        %get3A_950 = arith.constant 0 : index
        %get3A_951 = tpu.vector_load %arg8[%get3A_949, %get3A_950] {strides = array<i32>} : memref<512x32xbf16, #tpu.memory_space<vmem>>, vector<32xbf16>,
        %unpack3A_952 = tpu.unpack_subelements %get3A_951, 0 {pack_format = #tpu.pack_format<interleaved>} : vector<32xbf16> -> vector<16xf32>
        %unpack3A_953 = tpu.unpack_subelements %get3A_951, 1 {pack_format = #tpu.pack_format<interleaved>} : vector<32xbf16> -> vector<16xf32>
        %mul3A_954 = vector.broadcast %squeeze3A_948 : f32 to vector<16xf32>
        %mul3A_955 = arith.mulf %mul3A_954, %unpack3A_952 : vector<16xf32>
        %add3A_956 = arith.addf %add3A_939, %mul3A_955 : vector<16xf32>
        %mul3A_957 = vector.broadcast %squeeze3A_948 : f32 to vector<16xf32>
        %mul3A_958 = arith.mulf %mul3A_957, %unpack3A_953 : vector<16xf32>
        %add3A_959 = arith.addf %add3A_942, %mul3A_958 : vector<16xf32>
        %add3A_960 = arith.constant 16 : i32
        %add3A_961 = arith.addi %mul3A_632, %add3A_960 : i32
        %add3A_962 = arith.constant 3 : i32
        %add3A_963 = arith.addi %add3A_961, %add3A_962 : i32
        %slice3A_964 = vector.extract_strided_slice %get3A_639 {offsets = [3], sizes = [1], strides = [1]} : vector<16xf32> to vector<1xf32>
        %squeeze3A_965 = vector.extract %slice3A_964[0] : f32 from vector<1xf32>
        %get3A_966 = arith.index_cast %add3A_963 : i32 to index
        %get3A_967 = arith.constant 0 : index
        %get3A_968 = tpu.vector_load %arg8[%get3A_966, %get3A_967] {strides = array<i32>} : memref<512x32xbf16, #tpu.memory_space<vmem>>, vector<32xbf16>,
        %unpack3A_969 = tpu.unpack_subelements %get3A_968, 0 {pack_format = #tpu.pack_format<interleaved>} : vector<32xbf16> -> vector<16xf32>
        %unpack3A_970 = tpu.unpack_subelements %get3A_968, 1 {pack_format = #tpu.pack_format<interleaved>} : vector<32xbf16> -> vector<16xf32>
        %mul3A_971 = vector.broadcast %squeeze3A_965 : f32 to vector<16xf32>
        %mul3A_972 = arith.mulf %mul3A_971, %unpack3A_969 : vector<16xf32>
        %add3A_973 = arith.addf %add3A_956, %mul3A_972 : vector<16xf32>
        %mul3A_974 = vector.broadcast %squeeze3A_965 : f32 to vector<16xf32>
        %mul3A_975 = arith.mulf %mul3A_974, %unpack3A_970 : vector<16xf32>
        %add3A_976 = arith.addf %add3A_959, %mul3A_975 : vector<16xf32>
        %add3A_977 = arith.constant 20 : i32
        %add3A_978 = arith.addi %mul3A_632, %add3A_977 : i32
        %add3A_979 = arith.constant 0 : i32
        %add3A_980 = arith.addi %add3A_978, %add3A_979 : i32
        %slice3A_981 = vector.extract_strided_slice %get3A_639 {offsets = [4], sizes = [1], strides = [1]} : vector<16xf32> to vector<1xf32>
        %squeeze3A_982 = vector.extract %slice3A_981[0] : f32 from vector<1xf32>
        %get3A_983 = arith.index_cast %add3A_980 : i32 to index
        %get3A_984 = arith.constant 0 : index
        %get3A_985 = tpu.vector_load %arg8[%get3A_983, %get3A_984] {strides = array<i32>} : memref<512x32xbf16, #tpu.memory_space<vmem>>, vector<32xbf16>,
        %unpack3A_986 = tpu.unpack_subelements %get3A_985, 0 {pack_format = #tpu.pack_format<interleaved>} : vector<32xbf16> -> vector<16xf32>
        %unpack3A_987 = tpu.unpack_subelements %get3A_985, 1 {pack_format = #tpu.pack_format<interleaved>} : vector<32xbf16> -> vector<16xf32>
        %mul3A_988 = vector.broadcast %squeeze3A_982 : f32 to vector<16xf32>
        %mul3A_989 = arith.mulf %mul3A_988, %unpack3A_986 : vector<16xf32>
        %add3A_990 = arith.addf %scan3A_625, %mul3A_989 : vector<16xf32>
        %mul3A_991 = vector.broadcast %squeeze3A_982 : f32 to vector<16xf32>
        %mul3A_992 = arith.mulf %mul3A_991, %unpack3A_987 : vector<16xf32>
        %add3A_993 = arith.addf %scan3A_626, %mul3A_992 : vector<16xf32>
        %add3A_994 = arith.constant 20 : i32
        %add3A_995 = arith.addi %mul3A_632, %add3A_994 : i32
        %add3A_996 = arith.constant 1 : i32
        %add3A_997 = arith.addi %add3A_995, %add3A_996 : i32
        %slice3A_998 = vector.extract_strided_slice %get3A_639 {offsets = [5], sizes = [1], strides = [1]} : vector<16xf32> to vector<1xf32>
        %squeeze3A_999 = vector.extract %slice3A_998[0] : f32 from vector<1xf32>
        %get3A_1000 = arith.index_cast %add3A_997 : i32 to index
        %get3A_1001 = arith.constant 0 : index
        %get3A_1002 = tpu.vector_load %arg8[%get3A_1000, %get3A_1001] {strides = array<i32>} : memref<512x32xbf16, #tpu.memory_space<vmem>>, vector<32xbf16>,
        %unpack3A_1003 = tpu.unpack_subelements %get3A_1002, 0 {pack_format = #tpu.pack_format<interleaved>} : vector<32xbf16> -> vector<16xf32>
        %unpack3A_1004 = tpu.unpack_subelements %get3A_1002, 1 {pack_format = #tpu.pack_format<interleaved>} : vector<32xbf16> -> vector<16xf32>
        %mul3A_1005 = vector.broadcast %squeeze3A_999 : f32 to vector<16xf32>
        %mul3A_1006 = arith.mulf %mul3A_1005, %unpack3A_1003 : vector<16xf32>
        %add3A_1007 = arith.addf %add3A_990, %mul3A_1006 : vector<16xf32>
        %mul3A_1008 = vector.broadcast %squeeze3A_999 : f32 to vector<16xf32>
        %mul3A_1009 = arith.mulf %mul3A_1008, %unpack3A_1004 : vector<16xf32>
        %add3A_1010 = arith.addf %add3A_993, %mul3A_1009 : vector<16xf32>
        %add3A_1011 = arith.constant 20 : i32
        %add3A_1012 = arith.addi %mul3A_632, %add3A_1011 : i32
        %add3A_1013 = arith.constant 2 : i32
        %add3A_1014 = arith.addi %add3A_1012, %add3A_1013 : i32
        %slice3A_1015 = vector.extract_strided_slice %get3A_639 {offsets = [6], sizes = [1], strides = [1]} : vector<16xf32> to vector<1xf32>
        %squeeze3A_1016 = vector.extract %slice3A_1015[0] : f32 from vector<1xf32>
        %get3A_1017 = arith.index_cast %add3A_1014 : i32 to index
        %get3A_1018 = arith.constant 0 : index
        %get3A_1019 = tpu.vector_load %arg8[%get3A_1017, %get3A_1018] {strides = array<i32>} : memref<512x32xbf16, #tpu.memory_space<vmem>>, vector<32xbf16>,
        %unpack3A_1020 = tpu.unpack_subelements %get3A_1019, 0 {pack_format = #tpu.pack_format<interleaved>} : vector<32xbf16> -> vector<16xf32>
        %unpack3A_1021 = tpu.unpack_subelements %get3A_1019, 1 {pack_format = #tpu.pack_format<interleaved>} : vector<32xbf16> -> vector<16xf32>
        %mul3A_1022 = vector.broadcast %squeeze3A_1016 : f32 to vector<16xf32>
        %mul3A_1023 = arith.mulf %mul3A_1022, %unpack3A_1020 : vector<16xf32>
        %add3A_1024 = arith.addf %add3A_1007, %mul3A_1023 : vector<16xf32>
        %mul3A_1025 = vector.broadcast %squeeze3A_1016 : f32 to vector<16xf32>
        %mul3A_1026 = arith.mulf %mul3A_1025, %unpack3A_1021 : vector<16xf32>
        %add3A_1027 = arith.addf %add3A_1010, %mul3A_1026 : vector<16xf32>
        %add3A_1028 = arith.constant 20 : i32
        %add3A_1029 = arith.addi %mul3A_632, %add3A_1028 : i32
        %add3A_1030 = arith.constant 3 : i32
        %add3A_1031 = arith.addi %add3A_1029, %add3A_1030 : i32
        %slice3A_1032 = vector.extract_strided_slice %get3A_639 {offsets = [7], sizes = [1], strides = [1]} : vector<16xf32> to vector<1xf32>
        %squeeze3A_1033 = vector.extract %slice3A_1032[0] : f32 from vector<1xf32>
        %get3A_1034 = arith.index_cast %add3A_1031 : i32 to index
        %get3A_1035 = arith.constant 0 : index
        %get3A_1036 = tpu.vector_load %arg8[%get3A_1034, %get3A_1035] {strides = array<i32>} : memref<512x32xbf16, #tpu.memory_space<vmem>>, vector<32xbf16>,
        %unpack3A_1037 = tpu.unpack_subelements %get3A_1036, 0 {pack_format = #tpu.pack_format<interleaved>} : vector<32xbf16> -> vector<16xf32>
        %unpack3A_1038 = tpu.unpack_subelements %get3A_1036, 1 {pack_format = #tpu.pack_format<interleaved>} : vector<32xbf16> -> vector<16xf32>
        %mul3A_1039 = vector.broadcast %squeeze3A_1033 : f32 to vector<16xf32>
        %mul3A_1040 = arith.mulf %mul3A_1039, %unpack3A_1037 : vector<16xf32>
        %add3A_1041 = arith.addf %add3A_1024, %mul3A_1040 : vector<16xf32>
        %mul3A_1042 = vector.broadcast %squeeze3A_1033 : f32 to vector<16xf32>
        %mul3A_1043 = arith.mulf %mul3A_1042, %unpack3A_1038 : vector<16xf32>
        %add3A_1044 = arith.addf %add3A_1027, %mul3A_1043 : vector<16xf32>
        %add3A_1045 = arith.constant 24 : i32
        %add3A_1046 = arith.addi %mul3A_632, %add3A_1045 : i32
        %add3A_1047 = arith.constant 0 : i32
        %add3A_1048 = arith.addi %add3A_1046, %add3A_1047 : i32
        %slice3A_1049 = vector.extract_strided_slice %get3A_639 {offsets = [8], sizes = [1], strides = [1]} : vector<16xf32> to vector<1xf32>
        %squeeze3A_1050 = vector.extract %slice3A_1049[0] : f32 from vector<1xf32>
        %get3A_1051 = arith.index_cast %add3A_1048 : i32 to index
        %get3A_1052 = arith.constant 0 : index
        %get3A_1053 = tpu.vector_load %arg8[%get3A_1051, %get3A_1052] {strides = array<i32>} : memref<512x32xbf16, #tpu.memory_space<vmem>>, vector<32xbf16>,
        %unpack3A_1054 = tpu.unpack_subelements %get3A_1053, 0 {pack_format = #tpu.pack_format<interleaved>} : vector<32xbf16> -> vector<16xf32>
        %unpack3A_1055 = tpu.unpack_subelements %get3A_1053, 1 {pack_format = #tpu.pack_format<interleaved>} : vector<32xbf16> -> vector<16xf32>
        %mul3A_1056 = vector.broadcast %squeeze3A_1050 : f32 to vector<16xf32>
        %mul3A_1057 = arith.mulf %mul3A_1056, %unpack3A_1054 : vector<16xf32>
        %add3A_1058 = arith.addf %scan3A_627, %mul3A_1057 : vector<16xf32>
        %mul3A_1059 = vector.broadcast %squeeze3A_1050 : f32 to vector<16xf32>
        %mul3A_1060 = arith.mulf %mul3A_1059, %unpack3A_1055 : vector<16xf32>
        %add3A_1061 = arith.addf %scan3A_628, %mul3A_1060 : vector<16xf32>
        %add3A_1062 = arith.constant 24 : i32
        %add3A_1063 = arith.addi %mul3A_632, %add3A_1062 : i32
        %add3A_1064 = arith.constant 1 : i32
        %add3A_1065 = arith.addi %add3A_1063, %add3A_1064 : i32
        %slice3A_1066 = vector.extract_strided_slice %get3A_639 {offsets = [9], sizes = [1], strides = [1]} : vector<16xf32> to vector<1xf32>
        %squeeze3A_1067 = vector.extract %slice3A_1066[0] : f32 from vector<1xf32>
        %get3A_1068 = arith.index_cast %add3A_1065 : i32 to index
        %get3A_1069 = arith.constant 0 : index
        %get3A_1070 = tpu.vector_load %arg8[%get3A_1068, %get3A_1069] {strides = array<i32>} : memref<512x32xbf16, #tpu.memory_space<vmem>>, vector<32xbf16>,
        %unpack3A_1071 = tpu.unpack_subelements %get3A_1070, 0 {pack_format = #tpu.pack_format<interleaved>} : vector<32xbf16> -> vector<16xf32>
        %unpack3A_1072 = tpu.unpack_subelements %get3A_1070, 1 {pack_format = #tpu.pack_format<interleaved>} : vector<32xbf16> -> vector<16xf32>
        %mul3A_1073 = vector.broadcast %squeeze3A_1067 : f32 to vector<16xf32>
        %mul3A_1074 = arith.mulf %mul3A_1073, %unpack3A_1071 : vector<16xf32>
        %add3A_1075 = arith.addf %add3A_1058, %mul3A_1074 : vector<16xf32>
        %mul3A_1076 = vector.broadcast %squeeze3A_1067 : f32 to vector<16xf32>
        %mul3A_1077 = arith.mulf %mul3A_1076, %unpack3A_1072 : vector<16xf32>
        %add3A_1078 = arith.addf %add3A_1061, %mul3A_1077 : vector<16xf32>
        %add3A_1079 = arith.constant 24 : i32
        %add3A_1080 = arith.addi %mul3A_632, %add3A_1079 : i32
        %add3A_1081 = arith.constant 2 : i32
        %add3A_1082 = arith.addi %add3A_1080, %add3A_1081 : i32
        %slice3A_1083 = vector.extract_strided_slice %get3A_639 {offsets = [10], sizes = [1], strides = [1]} : vector<16xf32> to vector<1xf32>
        %squeeze3A_1084 = vector.extract %slice3A_1083[0] : f32 from vector<1xf32>
        %get3A_1085 = arith.index_cast %add3A_1082 : i32 to index
        %get3A_1086 = arith.constant 0 : index
        %get3A_1087 = tpu.vector_load %arg8[%get3A_1085, %get3A_1086] {strides = array<i32>} : memref<512x32xbf16, #tpu.memory_space<vmem>>, vector<32xbf16>,
        %unpack3A_1088 = tpu.unpack_subelements %get3A_1087, 0 {pack_format = #tpu.pack_format<interleaved>} : vector<32xbf16> -> vector<16xf32>
        %unpack3A_1089 = tpu.unpack_subelements %get3A_1087, 1 {pack_format = #tpu.pack_format<interleaved>} : vector<32xbf16> -> vector<16xf32>
        %mul3A_1090 = vector.broadcast %squeeze3A_1084 : f32 to vector<16xf32>
        %mul3A_1091 = arith.mulf %mul3A_1090, %unpack3A_1088 : vector<16xf32>
        %add3A_1092 = arith.addf %add3A_1075, %mul3A_1091 : vector<16xf32>
        %mul3A_1093 = vector.broadcast %squeeze3A_1084 : f32 to vector<16xf32>
        %mul3A_1094 = arith.mulf %mul3A_1093, %unpack3A_1089 : vector<16xf32>
        %add3A_1095 = arith.addf %add3A_1078, %mul3A_1094 : vector<16xf32>
        %add3A_1096 = arith.constant 24 : i32
        %add3A_1097 = arith.addi %mul3A_632, %add3A_1096 : i32
        %add3A_1098 = arith.constant 3 : i32
        %add3A_1099 = arith.addi %add3A_1097, %add3A_1098 : i32
        %slice3A_1100 = vector.extract_strided_slice %get3A_639 {offsets = [11], sizes = [1], strides = [1]} : vector<16xf32> to vector<1xf32>
        %squeeze3A_1101 = vector.extract %slice3A_1100[0] : f32 from vector<1xf32>
        %get3A_1102 = arith.index_cast %add3A_1099 : i32 to index
        %get3A_1103 = arith.constant 0 : index
        %get3A_1104 = tpu.vector_load %arg8[%get3A_1102, %get3A_1103] {strides = array<i32>} : memref<512x32xbf16, #tpu.memory_space<vmem>>, vector<32xbf16>,
        %unpack3A_1105 = tpu.unpack_subelements %get3A_1104, 0 {pack_format = #tpu.pack_format<interleaved>} : vector<32xbf16> -> vector<16xf32>
        %unpack3A_1106 = tpu.unpack_subelements %get3A_1104, 1 {pack_format = #tpu.pack_format<interleaved>} : vector<32xbf16> -> vector<16xf32>
        %mul3A_1107 = vector.broadcast %squeeze3A_1101 : f32 to vector<16xf32>
        %mul3A_1108 = arith.mulf %mul3A_1107, %unpack3A_1105 : vector<16xf32>
        %add3A_1109 = arith.addf %add3A_1092, %mul3A_1108 : vector<16xf32>
        %mul3A_1110 = vector.broadcast %squeeze3A_1101 : f32 to vector<16xf32>
        %mul3A_1111 = arith.mulf %mul3A_1110, %unpack3A_1106 : vector<16xf32>
        %add3A_1112 = arith.addf %add3A_1095, %mul3A_1111 : vector<16xf32>
        %add3A_1113 = arith.constant 28 : i32
        %add3A_1114 = arith.addi %mul3A_632, %add3A_1113 : i32
        %add3A_1115 = arith.constant 0 : i32
        %add3A_1116 = arith.addi %add3A_1114, %add3A_1115 : i32
        %slice3A_1117 = vector.extract_strided_slice %get3A_639 {offsets = [12], sizes = [1], strides = [1]} : vector<16xf32> to vector<1xf32>
        %squeeze3A_1118 = vector.extract %slice3A_1117[0] : f32 from vector<1xf32>
        %get3A_1119 = arith.index_cast %add3A_1116 : i32 to index
        %get3A_1120 = arith.constant 0 : index
        %get3A_1121 = tpu.vector_load %arg8[%get3A_1119, %get3A_1120] {strides = array<i32>} : memref<512x32xbf16, #tpu.memory_space<vmem>>, vector<32xbf16>,
        %unpack3A_1122 = tpu.unpack_subelements %get3A_1121, 0 {pack_format = #tpu.pack_format<interleaved>} : vector<32xbf16> -> vector<16xf32>
        %unpack3A_1123 = tpu.unpack_subelements %get3A_1121, 1 {pack_format = #tpu.pack_format<interleaved>} : vector<32xbf16> -> vector<16xf32>
        %mul3A_1124 = vector.broadcast %squeeze3A_1118 : f32 to vector<16xf32>
        %mul3A_1125 = arith.mulf %mul3A_1124, %unpack3A_1122 : vector<16xf32>
        %add3A_1126 = arith.addf %scan3A_629, %mul3A_1125 : vector<16xf32>
        %mul3A_1127 = vector.broadcast %squeeze3A_1118 : f32 to vector<16xf32>
        %mul3A_1128 = arith.mulf %mul3A_1127, %unpack3A_1123 : vector<16xf32>
        %add3A_1129 = arith.addf %scan3A_630, %mul3A_1128 : vector<16xf32>
        %add3A_1130 = arith.constant 28 : i32
        %add3A_1131 = arith.addi %mul3A_632, %add3A_1130 : i32
        %add3A_1132 = arith.constant 1 : i32
        %add3A_1133 = arith.addi %add3A_1131, %add3A_1132 : i32
        %slice3A_1134 = vector.extract_strided_slice %get3A_639 {offsets = [13], sizes = [1], strides = [1]} : vector<16xf32> to vector<1xf32>
        %squeeze3A_1135 = vector.extract %slice3A_1134[0] : f32 from vector<1xf32>
        %get3A_1136 = arith.index_cast %add3A_1133 : i32 to index
        %get3A_1137 = arith.constant 0 : index
        %get3A_1138 = tpu.vector_load %arg8[%get3A_1136, %get3A_1137] {strides = array<i32>} : memref<512x32xbf16, #tpu.memory_space<vmem>>, vector<32xbf16>,
        %unpack3A_1139 = tpu.unpack_subelements %get3A_1138, 0 {pack_format = #tpu.pack_format<interleaved>} : vector<32xbf16> -> vector<16xf32>
        %unpack3A_1140 = tpu.unpack_subelements %get3A_1138, 1 {pack_format = #tpu.pack_format<interleaved>} : vector<32xbf16> -> vector<16xf32>
        %mul3A_1141 = vector.broadcast %squeeze3A_1135 : f32 to vector<16xf32>
        %mul3A_1142 = arith.mulf %mul3A_1141, %unpack3A_1139 : vector<16xf32>
        %add3A_1143 = arith.addf %add3A_1126, %mul3A_1142 : vector<16xf32>
        %mul3A_1144 = vector.broadcast %squeeze3A_1135 : f32 to vector<16xf32>
        %mul3A_1145 = arith.mulf %mul3A_1144, %unpack3A_1140 : vector<16xf32>
        %add3A_1146 = arith.addf %add3A_1129, %mul3A_1145 : vector<16xf32>
        %add3A_1147 = arith.constant 28 : i32
        %add3A_1148 = arith.addi %mul3A_632, %add3A_1147 : i32
        %add3A_1149 = arith.constant 2 : i32
        %add3A_1150 = arith.addi %add3A_1148, %add3A_1149 : i32
        %slice3A_1151 = vector.extract_strided_slice %get3A_639 {offsets = [14], sizes = [1], strides = [1]} : vector<16xf32> to vector<1xf32>
        %squeeze3A_1152 = vector.extract %slice3A_1151[0] : f32 from vector<1xf32>
        %get3A_1153 = arith.index_cast %add3A_1150 : i32 to index
        %get3A_1154 = arith.constant 0 : index
        %get3A_1155 = tpu.vector_load %arg8[%get3A_1153, %get3A_1154] {strides = array<i32>} : memref<512x32xbf16, #tpu.memory_space<vmem>>, vector<32xbf16>,
        %unpack3A_1156 = tpu.unpack_subelements %get3A_1155, 0 {pack_format = #tpu.pack_format<interleaved>} : vector<32xbf16> -> vector<16xf32>
        %unpack3A_1157 = tpu.unpack_subelements %get3A_1155, 1 {pack_format = #tpu.pack_format<interleaved>} : vector<32xbf16> -> vector<16xf32>
        %mul3A_1158 = vector.broadcast %squeeze3A_1152 : f32 to vector<16xf32>
        %mul3A_1159 = arith.mulf %mul3A_1158, %unpack3A_1156 : vector<16xf32>
        %add3A_1160 = arith.addf %add3A_1143, %mul3A_1159 : vector<16xf32>
        %mul3A_1161 = vector.broadcast %squeeze3A_1152 : f32 to vector<16xf32>
        %mul3A_1162 = arith.mulf %mul3A_1161, %unpack3A_1157 : vector<16xf32>
        %add3A_1163 = arith.addf %add3A_1146, %mul3A_1162 : vector<16xf32>
        %add3A_1164 = arith.constant 28 : i32
        %add3A_1165 = arith.addi %mul3A_632, %add3A_1164 : i32
        %add3A_1166 = arith.constant 3 : i32
        %add3A_1167 = arith.addi %add3A_1165, %add3A_1166 : i32
        %slice3A_1168 = vector.extract_strided_slice %get3A_639 {offsets = [15], sizes = [1], strides = [1]} : vector<16xf32> to vector<1xf32>
        %squeeze3A_1169 = vector.extract %slice3A_1168[0] : f32 from vector<1xf32>
        %get3A_1170 = arith.index_cast %add3A_1167 : i32 to index
        %get3A_1171 = arith.constant 0 : index
        %get3A_1172 = tpu.vector_load %arg8[%get3A_1170, %get3A_1171] {strides = array<i32>} : memref<512x32xbf16, #tpu.memory_space<vmem>>, vector<32xbf16>,
        %unpack3A_1173 = tpu.unpack_subelements %get3A_1172, 0 {pack_format = #tpu.pack_format<interleaved>} : vector<32xbf16> -> vector<16xf32>
        %unpack3A_1174 = tpu.unpack_subelements %get3A_1172, 1 {pack_format = #tpu.pack_format<interleaved>} : vector<32xbf16> -> vector<16xf32>
        %mul3A_1175 = vector.broadcast %squeeze3A_1169 : f32 to vector<16xf32>
        %mul3A_1176 = arith.mulf %mul3A_1175, %unpack3A_1173 : vector<16xf32>
        %add3A_1177 = arith.addf %add3A_1160, %mul3A_1176 : vector<16xf32>
        %mul3A_1178 = vector.broadcast %squeeze3A_1169 : f32 to vector<16xf32>
        %mul3A_1179 = arith.mulf %mul3A_1178, %unpack3A_1174 : vector<16xf32>
        %add3A_1180 = arith.addf %add3A_1163, %mul3A_1179 : vector<16xf32>
        scf.yield %add3A_701, %add3A_704, %add3A_769, %add3A_772, %add3A_837, %add3A_840, %add3A_905, %add3A_908, %add3A_973, %add3A_976, %add3A_1041, %add3A_1044, %add3A_1109, %add3A_1112, %add3A_1177, %add3A_1180 : vector<16xf32>, vector<16xf32>, vector<16xf32>, vector<16xf32>, vector<16xf32>, vector<16xf32>, vector<16xf32>, vector<16xf32>, vector<16xf32>, vector<16xf32>, vector<16xf32>, vector<16xf32>, vector<16xf32>, vector<16xf32>, vector<16xf32>, vector<16xf32>
      }
      %scan3A_207 = arith.constant 16 : i32
      %swap3A = arith.index_cast %add3A_200 : i32 to index
      %swap3A_208 = arith.constant 0 : index
      %swap3A_209 = tpu.vector_load %arg12[%swap3A, %swap3A_208] {strides = array<i32>} : memref<64x256xf32, #tpu.memory_space<vmem>>, vector<16xf32>,
      tpu.vector_store %arg12[%swap3A, %swap3A_208], %scan3A_206#0 {strides = array<i32>} : memref<64x256xf32, #tpu.memory_space<vmem>>, vector<16xf32>,
      %swap3A_210 = arith.index_cast %add3A_200 : i32 to index
      %swap3A_211 = arith.constant 16 : index
      %swap3A_212 = tpu.vector_load %arg12[%swap3A_210, %swap3A_211] {strides = array<i32>} : memref<64x256xf32, #tpu.memory_space<vmem>>, vector<16xf32>,
      tpu.vector_store %arg12[%swap3A_210, %swap3A_211], %scan3A_206#1 {strides = array<i32>} : memref<64x256xf32, #tpu.memory_space<vmem>>, vector<16xf32>,
      %swap3A_213 = arith.index_cast %add3A_200 : i32 to index
      %swap3A_214 = arith.constant 32 : index
      %swap3A_215 = tpu.vector_load %arg12[%swap3A_213, %swap3A_214] {strides = array<i32>} : memref<64x256xf32, #tpu.memory_space<vmem>>, vector<16xf32>,
      tpu.vector_store %arg12[%swap3A_213, %swap3A_214], %scan3A_206#2 {strides = array<i32>} : memref<64x256xf32, #tpu.memory_space<vmem>>, vector<16xf32>,
      %swap3A_216 = arith.index_cast %add3A_200 : i32 to index
      %swap3A_217 = arith.constant 48 : index
      %swap3A_218 = tpu.vector_load %arg12[%swap3A_216, %swap3A_217] {strides = array<i32>} : memref<64x256xf32, #tpu.memory_space<vmem>>, vector<16xf32>,
      tpu.vector_store %arg12[%swap3A_216, %swap3A_217], %scan3A_206#3 {strides = array<i32>} : memref<64x256xf32, #tpu.memory_space<vmem>>, vector<16xf32>,
      %swap3A_219 = arith.index_cast %add3A_200 : i32 to index
      %swap3A_220 = arith.constant 64 : index
      %swap3A_221 = tpu.vector_load %arg12[%swap3A_219, %swap3A_220] {strides = array<i32>} : memref<64x256xf32, #tpu.memory_space<vmem>>, vector<16xf32>,
      tpu.vector_store %arg12[%swap3A_219, %swap3A_220], %scan3A_206#4 {strides = array<i32>} : memref<64x256xf32, #tpu.memory_space<vmem>>, vector<16xf32>,
      %swap3A_222 = arith.index_cast %add3A_200 : i32 to index
      %swap3A_223 = arith.constant 80 : index
      %swap3A_224 = tpu.vector_load %arg12[%swap3A_222, %swap3A_223] {strides = array<i32>} : memref<64x256xf32, #tpu.memory_space<vmem>>, vector<16xf32>,
      tpu.vector_store %arg12[%swap3A_222, %swap3A_223], %scan3A_206#5 {strides = array<i32>} : memref<64x256xf32, #tpu.memory_space<vmem>>, vector<16xf32>,
      %swap3A_225 = arith.index_cast %add3A_200 : i32 to index
      %swap3A_226 = arith.constant 96 : index
      %swap3A_227 = tpu.vector_load %arg12[%swap3A_225, %swap3A_226] {strides = array<i32>} : memref<64x256xf32, #tpu.memory_space<vmem>>, vector<16xf32>,
      tpu.vector_store %arg12[%swap3A_225, %swap3A_226], %scan3A_206#6 {strides = array<i32>} : memref<64x256xf32, #tpu.memory_space<vmem>>, vector<16xf32>,
      %swap3A_228 = arith.index_cast %add3A_200 : i32 to index
      %swap3A_229 = arith.constant 112 : index
      %swap3A_230 = tpu.vector_load %arg12[%swap3A_228, %swap3A_229] {strides = array<i32>} : memref<64x256xf32, #tpu.memory_space<vmem>>, vector<16xf32>,
      tpu.vector_store %arg12[%swap3A_228, %swap3A_229], %scan3A_206#7 {strides = array<i32>} : memref<64x256xf32, #tpu.memory_space<vmem>>, vector<16xf32>,
      %swap3A_231 = arith.index_cast %add3A_200 : i32 to index
      %swap3A_232 = arith.constant 128 : index
      %swap3A_233 = tpu.vector_load %arg12[%swap3A_231, %swap3A_232] {strides = array<i32>} : memref<64x256xf32, #tpu.memory_space<vmem>>, vector<16xf32>,
      tpu.vector_store %arg12[%swap3A_231, %swap3A_232], %scan3A_206#8 {strides = array<i32>} : memref<64x256xf32, #tpu.memory_space<vmem>>, vector<16xf32>,
      %swap3A_234 = arith.index_cast %add3A_200 : i32 to index
      %swap3A_235 = arith.constant 144 : index
      %swap3A_236 = tpu.vector_load %arg12[%swap3A_234, %swap3A_235] {strides = array<i32>} : memref<64x256xf32, #tpu.memory_space<vmem>>, vector<16xf32>,
      tpu.vector_store %arg12[%swap3A_234, %swap3A_235], %scan3A_206#9 {strides = array<i32>} : memref<64x256xf32, #tpu.memory_space<vmem>>, vector<16xf32>,
      %swap3A_237 = arith.index_cast %add3A_200 : i32 to index
      %swap3A_238 = arith.constant 160 : index
      %swap3A_239 = tpu.vector_load %arg12[%swap3A_237, %swap3A_238] {strides = array<i32>} : memref<64x256xf32, #tpu.memory_space<vmem>>, vector<16xf32>,
      tpu.vector_store %arg12[%swap3A_237, %swap3A_238], %scan3A_206#10 {strides = array<i32>} : memref<64x256xf32, #tpu.memory_space<vmem>>, vector<16xf32>,
      %swap3A_240 = arith.index_cast %add3A_200 : i32 to index
      %swap3A_241 = arith.constant 176 : index
      %swap3A_242 = tpu.vector_load %arg12[%swap3A_240, %swap3A_241] {strides = array<i32>} : memref<64x256xf32, #tpu.memory_space<vmem>>, vector<16xf32>,
      tpu.vector_store %arg12[%swap3A_240, %swap3A_241], %scan3A_206#11 {strides = array<i32>} : memref<64x256xf32, #tpu.memory_space<vmem>>, vector<16xf32>,
      %swap3A_243 = arith.index_cast %add3A_200 : i32 to index
      %swap3A_244 = arith.constant 192 : index
      %swap3A_245 = tpu.vector_load %arg12[%swap3A_243, %swap3A_244] {strides = array<i32>} : memref<64x256xf32, #tpu.memory_space<vmem>>, vector<16xf32>,
      tpu.vector_store %arg12[%swap3A_243, %swap3A_244], %scan3A_206#12 {strides = array<i32>} : memref<64x256xf32, #tpu.memory_space<vmem>>, vector<16xf32>,
      %swap3A_246 = arith.index_cast %add3A_200 : i32 to index
      %swap3A_247 = arith.constant 208 : index
      %swap3A_248 = tpu.vector_load %arg12[%swap3A_246, %swap3A_247] {strides = array<i32>} : memref<64x256xf32, #tpu.memory_space<vmem>>, vector<16xf32>,
      tpu.vector_store %arg12[%swap3A_246, %swap3A_247], %scan3A_206#13 {strides = array<i32>} : memref<64x256xf32, #tpu.memory_space<vmem>>, vector<16xf32>,
      %swap3A_249 = arith.index_cast %add3A_200 : i32 to index
      %swap3A_250 = arith.constant 224 : index
      %swap3A_251 = tpu.vector_load %arg12[%swap3A_249, %swap3A_250] {strides = array<i32>} : memref<64x256xf32, #tpu.memory_space<vmem>>, vector<16xf32>,
      tpu.vector_store %arg12[%swap3A_249, %swap3A_250], %scan3A_206#14 {strides = array<i32>} : memref<64x256xf32, #tpu.memory_space<vmem>>, vector<16xf32>,
      %swap3A_252 = arith.index_cast %add3A_200 : i32 to index
      %swap3A_253 = arith.constant 240 : index
      %swap3A_254 = tpu.vector_load %arg12[%swap3A_252, %swap3A_253] {strides = array<i32>} : memref<64x256xf32, #tpu.memory_space<vmem>>, vector<16xf32>,
      tpu.vector_store %arg12[%swap3A_252, %swap3A_253], %scan3A_206#15 {strides = array<i32>} : memref<64x256xf32, #tpu.memory_space<vmem>>, vector<16xf32>,
      %add3A_255 = arith.constant 0 : i32
      %add3A_256 = arith.addi %mul3A_192, %add3A_255 : i32
      %add3A_257 = arith.constant 4 : i32
      %add3A_258 = arith.addi %add3A_256, %add3A_257 : i32
      %min3A = arith.constant 63 : i32
      %min3A_259 = arith.minsi %add3A_258, %min3A : i32
      %dma_start3A_260 = arith.constant 0 : i32
      %dma_start3A_261 = arith.constant 0 : i32
      %dma_start3A_262 = tpu.memref_slice %arg8[%dma_start3A_260, %dma_start3A_261] : memref<512x32xbf16, #tpu.memory_space<vmem>> -> memref<128x32xbf16, #tpu.memory_space<vmem>>
      %dma_start3A_263 = arith.constant 0 : i32
      %dma_start3A_264 = tpu.memref_slice %arg6[%min3A_259, %dma_start3A_263] : memref<64x512xi32, #tpu.memory_space<vmem>> -> memref<1x128xi32, #tpu.memory_space<vmem>>
      %dma_start3A_265 = tpu.memref_squeeze %dma_start3A_264 : memref<1x128xi32, #tpu.memory_space<vmem>> -> memref<128xi32, #tpu.memory_space<vmem>>
      %dma_start3A_266 = arith.constant 0 : i32
      %dma_start3A_267 = arith.constant 0 : i32
      %dma_start3A_268 = tpu.memref_slice %arg2[%dma_start3A_266, %dma_start3A_267] : memref<87040x32xbf16, #tpu.memory_space<hbm>> -> memref<87040x32xbf16, #tpu.memory_space<hbm>>
      tpu.enqueue_indirect_dma source(%dma_start3A_268 : memref<87040x32xbf16, #tpu.memory_space<hbm>>) target(%dma_start3A_262 : memref<128x32xbf16, #tpu.memory_space<vmem>>) offsets(%dma_start3A_265 : memref<128xi32, #tpu.memory_space<vmem>>) semaphore(%arg13 : memref<!tpu.dma_semaphore, #tpu.memory_space<semaphore_mem>>)
      %dma_start3A_269 = arith.constant 128 : i32
      %dma_start3A_270 = arith.constant 0 : i32
      %dma_start3A_271 = tpu.memref_slice %arg8[%dma_start3A_269, %dma_start3A_270] : memref<512x32xbf16, #tpu.memory_space<vmem>> -> memref<128x32xbf16, #tpu.memory_space<vmem>>
      %dma_start3A_272 = arith.constant 128 : i32
      %dma_start3A_273 = tpu.memref_slice %arg6[%min3A_259, %dma_start3A_272] : memref<64x512xi32, #tpu.memory_space<vmem>> -> memref<1x128xi32, #tpu.memory_space<vmem>>
      %dma_start3A_274 = tpu.memref_squeeze %dma_start3A_273 : memref<1x128xi32, #tpu.memory_space<vmem>> -> memref<128xi32, #tpu.memory_space<vmem>>
      %dma_start3A_275 = arith.constant 0 : i32
      %dma_start3A_276 = arith.constant 0 : i32
      %dma_start3A_277 = tpu.memref_slice %arg2[%dma_start3A_275, %dma_start3A_276] : memref<87040x32xbf16, #tpu.memory_space<hbm>> -> memref<87040x32xbf16, #tpu.memory_space<hbm>>
      tpu.enqueue_indirect_dma source(%dma_start3A_277 : memref<87040x32xbf16, #tpu.memory_space<hbm>>) target(%dma_start3A_271 : memref<128x32xbf16, #tpu.memory_space<vmem>>) offsets(%dma_start3A_274 : memref<128xi32, #tpu.memory_space<vmem>>) semaphore(%arg13 : memref<!tpu.dma_semaphore, #tpu.memory_space<semaphore_mem>>)
      %dma_start3A_278 = arith.constant 256 : i32
      %dma_start3A_279 = arith.constant 0 : i32
      %dma_start3A_280 = tpu.memref_slice %arg8[%dma_start3A_278, %dma_start3A_279] : memref<512x32xbf16, #tpu.memory_space<vmem>> -> memref<128x32xbf16, #tpu.memory_space<vmem>>
      %dma_start3A_281 = arith.constant 256 : i32
      %dma_start3A_282 = tpu.memref_slice %arg6[%min3A_259, %dma_start3A_281] : memref<64x512xi32, #tpu.memory_space<vmem>> -> memref<1x128xi32, #tpu.memory_space<vmem>>
      %dma_start3A_283 = tpu.memref_squeeze %dma_start3A_282 : memref<1x128xi32, #tpu.memory_space<vmem>> -> memref<128xi32, #tpu.memory_space<vmem>>
      %dma_start3A_284 = arith.constant 0 : i32
      %dma_start3A_285 = arith.constant 0 : i32
      %dma_start3A_286 = tpu.memref_slice %arg2[%dma_start3A_284, %dma_start3A_285] : memref<87040x32xbf16, #tpu.memory_space<hbm>> -> memref<87040x32xbf16, #tpu.memory_space<hbm>>
      tpu.enqueue_indirect_dma source(%dma_start3A_286 : memref<87040x32xbf16, #tpu.memory_space<hbm>>) target(%dma_start3A_280 : memref<128x32xbf16, #tpu.memory_space<vmem>>) offsets(%dma_start3A_283 : memref<128xi32, #tpu.memory_space<vmem>>) semaphore(%arg13 : memref<!tpu.dma_semaphore, #tpu.memory_space<semaphore_mem>>)
      %dma_start3A_287 = arith.constant 384 : i32
      %dma_start3A_288 = arith.constant 0 : i32
      %dma_start3A_289 = tpu.memref_slice %arg8[%dma_start3A_287, %dma_start3A_288] : memref<512x32xbf16, #tpu.memory_space<vmem>> -> memref<128x32xbf16, #tpu.memory_space<vmem>>
      %dma_start3A_290 = arith.constant 384 : i32
      %dma_start3A_291 = tpu.memref_slice %arg6[%min3A_259, %dma_start3A_290] : memref<64x512xi32, #tpu.memory_space<vmem>> -> memref<1x128xi32, #tpu.memory_space<vmem>>
      %dma_start3A_292 = tpu.memref_squeeze %dma_start3A_291 : memref<1x128xi32, #tpu.memory_space<vmem>> -> memref<128xi32, #tpu.memory_space<vmem>>
      %dma_start3A_293 = arith.constant 0 : i32
      %dma_start3A_294 = arith.constant 0 : i32
      %dma_start3A_295 = tpu.memref_slice %arg2[%dma_start3A_293, %dma_start3A_294] : memref<87040x32xbf16, #tpu.memory_space<hbm>> -> memref<87040x32xbf16, #tpu.memory_space<hbm>>
      tpu.enqueue_indirect_dma source(%dma_start3A_295 : memref<87040x32xbf16, #tpu.memory_space<hbm>>) target(%dma_start3A_289 : memref<128x32xbf16, #tpu.memory_space<vmem>>) offsets(%dma_start3A_292 : memref<128xi32, #tpu.memory_space<vmem>>) semaphore(%arg13 : memref<!tpu.dma_semaphore, #tpu.memory_space<semaphore_mem>>)
      %dma_wait3A_296 = arith.constant 0 : i32
      %dma_wait3A_297 = arith.constant 0 : i32
      %dma_wait3A_298 = tpu.memref_slice %arg2[%dma_wait3A_296, %dma_wait3A_297] : memref<87040x32xbf16, #tpu.memory_space<hbm>> -> memref<512x32xbf16, #tpu.memory_space<hbm>>
      %dma_wait3A_299 = arith.constant 0 : i32
      %dma_wait3A_300 = arith.constant 0 : i32
      %dma_wait3A_301 = tpu.memref_slice %arg2[%dma_wait3A_299, %dma_wait3A_300] : memref<87040x32xbf16, #tpu.memory_space<hbm>> -> memref<512x32xbf16, #tpu.memory_space<hbm>>
      tpu.wait_dma2 semaphore(%arg14 : memref<!tpu.dma_semaphore, #tpu.memory_space<semaphore_mem>>) src(%dma_wait3A_301 : memref<512x32xbf16, #tpu.memory_space<hbm>>) dst(%arg9 : memref<512x32xbf16, #tpu.memory_space<vmem>>)
      %add3A_302 = arith.constant 1 : i32
      %add3A_303 = arith.addi %mul3A_192, %add3A_302 : i32
      %broadcast_in_dim3A_304 = arith.constant 0.000000e+00 : f32
      %broadcast_in_dim3A_305 = vector.broadcast %broadcast_in_dim3A_304 : f32 to vector<16xf32>
      %scan3A_306 = arith.constant 0 : i32
      %scan3A_307 = arith.constant 16 : i32
      %scan3A_308 = arith.addi %scan3A_306, %scan3A_307 : i32
      %scan3A_309 = arith.constant 1 : i32
      %scan3A_310:16 = scf.for %scan3A_614 = %scan3A_306 to %scan3A_308 step %scan3A_309 iter_args(%scan3A_615 = %broadcast_in_dim3A_305, %scan3A_616 = %broadcast_in_dim3A_305, %scan3A_617 = %broadcast_in_dim3A_305, %scan3A_618 = %broadcast_in_dim3A_305, %scan3A_619 = %broadcast_in_dim3A_305, %scan3A_620 = %broadcast_in_dim3A_305, %scan3A_621 = %broadcast_in_dim3A_305, %scan3A_622 = %broadcast_in_dim3A_305, %scan3A_623 = %broadcast_in_dim3A_305, %scan3A_624 = %broadcast_in_dim3A_305, %scan3A_625 = %broadcast_in_dim3A_305, %scan3A_626 = %broadcast_in_dim3A_305, %scan3A_627 = %broadcast_in_dim3A_305, %scan3A_628 = %broadcast_in_dim3A_305, %scan3A_629 = %broadcast_in_dim3A_305, %scan3A_630 = %broadcast_in_dim3A_305) -> (vector<16xf32>, vector<16xf32>, vector<16xf32>, vector<16xf32>, vector<16xf32>, vector<16xf32>, vector<16xf32>, vector<16xf32>, vector<16xf32>, vector<16xf32>, vector<16xf32>, vector<16xf32>, vector<16xf32>, vector<16xf32>, vector<16xf32>, vector<16xf32>)  : i32 {
        %mul3A_631 = arith.constant 32 : i32
        %mul3A_632 = arith.muli %scan3A_614, %mul3A_631 : i32
        %get3A = arith.index_cast %add3A_303 : i32 to index
        %get3A_633 = arith.index_cast %mul3A_632 : i32 to index
        %get3A_634 = tpu.vector_load %arg7[%get3A, %get3A_633] {strides = array<i32>} : memref<64x512xf32, #tpu.memory_space<vmem>>, vector<16xf32>,
        %add3A_635 = arith.constant 16 : i32
        %add3A_636 = arith.addi %mul3A_632, %add3A_635 : i32
        %get3A_637 = arith.index_cast %add3A_303 : i32 to index
        %get3A_638 = arith.index_cast %add3A_636 : i32 to index
        %get3A_639 = tpu.vector_load %arg7[%get3A_637, %get3A_638] {strides = array<i32>} : memref<64x512xf32, #tpu.memory_space<vmem>>, vector<16xf32>,
        %add3A_640 = arith.constant 0 : i32
        %add3A_641 = arith.addi %mul3A_632, %add3A_640 : i32
        %add3A_642 = arith.constant 0 : i32
        %add3A_643 = arith.addi %add3A_641, %add3A_642 : i32
        %slice3A = vector.extract_strided_slice %get3A_634 {offsets = [0], sizes = [1], strides = [1]} : vector<16xf32> to vector<1xf32>
        %squeeze3A = vector.extract %slice3A[0] : f32 from vector<1xf32>
        %get3A_644 = arith.index_cast %add3A_643 : i32 to index
        %get3A_645 = arith.constant 0 : index
        %get3A_646 = tpu.vector_load %arg9[%get3A_644, %get3A_645] {strides = array<i32>} : memref<512x32xbf16, #tpu.memory_space<vmem>>, vector<32xbf16>,
        %unpack3A = tpu.unpack_subelements %get3A_646, 0 {pack_format = #tpu.pack_format<interleaved>} : vector<32xbf16> -> vector<16xf32>
        %unpack3A_647 = tpu.unpack_subelements %get3A_646, 1 {pack_format = #tpu.pack_format<interleaved>} : vector<32xbf16> -> vector<16xf32>
        %mul3A_648 = vector.broadcast %squeeze3A : f32 to vector<16xf32>
        %mul3A_649 = arith.mulf %mul3A_648, %unpack3A : vector<16xf32>
        %add3A_650 = arith.addf %scan3A_615, %mul3A_649 : vector<16xf32>
        %mul3A_651 = vector.broadcast %squeeze3A : f32 to vector<16xf32>
        %mul3A_652 = arith.mulf %mul3A_651, %unpack3A_647 : vector<16xf32>
        %add3A_653 = arith.addf %scan3A_616, %mul3A_652 : vector<16xf32>
        %add3A_654 = arith.constant 0 : i32
        %add3A_655 = arith.addi %mul3A_632, %add3A_654 : i32
        %add3A_656 = arith.constant 1 : i32
        %add3A_657 = arith.addi %add3A_655, %add3A_656 : i32
        %slice3A_658 = vector.extract_strided_slice %get3A_634 {offsets = [1], sizes = [1], strides = [1]} : vector<16xf32> to vector<1xf32>
        %squeeze3A_659 = vector.extract %slice3A_658[0] : f32 from vector<1xf32>
        %get3A_660 = arith.index_cast %add3A_657 : i32 to index
        %get3A_661 = arith.constant 0 : index
        %get3A_662 = tpu.vector_load %arg9[%get3A_660, %get3A_661] {strides = array<i32>} : memref<512x32xbf16, #tpu.memory_space<vmem>>, vector<32xbf16>,
        %unpack3A_663 = tpu.unpack_subelements %get3A_662, 0 {pack_format = #tpu.pack_format<interleaved>} : vector<32xbf16> -> vector<16xf32>
        %unpack3A_664 = tpu.unpack_subelements %get3A_662, 1 {pack_format = #tpu.pack_format<interleaved>} : vector<32xbf16> -> vector<16xf32>
        %mul3A_665 = vector.broadcast %squeeze3A_659 : f32 to vector<16xf32>
        %mul3A_666 = arith.mulf %mul3A_665, %unpack3A_663 : vector<16xf32>
        %add3A_667 = arith.addf %add3A_650, %mul3A_666 : vector<16xf32>
        %mul3A_668 = vector.broadcast %squeeze3A_659 : f32 to vector<16xf32>
        %mul3A_669 = arith.mulf %mul3A_668, %unpack3A_664 : vector<16xf32>
        %add3A_670 = arith.addf %add3A_653, %mul3A_669 : vector<16xf32>
        %add3A_671 = arith.constant 0 : i32
        %add3A_672 = arith.addi %mul3A_632, %add3A_671 : i32
        %add3A_673 = arith.constant 2 : i32
        %add3A_674 = arith.addi %add3A_672, %add3A_673 : i32
        %slice3A_675 = vector.extract_strided_slice %get3A_634 {offsets = [2], sizes = [1], strides = [1]} : vector<16xf32> to vector<1xf32>
        %squeeze3A_676 = vector.extract %slice3A_675[0] : f32 from vector<1xf32>
        %get3A_677 = arith.index_cast %add3A_674 : i32 to index
        %get3A_678 = arith.constant 0 : index
        %get3A_679 = tpu.vector_load %arg9[%get3A_677, %get3A_678] {strides = array<i32>} : memref<512x32xbf16, #tpu.memory_space<vmem>>, vector<32xbf16>,
        %unpack3A_680 = tpu.unpack_subelements %get3A_679, 0 {pack_format = #tpu.pack_format<interleaved>} : vector<32xbf16> -> vector<16xf32>
        %unpack3A_681 = tpu.unpack_subelements %get3A_679, 1 {pack_format = #tpu.pack_format<interleaved>} : vector<32xbf16> -> vector<16xf32>
        %mul3A_682 = vector.broadcast %squeeze3A_676 : f32 to vector<16xf32>
        %mul3A_683 = arith.mulf %mul3A_682, %unpack3A_680 : vector<16xf32>
        %add3A_684 = arith.addf %add3A_667, %mul3A_683 : vector<16xf32>
        %mul3A_685 = vector.broadcast %squeeze3A_676 : f32 to vector<16xf32>
        %mul3A_686 = arith.mulf %mul3A_685, %unpack3A_681 : vector<16xf32>
        %add3A_687 = arith.addf %add3A_670, %mul3A_686 : vector<16xf32>
        %add3A_688 = arith.constant 0 : i32
        %add3A_689 = arith.addi %mul3A_632, %add3A_688 : i32
        %add3A_690 = arith.constant 3 : i32
        %add3A_691 = arith.addi %add3A_689, %add3A_690 : i32
        %slice3A_692 = vector.extract_strided_slice %get3A_634 {offsets = [3], sizes = [1], strides = [1]} : vector<16xf32> to vector<1xf32>
        %squeeze3A_693 = vector.extract %slice3A_692[0] : f32 from vector<1xf32>
        %get3A_694 = arith.index_cast %add3A_691 : i32 to index
        %get3A_695 = arith.constant 0 : index
        %get3A_696 = tpu.vector_load %arg9[%get3A_694, %get3A_695] {strides = array<i32>} : memref<512x32xbf16, #tpu.memory_space<vmem>>, vector<32xbf16>,
        %unpack3A_697 = tpu.unpack_subelements %get3A_696, 0 {pack_format = #tpu.pack_format<interleaved>} : vector<32xbf16> -> vector<16xf32>
        %unpack3A_698 = tpu.unpack_subelements %get3A_696, 1 {pack_format = #tpu.pack_format<interleaved>} : vector<32xbf16> -> vector<16xf32>
        %mul3A_699 = vector.broadcast %squeeze3A_693 : f32 to vector<16xf32>
        %mul3A_700 = arith.mulf %mul3A_699, %unpack3A_697 : vector<16xf32>
        %add3A_701 = arith.addf %add3A_684, %mul3A_700 : vector<16xf32>
        %mul3A_702 = vector.broadcast %squeeze3A_693 : f32 to vector<16xf32>
        %mul3A_703 = arith.mulf %mul3A_702, %unpack3A_698 : vector<16xf32>
        %add3A_704 = arith.addf %add3A_687, %mul3A_703 : vector<16xf32>
        %add3A_705 = arith.constant 4 : i32
        %add3A_706 = arith.addi %mul3A_632, %add3A_705 : i32
        %add3A_707 = arith.constant 0 : i32
        %add3A_708 = arith.addi %add3A_706, %add3A_707 : i32
        %slice3A_709 = vector.extract_strided_slice %get3A_634 {offsets = [4], sizes = [1], strides = [1]} : vector<16xf32> to vector<1xf32>
        %squeeze3A_710 = vector.extract %slice3A_709[0] : f32 from vector<1xf32>
        %get3A_711 = arith.index_cast %add3A_708 : i32 to index
        %get3A_712 = arith.constant 0 : index
        %get3A_713 = tpu.vector_load %arg9[%get3A_711, %get3A_712] {strides = array<i32>} : memref<512x32xbf16, #tpu.memory_space<vmem>>, vector<32xbf16>,
        %unpack3A_714 = tpu.unpack_subelements %get3A_713, 0 {pack_format = #tpu.pack_format<interleaved>} : vector<32xbf16> -> vector<16xf32>
        %unpack3A_715 = tpu.unpack_subelements %get3A_713, 1 {pack_format = #tpu.pack_format<interleaved>} : vector<32xbf16> -> vector<16xf32>
        %mul3A_716 = vector.broadcast %squeeze3A_710 : f32 to vector<16xf32>
        %mul3A_717 = arith.mulf %mul3A_716, %unpack3A_714 : vector<16xf32>
        %add3A_718 = arith.addf %scan3A_617, %mul3A_717 : vector<16xf32>
        %mul3A_719 = vector.broadcast %squeeze3A_710 : f32 to vector<16xf32>
        %mul3A_720 = arith.mulf %mul3A_719, %unpack3A_715 : vector<16xf32>
        %add3A_721 = arith.addf %scan3A_618, %mul3A_720 : vector<16xf32>
        %add3A_722 = arith.constant 4 : i32
        %add3A_723 = arith.addi %mul3A_632, %add3A_722 : i32
        %add3A_724 = arith.constant 1 : i32
        %add3A_725 = arith.addi %add3A_723, %add3A_724 : i32
        %slice3A_726 = vector.extract_strided_slice %get3A_634 {offsets = [5], sizes = [1], strides = [1]} : vector<16xf32> to vector<1xf32>
        %squeeze3A_727 = vector.extract %slice3A_726[0] : f32 from vector<1xf32>
        %get3A_728 = arith.index_cast %add3A_725 : i32 to index
        %get3A_729 = arith.constant 0 : index
        %get3A_730 = tpu.vector_load %arg9[%get3A_728, %get3A_729] {strides = array<i32>} : memref<512x32xbf16, #tpu.memory_space<vmem>>, vector<32xbf16>,
        %unpack3A_731 = tpu.unpack_subelements %get3A_730, 0 {pack_format = #tpu.pack_format<interleaved>} : vector<32xbf16> -> vector<16xf32>
        %unpack3A_732 = tpu.unpack_subelements %get3A_730, 1 {pack_format = #tpu.pack_format<interleaved>} : vector<32xbf16> -> vector<16xf32>
        %mul3A_733 = vector.broadcast %squeeze3A_727 : f32 to vector<16xf32>
        %mul3A_734 = arith.mulf %mul3A_733, %unpack3A_731 : vector<16xf32>
        %add3A_735 = arith.addf %add3A_718, %mul3A_734 : vector<16xf32>
        %mul3A_736 = vector.broadcast %squeeze3A_727 : f32 to vector<16xf32>
        %mul3A_737 = arith.mulf %mul3A_736, %unpack3A_732 : vector<16xf32>
        %add3A_738 = arith.addf %add3A_721, %mul3A_737 : vector<16xf32>
        %add3A_739 = arith.constant 4 : i32
        %add3A_740 = arith.addi %mul3A_632, %add3A_739 : i32
        %add3A_741 = arith.constant 2 : i32
        %add3A_742 = arith.addi %add3A_740, %add3A_741 : i32
        %slice3A_743 = vector.extract_strided_slice %get3A_634 {offsets = [6], sizes = [1], strides = [1]} : vector<16xf32> to vector<1xf32>
        %squeeze3A_744 = vector.extract %slice3A_743[0] : f32 from vector<1xf32>
        %get3A_745 = arith.index_cast %add3A_742 : i32 to index
        %get3A_746 = arith.constant 0 : index
        %get3A_747 = tpu.vector_load %arg9[%get3A_745, %get3A_746] {strides = array<i32>} : memref<512x32xbf16, #tpu.memory_space<vmem>>, vector<32xbf16>,
        %unpack3A_748 = tpu.unpack_subelements %get3A_747, 0 {pack_format = #tpu.pack_format<interleaved>} : vector<32xbf16> -> vector<16xf32>
        %unpack3A_749 = tpu.unpack_subelements %get3A_747, 1 {pack_format = #tpu.pack_format<interleaved>} : vector<32xbf16> -> vector<16xf32>
        %mul3A_750 = vector.broadcast %squeeze3A_744 : f32 to vector<16xf32>
        %mul3A_751 = arith.mulf %mul3A_750, %unpack3A_748 : vector<16xf32>
        %add3A_752 = arith.addf %add3A_735, %mul3A_751 : vector<16xf32>
        %mul3A_753 = vector.broadcast %squeeze3A_744 : f32 to vector<16xf32>
        %mul3A_754 = arith.mulf %mul3A_753, %unpack3A_749 : vector<16xf32>
        %add3A_755 = arith.addf %add3A_738, %mul3A_754 : vector<16xf32>
        %add3A_756 = arith.constant 4 : i32
        %add3A_757 = arith.addi %mul3A_632, %add3A_756 : i32
        %add3A_758 = arith.constant 3 : i32
        %add3A_759 = arith.addi %add3A_757, %add3A_758 : i32
        %slice3A_760 = vector.extract_strided_slice %get3A_634 {offsets = [7], sizes = [1], strides = [1]} : vector<16xf32> to vector<1xf32>
        %squeeze3A_761 = vector.extract %slice3A_760[0] : f32 from vector<1xf32>
        %get3A_762 = arith.index_cast %add3A_759 : i32 to index
        %get3A_763 = arith.constant 0 : index
        %get3A_764 = tpu.vector_load %arg9[%get3A_762, %get3A_763] {strides = array<i32>} : memref<512x32xbf16, #tpu.memory_space<vmem>>, vector<32xbf16>,
        %unpack3A_765 = tpu.unpack_subelements %get3A_764, 0 {pack_format = #tpu.pack_format<interleaved>} : vector<32xbf16> -> vector<16xf32>
        %unpack3A_766 = tpu.unpack_subelements %get3A_764, 1 {pack_format = #tpu.pack_format<interleaved>} : vector<32xbf16> -> vector<16xf32>
        %mul3A_767 = vector.broadcast %squeeze3A_761 : f32 to vector<16xf32>
        %mul3A_768 = arith.mulf %mul3A_767, %unpack3A_765 : vector<16xf32>
        %add3A_769 = arith.addf %add3A_752, %mul3A_768 : vector<16xf32>
        %mul3A_770 = vector.broadcast %squeeze3A_761 : f32 to vector<16xf32>
        %mul3A_771 = arith.mulf %mul3A_770, %unpack3A_766 : vector<16xf32>
        %add3A_772 = arith.addf %add3A_755, %mul3A_771 : vector<16xf32>
        %add3A_773 = arith.constant 8 : i32
        %add3A_774 = arith.addi %mul3A_632, %add3A_773 : i32
        %add3A_775 = arith.constant 0 : i32
        %add3A_776 = arith.addi %add3A_774, %add3A_775 : i32
        %slice3A_777 = vector.extract_strided_slice %get3A_634 {offsets = [8], sizes = [1], strides = [1]} : vector<16xf32> to vector<1xf32>
        %squeeze3A_778 = vector.extract %slice3A_777[0] : f32 from vector<1xf32>
        %get3A_779 = arith.index_cast %add3A_776 : i32 to index
        %get3A_780 = arith.constant 0 : index
        %get3A_781 = tpu.vector_load %arg9[%get3A_779, %get3A_780] {strides = array<i32>} : memref<512x32xbf16, #tpu.memory_space<vmem>>, vector<32xbf16>,
        %unpack3A_782 = tpu.unpack_subelements %get3A_781, 0 {pack_format = #tpu.pack_format<interleaved>} : vector<32xbf16> -> vector<16xf32>
        %unpack3A_783 = tpu.unpack_subelements %get3A_781, 1 {pack_format = #tpu.pack_format<interleaved>} : vector<32xbf16> -> vector<16xf32>
        %mul3A_784 = vector.broadcast %squeeze3A_778 : f32 to vector<16xf32>
        %mul3A_785 = arith.mulf %mul3A_784, %unpack3A_782 : vector<16xf32>
        %add3A_786 = arith.addf %scan3A_619, %mul3A_785 : vector<16xf32>
        %mul3A_787 = vector.broadcast %squeeze3A_778 : f32 to vector<16xf32>
        %mul3A_788 = arith.mulf %mul3A_787, %unpack3A_783 : vector<16xf32>
        %add3A_789 = arith.addf %scan3A_620, %mul3A_788 : vector<16xf32>
        %add3A_790 = arith.constant 8 : i32
        %add3A_791 = arith.addi %mul3A_632, %add3A_790 : i32
        %add3A_792 = arith.constant 1 : i32
        %add3A_793 = arith.addi %add3A_791, %add3A_792 : i32
        %slice3A_794 = vector.extract_strided_slice %get3A_634 {offsets = [9], sizes = [1], strides = [1]} : vector<16xf32> to vector<1xf32>
        %squeeze3A_795 = vector.extract %slice3A_794[0] : f32 from vector<1xf32>
        %get3A_796 = arith.index_cast %add3A_793 : i32 to index
        %get3A_797 = arith.constant 0 : index
        %get3A_798 = tpu.vector_load %arg9[%get3A_796, %get3A_797] {strides = array<i32>} : memref<512x32xbf16, #tpu.memory_space<vmem>>, vector<32xbf16>,
        %unpack3A_799 = tpu.unpack_subelements %get3A_798, 0 {pack_format = #tpu.pack_format<interleaved>} : vector<32xbf16> -> vector<16xf32>
        %unpack3A_800 = tpu.unpack_subelements %get3A_798, 1 {pack_format = #tpu.pack_format<interleaved>} : vector<32xbf16> -> vector<16xf32>
        %mul3A_801 = vector.broadcast %squeeze3A_795 : f32 to vector<16xf32>
        %mul3A_802 = arith.mulf %mul3A_801, %unpack3A_799 : vector<16xf32>
        %add3A_803 = arith.addf %add3A_786, %mul3A_802 : vector<16xf32>
        %mul3A_804 = vector.broadcast %squeeze3A_795 : f32 to vector<16xf32>
        %mul3A_805 = arith.mulf %mul3A_804, %unpack3A_800 : vector<16xf32>
        %add3A_806 = arith.addf %add3A_789, %mul3A_805 : vector<16xf32>
        %add3A_807 = arith.constant 8 : i32
        %add3A_808 = arith.addi %mul3A_632, %add3A_807 : i32
        %add3A_809 = arith.constant 2 : i32
        %add3A_810 = arith.addi %add3A_808, %add3A_809 : i32
        %slice3A_811 = vector.extract_strided_slice %get3A_634 {offsets = [10], sizes = [1], strides = [1]} : vector<16xf32> to vector<1xf32>
        %squeeze3A_812 = vector.extract %slice3A_811[0] : f32 from vector<1xf32>
        %get3A_813 = arith.index_cast %add3A_810 : i32 to index
        %get3A_814 = arith.constant 0 : index
        %get3A_815 = tpu.vector_load %arg9[%get3A_813, %get3A_814] {strides = array<i32>} : memref<512x32xbf16, #tpu.memory_space<vmem>>, vector<32xbf16>,
        %unpack3A_816 = tpu.unpack_subelements %get3A_815, 0 {pack_format = #tpu.pack_format<interleaved>} : vector<32xbf16> -> vector<16xf32>
        %unpack3A_817 = tpu.unpack_subelements %get3A_815, 1 {pack_format = #tpu.pack_format<interleaved>} : vector<32xbf16> -> vector<16xf32>
        %mul3A_818 = vector.broadcast %squeeze3A_812 : f32 to vector<16xf32>
        %mul3A_819 = arith.mulf %mul3A_818, %unpack3A_816 : vector<16xf32>
        %add3A_820 = arith.addf %add3A_803, %mul3A_819 : vector<16xf32>
        %mul3A_821 = vector.broadcast %squeeze3A_812 : f32 to vector<16xf32>
        %mul3A_822 = arith.mulf %mul3A_821, %unpack3A_817 : vector<16xf32>
        %add3A_823 = arith.addf %add3A_806, %mul3A_822 : vector<16xf32>
        %add3A_824 = arith.constant 8 : i32
        %add3A_825 = arith.addi %mul3A_632, %add3A_824 : i32
        %add3A_826 = arith.constant 3 : i32
        %add3A_827 = arith.addi %add3A_825, %add3A_826 : i32
        %slice3A_828 = vector.extract_strided_slice %get3A_634 {offsets = [11], sizes = [1], strides = [1]} : vector<16xf32> to vector<1xf32>
        %squeeze3A_829 = vector.extract %slice3A_828[0] : f32 from vector<1xf32>
        %get3A_830 = arith.index_cast %add3A_827 : i32 to index
        %get3A_831 = arith.constant 0 : index
        %get3A_832 = tpu.vector_load %arg9[%get3A_830, %get3A_831] {strides = array<i32>} : memref<512x32xbf16, #tpu.memory_space<vmem>>, vector<32xbf16>,
        %unpack3A_833 = tpu.unpack_subelements %get3A_832, 0 {pack_format = #tpu.pack_format<interleaved>} : vector<32xbf16> -> vector<16xf32>
        %unpack3A_834 = tpu.unpack_subelements %get3A_832, 1 {pack_format = #tpu.pack_format<interleaved>} : vector<32xbf16> -> vector<16xf32>
        %mul3A_835 = vector.broadcast %squeeze3A_829 : f32 to vector<16xf32>
        %mul3A_836 = arith.mulf %mul3A_835, %unpack3A_833 : vector<16xf32>
        %add3A_837 = arith.addf %add3A_820, %mul3A_836 : vector<16xf32>
        %mul3A_838 = vector.broadcast %squeeze3A_829 : f32 to vector<16xf32>
        %mul3A_839 = arith.mulf %mul3A_838, %unpack3A_834 : vector<16xf32>
        %add3A_840 = arith.addf %add3A_823, %mul3A_839 : vector<16xf32>
        %add3A_841 = arith.constant 12 : i32
        %add3A_842 = arith.addi %mul3A_632, %add3A_841 : i32
        %add3A_843 = arith.constant 0 : i32
        %add3A_844 = arith.addi %add3A_842, %add3A_843 : i32
        %slice3A_845 = vector.extract_strided_slice %get3A_634 {offsets = [12], sizes = [1], strides = [1]} : vector<16xf32> to vector<1xf32>
        %squeeze3A_846 = vector.extract %slice3A_845[0] : f32 from vector<1xf32>
        %get3A_847 = arith.index_cast %add3A_844 : i32 to index
        %get3A_848 = arith.constant 0 : index
        %get3A_849 = tpu.vector_load %arg9[%get3A_847, %get3A_848] {strides = array<i32>} : memref<512x32xbf16, #tpu.memory_space<vmem>>, vector<32xbf16>,
        %unpack3A_850 = tpu.unpack_subelements %get3A_849, 0 {pack_format = #tpu.pack_format<interleaved>} : vector<32xbf16> -> vector<16xf32>
        %unpack3A_851 = tpu.unpack_subelements %get3A_849, 1 {pack_format = #tpu.pack_format<interleaved>} : vector<32xbf16> -> vector<16xf32>
        %mul3A_852 = vector.broadcast %squeeze3A_846 : f32 to vector<16xf32>
        %mul3A_853 = arith.mulf %mul3A_852, %unpack3A_850 : vector<16xf32>
        %add3A_854 = arith.addf %scan3A_621, %mul3A_853 : vector<16xf32>
        %mul3A_855 = vector.broadcast %squeeze3A_846 : f32 to vector<16xf32>
        %mul3A_856 = arith.mulf %mul3A_855, %unpack3A_851 : vector<16xf32>
        %add3A_857 = arith.addf %scan3A_622, %mul3A_856 : vector<16xf32>
        %add3A_858 = arith.constant 12 : i32
        %add3A_859 = arith.addi %mul3A_632, %add3A_858 : i32
        %add3A_860 = arith.constant 1 : i32
        %add3A_861 = arith.addi %add3A_859, %add3A_860 : i32
        %slice3A_862 = vector.extract_strided_slice %get3A_634 {offsets = [13], sizes = [1], strides = [1]} : vector<16xf32> to vector<1xf32>
        %squeeze3A_863 = vector.extract %slice3A_862[0] : f32 from vector<1xf32>
        %get3A_864 = arith.index_cast %add3A_861 : i32 to index
        %get3A_865 = arith.constant 0 : index
        %get3A_866 = tpu.vector_load %arg9[%get3A_864, %get3A_865] {strides = array<i32>} : memref<512x32xbf16, #tpu.memory_space<vmem>>, vector<32xbf16>,
        %unpack3A_867 = tpu.unpack_subelements %get3A_866, 0 {pack_format = #tpu.pack_format<interleaved>} : vector<32xbf16> -> vector<16xf32>
        %unpack3A_868 = tpu.unpack_subelements %get3A_866, 1 {pack_format = #tpu.pack_format<interleaved>} : vector<32xbf16> -> vector<16xf32>
        %mul3A_869 = vector.broadcast %squeeze3A_863 : f32 to vector<16xf32>
        %mul3A_870 = arith.mulf %mul3A_869, %unpack3A_867 : vector<16xf32>
        %add3A_871 = arith.addf %add3A_854, %mul3A_870 : vector<16xf32>
        %mul3A_872 = vector.broadcast %squeeze3A_863 : f32 to vector<16xf32>
        %mul3A_873 = arith.mulf %mul3A_872, %unpack3A_868 : vector<16xf32>
        %add3A_874 = arith.addf %add3A_857, %mul3A_873 : vector<16xf32>
        %add3A_875 = arith.constant 12 : i32
        %add3A_876 = arith.addi %mul3A_632, %add3A_875 : i32
        %add3A_877 = arith.constant 2 : i32
        %add3A_878 = arith.addi %add3A_876, %add3A_877 : i32
        %slice3A_879 = vector.extract_strided_slice %get3A_634 {offsets = [14], sizes = [1], strides = [1]} : vector<16xf32> to vector<1xf32>
        %squeeze3A_880 = vector.extract %slice3A_879[0] : f32 from vector<1xf32>
        %get3A_881 = arith.index_cast %add3A_878 : i32 to index
        %get3A_882 = arith.constant 0 : index
        %get3A_883 = tpu.vector_load %arg9[%get3A_881, %get3A_882] {strides = array<i32>} : memref<512x32xbf16, #tpu.memory_space<vmem>>, vector<32xbf16>,
        %unpack3A_884 = tpu.unpack_subelements %get3A_883, 0 {pack_format = #tpu.pack_format<interleaved>} : vector<32xbf16> -> vector<16xf32>
        %unpack3A_885 = tpu.unpack_subelements %get3A_883, 1 {pack_format = #tpu.pack_format<interleaved>} : vector<32xbf16> -> vector<16xf32>
        %mul3A_886 = vector.broadcast %squeeze3A_880 : f32 to vector<16xf32>
        %mul3A_887 = arith.mulf %mul3A_886, %unpack3A_884 : vector<16xf32>
        %add3A_888 = arith.addf %add3A_871, %mul3A_887 : vector<16xf32>
        %mul3A_889 = vector.broadcast %squeeze3A_880 : f32 to vector<16xf32>
        %mul3A_890 = arith.mulf %mul3A_889, %unpack3A_885 : vector<16xf32>
        %add3A_891 = arith.addf %add3A_874, %mul3A_890 : vector<16xf32>
        %add3A_892 = arith.constant 12 : i32
        %add3A_893 = arith.addi %mul3A_632, %add3A_892 : i32
        %add3A_894 = arith.constant 3 : i32
        %add3A_895 = arith.addi %add3A_893, %add3A_894 : i32
        %slice3A_896 = vector.extract_strided_slice %get3A_634 {offsets = [15], sizes = [1], strides = [1]} : vector<16xf32> to vector<1xf32>
        %squeeze3A_897 = vector.extract %slice3A_896[0] : f32 from vector<1xf32>
        %get3A_898 = arith.index_cast %add3A_895 : i32 to index
        %get3A_899 = arith.constant 0 : index
        %get3A_900 = tpu.vector_load %arg9[%get3A_898, %get3A_899] {strides = array<i32>} : memref<512x32xbf16, #tpu.memory_space<vmem>>, vector<32xbf16>,
        %unpack3A_901 = tpu.unpack_subelements %get3A_900, 0 {pack_format = #tpu.pack_format<interleaved>} : vector<32xbf16> -> vector<16xf32>
        %unpack3A_902 = tpu.unpack_subelements %get3A_900, 1 {pack_format = #tpu.pack_format<interleaved>} : vector<32xbf16> -> vector<16xf32>
        %mul3A_903 = vector.broadcast %squeeze3A_897 : f32 to vector<16xf32>
        %mul3A_904 = arith.mulf %mul3A_903, %unpack3A_901 : vector<16xf32>
        %add3A_905 = arith.addf %add3A_888, %mul3A_904 : vector<16xf32>
        %mul3A_906 = vector.broadcast %squeeze3A_897 : f32 to vector<16xf32>
        %mul3A_907 = arith.mulf %mul3A_906, %unpack3A_902 : vector<16xf32>
        %add3A_908 = arith.addf %add3A_891, %mul3A_907 : vector<16xf32>
        %add3A_909 = arith.constant 16 : i32
        %add3A_910 = arith.addi %mul3A_632, %add3A_909 : i32
        %add3A_911 = arith.constant 0 : i32
        %add3A_912 = arith.addi %add3A_910, %add3A_911 : i32
        %slice3A_913 = vector.extract_strided_slice %get3A_639 {offsets = [0], sizes = [1], strides = [1]} : vector<16xf32> to vector<1xf32>
        %squeeze3A_914 = vector.extract %slice3A_913[0] : f32 from vector<1xf32>
        %get3A_915 = arith.index_cast %add3A_912 : i32 to index
        %get3A_916 = arith.constant 0 : index
        %get3A_917 = tpu.vector_load %arg9[%get3A_915, %get3A_916] {strides = array<i32>} : memref<512x32xbf16, #tpu.memory_space<vmem>>, vector<32xbf16>,
        %unpack3A_918 = tpu.unpack_subelements %get3A_917, 0 {pack_format = #tpu.pack_format<interleaved>} : vector<32xbf16> -> vector<16xf32>
        %unpack3A_919 = tpu.unpack_subelements %get3A_917, 1 {pack_format = #tpu.pack_format<interleaved>} : vector<32xbf16> -> vector<16xf32>
        %mul3A_920 = vector.broadcast %squeeze3A_914 : f32 to vector<16xf32>
        %mul3A_921 = arith.mulf %mul3A_920, %unpack3A_918 : vector<16xf32>
        %add3A_922 = arith.addf %scan3A_623, %mul3A_921 : vector<16xf32>
        %mul3A_923 = vector.broadcast %squeeze3A_914 : f32 to vector<16xf32>
        %mul3A_924 = arith.mulf %mul3A_923, %unpack3A_919 : vector<16xf32>
        %add3A_925 = arith.addf %scan3A_624, %mul3A_924 : vector<16xf32>
        %add3A_926 = arith.constant 16 : i32
        %add3A_927 = arith.addi %mul3A_632, %add3A_926 : i32
        %add3A_928 = arith.constant 1 : i32
        %add3A_929 = arith.addi %add3A_927, %add3A_928 : i32
        %slice3A_930 = vector.extract_strided_slice %get3A_639 {offsets = [1], sizes = [1], strides = [1]} : vector<16xf32> to vector<1xf32>
        %squeeze3A_931 = vector.extract %slice3A_930[0] : f32 from vector<1xf32>
        %get3A_932 = arith.index_cast %add3A_929 : i32 to index
        %get3A_933 = arith.constant 0 : index
        %get3A_934 = tpu.vector_load %arg9[%get3A_932, %get3A_933] {strides = array<i32>} : memref<512x32xbf16, #tpu.memory_space<vmem>>, vector<32xbf16>,
        %unpack3A_935 = tpu.unpack_subelements %get3A_934, 0 {pack_format = #tpu.pack_format<interleaved>} : vector<32xbf16> -> vector<16xf32>
        %unpack3A_936 = tpu.unpack_subelements %get3A_934, 1 {pack_format = #tpu.pack_format<interleaved>} : vector<32xbf16> -> vector<16xf32>
        %mul3A_937 = vector.broadcast %squeeze3A_931 : f32 to vector<16xf32>
        %mul3A_938 = arith.mulf %mul3A_937, %unpack3A_935 : vector<16xf32>
        %add3A_939 = arith.addf %add3A_922, %mul3A_938 : vector<16xf32>
        %mul3A_940 = vector.broadcast %squeeze3A_931 : f32 to vector<16xf32>
        %mul3A_941 = arith.mulf %mul3A_940, %unpack3A_936 : vector<16xf32>
        %add3A_942 = arith.addf %add3A_925, %mul3A_941 : vector<16xf32>
        %add3A_943 = arith.constant 16 : i32
        %add3A_944 = arith.addi %mul3A_632, %add3A_943 : i32
        %add3A_945 = arith.constant 2 : i32
        %add3A_946 = arith.addi %add3A_944, %add3A_945 : i32
        %slice3A_947 = vector.extract_strided_slice %get3A_639 {offsets = [2], sizes = [1], strides = [1]} : vector<16xf32> to vector<1xf32>
        %squeeze3A_948 = vector.extract %slice3A_947[0] : f32 from vector<1xf32>
        %get3A_949 = arith.index_cast %add3A_946 : i32 to index
        %get3A_950 = arith.constant 0 : index
        %get3A_951 = tpu.vector_load %arg9[%get3A_949, %get3A_950] {strides = array<i32>} : memref<512x32xbf16, #tpu.memory_space<vmem>>, vector<32xbf16>,
        %unpack3A_952 = tpu.unpack_subelements %get3A_951, 0 {pack_format = #tpu.pack_format<interleaved>} : vector<32xbf16> -> vector<16xf32>
        %unpack3A_953 = tpu.unpack_subelements %get3A_951, 1 {pack_format = #tpu.pack_format<interleaved>} : vector<32xbf16> -> vector<16xf32>
        %mul3A_954 = vector.broadcast %squeeze3A_948 : f32 to vector<16xf32>
        %mul3A_955 = arith.mulf %mul3A_954, %unpack3A_952 : vector<16xf32>
        %add3A_956 = arith.addf %add3A_939, %mul3A_955 : vector<16xf32>
        %mul3A_957 = vector.broadcast %squeeze3A_948 : f32 to vector<16xf32>
        %mul3A_958 = arith.mulf %mul3A_957, %unpack3A_953 : vector<16xf32>
        %add3A_959 = arith.addf %add3A_942, %mul3A_958 : vector<16xf32>
        %add3A_960 = arith.constant 16 : i32
        %add3A_961 = arith.addi %mul3A_632, %add3A_960 : i32
        %add3A_962 = arith.constant 3 : i32
        %add3A_963 = arith.addi %add3A_961, %add3A_962 : i32
        %slice3A_964 = vector.extract_strided_slice %get3A_639 {offsets = [3], sizes = [1], strides = [1]} : vector<16xf32> to vector<1xf32>
        %squeeze3A_965 = vector.extract %slice3A_964[0] : f32 from vector<1xf32>
        %get3A_966 = arith.index_cast %add3A_963 : i32 to index
        %get3A_967 = arith.constant 0 : index
        %get3A_968 = tpu.vector_load %arg9[%get3A_966, %get3A_967] {strides = array<i32>} : memref<512x32xbf16, #tpu.memory_space<vmem>>, vector<32xbf16>,
        %unpack3A_969 = tpu.unpack_subelements %get3A_968, 0 {pack_format = #tpu.pack_format<interleaved>} : vector<32xbf16> -> vector<16xf32>
        %unpack3A_970 = tpu.unpack_subelements %get3A_968, 1 {pack_format = #tpu.pack_format<interleaved>} : vector<32xbf16> -> vector<16xf32>
        %mul3A_971 = vector.broadcast %squeeze3A_965 : f32 to vector<16xf32>
        %mul3A_972 = arith.mulf %mul3A_971, %unpack3A_969 : vector<16xf32>
        %add3A_973 = arith.addf %add3A_956, %mul3A_972 : vector<16xf32>
        %mul3A_974 = vector.broadcast %squeeze3A_965 : f32 to vector<16xf32>
        %mul3A_975 = arith.mulf %mul3A_974, %unpack3A_970 : vector<16xf32>
        %add3A_976 = arith.addf %add3A_959, %mul3A_975 : vector<16xf32>
        %add3A_977 = arith.constant 20 : i32
        %add3A_978 = arith.addi %mul3A_632, %add3A_977 : i32
        %add3A_979 = arith.constant 0 : i32
        %add3A_980 = arith.addi %add3A_978, %add3A_979 : i32
        %slice3A_981 = vector.extract_strided_slice %get3A_639 {offsets = [4], sizes = [1], strides = [1]} : vector<16xf32> to vector<1xf32>
        %squeeze3A_982 = vector.extract %slice3A_981[0] : f32 from vector<1xf32>
        %get3A_983 = arith.index_cast %add3A_980 : i32 to index
        %get3A_984 = arith.constant 0 : index
        %get3A_985 = tpu.vector_load %arg9[%get3A_983, %get3A_984] {strides = array<i32>} : memref<512x32xbf16, #tpu.memory_space<vmem>>, vector<32xbf16>,
        %unpack3A_986 = tpu.unpack_subelements %get3A_985, 0 {pack_format = #tpu.pack_format<interleaved>} : vector<32xbf16> -> vector<16xf32>
        %unpack3A_987 = tpu.unpack_subelements %get3A_985, 1 {pack_format = #tpu.pack_format<interleaved>} : vector<32xbf16> -> vector<16xf32>
        %mul3A_988 = vector.broadcast %squeeze3A_982 : f32 to vector<16xf32>
        %mul3A_989 = arith.mulf %mul3A_988, %unpack3A_986 : vector<16xf32>
        %add3A_990 = arith.addf %scan3A_625, %mul3A_989 : vector<16xf32>
        %mul3A_991 = vector.broadcast %squeeze3A_982 : f32 to vector<16xf32>
        %mul3A_992 = arith.mulf %mul3A_991, %unpack3A_987 : vector<16xf32>
        %add3A_993 = arith.addf %scan3A_626, %mul3A_992 : vector<16xf32>
        %add3A_994 = arith.constant 20 : i32
        %add3A_995 = arith.addi %mul3A_632, %add3A_994 : i32
        %add3A_996 = arith.constant 1 : i32
        %add3A_997 = arith.addi %add3A_995, %add3A_996 : i32
        %slice3A_998 = vector.extract_strided_slice %get3A_639 {offsets = [5], sizes = [1], strides = [1]} : vector<16xf32> to vector<1xf32>
        %squeeze3A_999 = vector.extract %slice3A_998[0] : f32 from vector<1xf32>
        %get3A_1000 = arith.index_cast %add3A_997 : i32 to index
        %get3A_1001 = arith.constant 0 : index
        %get3A_1002 = tpu.vector_load %arg9[%get3A_1000, %get3A_1001] {strides = array<i32>} : memref<512x32xbf16, #tpu.memory_space<vmem>>, vector<32xbf16>,
        %unpack3A_1003 = tpu.unpack_subelements %get3A_1002, 0 {pack_format = #tpu.pack_format<interleaved>} : vector<32xbf16> -> vector<16xf32>
        %unpack3A_1004 = tpu.unpack_subelements %get3A_1002, 1 {pack_format = #tpu.pack_format<interleaved>} : vector<32xbf16> -> vector<16xf32>
        %mul3A_1005 = vector.broadcast %squeeze3A_999 : f32 to vector<16xf32>
        %mul3A_1006 = arith.mulf %mul3A_1005, %unpack3A_1003 : vector<16xf32>
        %add3A_1007 = arith.addf %add3A_990, %mul3A_1006 : vector<16xf32>
        %mul3A_1008 = vector.broadcast %squeeze3A_999 : f32 to vector<16xf32>
        %mul3A_1009 = arith.mulf %mul3A_1008, %unpack3A_1004 : vector<16xf32>
        %add3A_1010 = arith.addf %add3A_993, %mul3A_1009 : vector<16xf32>
        %add3A_1011 = arith.constant 20 : i32
        %add3A_1012 = arith.addi %mul3A_632, %add3A_1011 : i32
        %add3A_1013 = arith.constant 2 : i32
        %add3A_1014 = arith.addi %add3A_1012, %add3A_1013 : i32
        %slice3A_1015 = vector.extract_strided_slice %get3A_639 {offsets = [6], sizes = [1], strides = [1]} : vector<16xf32> to vector<1xf32>
        %squeeze3A_1016 = vector.extract %slice3A_1015[0] : f32 from vector<1xf32>
        %get3A_1017 = arith.index_cast %add3A_1014 : i32 to index
        %get3A_1018 = arith.constant 0 : index
        %get3A_1019 = tpu.vector_load %arg9[%get3A_1017, %get3A_1018] {strides = array<i32>} : memref<512x32xbf16, #tpu.memory_space<vmem>>, vector<32xbf16>,
        %unpack3A_1020 = tpu.unpack_subelements %get3A_1019, 0 {pack_format = #tpu.pack_format<interleaved>} : vector<32xbf16> -> vector<16xf32>
        %unpack3A_1021 = tpu.unpack_subelements %get3A_1019, 1 {pack_format = #tpu.pack_format<interleaved>} : vector<32xbf16> -> vector<16xf32>
        %mul3A_1022 = vector.broadcast %squeeze3A_1016 : f32 to vector<16xf32>
        %mul3A_1023 = arith.mulf %mul3A_1022, %unpack3A_1020 : vector<16xf32>
        %add3A_1024 = arith.addf %add3A_1007, %mul3A_1023 : vector<16xf32>
        %mul3A_1025 = vector.broadcast %squeeze3A_1016 : f32 to vector<16xf32>
        %mul3A_1026 = arith.mulf %mul3A_1025, %unpack3A_1021 : vector<16xf32>
        %add3A_1027 = arith.addf %add3A_1010, %mul3A_1026 : vector<16xf32>
        %add3A_1028 = arith.constant 20 : i32
        %add3A_1029 = arith.addi %mul3A_632, %add3A_1028 : i32
        %add3A_1030 = arith.constant 3 : i32
        %add3A_1031 = arith.addi %add3A_1029, %add3A_1030 : i32
        %slice3A_1032 = vector.extract_strided_slice %get3A_639 {offsets = [7], sizes = [1], strides = [1]} : vector<16xf32> to vector<1xf32>
        %squeeze3A_1033 = vector.extract %slice3A_1032[0] : f32 from vector<1xf32>
        %get3A_1034 = arith.index_cast %add3A_1031 : i32 to index
        %get3A_1035 = arith.constant 0 : index
        %get3A_1036 = tpu.vector_load %arg9[%get3A_1034, %get3A_1035] {strides = array<i32>} : memref<512x32xbf16, #tpu.memory_space<vmem>>, vector<32xbf16>,
        %unpack3A_1037 = tpu.unpack_subelements %get3A_1036, 0 {pack_format = #tpu.pack_format<interleaved>} : vector<32xbf16> -> vector<16xf32>
        %unpack3A_1038 = tpu.unpack_subelements %get3A_1036, 1 {pack_format = #tpu.pack_format<interleaved>} : vector<32xbf16> -> vector<16xf32>
        %mul3A_1039 = vector.broadcast %squeeze3A_1033 : f32 to vector<16xf32>
        %mul3A_1040 = arith.mulf %mul3A_1039, %unpack3A_1037 : vector<16xf32>
        %add3A_1041 = arith.addf %add3A_1024, %mul3A_1040 : vector<16xf32>
        %mul3A_1042 = vector.broadcast %squeeze3A_1033 : f32 to vector<16xf32>
        %mul3A_1043 = arith.mulf %mul3A_1042, %unpack3A_1038 : vector<16xf32>
        %add3A_1044 = arith.addf %add3A_1027, %mul3A_1043 : vector<16xf32>
        %add3A_1045 = arith.constant 24 : i32
        %add3A_1046 = arith.addi %mul3A_632, %add3A_1045 : i32
        %add3A_1047 = arith.constant 0 : i32
        %add3A_1048 = arith.addi %add3A_1046, %add3A_1047 : i32
        %slice3A_1049 = vector.extract_strided_slice %get3A_639 {offsets = [8], sizes = [1], strides = [1]} : vector<16xf32> to vector<1xf32>
        %squeeze3A_1050 = vector.extract %slice3A_1049[0] : f32 from vector<1xf32>
        %get3A_1051 = arith.index_cast %add3A_1048 : i32 to index
        %get3A_1052 = arith.constant 0 : index
        %get3A_1053 = tpu.vector_load %arg9[%get3A_1051, %get3A_1052] {strides = array<i32>} : memref<512x32xbf16, #tpu.memory_space<vmem>>, vector<32xbf16>,
        %unpack3A_1054 = tpu.unpack_subelements %get3A_1053, 0 {pack_format = #tpu.pack_format<interleaved>} : vector<32xbf16> -> vector<16xf32>
        %unpack3A_1055 = tpu.unpack_subelements %get3A_1053, 1 {pack_format = #tpu.pack_format<interleaved>} : vector<32xbf16> -> vector<16xf32>
        %mul3A_1056 = vector.broadcast %squeeze3A_1050 : f32 to vector<16xf32>
        %mul3A_1057 = arith.mulf %mul3A_1056, %unpack3A_1054 : vector<16xf32>
        %add3A_1058 = arith.addf %scan3A_627, %mul3A_1057 : vector<16xf32>
        %mul3A_1059 = vector.broadcast %squeeze3A_1050 : f32 to vector<16xf32>
        %mul3A_1060 = arith.mulf %mul3A_1059, %unpack3A_1055 : vector<16xf32>
        %add3A_1061 = arith.addf %scan3A_628, %mul3A_1060 : vector<16xf32>
        %add3A_1062 = arith.constant 24 : i32
        %add3A_1063 = arith.addi %mul3A_632, %add3A_1062 : i32
        %add3A_1064 = arith.constant 1 : i32
        %add3A_1065 = arith.addi %add3A_1063, %add3A_1064 : i32
        %slice3A_1066 = vector.extract_strided_slice %get3A_639 {offsets = [9], sizes = [1], strides = [1]} : vector<16xf32> to vector<1xf32>
        %squeeze3A_1067 = vector.extract %slice3A_1066[0] : f32 from vector<1xf32>
        %get3A_1068 = arith.index_cast %add3A_1065 : i32 to index
        %get3A_1069 = arith.constant 0 : index
        %get3A_1070 = tpu.vector_load %arg9[%get3A_1068, %get3A_1069] {strides = array<i32>} : memref<512x32xbf16, #tpu.memory_space<vmem>>, vector<32xbf16>,
        %unpack3A_1071 = tpu.unpack_subelements %get3A_1070, 0 {pack_format = #tpu.pack_format<interleaved>} : vector<32xbf16> -> vector<16xf32>
        %unpack3A_1072 = tpu.unpack_subelements %get3A_1070, 1 {pack_format = #tpu.pack_format<interleaved>} : vector<32xbf16> -> vector<16xf32>
        %mul3A_1073 = vector.broadcast %squeeze3A_1067 : f32 to vector<16xf32>
        %mul3A_1074 = arith.mulf %mul3A_1073, %unpack3A_1071 : vector<16xf32>
        %add3A_1075 = arith.addf %add3A_1058, %mul3A_1074 : vector<16xf32>
        %mul3A_1076 = vector.broadcast %squeeze3A_1067 : f32 to vector<16xf32>
        %mul3A_1077 = arith.mulf %mul3A_1076, %unpack3A_1072 : vector<16xf32>
        %add3A_1078 = arith.addf %add3A_1061, %mul3A_1077 : vector<16xf32>
        %add3A_1079 = arith.constant 24 : i32
        %add3A_1080 = arith.addi %mul3A_632, %add3A_1079 : i32
        %add3A_1081 = arith.constant 2 : i32
        %add3A_1082 = arith.addi %add3A_1080, %add3A_1081 : i32
        %slice3A_1083 = vector.extract_strided_slice %get3A_639 {offsets = [10], sizes = [1], strides = [1]} : vector<16xf32> to vector<1xf32>
        %squeeze3A_1084 = vector.extract %slice3A_1083[0] : f32 from vector<1xf32>
        %get3A_1085 = arith.index_cast %add3A_1082 : i32 to index
        %get3A_1086 = arith.constant 0 : index
        %get3A_1087 = tpu.vector_load %arg9[%get3A_1085, %get3A_1086] {strides = array<i32>} : memref<512x32xbf16, #tpu.memory_space<vmem>>, vector<32xbf16>,
        %unpack3A_1088 = tpu.unpack_subelements %get3A_1087, 0 {pack_format = #tpu.pack_format<interleaved>} : vector<32xbf16> -> vector<16xf32>
        %unpack3A_1089 = tpu.unpack_subelements %get3A_1087, 1 {pack_format = #tpu.pack_format<interleaved>} : vector<32xbf16> -> vector<16xf32>
        %mul3A_1090 = vector.broadcast %squeeze3A_1084 : f32 to vector<16xf32>
        %mul3A_1091 = arith.mulf %mul3A_1090, %unpack3A_1088 : vector<16xf32>
        %add3A_1092 = arith.addf %add3A_1075, %mul3A_1091 : vector<16xf32>
        %mul3A_1093 = vector.broadcast %squeeze3A_1084 : f32 to vector<16xf32>
        %mul3A_1094 = arith.mulf %mul3A_1093, %unpack3A_1089 : vector<16xf32>
        %add3A_1095 = arith.addf %add3A_1078, %mul3A_1094 : vector<16xf32>
        %add3A_1096 = arith.constant 24 : i32
        %add3A_1097 = arith.addi %mul3A_632, %add3A_1096 : i32
        %add3A_1098 = arith.constant 3 : i32
        %add3A_1099 = arith.addi %add3A_1097, %add3A_1098 : i32
        %slice3A_1100 = vector.extract_strided_slice %get3A_639 {offsets = [11], sizes = [1], strides = [1]} : vector<16xf32> to vector<1xf32>
        %squeeze3A_1101 = vector.extract %slice3A_1100[0] : f32 from vector<1xf32>
        %get3A_1102 = arith.index_cast %add3A_1099 : i32 to index
        %get3A_1103 = arith.constant 0 : index
        %get3A_1104 = tpu.vector_load %arg9[%get3A_1102, %get3A_1103] {strides = array<i32>} : memref<512x32xbf16, #tpu.memory_space<vmem>>, vector<32xbf16>,
        %unpack3A_1105 = tpu.unpack_subelements %get3A_1104, 0 {pack_format = #tpu.pack_format<interleaved>} : vector<32xbf16> -> vector<16xf32>
        %unpack3A_1106 = tpu.unpack_subelements %get3A_1104, 1 {pack_format = #tpu.pack_format<interleaved>} : vector<32xbf16> -> vector<16xf32>
        %mul3A_1107 = vector.broadcast %squeeze3A_1101 : f32 to vector<16xf32>
        %mul3A_1108 = arith.mulf %mul3A_1107, %unpack3A_1105 : vector<16xf32>
        %add3A_1109 = arith.addf %add3A_1092, %mul3A_1108 : vector<16xf32>
        %mul3A_1110 = vector.broadcast %squeeze3A_1101 : f32 to vector<16xf32>
        %mul3A_1111 = arith.mulf %mul3A_1110, %unpack3A_1106 : vector<16xf32>
        %add3A_1112 = arith.addf %add3A_1095, %mul3A_1111 : vector<16xf32>
        %add3A_1113 = arith.constant 28 : i32
        %add3A_1114 = arith.addi %mul3A_632, %add3A_1113 : i32
        %add3A_1115 = arith.constant 0 : i32
        %add3A_1116 = arith.addi %add3A_1114, %add3A_1115 : i32
        %slice3A_1117 = vector.extract_strided_slice %get3A_639 {offsets = [12], sizes = [1], strides = [1]} : vector<16xf32> to vector<1xf32>
        %squeeze3A_1118 = vector.extract %slice3A_1117[0] : f32 from vector<1xf32>
        %get3A_1119 = arith.index_cast %add3A_1116 : i32 to index
        %get3A_1120 = arith.constant 0 : index
        %get3A_1121 = tpu.vector_load %arg9[%get3A_1119, %get3A_1120] {strides = array<i32>} : memref<512x32xbf16, #tpu.memory_space<vmem>>, vector<32xbf16>,
        %unpack3A_1122 = tpu.unpack_subelements %get3A_1121, 0 {pack_format = #tpu.pack_format<interleaved>} : vector<32xbf16> -> vector<16xf32>
        %unpack3A_1123 = tpu.unpack_subelements %get3A_1121, 1 {pack_format = #tpu.pack_format<interleaved>} : vector<32xbf16> -> vector<16xf32>
        %mul3A_1124 = vector.broadcast %squeeze3A_1118 : f32 to vector<16xf32>
        %mul3A_1125 = arith.mulf %mul3A_1124, %unpack3A_1122 : vector<16xf32>
        %add3A_1126 = arith.addf %scan3A_629, %mul3A_1125 : vector<16xf32>
        %mul3A_1127 = vector.broadcast %squeeze3A_1118 : f32 to vector<16xf32>
        %mul3A_1128 = arith.mulf %mul3A_1127, %unpack3A_1123 : vector<16xf32>
        %add3A_1129 = arith.addf %scan3A_630, %mul3A_1128 : vector<16xf32>
        %add3A_1130 = arith.constant 28 : i32
        %add3A_1131 = arith.addi %mul3A_632, %add3A_1130 : i32
        %add3A_1132 = arith.constant 1 : i32
        %add3A_1133 = arith.addi %add3A_1131, %add3A_1132 : i32
        %slice3A_1134 = vector.extract_strided_slice %get3A_639 {offsets = [13], sizes = [1], strides = [1]} : vector<16xf32> to vector<1xf32>
        %squeeze3A_1135 = vector.extract %slice3A_1134[0] : f32 from vector<1xf32>
        %get3A_1136 = arith.index_cast %add3A_1133 : i32 to index
        %get3A_1137 = arith.constant 0 : index
        %get3A_1138 = tpu.vector_load %arg9[%get3A_1136, %get3A_1137] {strides = array<i32>} : memref<512x32xbf16, #tpu.memory_space<vmem>>, vector<32xbf16>,
        %unpack3A_1139 = tpu.unpack_subelements %get3A_1138, 0 {pack_format = #tpu.pack_format<interleaved>} : vector<32xbf16> -> vector<16xf32>
        %unpack3A_1140 = tpu.unpack_subelements %get3A_1138, 1 {pack_format = #tpu.pack_format<interleaved>} : vector<32xbf16> -> vector<16xf32>
        %mul3A_1141 = vector.broadcast %squeeze3A_1135 : f32 to vector<16xf32>
        %mul3A_1142 = arith.mulf %mul3A_1141, %unpack3A_1139 : vector<16xf32>
        %add3A_1143 = arith.addf %add3A_1126, %mul3A_1142 : vector<16xf32>
        %mul3A_1144 = vector.broadcast %squeeze3A_1135 : f32 to vector<16xf32>
        %mul3A_1145 = arith.mulf %mul3A_1144, %unpack3A_1140 : vector<16xf32>
        %add3A_1146 = arith.addf %add3A_1129, %mul3A_1145 : vector<16xf32>
        %add3A_1147 = arith.constant 28 : i32
        %add3A_1148 = arith.addi %mul3A_632, %add3A_1147 : i32
        %add3A_1149 = arith.constant 2 : i32
        %add3A_1150 = arith.addi %add3A_1148, %add3A_1149 : i32
        %slice3A_1151 = vector.extract_strided_slice %get3A_639 {offsets = [14], sizes = [1], strides = [1]} : vector<16xf32> to vector<1xf32>
        %squeeze3A_1152 = vector.extract %slice3A_1151[0] : f32 from vector<1xf32>
        %get3A_1153 = arith.index_cast %add3A_1150 : i32 to index
        %get3A_1154 = arith.constant 0 : index
        %get3A_1155 = tpu.vector_load %arg9[%get3A_1153, %get3A_1154] {strides = array<i32>} : memref<512x32xbf16, #tpu.memory_space<vmem>>, vector<32xbf16>,
        %unpack3A_1156 = tpu.unpack_subelements %get3A_1155, 0 {pack_format = #tpu.pack_format<interleaved>} : vector<32xbf16> -> vector<16xf32>
        %unpack3A_1157 = tpu.unpack_subelements %get3A_1155, 1 {pack_format = #tpu.pack_format<interleaved>} : vector<32xbf16> -> vector<16xf32>
        %mul3A_1158 = vector.broadcast %squeeze3A_1152 : f32 to vector<16xf32>
        %mul3A_1159 = arith.mulf %mul3A_1158, %unpack3A_1156 : vector<16xf32>
        %add3A_1160 = arith.addf %add3A_1143, %mul3A_1159 : vector<16xf32>
        %mul3A_1161 = vector.broadcast %squeeze3A_1152 : f32 to vector<16xf32>
        %mul3A_1162 = arith.mulf %mul3A_1161, %unpack3A_1157 : vector<16xf32>
        %add3A_1163 = arith.addf %add3A_1146, %mul3A_1162 : vector<16xf32>
        %add3A_1164 = arith.constant 28 : i32
        %add3A_1165 = arith.addi %mul3A_632, %add3A_1164 : i32
        %add3A_1166 = arith.constant 3 : i32
        %add3A_1167 = arith.addi %add3A_1165, %add3A_1166 : i32
        %slice3A_1168 = vector.extract_strided_slice %get3A_639 {offsets = [15], sizes = [1], strides = [1]} : vector<16xf32> to vector<1xf32>
        %squeeze3A_1169 = vector.extract %slice3A_1168[0] : f32 from vector<1xf32>
        %get3A_1170 = arith.index_cast %add3A_1167 : i32 to index
        %get3A_1171 = arith.constant 0 : index
        %get3A_1172 = tpu.vector_load %arg9[%get3A_1170, %get3A_1171] {strides = array<i32>} : memref<512x32xbf16, #tpu.memory_space<vmem>>, vector<32xbf16>,
        %unpack3A_1173 = tpu.unpack_subelements %get3A_1172, 0 {pack_format = #tpu.pack_format<interleaved>} : vector<32xbf16> -> vector<16xf32>
        %unpack3A_1174 = tpu.unpack_subelements %get3A_1172, 1 {pack_format = #tpu.pack_format<interleaved>} : vector<32xbf16> -> vector<16xf32>
        %mul3A_1175 = vector.broadcast %squeeze3A_1169 : f32 to vector<16xf32>
        %mul3A_1176 = arith.mulf %mul3A_1175, %unpack3A_1173 : vector<16xf32>
        %add3A_1177 = arith.addf %add3A_1160, %mul3A_1176 : vector<16xf32>
        %mul3A_1178 = vector.broadcast %squeeze3A_1169 : f32 to vector<16xf32>
        %mul3A_1179 = arith.mulf %mul3A_1178, %unpack3A_1174 : vector<16xf32>
        %add3A_1180 = arith.addf %add3A_1163, %mul3A_1179 : vector<16xf32>
        scf.yield %add3A_701, %add3A_704, %add3A_769, %add3A_772, %add3A_837, %add3A_840, %add3A_905, %add3A_908, %add3A_973, %add3A_976, %add3A_1041, %add3A_1044, %add3A_1109, %add3A_1112, %add3A_1177, %add3A_1180 : vector<16xf32>, vector<16xf32>, vector<16xf32>, vector<16xf32>, vector<16xf32>, vector<16xf32>, vector<16xf32>, vector<16xf32>, vector<16xf32>, vector<16xf32>, vector<16xf32>, vector<16xf32>, vector<16xf32>, vector<16xf32>, vector<16xf32>, vector<16xf32>
      }
      %scan3A_311 = arith.constant 16 : i32
      %swap3A_312 = arith.index_cast %add3A_303 : i32 to index
      %swap3A_313 = arith.constant 0 : index
      %swap3A_314 = tpu.vector_load %arg12[%swap3A_312, %swap3A_313] {strides = array<i32>} : memref<64x256xf32, #tpu.memory_space<vmem>>, vector<16xf32>,
      tpu.vector_store %arg12[%swap3A_312, %swap3A_313], %scan3A_310#0 {strides = array<i32>} : memref<64x256xf32, #tpu.memory_space<vmem>>, vector<16xf32>,
      %swap3A_315 = arith.index_cast %add3A_303 : i32 to index
      %swap3A_316 = arith.constant 16 : index
      %swap3A_317 = tpu.vector_load %arg12[%swap3A_315, %swap3A_316] {strides = array<i32>} : memref<64x256xf32, #tpu.memory_space<vmem>>, vector<16xf32>,
      tpu.vector_store %arg12[%swap3A_315, %swap3A_316], %scan3A_310#1 {strides = array<i32>} : memref<64x256xf32, #tpu.memory_space<vmem>>, vector<16xf32>,
      %swap3A_318 = arith.index_cast %add3A_303 : i32 to index
      %swap3A_319 = arith.constant 32 : index
      %swap3A_320 = tpu.vector_load %arg12[%swap3A_318, %swap3A_319] {strides = array<i32>} : memref<64x256xf32, #tpu.memory_space<vmem>>, vector<16xf32>,
      tpu.vector_store %arg12[%swap3A_318, %swap3A_319], %scan3A_310#2 {strides = array<i32>} : memref<64x256xf32, #tpu.memory_space<vmem>>, vector<16xf32>,
      %swap3A_321 = arith.index_cast %add3A_303 : i32 to index
      %swap3A_322 = arith.constant 48 : index
      %swap3A_323 = tpu.vector_load %arg12[%swap3A_321, %swap3A_322] {strides = array<i32>} : memref<64x256xf32, #tpu.memory_space<vmem>>, vector<16xf32>,
      tpu.vector_store %arg12[%swap3A_321, %swap3A_322], %scan3A_310#3 {strides = array<i32>} : memref<64x256xf32, #tpu.memory_space<vmem>>, vector<16xf32>,
      %swap3A_324 = arith.index_cast %add3A_303 : i32 to index
      %swap3A_325 = arith.constant 64 : index
      %swap3A_326 = tpu.vector_load %arg12[%swap3A_324, %swap3A_325] {strides = array<i32>} : memref<64x256xf32, #tpu.memory_space<vmem>>, vector<16xf32>,
      tpu.vector_store %arg12[%swap3A_324, %swap3A_325], %scan3A_310#4 {strides = array<i32>} : memref<64x256xf32, #tpu.memory_space<vmem>>, vector<16xf32>,
      %swap3A_327 = arith.index_cast %add3A_303 : i32 to index
      %swap3A_328 = arith.constant 80 : index
      %swap3A_329 = tpu.vector_load %arg12[%swap3A_327, %swap3A_328] {strides = array<i32>} : memref<64x256xf32, #tpu.memory_space<vmem>>, vector<16xf32>,
      tpu.vector_store %arg12[%swap3A_327, %swap3A_328], %scan3A_310#5 {strides = array<i32>} : memref<64x256xf32, #tpu.memory_space<vmem>>, vector<16xf32>,
      %swap3A_330 = arith.index_cast %add3A_303 : i32 to index
      %swap3A_331 = arith.constant 96 : index
      %swap3A_332 = tpu.vector_load %arg12[%swap3A_330, %swap3A_331] {strides = array<i32>} : memref<64x256xf32, #tpu.memory_space<vmem>>, vector<16xf32>,
      tpu.vector_store %arg12[%swap3A_330, %swap3A_331], %scan3A_310#6 {strides = array<i32>} : memref<64x256xf32, #tpu.memory_space<vmem>>, vector<16xf32>,
      %swap3A_333 = arith.index_cast %add3A_303 : i32 to index
      %swap3A_334 = arith.constant 112 : index
      %swap3A_335 = tpu.vector_load %arg12[%swap3A_333, %swap3A_334] {strides = array<i32>} : memref<64x256xf32, #tpu.memory_space<vmem>>, vector<16xf32>,
      tpu.vector_store %arg12[%swap3A_333, %swap3A_334], %scan3A_310#7 {strides = array<i32>} : memref<64x256xf32, #tpu.memory_space<vmem>>, vector<16xf32>,
      %swap3A_336 = arith.index_cast %add3A_303 : i32 to index
      %swap3A_337 = arith.constant 128 : index
      %swap3A_338 = tpu.vector_load %arg12[%swap3A_336, %swap3A_337] {strides = array<i32>} : memref<64x256xf32, #tpu.memory_space<vmem>>, vector<16xf32>,
      tpu.vector_store %arg12[%swap3A_336, %swap3A_337], %scan3A_310#8 {strides = array<i32>} : memref<64x256xf32, #tpu.memory_space<vmem>>, vector<16xf32>,
      %swap3A_339 = arith.index_cast %add3A_303 : i32 to index
      %swap3A_340 = arith.constant 144 : index
      %swap3A_341 = tpu.vector_load %arg12[%swap3A_339, %swap3A_340] {strides = array<i32>} : memref<64x256xf32, #tpu.memory_space<vmem>>, vector<16xf32>,
      tpu.vector_store %arg12[%swap3A_339, %swap3A_340], %scan3A_310#9 {strides = array<i32>} : memref<64x256xf32, #tpu.memory_space<vmem>>, vector<16xf32>,
      %swap3A_342 = arith.index_cast %add3A_303 : i32 to index
      %swap3A_343 = arith.constant 160 : index
      %swap3A_344 = tpu.vector_load %arg12[%swap3A_342, %swap3A_343] {strides = array<i32>} : memref<64x256xf32, #tpu.memory_space<vmem>>, vector<16xf32>,
      tpu.vector_store %arg12[%swap3A_342, %swap3A_343], %scan3A_310#10 {strides = array<i32>} : memref<64x256xf32, #tpu.memory_space<vmem>>, vector<16xf32>,
      %swap3A_345 = arith.index_cast %add3A_303 : i32 to index
      %swap3A_346 = arith.constant 176 : index
      %swap3A_347 = tpu.vector_load %arg12[%swap3A_345, %swap3A_346] {strides = array<i32>} : memref<64x256xf32, #tpu.memory_space<vmem>>, vector<16xf32>,
      tpu.vector_store %arg12[%swap3A_345, %swap3A_346], %scan3A_310#11 {strides = array<i32>} : memref<64x256xf32, #tpu.memory_space<vmem>>, vector<16xf32>,
      %swap3A_348 = arith.index_cast %add3A_303 : i32 to index
      %swap3A_349 = arith.constant 192 : index
      %swap3A_350 = tpu.vector_load %arg12[%swap3A_348, %swap3A_349] {strides = array<i32>} : memref<64x256xf32, #tpu.memory_space<vmem>>, vector<16xf32>,
      tpu.vector_store %arg12[%swap3A_348, %swap3A_349], %scan3A_310#12 {strides = array<i32>} : memref<64x256xf32, #tpu.memory_space<vmem>>, vector<16xf32>,
      %swap3A_351 = arith.index_cast %add3A_303 : i32 to index
      %swap3A_352 = arith.constant 208 : index
      %swap3A_353 = tpu.vector_load %arg12[%swap3A_351, %swap3A_352] {strides = array<i32>} : memref<64x256xf32, #tpu.memory_space<vmem>>, vector<16xf32>,
      tpu.vector_store %arg12[%swap3A_351, %swap3A_352], %scan3A_310#13 {strides = array<i32>} : memref<64x256xf32, #tpu.memory_space<vmem>>, vector<16xf32>,
      %swap3A_354 = arith.index_cast %add3A_303 : i32 to index
      %swap3A_355 = arith.constant 224 : index
      %swap3A_356 = tpu.vector_load %arg12[%swap3A_354, %swap3A_355] {strides = array<i32>} : memref<64x256xf32, #tpu.memory_space<vmem>>, vector<16xf32>,
      tpu.vector_store %arg12[%swap3A_354, %swap3A_355], %scan3A_310#14 {strides = array<i32>} : memref<64x256xf32, #tpu.memory_space<vmem>>, vector<16xf32>,
      %swap3A_357 = arith.index_cast %add3A_303 : i32 to index
      %swap3A_358 = arith.constant 240 : index
      %swap3A_359 = tpu.vector_load %arg12[%swap3A_357, %swap3A_358] {strides = array<i32>} : memref<64x256xf32, #tpu.memory_space<vmem>>, vector<16xf32>,
      tpu.vector_store %arg12[%swap3A_357, %swap3A_358], %scan3A_310#15 {strides = array<i32>} : memref<64x256xf32, #tpu.memory_space<vmem>>, vector<16xf32>,
      %add3A_360 = arith.constant 1 : i32
      %add3A_361 = arith.addi %mul3A_192, %add3A_360 : i32
      %add3A_362 = arith.constant 4 : i32
      %add3A_363 = arith.addi %add3A_361, %add3A_362 : i32
      %min3A_364 = arith.constant 63 : i32
      %min3A_365 = arith.minsi %add3A_363, %min3A_364 : i32
      %dma_start3A_366 = arith.constant 0 : i32
      %dma_start3A_367 = arith.constant 0 : i32
      %dma_start3A_368 = tpu.memref_slice %arg9[%dma_start3A_366, %dma_start3A_367] : memref<512x32xbf16, #tpu.memory_space<vmem>> -> memref<128x32xbf16, #tpu.memory_space<vmem>>
      %dma_start3A_369 = arith.constant 0 : i32
      %dma_start3A_370 = tpu.memref_slice %arg6[%min3A_365, %dma_start3A_369] : memref<64x512xi32, #tpu.memory_space<vmem>> -> memref<1x128xi32, #tpu.memory_space<vmem>>
      %dma_start3A_371 = tpu.memref_squeeze %dma_start3A_370 : memref<1x128xi32, #tpu.memory_space<vmem>> -> memref<128xi32, #tpu.memory_space<vmem>>
      %dma_start3A_372 = arith.constant 0 : i32
      %dma_start3A_373 = arith.constant 0 : i32
      %dma_start3A_374 = tpu.memref_slice %arg2[%dma_start3A_372, %dma_start3A_373] : memref<87040x32xbf16, #tpu.memory_space<hbm>> -> memref<87040x32xbf16, #tpu.memory_space<hbm>>
      tpu.enqueue_indirect_dma source(%dma_start3A_374 : memref<87040x32xbf16, #tpu.memory_space<hbm>>) target(%dma_start3A_368 : memref<128x32xbf16, #tpu.memory_space<vmem>>) offsets(%dma_start3A_371 : memref<128xi32, #tpu.memory_space<vmem>>) semaphore(%arg14 : memref<!tpu.dma_semaphore, #tpu.memory_space<semaphore_mem>>)
      %dma_start3A_375 = arith.constant 128 : i32
      %dma_start3A_376 = arith.constant 0 : i32
      %dma_start3A_377 = tpu.memref_slice %arg9[%dma_start3A_375, %dma_start3A_376] : memref<512x32xbf16, #tpu.memory_space<vmem>> -> memref<128x32xbf16, #tpu.memory_space<vmem>>
      %dma_start3A_378 = arith.constant 128 : i32
      %dma_start3A_379 = tpu.memref_slice %arg6[%min3A_365, %dma_start3A_378] : memref<64x512xi32, #tpu.memory_space<vmem>> -> memref<1x128xi32, #tpu.memory_space<vmem>>
      %dma_start3A_380 = tpu.memref_squeeze %dma_start3A_379 : memref<1x128xi32, #tpu.memory_space<vmem>> -> memref<128xi32, #tpu.memory_space<vmem>>
      %dma_start3A_381 = arith.constant 0 : i32
      %dma_start3A_382 = arith.constant 0 : i32
      %dma_start3A_383 = tpu.memref_slice %arg2[%dma_start3A_381, %dma_start3A_382] : memref<87040x32xbf16, #tpu.memory_space<hbm>> -> memref<87040x32xbf16, #tpu.memory_space<hbm>>
      tpu.enqueue_indirect_dma source(%dma_start3A_383 : memref<87040x32xbf16, #tpu.memory_space<hbm>>) target(%dma_start3A_377 : memref<128x32xbf16, #tpu.memory_space<vmem>>) offsets(%dma_start3A_380 : memref<128xi32, #tpu.memory_space<vmem>>) semaphore(%arg14 : memref<!tpu.dma_semaphore, #tpu.memory_space<semaphore_mem>>)
      %dma_start3A_384 = arith.constant 256 : i32
      %dma_start3A_385 = arith.constant 0 : i32
      %dma_start3A_386 = tpu.memref_slice %arg9[%dma_start3A_384, %dma_start3A_385] : memref<512x32xbf16, #tpu.memory_space<vmem>> -> memref<128x32xbf16, #tpu.memory_space<vmem>>
      %dma_start3A_387 = arith.constant 256 : i32
      %dma_start3A_388 = tpu.memref_slice %arg6[%min3A_365, %dma_start3A_387] : memref<64x512xi32, #tpu.memory_space<vmem>> -> memref<1x128xi32, #tpu.memory_space<vmem>>
      %dma_start3A_389 = tpu.memref_squeeze %dma_start3A_388 : memref<1x128xi32, #tpu.memory_space<vmem>> -> memref<128xi32, #tpu.memory_space<vmem>>
      %dma_start3A_390 = arith.constant 0 : i32
      %dma_start3A_391 = arith.constant 0 : i32
      %dma_start3A_392 = tpu.memref_slice %arg2[%dma_start3A_390, %dma_start3A_391] : memref<87040x32xbf16, #tpu.memory_space<hbm>> -> memref<87040x32xbf16, #tpu.memory_space<hbm>>
      tpu.enqueue_indirect_dma source(%dma_start3A_392 : memref<87040x32xbf16, #tpu.memory_space<hbm>>) target(%dma_start3A_386 : memref<128x32xbf16, #tpu.memory_space<vmem>>) offsets(%dma_start3A_389 : memref<128xi32, #tpu.memory_space<vmem>>) semaphore(%arg14 : memref<!tpu.dma_semaphore, #tpu.memory_space<semaphore_mem>>)
      %dma_start3A_393 = arith.constant 384 : i32
      %dma_start3A_394 = arith.constant 0 : i32
      %dma_start3A_395 = tpu.memref_slice %arg9[%dma_start3A_393, %dma_start3A_394] : memref<512x32xbf16, #tpu.memory_space<vmem>> -> memref<128x32xbf16, #tpu.memory_space<vmem>>
      %dma_start3A_396 = arith.constant 384 : i32
      %dma_start3A_397 = tpu.memref_slice %arg6[%min3A_365, %dma_start3A_396] : memref<64x512xi32, #tpu.memory_space<vmem>> -> memref<1x128xi32, #tpu.memory_space<vmem>>
      %dma_start3A_398 = tpu.memref_squeeze %dma_start3A_397 : memref<1x128xi32, #tpu.memory_space<vmem>> -> memref<128xi32, #tpu.memory_space<vmem>>
      %dma_start3A_399 = arith.constant 0 : i32
      %dma_start3A_400 = arith.constant 0 : i32
      %dma_start3A_401 = tpu.memref_slice %arg2[%dma_start3A_399, %dma_start3A_400] : memref<87040x32xbf16, #tpu.memory_space<hbm>> -> memref<87040x32xbf16, #tpu.memory_space<hbm>>
      tpu.enqueue_indirect_dma source(%dma_start3A_401 : memref<87040x32xbf16, #tpu.memory_space<hbm>>) target(%dma_start3A_395 : memref<128x32xbf16, #tpu.memory_space<vmem>>) offsets(%dma_start3A_398 : memref<128xi32, #tpu.memory_space<vmem>>) semaphore(%arg14 : memref<!tpu.dma_semaphore, #tpu.memory_space<semaphore_mem>>)
      %dma_wait3A_402 = arith.constant 0 : i32
      %dma_wait3A_403 = arith.constant 0 : i32
      %dma_wait3A_404 = tpu.memref_slice %arg2[%dma_wait3A_402, %dma_wait3A_403] : memref<87040x32xbf16, #tpu.memory_space<hbm>> -> memref<512x32xbf16, #tpu.memory_space<hbm>>
      %dma_wait3A_405 = arith.constant 0 : i32
      %dma_wait3A_406 = arith.constant 0 : i32
      %dma_wait3A_407 = tpu.memref_slice %arg2[%dma_wait3A_405, %dma_wait3A_406] : memref<87040x32xbf16, #tpu.memory_space<hbm>> -> memref<512x32xbf16, #tpu.memory_space<hbm>>
      tpu.wait_dma2 semaphore(%arg15 : memref<!tpu.dma_semaphore, #tpu.memory_space<semaphore_mem>>) src(%dma_wait3A_407 : memref<512x32xbf16, #tpu.memory_space<hbm>>) dst(%arg10 : memref<512x32xbf16, #tpu.memory_space<vmem>>)
      %add3A_408 = arith.constant 2 : i32
      %add3A_409 = arith.addi %mul3A_192, %add3A_408 : i32
      %broadcast_in_dim3A_410 = arith.constant 0.000000e+00 : f32
      %broadcast_in_dim3A_411 = vector.broadcast %broadcast_in_dim3A_410 : f32 to vector<16xf32>
      %scan3A_412 = arith.constant 0 : i32
      %scan3A_413 = arith.constant 16 : i32
      %scan3A_414 = arith.addi %scan3A_412, %scan3A_413 : i32
      %scan3A_415 = arith.constant 1 : i32
      %scan3A_416:16 = scf.for %scan3A_614 = %scan3A_412 to %scan3A_414 step %scan3A_415 iter_args(%scan3A_615 = %broadcast_in_dim3A_411, %scan3A_616 = %broadcast_in_dim3A_411, %scan3A_617 = %broadcast_in_dim3A_411, %scan3A_618 = %broadcast_in_dim3A_411, %scan3A_619 = %broadcast_in_dim3A_411, %scan3A_620 = %broadcast_in_dim3A_411, %scan3A_621 = %broadcast_in_dim3A_411, %scan3A_622 = %broadcast_in_dim3A_411, %scan3A_623 = %broadcast_in_dim3A_411, %scan3A_624 = %broadcast_in_dim3A_411, %scan3A_625 = %broadcast_in_dim3A_411, %scan3A_626 = %broadcast_in_dim3A_411, %scan3A_627 = %broadcast_in_dim3A_411, %scan3A_628 = %broadcast_in_dim3A_411, %scan3A_629 = %broadcast_in_dim3A_411, %scan3A_630 = %broadcast_in_dim3A_411) -> (vector<16xf32>, vector<16xf32>, vector<16xf32>, vector<16xf32>, vector<16xf32>, vector<16xf32>, vector<16xf32>, vector<16xf32>, vector<16xf32>, vector<16xf32>, vector<16xf32>, vector<16xf32>, vector<16xf32>, vector<16xf32>, vector<16xf32>, vector<16xf32>)  : i32 {
        %mul3A_631 = arith.constant 32 : i32
        %mul3A_632 = arith.muli %scan3A_614, %mul3A_631 : i32
        %get3A = arith.index_cast %add3A_409 : i32 to index
        %get3A_633 = arith.index_cast %mul3A_632 : i32 to index
        %get3A_634 = tpu.vector_load %arg7[%get3A, %get3A_633] {strides = array<i32>} : memref<64x512xf32, #tpu.memory_space<vmem>>, vector<16xf32>,
        %add3A_635 = arith.constant 16 : i32
        %add3A_636 = arith.addi %mul3A_632, %add3A_635 : i32
        %get3A_637 = arith.index_cast %add3A_409 : i32 to index
        %get3A_638 = arith.index_cast %add3A_636 : i32 to index
        %get3A_639 = tpu.vector_load %arg7[%get3A_637, %get3A_638] {strides = array<i32>} : memref<64x512xf32, #tpu.memory_space<vmem>>, vector<16xf32>,
        %add3A_640 = arith.constant 0 : i32
        %add3A_641 = arith.addi %mul3A_632, %add3A_640 : i32
        %add3A_642 = arith.constant 0 : i32
        %add3A_643 = arith.addi %add3A_641, %add3A_642 : i32
        %slice3A = vector.extract_strided_slice %get3A_634 {offsets = [0], sizes = [1], strides = [1]} : vector<16xf32> to vector<1xf32>
        %squeeze3A = vector.extract %slice3A[0] : f32 from vector<1xf32>
        %get3A_644 = arith.index_cast %add3A_643 : i32 to index
        %get3A_645 = arith.constant 0 : index
        %get3A_646 = tpu.vector_load %arg10[%get3A_644, %get3A_645] {strides = array<i32>} : memref<512x32xbf16, #tpu.memory_space<vmem>>, vector<32xbf16>,
        %unpack3A = tpu.unpack_subelements %get3A_646, 0 {pack_format = #tpu.pack_format<interleaved>} : vector<32xbf16> -> vector<16xf32>
        %unpack3A_647 = tpu.unpack_subelements %get3A_646, 1 {pack_format = #tpu.pack_format<interleaved>} : vector<32xbf16> -> vector<16xf32>
        %mul3A_648 = vector.broadcast %squeeze3A : f32 to vector<16xf32>
        %mul3A_649 = arith.mulf %mul3A_648, %unpack3A : vector<16xf32>
        %add3A_650 = arith.addf %scan3A_615, %mul3A_649 : vector<16xf32>
        %mul3A_651 = vector.broadcast %squeeze3A : f32 to vector<16xf32>
        %mul3A_652 = arith.mulf %mul3A_651, %unpack3A_647 : vector<16xf32>
        %add3A_653 = arith.addf %scan3A_616, %mul3A_652 : vector<16xf32>
        %add3A_654 = arith.constant 0 : i32
        %add3A_655 = arith.addi %mul3A_632, %add3A_654 : i32
        %add3A_656 = arith.constant 1 : i32
        %add3A_657 = arith.addi %add3A_655, %add3A_656 : i32
        %slice3A_658 = vector.extract_strided_slice %get3A_634 {offsets = [1], sizes = [1], strides = [1]} : vector<16xf32> to vector<1xf32>
        %squeeze3A_659 = vector.extract %slice3A_658[0] : f32 from vector<1xf32>
        %get3A_660 = arith.index_cast %add3A_657 : i32 to index
        %get3A_661 = arith.constant 0 : index
        %get3A_662 = tpu.vector_load %arg10[%get3A_660, %get3A_661] {strides = array<i32>} : memref<512x32xbf16, #tpu.memory_space<vmem>>, vector<32xbf16>,
        %unpack3A_663 = tpu.unpack_subelements %get3A_662, 0 {pack_format = #tpu.pack_format<interleaved>} : vector<32xbf16> -> vector<16xf32>
        %unpack3A_664 = tpu.unpack_subelements %get3A_662, 1 {pack_format = #tpu.pack_format<interleaved>} : vector<32xbf16> -> vector<16xf32>
        %mul3A_665 = vector.broadcast %squeeze3A_659 : f32 to vector<16xf32>
        %mul3A_666 = arith.mulf %mul3A_665, %unpack3A_663 : vector<16xf32>
        %add3A_667 = arith.addf %add3A_650, %mul3A_666 : vector<16xf32>
        %mul3A_668 = vector.broadcast %squeeze3A_659 : f32 to vector<16xf32>
        %mul3A_669 = arith.mulf %mul3A_668, %unpack3A_664 : vector<16xf32>
        %add3A_670 = arith.addf %add3A_653, %mul3A_669 : vector<16xf32>
        %add3A_671 = arith.constant 0 : i32
        %add3A_672 = arith.addi %mul3A_632, %add3A_671 : i32
        %add3A_673 = arith.constant 2 : i32
        %add3A_674 = arith.addi %add3A_672, %add3A_673 : i32
        %slice3A_675 = vector.extract_strided_slice %get3A_634 {offsets = [2], sizes = [1], strides = [1]} : vector<16xf32> to vector<1xf32>
        %squeeze3A_676 = vector.extract %slice3A_675[0] : f32 from vector<1xf32>
        %get3A_677 = arith.index_cast %add3A_674 : i32 to index
        %get3A_678 = arith.constant 0 : index
        %get3A_679 = tpu.vector_load %arg10[%get3A_677, %get3A_678] {strides = array<i32>} : memref<512x32xbf16, #tpu.memory_space<vmem>>, vector<32xbf16>,
        %unpack3A_680 = tpu.unpack_subelements %get3A_679, 0 {pack_format = #tpu.pack_format<interleaved>} : vector<32xbf16> -> vector<16xf32>
        %unpack3A_681 = tpu.unpack_subelements %get3A_679, 1 {pack_format = #tpu.pack_format<interleaved>} : vector<32xbf16> -> vector<16xf32>
        %mul3A_682 = vector.broadcast %squeeze3A_676 : f32 to vector<16xf32>
        %mul3A_683 = arith.mulf %mul3A_682, %unpack3A_680 : vector<16xf32>
        %add3A_684 = arith.addf %add3A_667, %mul3A_683 : vector<16xf32>
        %mul3A_685 = vector.broadcast %squeeze3A_676 : f32 to vector<16xf32>
        %mul3A_686 = arith.mulf %mul3A_685, %unpack3A_681 : vector<16xf32>
        %add3A_687 = arith.addf %add3A_670, %mul3A_686 : vector<16xf32>
        %add3A_688 = arith.constant 0 : i32
        %add3A_689 = arith.addi %mul3A_632, %add3A_688 : i32
        %add3A_690 = arith.constant 3 : i32
        %add3A_691 = arith.addi %add3A_689, %add3A_690 : i32
        %slice3A_692 = vector.extract_strided_slice %get3A_634 {offsets = [3], sizes = [1], strides = [1]} : vector<16xf32> to vector<1xf32>
        %squeeze3A_693 = vector.extract %slice3A_692[0] : f32 from vector<1xf32>
        %get3A_694 = arith.index_cast %add3A_691 : i32 to index
        %get3A_695 = arith.constant 0 : index
        %get3A_696 = tpu.vector_load %arg10[%get3A_694, %get3A_695] {strides = array<i32>} : memref<512x32xbf16, #tpu.memory_space<vmem>>, vector<32xbf16>,
        %unpack3A_697 = tpu.unpack_subelements %get3A_696, 0 {pack_format = #tpu.pack_format<interleaved>} : vector<32xbf16> -> vector<16xf32>
        %unpack3A_698 = tpu.unpack_subelements %get3A_696, 1 {pack_format = #tpu.pack_format<interleaved>} : vector<32xbf16> -> vector<16xf32>
        %mul3A_699 = vector.broadcast %squeeze3A_693 : f32 to vector<16xf32>
        %mul3A_700 = arith.mulf %mul3A_699, %unpack3A_697 : vector<16xf32>
        %add3A_701 = arith.addf %add3A_684, %mul3A_700 : vector<16xf32>
        %mul3A_702 = vector.broadcast %squeeze3A_693 : f32 to vector<16xf32>
        %mul3A_703 = arith.mulf %mul3A_702, %unpack3A_698 : vector<16xf32>
        %add3A_704 = arith.addf %add3A_687, %mul3A_703 : vector<16xf32>
        %add3A_705 = arith.constant 4 : i32
        %add3A_706 = arith.addi %mul3A_632, %add3A_705 : i32
        %add3A_707 = arith.constant 0 : i32
        %add3A_708 = arith.addi %add3A_706, %add3A_707 : i32
        %slice3A_709 = vector.extract_strided_slice %get3A_634 {offsets = [4], sizes = [1], strides = [1]} : vector<16xf32> to vector<1xf32>
        %squeeze3A_710 = vector.extract %slice3A_709[0] : f32 from vector<1xf32>
        %get3A_711 = arith.index_cast %add3A_708 : i32 to index
        %get3A_712 = arith.constant 0 : index
        %get3A_713 = tpu.vector_load %arg10[%get3A_711, %get3A_712] {strides = array<i32>} : memref<512x32xbf16, #tpu.memory_space<vmem>>, vector<32xbf16>,
        %unpack3A_714 = tpu.unpack_subelements %get3A_713, 0 {pack_format = #tpu.pack_format<interleaved>} : vector<32xbf16> -> vector<16xf32>
        %unpack3A_715 = tpu.unpack_subelements %get3A_713, 1 {pack_format = #tpu.pack_format<interleaved>} : vector<32xbf16> -> vector<16xf32>
        %mul3A_716 = vector.broadcast %squeeze3A_710 : f32 to vector<16xf32>
        %mul3A_717 = arith.mulf %mul3A_716, %unpack3A_714 : vector<16xf32>
        %add3A_718 = arith.addf %scan3A_617, %mul3A_717 : vector<16xf32>
        %mul3A_719 = vector.broadcast %squeeze3A_710 : f32 to vector<16xf32>
        %mul3A_720 = arith.mulf %mul3A_719, %unpack3A_715 : vector<16xf32>
        %add3A_721 = arith.addf %scan3A_618, %mul3A_720 : vector<16xf32>
        %add3A_722 = arith.constant 4 : i32
        %add3A_723 = arith.addi %mul3A_632, %add3A_722 : i32
        %add3A_724 = arith.constant 1 : i32
        %add3A_725 = arith.addi %add3A_723, %add3A_724 : i32
        %slice3A_726 = vector.extract_strided_slice %get3A_634 {offsets = [5], sizes = [1], strides = [1]} : vector<16xf32> to vector<1xf32>
        %squeeze3A_727 = vector.extract %slice3A_726[0] : f32 from vector<1xf32>
        %get3A_728 = arith.index_cast %add3A_725 : i32 to index
        %get3A_729 = arith.constant 0 : index
        %get3A_730 = tpu.vector_load %arg10[%get3A_728, %get3A_729] {strides = array<i32>} : memref<512x32xbf16, #tpu.memory_space<vmem>>, vector<32xbf16>,
        %unpack3A_731 = tpu.unpack_subelements %get3A_730, 0 {pack_format = #tpu.pack_format<interleaved>} : vector<32xbf16> -> vector<16xf32>
        %unpack3A_732 = tpu.unpack_subelements %get3A_730, 1 {pack_format = #tpu.pack_format<interleaved>} : vector<32xbf16> -> vector<16xf32>
        %mul3A_733 = vector.broadcast %squeeze3A_727 : f32 to vector<16xf32>
        %mul3A_734 = arith.mulf %mul3A_733, %unpack3A_731 : vector<16xf32>
        %add3A_735 = arith.addf %add3A_718, %mul3A_734 : vector<16xf32>
        %mul3A_736 = vector.broadcast %squeeze3A_727 : f32 to vector<16xf32>
        %mul3A_737 = arith.mulf %mul3A_736, %unpack3A_732 : vector<16xf32>
        %add3A_738 = arith.addf %add3A_721, %mul3A_737 : vector<16xf32>
        %add3A_739 = arith.constant 4 : i32
        %add3A_740 = arith.addi %mul3A_632, %add3A_739 : i32
        %add3A_741 = arith.constant 2 : i32
        %add3A_742 = arith.addi %add3A_740, %add3A_741 : i32
        %slice3A_743 = vector.extract_strided_slice %get3A_634 {offsets = [6], sizes = [1], strides = [1]} : vector<16xf32> to vector<1xf32>
        %squeeze3A_744 = vector.extract %slice3A_743[0] : f32 from vector<1xf32>
        %get3A_745 = arith.index_cast %add3A_742 : i32 to index
        %get3A_746 = arith.constant 0 : index
        %get3A_747 = tpu.vector_load %arg10[%get3A_745, %get3A_746] {strides = array<i32>} : memref<512x32xbf16, #tpu.memory_space<vmem>>, vector<32xbf16>,
        %unpack3A_748 = tpu.unpack_subelements %get3A_747, 0 {pack_format = #tpu.pack_format<interleaved>} : vector<32xbf16> -> vector<16xf32>
        %unpack3A_749 = tpu.unpack_subelements %get3A_747, 1 {pack_format = #tpu.pack_format<interleaved>} : vector<32xbf16> -> vector<16xf32>
        %mul3A_750 = vector.broadcast %squeeze3A_744 : f32 to vector<16xf32>
        %mul3A_751 = arith.mulf %mul3A_750, %unpack3A_748 : vector<16xf32>
        %add3A_752 = arith.addf %add3A_735, %mul3A_751 : vector<16xf32>
        %mul3A_753 = vector.broadcast %squeeze3A_744 : f32 to vector<16xf32>
        %mul3A_754 = arith.mulf %mul3A_753, %unpack3A_749 : vector<16xf32>
        %add3A_755 = arith.addf %add3A_738, %mul3A_754 : vector<16xf32>
        %add3A_756 = arith.constant 4 : i32
        %add3A_757 = arith.addi %mul3A_632, %add3A_756 : i32
        %add3A_758 = arith.constant 3 : i32
        %add3A_759 = arith.addi %add3A_757, %add3A_758 : i32
        %slice3A_760 = vector.extract_strided_slice %get3A_634 {offsets = [7], sizes = [1], strides = [1]} : vector<16xf32> to vector<1xf32>
        %squeeze3A_761 = vector.extract %slice3A_760[0] : f32 from vector<1xf32>
        %get3A_762 = arith.index_cast %add3A_759 : i32 to index
        %get3A_763 = arith.constant 0 : index
        %get3A_764 = tpu.vector_load %arg10[%get3A_762, %get3A_763] {strides = array<i32>} : memref<512x32xbf16, #tpu.memory_space<vmem>>, vector<32xbf16>,
        %unpack3A_765 = tpu.unpack_subelements %get3A_764, 0 {pack_format = #tpu.pack_format<interleaved>} : vector<32xbf16> -> vector<16xf32>
        %unpack3A_766 = tpu.unpack_subelements %get3A_764, 1 {pack_format = #tpu.pack_format<interleaved>} : vector<32xbf16> -> vector<16xf32>
        %mul3A_767 = vector.broadcast %squeeze3A_761 : f32 to vector<16xf32>
        %mul3A_768 = arith.mulf %mul3A_767, %unpack3A_765 : vector<16xf32>
        %add3A_769 = arith.addf %add3A_752, %mul3A_768 : vector<16xf32>
        %mul3A_770 = vector.broadcast %squeeze3A_761 : f32 to vector<16xf32>
        %mul3A_771 = arith.mulf %mul3A_770, %unpack3A_766 : vector<16xf32>
        %add3A_772 = arith.addf %add3A_755, %mul3A_771 : vector<16xf32>
        %add3A_773 = arith.constant 8 : i32
        %add3A_774 = arith.addi %mul3A_632, %add3A_773 : i32
        %add3A_775 = arith.constant 0 : i32
        %add3A_776 = arith.addi %add3A_774, %add3A_775 : i32
        %slice3A_777 = vector.extract_strided_slice %get3A_634 {offsets = [8], sizes = [1], strides = [1]} : vector<16xf32> to vector<1xf32>
        %squeeze3A_778 = vector.extract %slice3A_777[0] : f32 from vector<1xf32>
        %get3A_779 = arith.index_cast %add3A_776 : i32 to index
        %get3A_780 = arith.constant 0 : index
        %get3A_781 = tpu.vector_load %arg10[%get3A_779, %get3A_780] {strides = array<i32>} : memref<512x32xbf16, #tpu.memory_space<vmem>>, vector<32xbf16>,
        %unpack3A_782 = tpu.unpack_subelements %get3A_781, 0 {pack_format = #tpu.pack_format<interleaved>} : vector<32xbf16> -> vector<16xf32>
        %unpack3A_783 = tpu.unpack_subelements %get3A_781, 1 {pack_format = #tpu.pack_format<interleaved>} : vector<32xbf16> -> vector<16xf32>
        %mul3A_784 = vector.broadcast %squeeze3A_778 : f32 to vector<16xf32>
        %mul3A_785 = arith.mulf %mul3A_784, %unpack3A_782 : vector<16xf32>
        %add3A_786 = arith.addf %scan3A_619, %mul3A_785 : vector<16xf32>
        %mul3A_787 = vector.broadcast %squeeze3A_778 : f32 to vector<16xf32>
        %mul3A_788 = arith.mulf %mul3A_787, %unpack3A_783 : vector<16xf32>
        %add3A_789 = arith.addf %scan3A_620, %mul3A_788 : vector<16xf32>
        %add3A_790 = arith.constant 8 : i32
        %add3A_791 = arith.addi %mul3A_632, %add3A_790 : i32
        %add3A_792 = arith.constant 1 : i32
        %add3A_793 = arith.addi %add3A_791, %add3A_792 : i32
        %slice3A_794 = vector.extract_strided_slice %get3A_634 {offsets = [9], sizes = [1], strides = [1]} : vector<16xf32> to vector<1xf32>
        %squeeze3A_795 = vector.extract %slice3A_794[0] : f32 from vector<1xf32>
        %get3A_796 = arith.index_cast %add3A_793 : i32 to index
        %get3A_797 = arith.constant 0 : index
        %get3A_798 = tpu.vector_load %arg10[%get3A_796, %get3A_797] {strides = array<i32>} : memref<512x32xbf16, #tpu.memory_space<vmem>>, vector<32xbf16>,
        %unpack3A_799 = tpu.unpack_subelements %get3A_798, 0 {pack_format = #tpu.pack_format<interleaved>} : vector<32xbf16> -> vector<16xf32>
        %unpack3A_800 = tpu.unpack_subelements %get3A_798, 1 {pack_format = #tpu.pack_format<interleaved>} : vector<32xbf16> -> vector<16xf32>
        %mul3A_801 = vector.broadcast %squeeze3A_795 : f32 to vector<16xf32>
        %mul3A_802 = arith.mulf %mul3A_801, %unpack3A_799 : vector<16xf32>
        %add3A_803 = arith.addf %add3A_786, %mul3A_802 : vector<16xf32>
        %mul3A_804 = vector.broadcast %squeeze3A_795 : f32 to vector<16xf32>
        %mul3A_805 = arith.mulf %mul3A_804, %unpack3A_800 : vector<16xf32>
        %add3A_806 = arith.addf %add3A_789, %mul3A_805 : vector<16xf32>
        %add3A_807 = arith.constant 8 : i32
        %add3A_808 = arith.addi %mul3A_632, %add3A_807 : i32
        %add3A_809 = arith.constant 2 : i32
        %add3A_810 = arith.addi %add3A_808, %add3A_809 : i32
        %slice3A_811 = vector.extract_strided_slice %get3A_634 {offsets = [10], sizes = [1], strides = [1]} : vector<16xf32> to vector<1xf32>
        %squeeze3A_812 = vector.extract %slice3A_811[0] : f32 from vector<1xf32>
        %get3A_813 = arith.index_cast %add3A_810 : i32 to index
        %get3A_814 = arith.constant 0 : index
        %get3A_815 = tpu.vector_load %arg10[%get3A_813, %get3A_814] {strides = array<i32>} : memref<512x32xbf16, #tpu.memory_space<vmem>>, vector<32xbf16>,
        %unpack3A_816 = tpu.unpack_subelements %get3A_815, 0 {pack_format = #tpu.pack_format<interleaved>} : vector<32xbf16> -> vector<16xf32>
        %unpack3A_817 = tpu.unpack_subelements %get3A_815, 1 {pack_format = #tpu.pack_format<interleaved>} : vector<32xbf16> -> vector<16xf32>
        %mul3A_818 = vector.broadcast %squeeze3A_812 : f32 to vector<16xf32>
        %mul3A_819 = arith.mulf %mul3A_818, %unpack3A_816 : vector<16xf32>
        %add3A_820 = arith.addf %add3A_803, %mul3A_819 : vector<16xf32>
        %mul3A_821 = vector.broadcast %squeeze3A_812 : f32 to vector<16xf32>
        %mul3A_822 = arith.mulf %mul3A_821, %unpack3A_817 : vector<16xf32>
        %add3A_823 = arith.addf %add3A_806, %mul3A_822 : vector<16xf32>
        %add3A_824 = arith.constant 8 : i32
        %add3A_825 = arith.addi %mul3A_632, %add3A_824 : i32
        %add3A_826 = arith.constant 3 : i32
        %add3A_827 = arith.addi %add3A_825, %add3A_826 : i32
        %slice3A_828 = vector.extract_strided_slice %get3A_634 {offsets = [11], sizes = [1], strides = [1]} : vector<16xf32> to vector<1xf32>
        %squeeze3A_829 = vector.extract %slice3A_828[0] : f32 from vector<1xf32>
        %get3A_830 = arith.index_cast %add3A_827 : i32 to index
        %get3A_831 = arith.constant 0 : index
        %get3A_832 = tpu.vector_load %arg10[%get3A_830, %get3A_831] {strides = array<i32>} : memref<512x32xbf16, #tpu.memory_space<vmem>>, vector<32xbf16>,
        %unpack3A_833 = tpu.unpack_subelements %get3A_832, 0 {pack_format = #tpu.pack_format<interleaved>} : vector<32xbf16> -> vector<16xf32>
        %unpack3A_834 = tpu.unpack_subelements %get3A_832, 1 {pack_format = #tpu.pack_format<interleaved>} : vector<32xbf16> -> vector<16xf32>
        %mul3A_835 = vector.broadcast %squeeze3A_829 : f32 to vector<16xf32>
        %mul3A_836 = arith.mulf %mul3A_835, %unpack3A_833 : vector<16xf32>
        %add3A_837 = arith.addf %add3A_820, %mul3A_836 : vector<16xf32>
        %mul3A_838 = vector.broadcast %squeeze3A_829 : f32 to vector<16xf32>
        %mul3A_839 = arith.mulf %mul3A_838, %unpack3A_834 : vector<16xf32>
        %add3A_840 = arith.addf %add3A_823, %mul3A_839 : vector<16xf32>
        %add3A_841 = arith.constant 12 : i32
        %add3A_842 = arith.addi %mul3A_632, %add3A_841 : i32
        %add3A_843 = arith.constant 0 : i32
        %add3A_844 = arith.addi %add3A_842, %add3A_843 : i32
        %slice3A_845 = vector.extract_strided_slice %get3A_634 {offsets = [12], sizes = [1], strides = [1]} : vector<16xf32> to vector<1xf32>
        %squeeze3A_846 = vector.extract %slice3A_845[0] : f32 from vector<1xf32>
        %get3A_847 = arith.index_cast %add3A_844 : i32 to index
        %get3A_848 = arith.constant 0 : index
        %get3A_849 = tpu.vector_load %arg10[%get3A_847, %get3A_848] {strides = array<i32>} : memref<512x32xbf16, #tpu.memory_space<vmem>>, vector<32xbf16>,
        %unpack3A_850 = tpu.unpack_subelements %get3A_849, 0 {pack_format = #tpu.pack_format<interleaved>} : vector<32xbf16> -> vector<16xf32>
        %unpack3A_851 = tpu.unpack_subelements %get3A_849, 1 {pack_format = #tpu.pack_format<interleaved>} : vector<32xbf16> -> vector<16xf32>
        %mul3A_852 = vector.broadcast %squeeze3A_846 : f32 to vector<16xf32>
        %mul3A_853 = arith.mulf %mul3A_852, %unpack3A_850 : vector<16xf32>
        %add3A_854 = arith.addf %scan3A_621, %mul3A_853 : vector<16xf32>
        %mul3A_855 = vector.broadcast %squeeze3A_846 : f32 to vector<16xf32>
        %mul3A_856 = arith.mulf %mul3A_855, %unpack3A_851 : vector<16xf32>
        %add3A_857 = arith.addf %scan3A_622, %mul3A_856 : vector<16xf32>
        %add3A_858 = arith.constant 12 : i32
        %add3A_859 = arith.addi %mul3A_632, %add3A_858 : i32
        %add3A_860 = arith.constant 1 : i32
        %add3A_861 = arith.addi %add3A_859, %add3A_860 : i32
        %slice3A_862 = vector.extract_strided_slice %get3A_634 {offsets = [13], sizes = [1], strides = [1]} : vector<16xf32> to vector<1xf32>
        %squeeze3A_863 = vector.extract %slice3A_862[0] : f32 from vector<1xf32>
        %get3A_864 = arith.index_cast %add3A_861 : i32 to index
        %get3A_865 = arith.constant 0 : index
        %get3A_866 = tpu.vector_load %arg10[%get3A_864, %get3A_865] {strides = array<i32>} : memref<512x32xbf16, #tpu.memory_space<vmem>>, vector<32xbf16>,
        %unpack3A_867 = tpu.unpack_subelements %get3A_866, 0 {pack_format = #tpu.pack_format<interleaved>} : vector<32xbf16> -> vector<16xf32>
        %unpack3A_868 = tpu.unpack_subelements %get3A_866, 1 {pack_format = #tpu.pack_format<interleaved>} : vector<32xbf16> -> vector<16xf32>
        %mul3A_869 = vector.broadcast %squeeze3A_863 : f32 to vector<16xf32>
        %mul3A_870 = arith.mulf %mul3A_869, %unpack3A_867 : vector<16xf32>
        %add3A_871 = arith.addf %add3A_854, %mul3A_870 : vector<16xf32>
        %mul3A_872 = vector.broadcast %squeeze3A_863 : f32 to vector<16xf32>
        %mul3A_873 = arith.mulf %mul3A_872, %unpack3A_868 : vector<16xf32>
        %add3A_874 = arith.addf %add3A_857, %mul3A_873 : vector<16xf32>
        %add3A_875 = arith.constant 12 : i32
        %add3A_876 = arith.addi %mul3A_632, %add3A_875 : i32
        %add3A_877 = arith.constant 2 : i32
        %add3A_878 = arith.addi %add3A_876, %add3A_877 : i32
        %slice3A_879 = vector.extract_strided_slice %get3A_634 {offsets = [14], sizes = [1], strides = [1]} : vector<16xf32> to vector<1xf32>
        %squeeze3A_880 = vector.extract %slice3A_879[0] : f32 from vector<1xf32>
        %get3A_881 = arith.index_cast %add3A_878 : i32 to index
        %get3A_882 = arith.constant 0 : index
        %get3A_883 = tpu.vector_load %arg10[%get3A_881, %get3A_882] {strides = array<i32>} : memref<512x32xbf16, #tpu.memory_space<vmem>>, vector<32xbf16>,
        %unpack3A_884 = tpu.unpack_subelements %get3A_883, 0 {pack_format = #tpu.pack_format<interleaved>} : vector<32xbf16> -> vector<16xf32>
        %unpack3A_885 = tpu.unpack_subelements %get3A_883, 1 {pack_format = #tpu.pack_format<interleaved>} : vector<32xbf16> -> vector<16xf32>
        %mul3A_886 = vector.broadcast %squeeze3A_880 : f32 to vector<16xf32>
        %mul3A_887 = arith.mulf %mul3A_886, %unpack3A_884 : vector<16xf32>
        %add3A_888 = arith.addf %add3A_871, %mul3A_887 : vector<16xf32>
        %mul3A_889 = vector.broadcast %squeeze3A_880 : f32 to vector<16xf32>
        %mul3A_890 = arith.mulf %mul3A_889, %unpack3A_885 : vector<16xf32>
        %add3A_891 = arith.addf %add3A_874, %mul3A_890 : vector<16xf32>
        %add3A_892 = arith.constant 12 : i32
        %add3A_893 = arith.addi %mul3A_632, %add3A_892 : i32
        %add3A_894 = arith.constant 3 : i32
        %add3A_895 = arith.addi %add3A_893, %add3A_894 : i32
        %slice3A_896 = vector.extract_strided_slice %get3A_634 {offsets = [15], sizes = [1], strides = [1]} : vector<16xf32> to vector<1xf32>
        %squeeze3A_897 = vector.extract %slice3A_896[0] : f32 from vector<1xf32>
        %get3A_898 = arith.index_cast %add3A_895 : i32 to index
        %get3A_899 = arith.constant 0 : index
        %get3A_900 = tpu.vector_load %arg10[%get3A_898, %get3A_899] {strides = array<i32>} : memref<512x32xbf16, #tpu.memory_space<vmem>>, vector<32xbf16>,
        %unpack3A_901 = tpu.unpack_subelements %get3A_900, 0 {pack_format = #tpu.pack_format<interleaved>} : vector<32xbf16> -> vector<16xf32>
        %unpack3A_902 = tpu.unpack_subelements %get3A_900, 1 {pack_format = #tpu.pack_format<interleaved>} : vector<32xbf16> -> vector<16xf32>
        %mul3A_903 = vector.broadcast %squeeze3A_897 : f32 to vector<16xf32>
        %mul3A_904 = arith.mulf %mul3A_903, %unpack3A_901 : vector<16xf32>
        %add3A_905 = arith.addf %add3A_888, %mul3A_904 : vector<16xf32>
        %mul3A_906 = vector.broadcast %squeeze3A_897 : f32 to vector<16xf32>
        %mul3A_907 = arith.mulf %mul3A_906, %unpack3A_902 : vector<16xf32>
        %add3A_908 = arith.addf %add3A_891, %mul3A_907 : vector<16xf32>
        %add3A_909 = arith.constant 16 : i32
        %add3A_910 = arith.addi %mul3A_632, %add3A_909 : i32
        %add3A_911 = arith.constant 0 : i32
        %add3A_912 = arith.addi %add3A_910, %add3A_911 : i32
        %slice3A_913 = vector.extract_strided_slice %get3A_639 {offsets = [0], sizes = [1], strides = [1]} : vector<16xf32> to vector<1xf32>
        %squeeze3A_914 = vector.extract %slice3A_913[0] : f32 from vector<1xf32>
        %get3A_915 = arith.index_cast %add3A_912 : i32 to index
        %get3A_916 = arith.constant 0 : index
        %get3A_917 = tpu.vector_load %arg10[%get3A_915, %get3A_916] {strides = array<i32>} : memref<512x32xbf16, #tpu.memory_space<vmem>>, vector<32xbf16>,
        %unpack3A_918 = tpu.unpack_subelements %get3A_917, 0 {pack_format = #tpu.pack_format<interleaved>} : vector<32xbf16> -> vector<16xf32>
        %unpack3A_919 = tpu.unpack_subelements %get3A_917, 1 {pack_format = #tpu.pack_format<interleaved>} : vector<32xbf16> -> vector<16xf32>
        %mul3A_920 = vector.broadcast %squeeze3A_914 : f32 to vector<16xf32>
        %mul3A_921 = arith.mulf %mul3A_920, %unpack3A_918 : vector<16xf32>
        %add3A_922 = arith.addf %scan3A_623, %mul3A_921 : vector<16xf32>
        %mul3A_923 = vector.broadcast %squeeze3A_914 : f32 to vector<16xf32>
        %mul3A_924 = arith.mulf %mul3A_923, %unpack3A_919 : vector<16xf32>
        %add3A_925 = arith.addf %scan3A_624, %mul3A_924 : vector<16xf32>
        %add3A_926 = arith.constant 16 : i32
        %add3A_927 = arith.addi %mul3A_632, %add3A_926 : i32
        %add3A_928 = arith.constant 1 : i32
        %add3A_929 = arith.addi %add3A_927, %add3A_928 : i32
        %slice3A_930 = vector.extract_strided_slice %get3A_639 {offsets = [1], sizes = [1], strides = [1]} : vector<16xf32> to vector<1xf32>
        %squeeze3A_931 = vector.extract %slice3A_930[0] : f32 from vector<1xf32>
        %get3A_932 = arith.index_cast %add3A_929 : i32 to index
        %get3A_933 = arith.constant 0 : index
        %get3A_934 = tpu.vector_load %arg10[%get3A_932, %get3A_933] {strides = array<i32>} : memref<512x32xbf16, #tpu.memory_space<vmem>>, vector<32xbf16>,
        %unpack3A_935 = tpu.unpack_subelements %get3A_934, 0 {pack_format = #tpu.pack_format<interleaved>} : vector<32xbf16> -> vector<16xf32>
        %unpack3A_936 = tpu.unpack_subelements %get3A_934, 1 {pack_format = #tpu.pack_format<interleaved>} : vector<32xbf16> -> vector<16xf32>
        %mul3A_937 = vector.broadcast %squeeze3A_931 : f32 to vector<16xf32>
        %mul3A_938 = arith.mulf %mul3A_937, %unpack3A_935 : vector<16xf32>
        %add3A_939 = arith.addf %add3A_922, %mul3A_938 : vector<16xf32>
        %mul3A_940 = vector.broadcast %squeeze3A_931 : f32 to vector<16xf32>
        %mul3A_941 = arith.mulf %mul3A_940, %unpack3A_936 : vector<16xf32>
        %add3A_942 = arith.addf %add3A_925, %mul3A_941 : vector<16xf32>
        %add3A_943 = arith.constant 16 : i32
        %add3A_944 = arith.addi %mul3A_632, %add3A_943 : i32
        %add3A_945 = arith.constant 2 : i32
        %add3A_946 = arith.addi %add3A_944, %add3A_945 : i32
        %slice3A_947 = vector.extract_strided_slice %get3A_639 {offsets = [2], sizes = [1], strides = [1]} : vector<16xf32> to vector<1xf32>
        %squeeze3A_948 = vector.extract %slice3A_947[0] : f32 from vector<1xf32>
        %get3A_949 = arith.index_cast %add3A_946 : i32 to index
        %get3A_950 = arith.constant 0 : index
        %get3A_951 = tpu.vector_load %arg10[%get3A_949, %get3A_950] {strides = array<i32>} : memref<512x32xbf16, #tpu.memory_space<vmem>>, vector<32xbf16>,
        %unpack3A_952 = tpu.unpack_subelements %get3A_951, 0 {pack_format = #tpu.pack_format<interleaved>} : vector<32xbf16> -> vector<16xf32>
        %unpack3A_953 = tpu.unpack_subelements %get3A_951, 1 {pack_format = #tpu.pack_format<interleaved>} : vector<32xbf16> -> vector<16xf32>
        %mul3A_954 = vector.broadcast %squeeze3A_948 : f32 to vector<16xf32>
        %mul3A_955 = arith.mulf %mul3A_954, %unpack3A_952 : vector<16xf32>
        %add3A_956 = arith.addf %add3A_939, %mul3A_955 : vector<16xf32>
        %mul3A_957 = vector.broadcast %squeeze3A_948 : f32 to vector<16xf32>
        %mul3A_958 = arith.mulf %mul3A_957, %unpack3A_953 : vector<16xf32>
        %add3A_959 = arith.addf %add3A_942, %mul3A_958 : vector<16xf32>
        %add3A_960 = arith.constant 16 : i32
        %add3A_961 = arith.addi %mul3A_632, %add3A_960 : i32
        %add3A_962 = arith.constant 3 : i32
        %add3A_963 = arith.addi %add3A_961, %add3A_962 : i32
        %slice3A_964 = vector.extract_strided_slice %get3A_639 {offsets = [3], sizes = [1], strides = [1]} : vector<16xf32> to vector<1xf32>
        %squeeze3A_965 = vector.extract %slice3A_964[0] : f32 from vector<1xf32>
        %get3A_966 = arith.index_cast %add3A_963 : i32 to index
        %get3A_967 = arith.constant 0 : index
        %get3A_968 = tpu.vector_load %arg10[%get3A_966, %get3A_967] {strides = array<i32>} : memref<512x32xbf16, #tpu.memory_space<vmem>>, vector<32xbf16>,
        %unpack3A_969 = tpu.unpack_subelements %get3A_968, 0 {pack_format = #tpu.pack_format<interleaved>} : vector<32xbf16> -> vector<16xf32>
        %unpack3A_970 = tpu.unpack_subelements %get3A_968, 1 {pack_format = #tpu.pack_format<interleaved>} : vector<32xbf16> -> vector<16xf32>
        %mul3A_971 = vector.broadcast %squeeze3A_965 : f32 to vector<16xf32>
        %mul3A_972 = arith.mulf %mul3A_971, %unpack3A_969 : vector<16xf32>
        %add3A_973 = arith.addf %add3A_956, %mul3A_972 : vector<16xf32>
        %mul3A_974 = vector.broadcast %squeeze3A_965 : f32 to vector<16xf32>
        %mul3A_975 = arith.mulf %mul3A_974, %unpack3A_970 : vector<16xf32>
        %add3A_976 = arith.addf %add3A_959, %mul3A_975 : vector<16xf32>
        %add3A_977 = arith.constant 20 : i32
        %add3A_978 = arith.addi %mul3A_632, %add3A_977 : i32
        %add3A_979 = arith.constant 0 : i32
        %add3A_980 = arith.addi %add3A_978, %add3A_979 : i32
        %slice3A_981 = vector.extract_strided_slice %get3A_639 {offsets = [4], sizes = [1], strides = [1]} : vector<16xf32> to vector<1xf32>
        %squeeze3A_982 = vector.extract %slice3A_981[0] : f32 from vector<1xf32>
        %get3A_983 = arith.index_cast %add3A_980 : i32 to index
        %get3A_984 = arith.constant 0 : index
        %get3A_985 = tpu.vector_load %arg10[%get3A_983, %get3A_984] {strides = array<i32>} : memref<512x32xbf16, #tpu.memory_space<vmem>>, vector<32xbf16>,
        %unpack3A_986 = tpu.unpack_subelements %get3A_985, 0 {pack_format = #tpu.pack_format<interleaved>} : vector<32xbf16> -> vector<16xf32>
        %unpack3A_987 = tpu.unpack_subelements %get3A_985, 1 {pack_format = #tpu.pack_format<interleaved>} : vector<32xbf16> -> vector<16xf32>
        %mul3A_988 = vector.broadcast %squeeze3A_982 : f32 to vector<16xf32>
        %mul3A_989 = arith.mulf %mul3A_988, %unpack3A_986 : vector<16xf32>
        %add3A_990 = arith.addf %scan3A_625, %mul3A_989 : vector<16xf32>
        %mul3A_991 = vector.broadcast %squeeze3A_982 : f32 to vector<16xf32>
        %mul3A_992 = arith.mulf %mul3A_991, %unpack3A_987 : vector<16xf32>
        %add3A_993 = arith.addf %scan3A_626, %mul3A_992 : vector<16xf32>
        %add3A_994 = arith.constant 20 : i32
        %add3A_995 = arith.addi %mul3A_632, %add3A_994 : i32
        %add3A_996 = arith.constant 1 : i32
        %add3A_997 = arith.addi %add3A_995, %add3A_996 : i32
        %slice3A_998 = vector.extract_strided_slice %get3A_639 {offsets = [5], sizes = [1], strides = [1]} : vector<16xf32> to vector<1xf32>
        %squeeze3A_999 = vector.extract %slice3A_998[0] : f32 from vector<1xf32>
        %get3A_1000 = arith.index_cast %add3A_997 : i32 to index
        %get3A_1001 = arith.constant 0 : index
        %get3A_1002 = tpu.vector_load %arg10[%get3A_1000, %get3A_1001] {strides = array<i32>} : memref<512x32xbf16, #tpu.memory_space<vmem>>, vector<32xbf16>,
        %unpack3A_1003 = tpu.unpack_subelements %get3A_1002, 0 {pack_format = #tpu.pack_format<interleaved>} : vector<32xbf16> -> vector<16xf32>
        %unpack3A_1004 = tpu.unpack_subelements %get3A_1002, 1 {pack_format = #tpu.pack_format<interleaved>} : vector<32xbf16> -> vector<16xf32>
        %mul3A_1005 = vector.broadcast %squeeze3A_999 : f32 to vector<16xf32>
        %mul3A_1006 = arith.mulf %mul3A_1005, %unpack3A_1003 : vector<16xf32>
        %add3A_1007 = arith.addf %add3A_990, %mul3A_1006 : vector<16xf32>
        %mul3A_1008 = vector.broadcast %squeeze3A_999 : f32 to vector<16xf32>
        %mul3A_1009 = arith.mulf %mul3A_1008, %unpack3A_1004 : vector<16xf32>
        %add3A_1010 = arith.addf %add3A_993, %mul3A_1009 : vector<16xf32>
        %add3A_1011 = arith.constant 20 : i32
        %add3A_1012 = arith.addi %mul3A_632, %add3A_1011 : i32
        %add3A_1013 = arith.constant 2 : i32
        %add3A_1014 = arith.addi %add3A_1012, %add3A_1013 : i32
        %slice3A_1015 = vector.extract_strided_slice %get3A_639 {offsets = [6], sizes = [1], strides = [1]} : vector<16xf32> to vector<1xf32>
        %squeeze3A_1016 = vector.extract %slice3A_1015[0] : f32 from vector<1xf32>
        %get3A_1017 = arith.index_cast %add3A_1014 : i32 to index
        %get3A_1018 = arith.constant 0 : index
        %get3A_1019 = tpu.vector_load %arg10[%get3A_1017, %get3A_1018] {strides = array<i32>} : memref<512x32xbf16, #tpu.memory_space<vmem>>, vector<32xbf16>,
        %unpack3A_1020 = tpu.unpack_subelements %get3A_1019, 0 {pack_format = #tpu.pack_format<interleaved>} : vector<32xbf16> -> vector<16xf32>
        %unpack3A_1021 = tpu.unpack_subelements %get3A_1019, 1 {pack_format = #tpu.pack_format<interleaved>} : vector<32xbf16> -> vector<16xf32>
        %mul3A_1022 = vector.broadcast %squeeze3A_1016 : f32 to vector<16xf32>
        %mul3A_1023 = arith.mulf %mul3A_1022, %unpack3A_1020 : vector<16xf32>
        %add3A_1024 = arith.addf %add3A_1007, %mul3A_1023 : vector<16xf32>
        %mul3A_1025 = vector.broadcast %squeeze3A_1016 : f32 to vector<16xf32>
        %mul3A_1026 = arith.mulf %mul3A_1025, %unpack3A_1021 : vector<16xf32>
        %add3A_1027 = arith.addf %add3A_1010, %mul3A_1026 : vector<16xf32>
        %add3A_1028 = arith.constant 20 : i32
        %add3A_1029 = arith.addi %mul3A_632, %add3A_1028 : i32
        %add3A_1030 = arith.constant 3 : i32
        %add3A_1031 = arith.addi %add3A_1029, %add3A_1030 : i32
        %slice3A_1032 = vector.extract_strided_slice %get3A_639 {offsets = [7], sizes = [1], strides = [1]} : vector<16xf32> to vector<1xf32>
        %squeeze3A_1033 = vector.extract %slice3A_1032[0] : f32 from vector<1xf32>
        %get3A_1034 = arith.index_cast %add3A_1031 : i32 to index
        %get3A_1035 = arith.constant 0 : index
        %get3A_1036 = tpu.vector_load %arg10[%get3A_1034, %get3A_1035] {strides = array<i32>} : memref<512x32xbf16, #tpu.memory_space<vmem>>, vector<32xbf16>,
        %unpack3A_1037 = tpu.unpack_subelements %get3A_1036, 0 {pack_format = #tpu.pack_format<interleaved>} : vector<32xbf16> -> vector<16xf32>
        %unpack3A_1038 = tpu.unpack_subelements %get3A_1036, 1 {pack_format = #tpu.pack_format<interleaved>} : vector<32xbf16> -> vector<16xf32>
        %mul3A_1039 = vector.broadcast %squeeze3A_1033 : f32 to vector<16xf32>
        %mul3A_1040 = arith.mulf %mul3A_1039, %unpack3A_1037 : vector<16xf32>
        %add3A_1041 = arith.addf %add3A_1024, %mul3A_1040 : vector<16xf32>
        %mul3A_1042 = vector.broadcast %squeeze3A_1033 : f32 to vector<16xf32>
        %mul3A_1043 = arith.mulf %mul3A_1042, %unpack3A_1038 : vector<16xf32>
        %add3A_1044 = arith.addf %add3A_1027, %mul3A_1043 : vector<16xf32>
        %add3A_1045 = arith.constant 24 : i32
        %add3A_1046 = arith.addi %mul3A_632, %add3A_1045 : i32
        %add3A_1047 = arith.constant 0 : i32
        %add3A_1048 = arith.addi %add3A_1046, %add3A_1047 : i32
        %slice3A_1049 = vector.extract_strided_slice %get3A_639 {offsets = [8], sizes = [1], strides = [1]} : vector<16xf32> to vector<1xf32>
        %squeeze3A_1050 = vector.extract %slice3A_1049[0] : f32 from vector<1xf32>
        %get3A_1051 = arith.index_cast %add3A_1048 : i32 to index
        %get3A_1052 = arith.constant 0 : index
        %get3A_1053 = tpu.vector_load %arg10[%get3A_1051, %get3A_1052] {strides = array<i32>} : memref<512x32xbf16, #tpu.memory_space<vmem>>, vector<32xbf16>,
        %unpack3A_1054 = tpu.unpack_subelements %get3A_1053, 0 {pack_format = #tpu.pack_format<interleaved>} : vector<32xbf16> -> vector<16xf32>
        %unpack3A_1055 = tpu.unpack_subelements %get3A_1053, 1 {pack_format = #tpu.pack_format<interleaved>} : vector<32xbf16> -> vector<16xf32>
        %mul3A_1056 = vector.broadcast %squeeze3A_1050 : f32 to vector<16xf32>
        %mul3A_1057 = arith.mulf %mul3A_1056, %unpack3A_1054 : vector<16xf32>
        %add3A_1058 = arith.addf %scan3A_627, %mul3A_1057 : vector<16xf32>
        %mul3A_1059 = vector.broadcast %squeeze3A_1050 : f32 to vector<16xf32>
        %mul3A_1060 = arith.mulf %mul3A_1059, %unpack3A_1055 : vector<16xf32>
        %add3A_1061 = arith.addf %scan3A_628, %mul3A_1060 : vector<16xf32>
        %add3A_1062 = arith.constant 24 : i32
        %add3A_1063 = arith.addi %mul3A_632, %add3A_1062 : i32
        %add3A_1064 = arith.constant 1 : i32
        %add3A_1065 = arith.addi %add3A_1063, %add3A_1064 : i32
        %slice3A_1066 = vector.extract_strided_slice %get3A_639 {offsets = [9], sizes = [1], strides = [1]} : vector<16xf32> to vector<1xf32>
        %squeeze3A_1067 = vector.extract %slice3A_1066[0] : f32 from vector<1xf32>
        %get3A_1068 = arith.index_cast %add3A_1065 : i32 to index
        %get3A_1069 = arith.constant 0 : index
        %get3A_1070 = tpu.vector_load %arg10[%get3A_1068, %get3A_1069] {strides = array<i32>} : memref<512x32xbf16, #tpu.memory_space<vmem>>, vector<32xbf16>,
        %unpack3A_1071 = tpu.unpack_subelements %get3A_1070, 0 {pack_format = #tpu.pack_format<interleaved>} : vector<32xbf16> -> vector<16xf32>
        %unpack3A_1072 = tpu.unpack_subelements %get3A_1070, 1 {pack_format = #tpu.pack_format<interleaved>} : vector<32xbf16> -> vector<16xf32>
        %mul3A_1073 = vector.broadcast %squeeze3A_1067 : f32 to vector<16xf32>
        %mul3A_1074 = arith.mulf %mul3A_1073, %unpack3A_1071 : vector<16xf32>
        %add3A_1075 = arith.addf %add3A_1058, %mul3A_1074 : vector<16xf32>
        %mul3A_1076 = vector.broadcast %squeeze3A_1067 : f32 to vector<16xf32>
        %mul3A_1077 = arith.mulf %mul3A_1076, %unpack3A_1072 : vector<16xf32>
        %add3A_1078 = arith.addf %add3A_1061, %mul3A_1077 : vector<16xf32>
        %add3A_1079 = arith.constant 24 : i32
        %add3A_1080 = arith.addi %mul3A_632, %add3A_1079 : i32
        %add3A_1081 = arith.constant 2 : i32
        %add3A_1082 = arith.addi %add3A_1080, %add3A_1081 : i32
        %slice3A_1083 = vector.extract_strided_slice %get3A_639 {offsets = [10], sizes = [1], strides = [1]} : vector<16xf32> to vector<1xf32>
        %squeeze3A_1084 = vector.extract %slice3A_1083[0] : f32 from vector<1xf32>
        %get3A_1085 = arith.index_cast %add3A_1082 : i32 to index
        %get3A_1086 = arith.constant 0 : index
        %get3A_1087 = tpu.vector_load %arg10[%get3A_1085, %get3A_1086] {strides = array<i32>} : memref<512x32xbf16, #tpu.memory_space<vmem>>, vector<32xbf16>,
        %unpack3A_1088 = tpu.unpack_subelements %get3A_1087, 0 {pack_format = #tpu.pack_format<interleaved>} : vector<32xbf16> -> vector<16xf32>
        %unpack3A_1089 = tpu.unpack_subelements %get3A_1087, 1 {pack_format = #tpu.pack_format<interleaved>} : vector<32xbf16> -> vector<16xf32>
        %mul3A_1090 = vector.broadcast %squeeze3A_1084 : f32 to vector<16xf32>
        %mul3A_1091 = arith.mulf %mul3A_1090, %unpack3A_1088 : vector<16xf32>
        %add3A_1092 = arith.addf %add3A_1075, %mul3A_1091 : vector<16xf32>
        %mul3A_1093 = vector.broadcast %squeeze3A_1084 : f32 to vector<16xf32>
        %mul3A_1094 = arith.mulf %mul3A_1093, %unpack3A_1089 : vector<16xf32>
        %add3A_1095 = arith.addf %add3A_1078, %mul3A_1094 : vector<16xf32>
        %add3A_1096 = arith.constant 24 : i32
        %add3A_1097 = arith.addi %mul3A_632, %add3A_1096 : i32
        %add3A_1098 = arith.constant 3 : i32
        %add3A_1099 = arith.addi %add3A_1097, %add3A_1098 : i32
        %slice3A_1100 = vector.extract_strided_slice %get3A_639 {offsets = [11], sizes = [1], strides = [1]} : vector<16xf32> to vector<1xf32>
        %squeeze3A_1101 = vector.extract %slice3A_1100[0] : f32 from vector<1xf32>
        %get3A_1102 = arith.index_cast %add3A_1099 : i32 to index
        %get3A_1103 = arith.constant 0 : index
        %get3A_1104 = tpu.vector_load %arg10[%get3A_1102, %get3A_1103] {strides = array<i32>} : memref<512x32xbf16, #tpu.memory_space<vmem>>, vector<32xbf16>,
        %unpack3A_1105 = tpu.unpack_subelements %get3A_1104, 0 {pack_format = #tpu.pack_format<interleaved>} : vector<32xbf16> -> vector<16xf32>
        %unpack3A_1106 = tpu.unpack_subelements %get3A_1104, 1 {pack_format = #tpu.pack_format<interleaved>} : vector<32xbf16> -> vector<16xf32>
        %mul3A_1107 = vector.broadcast %squeeze3A_1101 : f32 to vector<16xf32>
        %mul3A_1108 = arith.mulf %mul3A_1107, %unpack3A_1105 : vector<16xf32>
        %add3A_1109 = arith.addf %add3A_1092, %mul3A_1108 : vector<16xf32>
        %mul3A_1110 = vector.broadcast %squeeze3A_1101 : f32 to vector<16xf32>
        %mul3A_1111 = arith.mulf %mul3A_1110, %unpack3A_1106 : vector<16xf32>
        %add3A_1112 = arith.addf %add3A_1095, %mul3A_1111 : vector<16xf32>
        %add3A_1113 = arith.constant 28 : i32
        %add3A_1114 = arith.addi %mul3A_632, %add3A_1113 : i32
        %add3A_1115 = arith.constant 0 : i32
        %add3A_1116 = arith.addi %add3A_1114, %add3A_1115 : i32
        %slice3A_1117 = vector.extract_strided_slice %get3A_639 {offsets = [12], sizes = [1], strides = [1]} : vector<16xf32> to vector<1xf32>
        %squeeze3A_1118 = vector.extract %slice3A_1117[0] : f32 from vector<1xf32>
        %get3A_1119 = arith.index_cast %add3A_1116 : i32 to index
        %get3A_1120 = arith.constant 0 : index
        %get3A_1121 = tpu.vector_load %arg10[%get3A_1119, %get3A_1120] {strides = array<i32>} : memref<512x32xbf16, #tpu.memory_space<vmem>>, vector<32xbf16>,
        %unpack3A_1122 = tpu.unpack_subelements %get3A_1121, 0 {pack_format = #tpu.pack_format<interleaved>} : vector<32xbf16> -> vector<16xf32>
        %unpack3A_1123 = tpu.unpack_subelements %get3A_1121, 1 {pack_format = #tpu.pack_format<interleaved>} : vector<32xbf16> -> vector<16xf32>
        %mul3A_1124 = vector.broadcast %squeeze3A_1118 : f32 to vector<16xf32>
        %mul3A_1125 = arith.mulf %mul3A_1124, %unpack3A_1122 : vector<16xf32>
        %add3A_1126 = arith.addf %scan3A_629, %mul3A_1125 : vector<16xf32>
        %mul3A_1127 = vector.broadcast %squeeze3A_1118 : f32 to vector<16xf32>
        %mul3A_1128 = arith.mulf %mul3A_1127, %unpack3A_1123 : vector<16xf32>
        %add3A_1129 = arith.addf %scan3A_630, %mul3A_1128 : vector<16xf32>
        %add3A_1130 = arith.constant 28 : i32
        %add3A_1131 = arith.addi %mul3A_632, %add3A_1130 : i32
        %add3A_1132 = arith.constant 1 : i32
        %add3A_1133 = arith.addi %add3A_1131, %add3A_1132 : i32
        %slice3A_1134 = vector.extract_strided_slice %get3A_639 {offsets = [13], sizes = [1], strides = [1]} : vector<16xf32> to vector<1xf32>
        %squeeze3A_1135 = vector.extract %slice3A_1134[0] : f32 from vector<1xf32>
        %get3A_1136 = arith.index_cast %add3A_1133 : i32 to index
        %get3A_1137 = arith.constant 0 : index
        %get3A_1138 = tpu.vector_load %arg10[%get3A_1136, %get3A_1137] {strides = array<i32>} : memref<512x32xbf16, #tpu.memory_space<vmem>>, vector<32xbf16>,
        %unpack3A_1139 = tpu.unpack_subelements %get3A_1138, 0 {pack_format = #tpu.pack_format<interleaved>} : vector<32xbf16> -> vector<16xf32>
        %unpack3A_1140 = tpu.unpack_subelements %get3A_1138, 1 {pack_format = #tpu.pack_format<interleaved>} : vector<32xbf16> -> vector<16xf32>
        %mul3A_1141 = vector.broadcast %squeeze3A_1135 : f32 to vector<16xf32>
        %mul3A_1142 = arith.mulf %mul3A_1141, %unpack3A_1139 : vector<16xf32>
        %add3A_1143 = arith.addf %add3A_1126, %mul3A_1142 : vector<16xf32>
        %mul3A_1144 = vector.broadcast %squeeze3A_1135 : f32 to vector<16xf32>
        %mul3A_1145 = arith.mulf %mul3A_1144, %unpack3A_1140 : vector<16xf32>
        %add3A_1146 = arith.addf %add3A_1129, %mul3A_1145 : vector<16xf32>
        %add3A_1147 = arith.constant 28 : i32
        %add3A_1148 = arith.addi %mul3A_632, %add3A_1147 : i32
        %add3A_1149 = arith.constant 2 : i32
        %add3A_1150 = arith.addi %add3A_1148, %add3A_1149 : i32
        %slice3A_1151 = vector.extract_strided_slice %get3A_639 {offsets = [14], sizes = [1], strides = [1]} : vector<16xf32> to vector<1xf32>
        %squeeze3A_1152 = vector.extract %slice3A_1151[0] : f32 from vector<1xf32>
        %get3A_1153 = arith.index_cast %add3A_1150 : i32 to index
        %get3A_1154 = arith.constant 0 : index
        %get3A_1155 = tpu.vector_load %arg10[%get3A_1153, %get3A_1154] {strides = array<i32>} : memref<512x32xbf16, #tpu.memory_space<vmem>>, vector<32xbf16>,
        %unpack3A_1156 = tpu.unpack_subelements %get3A_1155, 0 {pack_format = #tpu.pack_format<interleaved>} : vector<32xbf16> -> vector<16xf32>
        %unpack3A_1157 = tpu.unpack_subelements %get3A_1155, 1 {pack_format = #tpu.pack_format<interleaved>} : vector<32xbf16> -> vector<16xf32>
        %mul3A_1158 = vector.broadcast %squeeze3A_1152 : f32 to vector<16xf32>
        %mul3A_1159 = arith.mulf %mul3A_1158, %unpack3A_1156 : vector<16xf32>
        %add3A_1160 = arith.addf %add3A_1143, %mul3A_1159 : vector<16xf32>
        %mul3A_1161 = vector.broadcast %squeeze3A_1152 : f32 to vector<16xf32>
        %mul3A_1162 = arith.mulf %mul3A_1161, %unpack3A_1157 : vector<16xf32>
        %add3A_1163 = arith.addf %add3A_1146, %mul3A_1162 : vector<16xf32>
        %add3A_1164 = arith.constant 28 : i32
        %add3A_1165 = arith.addi %mul3A_632, %add3A_1164 : i32
        %add3A_1166 = arith.constant 3 : i32
        %add3A_1167 = arith.addi %add3A_1165, %add3A_1166 : i32
        %slice3A_1168 = vector.extract_strided_slice %get3A_639 {offsets = [15], sizes = [1], strides = [1]} : vector<16xf32> to vector<1xf32>
        %squeeze3A_1169 = vector.extract %slice3A_1168[0] : f32 from vector<1xf32>
        %get3A_1170 = arith.index_cast %add3A_1167 : i32 to index
        %get3A_1171 = arith.constant 0 : index
        %get3A_1172 = tpu.vector_load %arg10[%get3A_1170, %get3A_1171] {strides = array<i32>} : memref<512x32xbf16, #tpu.memory_space<vmem>>, vector<32xbf16>,
        %unpack3A_1173 = tpu.unpack_subelements %get3A_1172, 0 {pack_format = #tpu.pack_format<interleaved>} : vector<32xbf16> -> vector<16xf32>
        %unpack3A_1174 = tpu.unpack_subelements %get3A_1172, 1 {pack_format = #tpu.pack_format<interleaved>} : vector<32xbf16> -> vector<16xf32>
        %mul3A_1175 = vector.broadcast %squeeze3A_1169 : f32 to vector<16xf32>
        %mul3A_1176 = arith.mulf %mul3A_1175, %unpack3A_1173 : vector<16xf32>
        %add3A_1177 = arith.addf %add3A_1160, %mul3A_1176 : vector<16xf32>
        %mul3A_1178 = vector.broadcast %squeeze3A_1169 : f32 to vector<16xf32>
        %mul3A_1179 = arith.mulf %mul3A_1178, %unpack3A_1174 : vector<16xf32>
        %add3A_1180 = arith.addf %add3A_1163, %mul3A_1179 : vector<16xf32>
        scf.yield %add3A_701, %add3A_704, %add3A_769, %add3A_772, %add3A_837, %add3A_840, %add3A_905, %add3A_908, %add3A_973, %add3A_976, %add3A_1041, %add3A_1044, %add3A_1109, %add3A_1112, %add3A_1177, %add3A_1180 : vector<16xf32>, vector<16xf32>, vector<16xf32>, vector<16xf32>, vector<16xf32>, vector<16xf32>, vector<16xf32>, vector<16xf32>, vector<16xf32>, vector<16xf32>, vector<16xf32>, vector<16xf32>, vector<16xf32>, vector<16xf32>, vector<16xf32>, vector<16xf32>
      }
      %scan3A_417 = arith.constant 16 : i32
      %swap3A_418 = arith.index_cast %add3A_409 : i32 to index
      %swap3A_419 = arith.constant 0 : index
      %swap3A_420 = tpu.vector_load %arg12[%swap3A_418, %swap3A_419] {strides = array<i32>} : memref<64x256xf32, #tpu.memory_space<vmem>>, vector<16xf32>,
      tpu.vector_store %arg12[%swap3A_418, %swap3A_419], %scan3A_416#0 {strides = array<i32>} : memref<64x256xf32, #tpu.memory_space<vmem>>, vector<16xf32>,
      %swap3A_421 = arith.index_cast %add3A_409 : i32 to index
      %swap3A_422 = arith.constant 16 : index
      %swap3A_423 = tpu.vector_load %arg12[%swap3A_421, %swap3A_422] {strides = array<i32>} : memref<64x256xf32, #tpu.memory_space<vmem>>, vector<16xf32>,
      tpu.vector_store %arg12[%swap3A_421, %swap3A_422], %scan3A_416#1 {strides = array<i32>} : memref<64x256xf32, #tpu.memory_space<vmem>>, vector<16xf32>,
      %swap3A_424 = arith.index_cast %add3A_409 : i32 to index
      %swap3A_425 = arith.constant 32 : index
      %swap3A_426 = tpu.vector_load %arg12[%swap3A_424, %swap3A_425] {strides = array<i32>} : memref<64x256xf32, #tpu.memory_space<vmem>>, vector<16xf32>,
      tpu.vector_store %arg12[%swap3A_424, %swap3A_425], %scan3A_416#2 {strides = array<i32>} : memref<64x256xf32, #tpu.memory_space<vmem>>, vector<16xf32>,
      %swap3A_427 = arith.index_cast %add3A_409 : i32 to index
      %swap3A_428 = arith.constant 48 : index
      %swap3A_429 = tpu.vector_load %arg12[%swap3A_427, %swap3A_428] {strides = array<i32>} : memref<64x256xf32, #tpu.memory_space<vmem>>, vector<16xf32>,
      tpu.vector_store %arg12[%swap3A_427, %swap3A_428], %scan3A_416#3 {strides = array<i32>} : memref<64x256xf32, #tpu.memory_space<vmem>>, vector<16xf32>,
      %swap3A_430 = arith.index_cast %add3A_409 : i32 to index
      %swap3A_431 = arith.constant 64 : index
      %swap3A_432 = tpu.vector_load %arg12[%swap3A_430, %swap3A_431] {strides = array<i32>} : memref<64x256xf32, #tpu.memory_space<vmem>>, vector<16xf32>,
      tpu.vector_store %arg12[%swap3A_430, %swap3A_431], %scan3A_416#4 {strides = array<i32>} : memref<64x256xf32, #tpu.memory_space<vmem>>, vector<16xf32>,
      %swap3A_433 = arith.index_cast %add3A_409 : i32 to index
      %swap3A_434 = arith.constant 80 : index
      %swap3A_435 = tpu.vector_load %arg12[%swap3A_433, %swap3A_434] {strides = array<i32>} : memref<64x256xf32, #tpu.memory_space<vmem>>, vector<16xf32>,
      tpu.vector_store %arg12[%swap3A_433, %swap3A_434], %scan3A_416#5 {strides = array<i32>} : memref<64x256xf32, #tpu.memory_space<vmem>>, vector<16xf32>,
      %swap3A_436 = arith.index_cast %add3A_409 : i32 to index
      %swap3A_437 = arith.constant 96 : index
      %swap3A_438 = tpu.vector_load %arg12[%swap3A_436, %swap3A_437] {strides = array<i32>} : memref<64x256xf32, #tpu.memory_space<vmem>>, vector<16xf32>,
      tpu.vector_store %arg12[%swap3A_436, %swap3A_437], %scan3A_416#6 {strides = array<i32>} : memref<64x256xf32, #tpu.memory_space<vmem>>, vector<16xf32>,
      %swap3A_439 = arith.index_cast %add3A_409 : i32 to index
      %swap3A_440 = arith.constant 112 : index
      %swap3A_441 = tpu.vector_load %arg12[%swap3A_439, %swap3A_440] {strides = array<i32>} : memref<64x256xf32, #tpu.memory_space<vmem>>, vector<16xf32>,
      tpu.vector_store %arg12[%swap3A_439, %swap3A_440], %scan3A_416#7 {strides = array<i32>} : memref<64x256xf32, #tpu.memory_space<vmem>>, vector<16xf32>,
      %swap3A_442 = arith.index_cast %add3A_409 : i32 to index
      %swap3A_443 = arith.constant 128 : index
      %swap3A_444 = tpu.vector_load %arg12[%swap3A_442, %swap3A_443] {strides = array<i32>} : memref<64x256xf32, #tpu.memory_space<vmem>>, vector<16xf32>,
      tpu.vector_store %arg12[%swap3A_442, %swap3A_443], %scan3A_416#8 {strides = array<i32>} : memref<64x256xf32, #tpu.memory_space<vmem>>, vector<16xf32>,
      %swap3A_445 = arith.index_cast %add3A_409 : i32 to index
      %swap3A_446 = arith.constant 144 : index
      %swap3A_447 = tpu.vector_load %arg12[%swap3A_445, %swap3A_446] {strides = array<i32>} : memref<64x256xf32, #tpu.memory_space<vmem>>, vector<16xf32>,
      tpu.vector_store %arg12[%swap3A_445, %swap3A_446], %scan3A_416#9 {strides = array<i32>} : memref<64x256xf32, #tpu.memory_space<vmem>>, vector<16xf32>,
      %swap3A_448 = arith.index_cast %add3A_409 : i32 to index
      %swap3A_449 = arith.constant 160 : index
      %swap3A_450 = tpu.vector_load %arg12[%swap3A_448, %swap3A_449] {strides = array<i32>} : memref<64x256xf32, #tpu.memory_space<vmem>>, vector<16xf32>,
      tpu.vector_store %arg12[%swap3A_448, %swap3A_449], %scan3A_416#10 {strides = array<i32>} : memref<64x256xf32, #tpu.memory_space<vmem>>, vector<16xf32>,
      %swap3A_451 = arith.index_cast %add3A_409 : i32 to index
      %swap3A_452 = arith.constant 176 : index
      %swap3A_453 = tpu.vector_load %arg12[%swap3A_451, %swap3A_452] {strides = array<i32>} : memref<64x256xf32, #tpu.memory_space<vmem>>, vector<16xf32>,
      tpu.vector_store %arg12[%swap3A_451, %swap3A_452], %scan3A_416#11 {strides = array<i32>} : memref<64x256xf32, #tpu.memory_space<vmem>>, vector<16xf32>,
      %swap3A_454 = arith.index_cast %add3A_409 : i32 to index
      %swap3A_455 = arith.constant 192 : index
      %swap3A_456 = tpu.vector_load %arg12[%swap3A_454, %swap3A_455] {strides = array<i32>} : memref<64x256xf32, #tpu.memory_space<vmem>>, vector<16xf32>,
      tpu.vector_store %arg12[%swap3A_454, %swap3A_455], %scan3A_416#12 {strides = array<i32>} : memref<64x256xf32, #tpu.memory_space<vmem>>, vector<16xf32>,
      %swap3A_457 = arith.index_cast %add3A_409 : i32 to index
      %swap3A_458 = arith.constant 208 : index
      %swap3A_459 = tpu.vector_load %arg12[%swap3A_457, %swap3A_458] {strides = array<i32>} : memref<64x256xf32, #tpu.memory_space<vmem>>, vector<16xf32>,
      tpu.vector_store %arg12[%swap3A_457, %swap3A_458], %scan3A_416#13 {strides = array<i32>} : memref<64x256xf32, #tpu.memory_space<vmem>>, vector<16xf32>,
      %swap3A_460 = arith.index_cast %add3A_409 : i32 to index
      %swap3A_461 = arith.constant 224 : index
      %swap3A_462 = tpu.vector_load %arg12[%swap3A_460, %swap3A_461] {strides = array<i32>} : memref<64x256xf32, #tpu.memory_space<vmem>>, vector<16xf32>,
      tpu.vector_store %arg12[%swap3A_460, %swap3A_461], %scan3A_416#14 {strides = array<i32>} : memref<64x256xf32, #tpu.memory_space<vmem>>, vector<16xf32>,
      %swap3A_463 = arith.index_cast %add3A_409 : i32 to index
      %swap3A_464 = arith.constant 240 : index
      %swap3A_465 = tpu.vector_load %arg12[%swap3A_463, %swap3A_464] {strides = array<i32>} : memref<64x256xf32, #tpu.memory_space<vmem>>, vector<16xf32>,
      tpu.vector_store %arg12[%swap3A_463, %swap3A_464], %scan3A_416#15 {strides = array<i32>} : memref<64x256xf32, #tpu.memory_space<vmem>>, vector<16xf32>,
      %add3A_466 = arith.constant 2 : i32
      %add3A_467 = arith.addi %mul3A_192, %add3A_466 : i32
      %add3A_468 = arith.constant 4 : i32
      %add3A_469 = arith.addi %add3A_467, %add3A_468 : i32
      %min3A_470 = arith.constant 63 : i32
      %min3A_471 = arith.minsi %add3A_469, %min3A_470 : i32
      %dma_start3A_472 = arith.constant 0 : i32
      %dma_start3A_473 = arith.constant 0 : i32
      %dma_start3A_474 = tpu.memref_slice %arg10[%dma_start3A_472, %dma_start3A_473] : memref<512x32xbf16, #tpu.memory_space<vmem>> -> memref<128x32xbf16, #tpu.memory_space<vmem>>
      %dma_start3A_475 = arith.constant 0 : i32
      %dma_start3A_476 = tpu.memref_slice %arg6[%min3A_471, %dma_start3A_475] : memref<64x512xi32, #tpu.memory_space<vmem>> -> memref<1x128xi32, #tpu.memory_space<vmem>>
      %dma_start3A_477 = tpu.memref_squeeze %dma_start3A_476 : memref<1x128xi32, #tpu.memory_space<vmem>> -> memref<128xi32, #tpu.memory_space<vmem>>
      %dma_start3A_478 = arith.constant 0 : i32
      %dma_start3A_479 = arith.constant 0 : i32
      %dma_start3A_480 = tpu.memref_slice %arg2[%dma_start3A_478, %dma_start3A_479] : memref<87040x32xbf16, #tpu.memory_space<hbm>> -> memref<87040x32xbf16, #tpu.memory_space<hbm>>
      tpu.enqueue_indirect_dma source(%dma_start3A_480 : memref<87040x32xbf16, #tpu.memory_space<hbm>>) target(%dma_start3A_474 : memref<128x32xbf16, #tpu.memory_space<vmem>>) offsets(%dma_start3A_477 : memref<128xi32, #tpu.memory_space<vmem>>) semaphore(%arg15 : memref<!tpu.dma_semaphore, #tpu.memory_space<semaphore_mem>>)
      %dma_start3A_481 = arith.constant 128 : i32
      %dma_start3A_482 = arith.constant 0 : i32
      %dma_start3A_483 = tpu.memref_slice %arg10[%dma_start3A_481, %dma_start3A_482] : memref<512x32xbf16, #tpu.memory_space<vmem>> -> memref<128x32xbf16, #tpu.memory_space<vmem>>
      %dma_start3A_484 = arith.constant 128 : i32
      %dma_start3A_485 = tpu.memref_slice %arg6[%min3A_471, %dma_start3A_484] : memref<64x512xi32, #tpu.memory_space<vmem>> -> memref<1x128xi32, #tpu.memory_space<vmem>>
      %dma_start3A_486 = tpu.memref_squeeze %dma_start3A_485 : memref<1x128xi32, #tpu.memory_space<vmem>> -> memref<128xi32, #tpu.memory_space<vmem>>
      %dma_start3A_487 = arith.constant 0 : i32
      %dma_start3A_488 = arith.constant 0 : i32
      %dma_start3A_489 = tpu.memref_slice %arg2[%dma_start3A_487, %dma_start3A_488] : memref<87040x32xbf16, #tpu.memory_space<hbm>> -> memref<87040x32xbf16, #tpu.memory_space<hbm>>
      tpu.enqueue_indirect_dma source(%dma_start3A_489 : memref<87040x32xbf16, #tpu.memory_space<hbm>>) target(%dma_start3A_483 : memref<128x32xbf16, #tpu.memory_space<vmem>>) offsets(%dma_start3A_486 : memref<128xi32, #tpu.memory_space<vmem>>) semaphore(%arg15 : memref<!tpu.dma_semaphore, #tpu.memory_space<semaphore_mem>>)
      %dma_start3A_490 = arith.constant 256 : i32
      %dma_start3A_491 = arith.constant 0 : i32
      %dma_start3A_492 = tpu.memref_slice %arg10[%dma_start3A_490, %dma_start3A_491] : memref<512x32xbf16, #tpu.memory_space<vmem>> -> memref<128x32xbf16, #tpu.memory_space<vmem>>
      %dma_start3A_493 = arith.constant 256 : i32
      %dma_start3A_494 = tpu.memref_slice %arg6[%min3A_471, %dma_start3A_493] : memref<64x512xi32, #tpu.memory_space<vmem>> -> memref<1x128xi32, #tpu.memory_space<vmem>>
      %dma_start3A_495 = tpu.memref_squeeze %dma_start3A_494 : memref<1x128xi32, #tpu.memory_space<vmem>> -> memref<128xi32, #tpu.memory_space<vmem>>
      %dma_start3A_496 = arith.constant 0 : i32
      %dma_start3A_497 = arith.constant 0 : i32
      %dma_start3A_498 = tpu.memref_slice %arg2[%dma_start3A_496, %dma_start3A_497] : memref<87040x32xbf16, #tpu.memory_space<hbm>> -> memref<87040x32xbf16, #tpu.memory_space<hbm>>
      tpu.enqueue_indirect_dma source(%dma_start3A_498 : memref<87040x32xbf16, #tpu.memory_space<hbm>>) target(%dma_start3A_492 : memref<128x32xbf16, #tpu.memory_space<vmem>>) offsets(%dma_start3A_495 : memref<128xi32, #tpu.memory_space<vmem>>) semaphore(%arg15 : memref<!tpu.dma_semaphore, #tpu.memory_space<semaphore_mem>>)
      %dma_start3A_499 = arith.constant 384 : i32
      %dma_start3A_500 = arith.constant 0 : i32
      %dma_start3A_501 = tpu.memref_slice %arg10[%dma_start3A_499, %dma_start3A_500] : memref<512x32xbf16, #tpu.memory_space<vmem>> -> memref<128x32xbf16, #tpu.memory_space<vmem>>
      %dma_start3A_502 = arith.constant 384 : i32
      %dma_start3A_503 = tpu.memref_slice %arg6[%min3A_471, %dma_start3A_502] : memref<64x512xi32, #tpu.memory_space<vmem>> -> memref<1x128xi32, #tpu.memory_space<vmem>>
      %dma_start3A_504 = tpu.memref_squeeze %dma_start3A_503 : memref<1x128xi32, #tpu.memory_space<vmem>> -> memref<128xi32, #tpu.memory_space<vmem>>
      %dma_start3A_505 = arith.constant 0 : i32
      %dma_start3A_506 = arith.constant 0 : i32
      %dma_start3A_507 = tpu.memref_slice %arg2[%dma_start3A_505, %dma_start3A_506] : memref<87040x32xbf16, #tpu.memory_space<hbm>> -> memref<87040x32xbf16, #tpu.memory_space<hbm>>
      tpu.enqueue_indirect_dma source(%dma_start3A_507 : memref<87040x32xbf16, #tpu.memory_space<hbm>>) target(%dma_start3A_501 : memref<128x32xbf16, #tpu.memory_space<vmem>>) offsets(%dma_start3A_504 : memref<128xi32, #tpu.memory_space<vmem>>) semaphore(%arg15 : memref<!tpu.dma_semaphore, #tpu.memory_space<semaphore_mem>>)
      %dma_wait3A_508 = arith.constant 0 : i32
      %dma_wait3A_509 = arith.constant 0 : i32
      %dma_wait3A_510 = tpu.memref_slice %arg2[%dma_wait3A_508, %dma_wait3A_509] : memref<87040x32xbf16, #tpu.memory_space<hbm>> -> memref<512x32xbf16, #tpu.memory_space<hbm>>
      %dma_wait3A_511 = arith.constant 0 : i32
      %dma_wait3A_512 = arith.constant 0 : i32
      %dma_wait3A_513 = tpu.memref_slice %arg2[%dma_wait3A_511, %dma_wait3A_512] : memref<87040x32xbf16, #tpu.memory_space<hbm>> -> memref<512x32xbf16, #tpu.memory_space<hbm>>
      tpu.wait_dma2 semaphore(%arg16 : memref<!tpu.dma_semaphore, #tpu.memory_space<semaphore_mem>>) src(%dma_wait3A_513 : memref<512x32xbf16, #tpu.memory_space<hbm>>) dst(%arg11 : memref<512x32xbf16, #tpu.memory_space<vmem>>)
      %add3A_514 = arith.constant 3 : i32
      %add3A_515 = arith.addi %mul3A_192, %add3A_514 : i32
      %broadcast_in_dim3A_516 = arith.constant 0.000000e+00 : f32
      %broadcast_in_dim3A_517 = vector.broadcast %broadcast_in_dim3A_516 : f32 to vector<16xf32>
      %scan3A_518 = arith.constant 0 : i32
      %scan3A_519 = arith.constant 16 : i32
      %scan3A_520 = arith.addi %scan3A_518, %scan3A_519 : i32
      %scan3A_521 = arith.constant 1 : i32
      %scan3A_522:16 = scf.for %scan3A_614 = %scan3A_518 to %scan3A_520 step %scan3A_521 iter_args(%scan3A_615 = %broadcast_in_dim3A_517, %scan3A_616 = %broadcast_in_dim3A_517, %scan3A_617 = %broadcast_in_dim3A_517, %scan3A_618 = %broadcast_in_dim3A_517, %scan3A_619 = %broadcast_in_dim3A_517, %scan3A_620 = %broadcast_in_dim3A_517, %scan3A_621 = %broadcast_in_dim3A_517, %scan3A_622 = %broadcast_in_dim3A_517, %scan3A_623 = %broadcast_in_dim3A_517, %scan3A_624 = %broadcast_in_dim3A_517, %scan3A_625 = %broadcast_in_dim3A_517, %scan3A_626 = %broadcast_in_dim3A_517, %scan3A_627 = %broadcast_in_dim3A_517, %scan3A_628 = %broadcast_in_dim3A_517, %scan3A_629 = %broadcast_in_dim3A_517, %scan3A_630 = %broadcast_in_dim3A_517) -> (vector<16xf32>, vector<16xf32>, vector<16xf32>, vector<16xf32>, vector<16xf32>, vector<16xf32>, vector<16xf32>, vector<16xf32>, vector<16xf32>, vector<16xf32>, vector<16xf32>, vector<16xf32>, vector<16xf32>, vector<16xf32>, vector<16xf32>, vector<16xf32>)  : i32 {
        %mul3A_631 = arith.constant 32 : i32
        %mul3A_632 = arith.muli %scan3A_614, %mul3A_631 : i32
        %get3A = arith.index_cast %add3A_515 : i32 to index
        %get3A_633 = arith.index_cast %mul3A_632 : i32 to index
        %get3A_634 = tpu.vector_load %arg7[%get3A, %get3A_633] {strides = array<i32>} : memref<64x512xf32, #tpu.memory_space<vmem>>, vector<16xf32>,
        %add3A_635 = arith.constant 16 : i32
        %add3A_636 = arith.addi %mul3A_632, %add3A_635 : i32
        %get3A_637 = arith.index_cast %add3A_515 : i32 to index
        %get3A_638 = arith.index_cast %add3A_636 : i32 to index
        %get3A_639 = tpu.vector_load %arg7[%get3A_637, %get3A_638] {strides = array<i32>} : memref<64x512xf32, #tpu.memory_space<vmem>>, vector<16xf32>,
        %add3A_640 = arith.constant 0 : i32
        %add3A_641 = arith.addi %mul3A_632, %add3A_640 : i32
        %add3A_642 = arith.constant 0 : i32
        %add3A_643 = arith.addi %add3A_641, %add3A_642 : i32
        %slice3A = vector.extract_strided_slice %get3A_634 {offsets = [0], sizes = [1], strides = [1]} : vector<16xf32> to vector<1xf32>
        %squeeze3A = vector.extract %slice3A[0] : f32 from vector<1xf32>
        %get3A_644 = arith.index_cast %add3A_643 : i32 to index
        %get3A_645 = arith.constant 0 : index
        %get3A_646 = tpu.vector_load %arg11[%get3A_644, %get3A_645] {strides = array<i32>} : memref<512x32xbf16, #tpu.memory_space<vmem>>, vector<32xbf16>,
        %unpack3A = tpu.unpack_subelements %get3A_646, 0 {pack_format = #tpu.pack_format<interleaved>} : vector<32xbf16> -> vector<16xf32>
        %unpack3A_647 = tpu.unpack_subelements %get3A_646, 1 {pack_format = #tpu.pack_format<interleaved>} : vector<32xbf16> -> vector<16xf32>
        %mul3A_648 = vector.broadcast %squeeze3A : f32 to vector<16xf32>
        %mul3A_649 = arith.mulf %mul3A_648, %unpack3A : vector<16xf32>
        %add3A_650 = arith.addf %scan3A_615, %mul3A_649 : vector<16xf32>
        %mul3A_651 = vector.broadcast %squeeze3A : f32 to vector<16xf32>
        %mul3A_652 = arith.mulf %mul3A_651, %unpack3A_647 : vector<16xf32>
        %add3A_653 = arith.addf %scan3A_616, %mul3A_652 : vector<16xf32>
        %add3A_654 = arith.constant 0 : i32
        %add3A_655 = arith.addi %mul3A_632, %add3A_654 : i32
        %add3A_656 = arith.constant 1 : i32
        %add3A_657 = arith.addi %add3A_655, %add3A_656 : i32
        %slice3A_658 = vector.extract_strided_slice %get3A_634 {offsets = [1], sizes = [1], strides = [1]} : vector<16xf32> to vector<1xf32>
        %squeeze3A_659 = vector.extract %slice3A_658[0] : f32 from vector<1xf32>
        %get3A_660 = arith.index_cast %add3A_657 : i32 to index
        %get3A_661 = arith.constant 0 : index
        %get3A_662 = tpu.vector_load %arg11[%get3A_660, %get3A_661] {strides = array<i32>} : memref<512x32xbf16, #tpu.memory_space<vmem>>, vector<32xbf16>,
        %unpack3A_663 = tpu.unpack_subelements %get3A_662, 0 {pack_format = #tpu.pack_format<interleaved>} : vector<32xbf16> -> vector<16xf32>
        %unpack3A_664 = tpu.unpack_subelements %get3A_662, 1 {pack_format = #tpu.pack_format<interleaved>} : vector<32xbf16> -> vector<16xf32>
        %mul3A_665 = vector.broadcast %squeeze3A_659 : f32 to vector<16xf32>
        %mul3A_666 = arith.mulf %mul3A_665, %unpack3A_663 : vector<16xf32>
        %add3A_667 = arith.addf %add3A_650, %mul3A_666 : vector<16xf32>
        %mul3A_668 = vector.broadcast %squeeze3A_659 : f32 to vector<16xf32>
        %mul3A_669 = arith.mulf %mul3A_668, %unpack3A_664 : vector<16xf32>
        %add3A_670 = arith.addf %add3A_653, %mul3A_669 : vector<16xf32>
        %add3A_671 = arith.constant 0 : i32
        %add3A_672 = arith.addi %mul3A_632, %add3A_671 : i32
        %add3A_673 = arith.constant 2 : i32
        %add3A_674 = arith.addi %add3A_672, %add3A_673 : i32
        %slice3A_675 = vector.extract_strided_slice %get3A_634 {offsets = [2], sizes = [1], strides = [1]} : vector<16xf32> to vector<1xf32>
        %squeeze3A_676 = vector.extract %slice3A_675[0] : f32 from vector<1xf32>
        %get3A_677 = arith.index_cast %add3A_674 : i32 to index
        %get3A_678 = arith.constant 0 : index
        %get3A_679 = tpu.vector_load %arg11[%get3A_677, %get3A_678] {strides = array<i32>} : memref<512x32xbf16, #tpu.memory_space<vmem>>, vector<32xbf16>,
        %unpack3A_680 = tpu.unpack_subelements %get3A_679, 0 {pack_format = #tpu.pack_format<interleaved>} : vector<32xbf16> -> vector<16xf32>
        %unpack3A_681 = tpu.unpack_subelements %get3A_679, 1 {pack_format = #tpu.pack_format<interleaved>} : vector<32xbf16> -> vector<16xf32>
        %mul3A_682 = vector.broadcast %squeeze3A_676 : f32 to vector<16xf32>
        %mul3A_683 = arith.mulf %mul3A_682, %unpack3A_680 : vector<16xf32>
        %add3A_684 = arith.addf %add3A_667, %mul3A_683 : vector<16xf32>
        %mul3A_685 = vector.broadcast %squeeze3A_676 : f32 to vector<16xf32>
        %mul3A_686 = arith.mulf %mul3A_685, %unpack3A_681 : vector<16xf32>
        %add3A_687 = arith.addf %add3A_670, %mul3A_686 : vector<16xf32>
        %add3A_688 = arith.constant 0 : i32
        %add3A_689 = arith.addi %mul3A_632, %add3A_688 : i32
        %add3A_690 = arith.constant 3 : i32
        %add3A_691 = arith.addi %add3A_689, %add3A_690 : i32
        %slice3A_692 = vector.extract_strided_slice %get3A_634 {offsets = [3], sizes = [1], strides = [1]} : vector<16xf32> to vector<1xf32>
        %squeeze3A_693 = vector.extract %slice3A_692[0] : f32 from vector<1xf32>
        %get3A_694 = arith.index_cast %add3A_691 : i32 to index
        %get3A_695 = arith.constant 0 : index
        %get3A_696 = tpu.vector_load %arg11[%get3A_694, %get3A_695] {strides = array<i32>} : memref<512x32xbf16, #tpu.memory_space<vmem>>, vector<32xbf16>,
        %unpack3A_697 = tpu.unpack_subelements %get3A_696, 0 {pack_format = #tpu.pack_format<interleaved>} : vector<32xbf16> -> vector<16xf32>
        %unpack3A_698 = tpu.unpack_subelements %get3A_696, 1 {pack_format = #tpu.pack_format<interleaved>} : vector<32xbf16> -> vector<16xf32>
        %mul3A_699 = vector.broadcast %squeeze3A_693 : f32 to vector<16xf32>
        %mul3A_700 = arith.mulf %mul3A_699, %unpack3A_697 : vector<16xf32>
        %add3A_701 = arith.addf %add3A_684, %mul3A_700 : vector<16xf32>
        %mul3A_702 = vector.broadcast %squeeze3A_693 : f32 to vector<16xf32>
        %mul3A_703 = arith.mulf %mul3A_702, %unpack3A_698 : vector<16xf32>
        %add3A_704 = arith.addf %add3A_687, %mul3A_703 : vector<16xf32>
        %add3A_705 = arith.constant 4 : i32
        %add3A_706 = arith.addi %mul3A_632, %add3A_705 : i32
        %add3A_707 = arith.constant 0 : i32
        %add3A_708 = arith.addi %add3A_706, %add3A_707 : i32
        %slice3A_709 = vector.extract_strided_slice %get3A_634 {offsets = [4], sizes = [1], strides = [1]} : vector<16xf32> to vector<1xf32>
        %squeeze3A_710 = vector.extract %slice3A_709[0] : f32 from vector<1xf32>
        %get3A_711 = arith.index_cast %add3A_708 : i32 to index
        %get3A_712 = arith.constant 0 : index
        %get3A_713 = tpu.vector_load %arg11[%get3A_711, %get3A_712] {strides = array<i32>} : memref<512x32xbf16, #tpu.memory_space<vmem>>, vector<32xbf16>,
        %unpack3A_714 = tpu.unpack_subelements %get3A_713, 0 {pack_format = #tpu.pack_format<interleaved>} : vector<32xbf16> -> vector<16xf32>
        %unpack3A_715 = tpu.unpack_subelements %get3A_713, 1 {pack_format = #tpu.pack_format<interleaved>} : vector<32xbf16> -> vector<16xf32>
        %mul3A_716 = vector.broadcast %squeeze3A_710 : f32 to vector<16xf32>
        %mul3A_717 = arith.mulf %mul3A_716, %unpack3A_714 : vector<16xf32>
        %add3A_718 = arith.addf %scan3A_617, %mul3A_717 : vector<16xf32>
        %mul3A_719 = vector.broadcast %squeeze3A_710 : f32 to vector<16xf32>
        %mul3A_720 = arith.mulf %mul3A_719, %unpack3A_715 : vector<16xf32>
        %add3A_721 = arith.addf %scan3A_618, %mul3A_720 : vector<16xf32>
        %add3A_722 = arith.constant 4 : i32
        %add3A_723 = arith.addi %mul3A_632, %add3A_722 : i32
        %add3A_724 = arith.constant 1 : i32
        %add3A_725 = arith.addi %add3A_723, %add3A_724 : i32
        %slice3A_726 = vector.extract_strided_slice %get3A_634 {offsets = [5], sizes = [1], strides = [1]} : vector<16xf32> to vector<1xf32>
        %squeeze3A_727 = vector.extract %slice3A_726[0] : f32 from vector<1xf32>
        %get3A_728 = arith.index_cast %add3A_725 : i32 to index
        %get3A_729 = arith.constant 0 : index
        %get3A_730 = tpu.vector_load %arg11[%get3A_728, %get3A_729] {strides = array<i32>} : memref<512x32xbf16, #tpu.memory_space<vmem>>, vector<32xbf16>,
        %unpack3A_731 = tpu.unpack_subelements %get3A_730, 0 {pack_format = #tpu.pack_format<interleaved>} : vector<32xbf16> -> vector<16xf32>
        %unpack3A_732 = tpu.unpack_subelements %get3A_730, 1 {pack_format = #tpu.pack_format<interleaved>} : vector<32xbf16> -> vector<16xf32>
        %mul3A_733 = vector.broadcast %squeeze3A_727 : f32 to vector<16xf32>
        %mul3A_734 = arith.mulf %mul3A_733, %unpack3A_731 : vector<16xf32>
        %add3A_735 = arith.addf %add3A_718, %mul3A_734 : vector<16xf32>
        %mul3A_736 = vector.broadcast %squeeze3A_727 : f32 to vector<16xf32>
        %mul3A_737 = arith.mulf %mul3A_736, %unpack3A_732 : vector<16xf32>
        %add3A_738 = arith.addf %add3A_721, %mul3A_737 : vector<16xf32>
        %add3A_739 = arith.constant 4 : i32
        %add3A_740 = arith.addi %mul3A_632, %add3A_739 : i32
        %add3A_741 = arith.constant 2 : i32
        %add3A_742 = arith.addi %add3A_740, %add3A_741 : i32
        %slice3A_743 = vector.extract_strided_slice %get3A_634 {offsets = [6], sizes = [1], strides = [1]} : vector<16xf32> to vector<1xf32>
        %squeeze3A_744 = vector.extract %slice3A_743[0] : f32 from vector<1xf32>
        %get3A_745 = arith.index_cast %add3A_742 : i32 to index
        %get3A_746 = arith.constant 0 : index
        %get3A_747 = tpu.vector_load %arg11[%get3A_745, %get3A_746] {strides = array<i32>} : memref<512x32xbf16, #tpu.memory_space<vmem>>, vector<32xbf16>,
        %unpack3A_748 = tpu.unpack_subelements %get3A_747, 0 {pack_format = #tpu.pack_format<interleaved>} : vector<32xbf16> -> vector<16xf32>
        %unpack3A_749 = tpu.unpack_subelements %get3A_747, 1 {pack_format = #tpu.pack_format<interleaved>} : vector<32xbf16> -> vector<16xf32>
        %mul3A_750 = vector.broadcast %squeeze3A_744 : f32 to vector<16xf32>
        %mul3A_751 = arith.mulf %mul3A_750, %unpack3A_748 : vector<16xf32>
        %add3A_752 = arith.addf %add3A_735, %mul3A_751 : vector<16xf32>
        %mul3A_753 = vector.broadcast %squeeze3A_744 : f32 to vector<16xf32>
        %mul3A_754 = arith.mulf %mul3A_753, %unpack3A_749 : vector<16xf32>
        %add3A_755 = arith.addf %add3A_738, %mul3A_754 : vector<16xf32>
        %add3A_756 = arith.constant 4 : i32
        %add3A_757 = arith.addi %mul3A_632, %add3A_756 : i32
        %add3A_758 = arith.constant 3 : i32
        %add3A_759 = arith.addi %add3A_757, %add3A_758 : i32
        %slice3A_760 = vector.extract_strided_slice %get3A_634 {offsets = [7], sizes = [1], strides = [1]} : vector<16xf32> to vector<1xf32>
        %squeeze3A_761 = vector.extract %slice3A_760[0] : f32 from vector<1xf32>
        %get3A_762 = arith.index_cast %add3A_759 : i32 to index
        %get3A_763 = arith.constant 0 : index
        %get3A_764 = tpu.vector_load %arg11[%get3A_762, %get3A_763] {strides = array<i32>} : memref<512x32xbf16, #tpu.memory_space<vmem>>, vector<32xbf16>,
        %unpack3A_765 = tpu.unpack_subelements %get3A_764, 0 {pack_format = #tpu.pack_format<interleaved>} : vector<32xbf16> -> vector<16xf32>
        %unpack3A_766 = tpu.unpack_subelements %get3A_764, 1 {pack_format = #tpu.pack_format<interleaved>} : vector<32xbf16> -> vector<16xf32>
        %mul3A_767 = vector.broadcast %squeeze3A_761 : f32 to vector<16xf32>
        %mul3A_768 = arith.mulf %mul3A_767, %unpack3A_765 : vector<16xf32>
        %add3A_769 = arith.addf %add3A_752, %mul3A_768 : vector<16xf32>
        %mul3A_770 = vector.broadcast %squeeze3A_761 : f32 to vector<16xf32>
        %mul3A_771 = arith.mulf %mul3A_770, %unpack3A_766 : vector<16xf32>
        %add3A_772 = arith.addf %add3A_755, %mul3A_771 : vector<16xf32>
        %add3A_773 = arith.constant 8 : i32
        %add3A_774 = arith.addi %mul3A_632, %add3A_773 : i32
        %add3A_775 = arith.constant 0 : i32
        %add3A_776 = arith.addi %add3A_774, %add3A_775 : i32
        %slice3A_777 = vector.extract_strided_slice %get3A_634 {offsets = [8], sizes = [1], strides = [1]} : vector<16xf32> to vector<1xf32>
        %squeeze3A_778 = vector.extract %slice3A_777[0] : f32 from vector<1xf32>
        %get3A_779 = arith.index_cast %add3A_776 : i32 to index
        %get3A_780 = arith.constant 0 : index
        %get3A_781 = tpu.vector_load %arg11[%get3A_779, %get3A_780] {strides = array<i32>} : memref<512x32xbf16, #tpu.memory_space<vmem>>, vector<32xbf16>,
        %unpack3A_782 = tpu.unpack_subelements %get3A_781, 0 {pack_format = #tpu.pack_format<interleaved>} : vector<32xbf16> -> vector<16xf32>
        %unpack3A_783 = tpu.unpack_subelements %get3A_781, 1 {pack_format = #tpu.pack_format<interleaved>} : vector<32xbf16> -> vector<16xf32>
        %mul3A_784 = vector.broadcast %squeeze3A_778 : f32 to vector<16xf32>
        %mul3A_785 = arith.mulf %mul3A_784, %unpack3A_782 : vector<16xf32>
        %add3A_786 = arith.addf %scan3A_619, %mul3A_785 : vector<16xf32>
        %mul3A_787 = vector.broadcast %squeeze3A_778 : f32 to vector<16xf32>
        %mul3A_788 = arith.mulf %mul3A_787, %unpack3A_783 : vector<16xf32>
        %add3A_789 = arith.addf %scan3A_620, %mul3A_788 : vector<16xf32>
        %add3A_790 = arith.constant 8 : i32
        %add3A_791 = arith.addi %mul3A_632, %add3A_790 : i32
        %add3A_792 = arith.constant 1 : i32
        %add3A_793 = arith.addi %add3A_791, %add3A_792 : i32
        %slice3A_794 = vector.extract_strided_slice %get3A_634 {offsets = [9], sizes = [1], strides = [1]} : vector<16xf32> to vector<1xf32>
        %squeeze3A_795 = vector.extract %slice3A_794[0] : f32 from vector<1xf32>
        %get3A_796 = arith.index_cast %add3A_793 : i32 to index
        %get3A_797 = arith.constant 0 : index
        %get3A_798 = tpu.vector_load %arg11[%get3A_796, %get3A_797] {strides = array<i32>} : memref<512x32xbf16, #tpu.memory_space<vmem>>, vector<32xbf16>,
        %unpack3A_799 = tpu.unpack_subelements %get3A_798, 0 {pack_format = #tpu.pack_format<interleaved>} : vector<32xbf16> -> vector<16xf32>
        %unpack3A_800 = tpu.unpack_subelements %get3A_798, 1 {pack_format = #tpu.pack_format<interleaved>} : vector<32xbf16> -> vector<16xf32>
        %mul3A_801 = vector.broadcast %squeeze3A_795 : f32 to vector<16xf32>
        %mul3A_802 = arith.mulf %mul3A_801, %unpack3A_799 : vector<16xf32>
        %add3A_803 = arith.addf %add3A_786, %mul3A_802 : vector<16xf32>
        %mul3A_804 = vector.broadcast %squeeze3A_795 : f32 to vector<16xf32>
        %mul3A_805 = arith.mulf %mul3A_804, %unpack3A_800 : vector<16xf32>
        %add3A_806 = arith.addf %add3A_789, %mul3A_805 : vector<16xf32>
        %add3A_807 = arith.constant 8 : i32
        %add3A_808 = arith.addi %mul3A_632, %add3A_807 : i32
        %add3A_809 = arith.constant 2 : i32
        %add3A_810 = arith.addi %add3A_808, %add3A_809 : i32
        %slice3A_811 = vector.extract_strided_slice %get3A_634 {offsets = [10], sizes = [1], strides = [1]} : vector<16xf32> to vector<1xf32>
        %squeeze3A_812 = vector.extract %slice3A_811[0] : f32 from vector<1xf32>
        %get3A_813 = arith.index_cast %add3A_810 : i32 to index
        %get3A_814 = arith.constant 0 : index
        %get3A_815 = tpu.vector_load %arg11[%get3A_813, %get3A_814] {strides = array<i32>} : memref<512x32xbf16, #tpu.memory_space<vmem>>, vector<32xbf16>,
        %unpack3A_816 = tpu.unpack_subelements %get3A_815, 0 {pack_format = #tpu.pack_format<interleaved>} : vector<32xbf16> -> vector<16xf32>
        %unpack3A_817 = tpu.unpack_subelements %get3A_815, 1 {pack_format = #tpu.pack_format<interleaved>} : vector<32xbf16> -> vector<16xf32>
        %mul3A_818 = vector.broadcast %squeeze3A_812 : f32 to vector<16xf32>
        %mul3A_819 = arith.mulf %mul3A_818, %unpack3A_816 : vector<16xf32>
        %add3A_820 = arith.addf %add3A_803, %mul3A_819 : vector<16xf32>
        %mul3A_821 = vector.broadcast %squeeze3A_812 : f32 to vector<16xf32>
        %mul3A_822 = arith.mulf %mul3A_821, %unpack3A_817 : vector<16xf32>
        %add3A_823 = arith.addf %add3A_806, %mul3A_822 : vector<16xf32>
        %add3A_824 = arith.constant 8 : i32
        %add3A_825 = arith.addi %mul3A_632, %add3A_824 : i32
        %add3A_826 = arith.constant 3 : i32
        %add3A_827 = arith.addi %add3A_825, %add3A_826 : i32
        %slice3A_828 = vector.extract_strided_slice %get3A_634 {offsets = [11], sizes = [1], strides = [1]} : vector<16xf32> to vector<1xf32>
        %squeeze3A_829 = vector.extract %slice3A_828[0] : f32 from vector<1xf32>
        %get3A_830 = arith.index_cast %add3A_827 : i32 to index
        %get3A_831 = arith.constant 0 : index
        %get3A_832 = tpu.vector_load %arg11[%get3A_830, %get3A_831] {strides = array<i32>} : memref<512x32xbf16, #tpu.memory_space<vmem>>, vector<32xbf16>,
        %unpack3A_833 = tpu.unpack_subelements %get3A_832, 0 {pack_format = #tpu.pack_format<interleaved>} : vector<32xbf16> -> vector<16xf32>
        %unpack3A_834 = tpu.unpack_subelements %get3A_832, 1 {pack_format = #tpu.pack_format<interleaved>} : vector<32xbf16> -> vector<16xf32>
        %mul3A_835 = vector.broadcast %squeeze3A_829 : f32 to vector<16xf32>
        %mul3A_836 = arith.mulf %mul3A_835, %unpack3A_833 : vector<16xf32>
        %add3A_837 = arith.addf %add3A_820, %mul3A_836 : vector<16xf32>
        %mul3A_838 = vector.broadcast %squeeze3A_829 : f32 to vector<16xf32>
        %mul3A_839 = arith.mulf %mul3A_838, %unpack3A_834 : vector<16xf32>
        %add3A_840 = arith.addf %add3A_823, %mul3A_839 : vector<16xf32>
        %add3A_841 = arith.constant 12 : i32
        %add3A_842 = arith.addi %mul3A_632, %add3A_841 : i32
        %add3A_843 = arith.constant 0 : i32
        %add3A_844 = arith.addi %add3A_842, %add3A_843 : i32
        %slice3A_845 = vector.extract_strided_slice %get3A_634 {offsets = [12], sizes = [1], strides = [1]} : vector<16xf32> to vector<1xf32>
        %squeeze3A_846 = vector.extract %slice3A_845[0] : f32 from vector<1xf32>
        %get3A_847 = arith.index_cast %add3A_844 : i32 to index
        %get3A_848 = arith.constant 0 : index
        %get3A_849 = tpu.vector_load %arg11[%get3A_847, %get3A_848] {strides = array<i32>} : memref<512x32xbf16, #tpu.memory_space<vmem>>, vector<32xbf16>,
        %unpack3A_850 = tpu.unpack_subelements %get3A_849, 0 {pack_format = #tpu.pack_format<interleaved>} : vector<32xbf16> -> vector<16xf32>
        %unpack3A_851 = tpu.unpack_subelements %get3A_849, 1 {pack_format = #tpu.pack_format<interleaved>} : vector<32xbf16> -> vector<16xf32>
        %mul3A_852 = vector.broadcast %squeeze3A_846 : f32 to vector<16xf32>
        %mul3A_853 = arith.mulf %mul3A_852, %unpack3A_850 : vector<16xf32>
        %add3A_854 = arith.addf %scan3A_621, %mul3A_853 : vector<16xf32>
        %mul3A_855 = vector.broadcast %squeeze3A_846 : f32 to vector<16xf32>
        %mul3A_856 = arith.mulf %mul3A_855, %unpack3A_851 : vector<16xf32>
        %add3A_857 = arith.addf %scan3A_622, %mul3A_856 : vector<16xf32>
        %add3A_858 = arith.constant 12 : i32
        %add3A_859 = arith.addi %mul3A_632, %add3A_858 : i32
        %add3A_860 = arith.constant 1 : i32
        %add3A_861 = arith.addi %add3A_859, %add3A_860 : i32
        %slice3A_862 = vector.extract_strided_slice %get3A_634 {offsets = [13], sizes = [1], strides = [1]} : vector<16xf32> to vector<1xf32>
        %squeeze3A_863 = vector.extract %slice3A_862[0] : f32 from vector<1xf32>
        %get3A_864 = arith.index_cast %add3A_861 : i32 to index
        %get3A_865 = arith.constant 0 : index
        %get3A_866 = tpu.vector_load %arg11[%get3A_864, %get3A_865] {strides = array<i32>} : memref<512x32xbf16, #tpu.memory_space<vmem>>, vector<32xbf16>,
        %unpack3A_867 = tpu.unpack_subelements %get3A_866, 0 {pack_format = #tpu.pack_format<interleaved>} : vector<32xbf16> -> vector<16xf32>
        %unpack3A_868 = tpu.unpack_subelements %get3A_866, 1 {pack_format = #tpu.pack_format<interleaved>} : vector<32xbf16> -> vector<16xf32>
        %mul3A_869 = vector.broadcast %squeeze3A_863 : f32 to vector<16xf32>
        %mul3A_870 = arith.mulf %mul3A_869, %unpack3A_867 : vector<16xf32>
        %add3A_871 = arith.addf %add3A_854, %mul3A_870 : vector<16xf32>
        %mul3A_872 = vector.broadcast %squeeze3A_863 : f32 to vector<16xf32>
        %mul3A_873 = arith.mulf %mul3A_872, %unpack3A_868 : vector<16xf32>
        %add3A_874 = arith.addf %add3A_857, %mul3A_873 : vector<16xf32>
        %add3A_875 = arith.constant 12 : i32
        %add3A_876 = arith.addi %mul3A_632, %add3A_875 : i32
        %add3A_877 = arith.constant 2 : i32
        %add3A_878 = arith.addi %add3A_876, %add3A_877 : i32
        %slice3A_879 = vector.extract_strided_slice %get3A_634 {offsets = [14], sizes = [1], strides = [1]} : vector<16xf32> to vector<1xf32>
        %squeeze3A_880 = vector.extract %slice3A_879[0] : f32 from vector<1xf32>
        %get3A_881 = arith.index_cast %add3A_878 : i32 to index
        %get3A_882 = arith.constant 0 : index
        %get3A_883 = tpu.vector_load %arg11[%get3A_881, %get3A_882] {strides = array<i32>} : memref<512x32xbf16, #tpu.memory_space<vmem>>, vector<32xbf16>,
        %unpack3A_884 = tpu.unpack_subelements %get3A_883, 0 {pack_format = #tpu.pack_format<interleaved>} : vector<32xbf16> -> vector<16xf32>
        %unpack3A_885 = tpu.unpack_subelements %get3A_883, 1 {pack_format = #tpu.pack_format<interleaved>} : vector<32xbf16> -> vector<16xf32>
        %mul3A_886 = vector.broadcast %squeeze3A_880 : f32 to vector<16xf32>
        %mul3A_887 = arith.mulf %mul3A_886, %unpack3A_884 : vector<16xf32>
        %add3A_888 = arith.addf %add3A_871, %mul3A_887 : vector<16xf32>
        %mul3A_889 = vector.broadcast %squeeze3A_880 : f32 to vector<16xf32>
        %mul3A_890 = arith.mulf %mul3A_889, %unpack3A_885 : vector<16xf32>
        %add3A_891 = arith.addf %add3A_874, %mul3A_890 : vector<16xf32>
        %add3A_892 = arith.constant 12 : i32
        %add3A_893 = arith.addi %mul3A_632, %add3A_892 : i32
        %add3A_894 = arith.constant 3 : i32
        %add3A_895 = arith.addi %add3A_893, %add3A_894 : i32
        %slice3A_896 = vector.extract_strided_slice %get3A_634 {offsets = [15], sizes = [1], strides = [1]} : vector<16xf32> to vector<1xf32>
        %squeeze3A_897 = vector.extract %slice3A_896[0] : f32 from vector<1xf32>
        %get3A_898 = arith.index_cast %add3A_895 : i32 to index
        %get3A_899 = arith.constant 0 : index
        %get3A_900 = tpu.vector_load %arg11[%get3A_898, %get3A_899] {strides = array<i32>} : memref<512x32xbf16, #tpu.memory_space<vmem>>, vector<32xbf16>,
        %unpack3A_901 = tpu.unpack_subelements %get3A_900, 0 {pack_format = #tpu.pack_format<interleaved>} : vector<32xbf16> -> vector<16xf32>
        %unpack3A_902 = tpu.unpack_subelements %get3A_900, 1 {pack_format = #tpu.pack_format<interleaved>} : vector<32xbf16> -> vector<16xf32>
        %mul3A_903 = vector.broadcast %squeeze3A_897 : f32 to vector<16xf32>
        %mul3A_904 = arith.mulf %mul3A_903, %unpack3A_901 : vector<16xf32>
        %add3A_905 = arith.addf %add3A_888, %mul3A_904 : vector<16xf32>
        %mul3A_906 = vector.broadcast %squeeze3A_897 : f32 to vector<16xf32>
        %mul3A_907 = arith.mulf %mul3A_906, %unpack3A_902 : vector<16xf32>
        %add3A_908 = arith.addf %add3A_891, %mul3A_907 : vector<16xf32>
        %add3A_909 = arith.constant 16 : i32
        %add3A_910 = arith.addi %mul3A_632, %add3A_909 : i32
        %add3A_911 = arith.constant 0 : i32
        %add3A_912 = arith.addi %add3A_910, %add3A_911 : i32
        %slice3A_913 = vector.extract_strided_slice %get3A_639 {offsets = [0], sizes = [1], strides = [1]} : vector<16xf32> to vector<1xf32>
        %squeeze3A_914 = vector.extract %slice3A_913[0] : f32 from vector<1xf32>
        %get3A_915 = arith.index_cast %add3A_912 : i32 to index
        %get3A_916 = arith.constant 0 : index
        %get3A_917 = tpu.vector_load %arg11[%get3A_915, %get3A_916] {strides = array<i32>} : memref<512x32xbf16, #tpu.memory_space<vmem>>, vector<32xbf16>,
        %unpack3A_918 = tpu.unpack_subelements %get3A_917, 0 {pack_format = #tpu.pack_format<interleaved>} : vector<32xbf16> -> vector<16xf32>
        %unpack3A_919 = tpu.unpack_subelements %get3A_917, 1 {pack_format = #tpu.pack_format<interleaved>} : vector<32xbf16> -> vector<16xf32>
        %mul3A_920 = vector.broadcast %squeeze3A_914 : f32 to vector<16xf32>
        %mul3A_921 = arith.mulf %mul3A_920, %unpack3A_918 : vector<16xf32>
        %add3A_922 = arith.addf %scan3A_623, %mul3A_921 : vector<16xf32>
        %mul3A_923 = vector.broadcast %squeeze3A_914 : f32 to vector<16xf32>
        %mul3A_924 = arith.mulf %mul3A_923, %unpack3A_919 : vector<16xf32>
        %add3A_925 = arith.addf %scan3A_624, %mul3A_924 : vector<16xf32>
        %add3A_926 = arith.constant 16 : i32
        %add3A_927 = arith.addi %mul3A_632, %add3A_926 : i32
        %add3A_928 = arith.constant 1 : i32
        %add3A_929 = arith.addi %add3A_927, %add3A_928 : i32
        %slice3A_930 = vector.extract_strided_slice %get3A_639 {offsets = [1], sizes = [1], strides = [1]} : vector<16xf32> to vector<1xf32>
        %squeeze3A_931 = vector.extract %slice3A_930[0] : f32 from vector<1xf32>
        %get3A_932 = arith.index_cast %add3A_929 : i32 to index
        %get3A_933 = arith.constant 0 : index
        %get3A_934 = tpu.vector_load %arg11[%get3A_932, %get3A_933] {strides = array<i32>} : memref<512x32xbf16, #tpu.memory_space<vmem>>, vector<32xbf16>,
        %unpack3A_935 = tpu.unpack_subelements %get3A_934, 0 {pack_format = #tpu.pack_format<interleaved>} : vector<32xbf16> -> vector<16xf32>
        %unpack3A_936 = tpu.unpack_subelements %get3A_934, 1 {pack_format = #tpu.pack_format<interleaved>} : vector<32xbf16> -> vector<16xf32>
        %mul3A_937 = vector.broadcast %squeeze3A_931 : f32 to vector<16xf32>
        %mul3A_938 = arith.mulf %mul3A_937, %unpack3A_935 : vector<16xf32>
        %add3A_939 = arith.addf %add3A_922, %mul3A_938 : vector<16xf32>
        %mul3A_940 = vector.broadcast %squeeze3A_931 : f32 to vector<16xf32>
        %mul3A_941 = arith.mulf %mul3A_940, %unpack3A_936 : vector<16xf32>
        %add3A_942 = arith.addf %add3A_925, %mul3A_941 : vector<16xf32>
        %add3A_943 = arith.constant 16 : i32
        %add3A_944 = arith.addi %mul3A_632, %add3A_943 : i32
        %add3A_945 = arith.constant 2 : i32
        %add3A_946 = arith.addi %add3A_944, %add3A_945 : i32
        %slice3A_947 = vector.extract_strided_slice %get3A_639 {offsets = [2], sizes = [1], strides = [1]} : vector<16xf32> to vector<1xf32>
        %squeeze3A_948 = vector.extract %slice3A_947[0] : f32 from vector<1xf32>
        %get3A_949 = arith.index_cast %add3A_946 : i32 to index
        %get3A_950 = arith.constant 0 : index
        %get3A_951 = tpu.vector_load %arg11[%get3A_949, %get3A_950] {strides = array<i32>} : memref<512x32xbf16, #tpu.memory_space<vmem>>, vector<32xbf16>,
        %unpack3A_952 = tpu.unpack_subelements %get3A_951, 0 {pack_format = #tpu.pack_format<interleaved>} : vector<32xbf16> -> vector<16xf32>
        %unpack3A_953 = tpu.unpack_subelements %get3A_951, 1 {pack_format = #tpu.pack_format<interleaved>} : vector<32xbf16> -> vector<16xf32>
        %mul3A_954 = vector.broadcast %squeeze3A_948 : f32 to vector<16xf32>
        %mul3A_955 = arith.mulf %mul3A_954, %unpack3A_952 : vector<16xf32>
        %add3A_956 = arith.addf %add3A_939, %mul3A_955 : vector<16xf32>
        %mul3A_957 = vector.broadcast %squeeze3A_948 : f32 to vector<16xf32>
        %mul3A_958 = arith.mulf %mul3A_957, %unpack3A_953 : vector<16xf32>
        %add3A_959 = arith.addf %add3A_942, %mul3A_958 : vector<16xf32>
        %add3A_960 = arith.constant 16 : i32
        %add3A_961 = arith.addi %mul3A_632, %add3A_960 : i32
        %add3A_962 = arith.constant 3 : i32
        %add3A_963 = arith.addi %add3A_961, %add3A_962 : i32
        %slice3A_964 = vector.extract_strided_slice %get3A_639 {offsets = [3], sizes = [1], strides = [1]} : vector<16xf32> to vector<1xf32>
        %squeeze3A_965 = vector.extract %slice3A_964[0] : f32 from vector<1xf32>
        %get3A_966 = arith.index_cast %add3A_963 : i32 to index
        %get3A_967 = arith.constant 0 : index
        %get3A_968 = tpu.vector_load %arg11[%get3A_966, %get3A_967] {strides = array<i32>} : memref<512x32xbf16, #tpu.memory_space<vmem>>, vector<32xbf16>,
        %unpack3A_969 = tpu.unpack_subelements %get3A_968, 0 {pack_format = #tpu.pack_format<interleaved>} : vector<32xbf16> -> vector<16xf32>
        %unpack3A_970 = tpu.unpack_subelements %get3A_968, 1 {pack_format = #tpu.pack_format<interleaved>} : vector<32xbf16> -> vector<16xf32>
        %mul3A_971 = vector.broadcast %squeeze3A_965 : f32 to vector<16xf32>
        %mul3A_972 = arith.mulf %mul3A_971, %unpack3A_969 : vector<16xf32>
        %add3A_973 = arith.addf %add3A_956, %mul3A_972 : vector<16xf32>
        %mul3A_974 = vector.broadcast %squeeze3A_965 : f32 to vector<16xf32>
        %mul3A_975 = arith.mulf %mul3A_974, %unpack3A_970 : vector<16xf32>
        %add3A_976 = arith.addf %add3A_959, %mul3A_975 : vector<16xf32>
        %add3A_977 = arith.constant 20 : i32
        %add3A_978 = arith.addi %mul3A_632, %add3A_977 : i32
        %add3A_979 = arith.constant 0 : i32
        %add3A_980 = arith.addi %add3A_978, %add3A_979 : i32
        %slice3A_981 = vector.extract_strided_slice %get3A_639 {offsets = [4], sizes = [1], strides = [1]} : vector<16xf32> to vector<1xf32>
        %squeeze3A_982 = vector.extract %slice3A_981[0] : f32 from vector<1xf32>
        %get3A_983 = arith.index_cast %add3A_980 : i32 to index
        %get3A_984 = arith.constant 0 : index
        %get3A_985 = tpu.vector_load %arg11[%get3A_983, %get3A_984] {strides = array<i32>} : memref<512x32xbf16, #tpu.memory_space<vmem>>, vector<32xbf16>,
        %unpack3A_986 = tpu.unpack_subelements %get3A_985, 0 {pack_format = #tpu.pack_format<interleaved>} : vector<32xbf16> -> vector<16xf32>
        %unpack3A_987 = tpu.unpack_subelements %get3A_985, 1 {pack_format = #tpu.pack_format<interleaved>} : vector<32xbf16> -> vector<16xf32>
        %mul3A_988 = vector.broadcast %squeeze3A_982 : f32 to vector<16xf32>
        %mul3A_989 = arith.mulf %mul3A_988, %unpack3A_986 : vector<16xf32>
        %add3A_990 = arith.addf %scan3A_625, %mul3A_989 : vector<16xf32>
        %mul3A_991 = vector.broadcast %squeeze3A_982 : f32 to vector<16xf32>
        %mul3A_992 = arith.mulf %mul3A_991, %unpack3A_987 : vector<16xf32>
        %add3A_993 = arith.addf %scan3A_626, %mul3A_992 : vector<16xf32>
        %add3A_994 = arith.constant 20 : i32
        %add3A_995 = arith.addi %mul3A_632, %add3A_994 : i32
        %add3A_996 = arith.constant 1 : i32
        %add3A_997 = arith.addi %add3A_995, %add3A_996 : i32
        %slice3A_998 = vector.extract_strided_slice %get3A_639 {offsets = [5], sizes = [1], strides = [1]} : vector<16xf32> to vector<1xf32>
        %squeeze3A_999 = vector.extract %slice3A_998[0] : f32 from vector<1xf32>
        %get3A_1000 = arith.index_cast %add3A_997 : i32 to index
        %get3A_1001 = arith.constant 0 : index
        %get3A_1002 = tpu.vector_load %arg11[%get3A_1000, %get3A_1001] {strides = array<i32>} : memref<512x32xbf16, #tpu.memory_space<vmem>>, vector<32xbf16>,
        %unpack3A_1003 = tpu.unpack_subelements %get3A_1002, 0 {pack_format = #tpu.pack_format<interleaved>} : vector<32xbf16> -> vector<16xf32>
        %unpack3A_1004 = tpu.unpack_subelements %get3A_1002, 1 {pack_format = #tpu.pack_format<interleaved>} : vector<32xbf16> -> vector<16xf32>
        %mul3A_1005 = vector.broadcast %squeeze3A_999 : f32 to vector<16xf32>
        %mul3A_1006 = arith.mulf %mul3A_1005, %unpack3A_1003 : vector<16xf32>
        %add3A_1007 = arith.addf %add3A_990, %mul3A_1006 : vector<16xf32>
        %mul3A_1008 = vector.broadcast %squeeze3A_999 : f32 to vector<16xf32>
        %mul3A_1009 = arith.mulf %mul3A_1008, %unpack3A_1004 : vector<16xf32>
        %add3A_1010 = arith.addf %add3A_993, %mul3A_1009 : vector<16xf32>
        %add3A_1011 = arith.constant 20 : i32
        %add3A_1012 = arith.addi %mul3A_632, %add3A_1011 : i32
        %add3A_1013 = arith.constant 2 : i32
        %add3A_1014 = arith.addi %add3A_1012, %add3A_1013 : i32
        %slice3A_1015 = vector.extract_strided_slice %get3A_639 {offsets = [6], sizes = [1], strides = [1]} : vector<16xf32> to vector<1xf32>
        %squeeze3A_1016 = vector.extract %slice3A_1015[0] : f32 from vector<1xf32>
        %get3A_1017 = arith.index_cast %add3A_1014 : i32 to index
        %get3A_1018 = arith.constant 0 : index
        %get3A_1019 = tpu.vector_load %arg11[%get3A_1017, %get3A_1018] {strides = array<i32>} : memref<512x32xbf16, #tpu.memory_space<vmem>>, vector<32xbf16>,
        %unpack3A_1020 = tpu.unpack_subelements %get3A_1019, 0 {pack_format = #tpu.pack_format<interleaved>} : vector<32xbf16> -> vector<16xf32>
        %unpack3A_1021 = tpu.unpack_subelements %get3A_1019, 1 {pack_format = #tpu.pack_format<interleaved>} : vector<32xbf16> -> vector<16xf32>
        %mul3A_1022 = vector.broadcast %squeeze3A_1016 : f32 to vector<16xf32>
        %mul3A_1023 = arith.mulf %mul3A_1022, %unpack3A_1020 : vector<16xf32>
        %add3A_1024 = arith.addf %add3A_1007, %mul3A_1023 : vector<16xf32>
        %mul3A_1025 = vector.broadcast %squeeze3A_1016 : f32 to vector<16xf32>
        %mul3A_1026 = arith.mulf %mul3A_1025, %unpack3A_1021 : vector<16xf32>
        %add3A_1027 = arith.addf %add3A_1010, %mul3A_1026 : vector<16xf32>
        %add3A_1028 = arith.constant 20 : i32
        %add3A_1029 = arith.addi %mul3A_632, %add3A_1028 : i32
        %add3A_1030 = arith.constant 3 : i32
        %add3A_1031 = arith.addi %add3A_1029, %add3A_1030 : i32
        %slice3A_1032 = vector.extract_strided_slice %get3A_639 {offsets = [7], sizes = [1], strides = [1]} : vector<16xf32> to vector<1xf32>
        %squeeze3A_1033 = vector.extract %slice3A_1032[0] : f32 from vector<1xf32>
        %get3A_1034 = arith.index_cast %add3A_1031 : i32 to index
        %get3A_1035 = arith.constant 0 : index
        %get3A_1036 = tpu.vector_load %arg11[%get3A_1034, %get3A_1035] {strides = array<i32>} : memref<512x32xbf16, #tpu.memory_space<vmem>>, vector<32xbf16>,
        %unpack3A_1037 = tpu.unpack_subelements %get3A_1036, 0 {pack_format = #tpu.pack_format<interleaved>} : vector<32xbf16> -> vector<16xf32>
        %unpack3A_1038 = tpu.unpack_subelements %get3A_1036, 1 {pack_format = #tpu.pack_format<interleaved>} : vector<32xbf16> -> vector<16xf32>
        %mul3A_1039 = vector.broadcast %squeeze3A_1033 : f32 to vector<16xf32>
        %mul3A_1040 = arith.mulf %mul3A_1039, %unpack3A_1037 : vector<16xf32>
        %add3A_1041 = arith.addf %add3A_1024, %mul3A_1040 : vector<16xf32>
        %mul3A_1042 = vector.broadcast %squeeze3A_1033 : f32 to vector<16xf32>
        %mul3A_1043 = arith.mulf %mul3A_1042, %unpack3A_1038 : vector<16xf32>
        %add3A_1044 = arith.addf %add3A_1027, %mul3A_1043 : vector<16xf32>
        %add3A_1045 = arith.constant 24 : i32
        %add3A_1046 = arith.addi %mul3A_632, %add3A_1045 : i32
        %add3A_1047 = arith.constant 0 : i32
        %add3A_1048 = arith.addi %add3A_1046, %add3A_1047 : i32
        %slice3A_1049 = vector.extract_strided_slice %get3A_639 {offsets = [8], sizes = [1], strides = [1]} : vector<16xf32> to vector<1xf32>
        %squeeze3A_1050 = vector.extract %slice3A_1049[0] : f32 from vector<1xf32>
        %get3A_1051 = arith.index_cast %add3A_1048 : i32 to index
        %get3A_1052 = arith.constant 0 : index
        %get3A_1053 = tpu.vector_load %arg11[%get3A_1051, %get3A_1052] {strides = array<i32>} : memref<512x32xbf16, #tpu.memory_space<vmem>>, vector<32xbf16>,
        %unpack3A_1054 = tpu.unpack_subelements %get3A_1053, 0 {pack_format = #tpu.pack_format<interleaved>} : vector<32xbf16> -> vector<16xf32>
        %unpack3A_1055 = tpu.unpack_subelements %get3A_1053, 1 {pack_format = #tpu.pack_format<interleaved>} : vector<32xbf16> -> vector<16xf32>
        %mul3A_1056 = vector.broadcast %squeeze3A_1050 : f32 to vector<16xf32>
        %mul3A_1057 = arith.mulf %mul3A_1056, %unpack3A_1054 : vector<16xf32>
        %add3A_1058 = arith.addf %scan3A_627, %mul3A_1057 : vector<16xf32>
        %mul3A_1059 = vector.broadcast %squeeze3A_1050 : f32 to vector<16xf32>
        %mul3A_1060 = arith.mulf %mul3A_1059, %unpack3A_1055 : vector<16xf32>
        %add3A_1061 = arith.addf %scan3A_628, %mul3A_1060 : vector<16xf32>
        %add3A_1062 = arith.constant 24 : i32
        %add3A_1063 = arith.addi %mul3A_632, %add3A_1062 : i32
        %add3A_1064 = arith.constant 1 : i32
        %add3A_1065 = arith.addi %add3A_1063, %add3A_1064 : i32
        %slice3A_1066 = vector.extract_strided_slice %get3A_639 {offsets = [9], sizes = [1], strides = [1]} : vector<16xf32> to vector<1xf32>
        %squeeze3A_1067 = vector.extract %slice3A_1066[0] : f32 from vector<1xf32>
        %get3A_1068 = arith.index_cast %add3A_1065 : i32 to index
        %get3A_1069 = arith.constant 0 : index
        %get3A_1070 = tpu.vector_load %arg11[%get3A_1068, %get3A_1069] {strides = array<i32>} : memref<512x32xbf16, #tpu.memory_space<vmem>>, vector<32xbf16>,
        %unpack3A_1071 = tpu.unpack_subelements %get3A_1070, 0 {pack_format = #tpu.pack_format<interleaved>} : vector<32xbf16> -> vector<16xf32>
        %unpack3A_1072 = tpu.unpack_subelements %get3A_1070, 1 {pack_format = #tpu.pack_format<interleaved>} : vector<32xbf16> -> vector<16xf32>
        %mul3A_1073 = vector.broadcast %squeeze3A_1067 : f32 to vector<16xf32>
        %mul3A_1074 = arith.mulf %mul3A_1073, %unpack3A_1071 : vector<16xf32>
        %add3A_1075 = arith.addf %add3A_1058, %mul3A_1074 : vector<16xf32>
        %mul3A_1076 = vector.broadcast %squeeze3A_1067 : f32 to vector<16xf32>
        %mul3A_1077 = arith.mulf %mul3A_1076, %unpack3A_1072 : vector<16xf32>
        %add3A_1078 = arith.addf %add3A_1061, %mul3A_1077 : vector<16xf32>
        %add3A_1079 = arith.constant 24 : i32
        %add3A_1080 = arith.addi %mul3A_632, %add3A_1079 : i32
        %add3A_1081 = arith.constant 2 : i32
        %add3A_1082 = arith.addi %add3A_1080, %add3A_1081 : i32
        %slice3A_1083 = vector.extract_strided_slice %get3A_639 {offsets = [10], sizes = [1], strides = [1]} : vector<16xf32> to vector<1xf32>
        %squeeze3A_1084 = vector.extract %slice3A_1083[0] : f32 from vector<1xf32>
        %get3A_1085 = arith.index_cast %add3A_1082 : i32 to index
        %get3A_1086 = arith.constant 0 : index
        %get3A_1087 = tpu.vector_load %arg11[%get3A_1085, %get3A_1086] {strides = array<i32>} : memref<512x32xbf16, #tpu.memory_space<vmem>>, vector<32xbf16>,
        %unpack3A_1088 = tpu.unpack_subelements %get3A_1087, 0 {pack_format = #tpu.pack_format<interleaved>} : vector<32xbf16> -> vector<16xf32>
        %unpack3A_1089 = tpu.unpack_subelements %get3A_1087, 1 {pack_format = #tpu.pack_format<interleaved>} : vector<32xbf16> -> vector<16xf32>
        %mul3A_1090 = vector.broadcast %squeeze3A_1084 : f32 to vector<16xf32>
        %mul3A_1091 = arith.mulf %mul3A_1090, %unpack3A_1088 : vector<16xf32>
        %add3A_1092 = arith.addf %add3A_1075, %mul3A_1091 : vector<16xf32>
        %mul3A_1093 = vector.broadcast %squeeze3A_1084 : f32 to vector<16xf32>
        %mul3A_1094 = arith.mulf %mul3A_1093, %unpack3A_1089 : vector<16xf32>
        %add3A_1095 = arith.addf %add3A_1078, %mul3A_1094 : vector<16xf32>
        %add3A_1096 = arith.constant 24 : i32
        %add3A_1097 = arith.addi %mul3A_632, %add3A_1096 : i32
        %add3A_1098 = arith.constant 3 : i32
        %add3A_1099 = arith.addi %add3A_1097, %add3A_1098 : i32
        %slice3A_1100 = vector.extract_strided_slice %get3A_639 {offsets = [11], sizes = [1], strides = [1]} : vector<16xf32> to vector<1xf32>
        %squeeze3A_1101 = vector.extract %slice3A_1100[0] : f32 from vector<1xf32>
        %get3A_1102 = arith.index_cast %add3A_1099 : i32 to index
        %get3A_1103 = arith.constant 0 : index
        %get3A_1104 = tpu.vector_load %arg11[%get3A_1102, %get3A_1103] {strides = array<i32>} : memref<512x32xbf16, #tpu.memory_space<vmem>>, vector<32xbf16>,
        %unpack3A_1105 = tpu.unpack_subelements %get3A_1104, 0 {pack_format = #tpu.pack_format<interleaved>} : vector<32xbf16> -> vector<16xf32>
        %unpack3A_1106 = tpu.unpack_subelements %get3A_1104, 1 {pack_format = #tpu.pack_format<interleaved>} : vector<32xbf16> -> vector<16xf32>
        %mul3A_1107 = vector.broadcast %squeeze3A_1101 : f32 to vector<16xf32>
        %mul3A_1108 = arith.mulf %mul3A_1107, %unpack3A_1105 : vector<16xf32>
        %add3A_1109 = arith.addf %add3A_1092, %mul3A_1108 : vector<16xf32>
        %mul3A_1110 = vector.broadcast %squeeze3A_1101 : f32 to vector<16xf32>
        %mul3A_1111 = arith.mulf %mul3A_1110, %unpack3A_1106 : vector<16xf32>
        %add3A_1112 = arith.addf %add3A_1095, %mul3A_1111 : vector<16xf32>
        %add3A_1113 = arith.constant 28 : i32
        %add3A_1114 = arith.addi %mul3A_632, %add3A_1113 : i32
        %add3A_1115 = arith.constant 0 : i32
        %add3A_1116 = arith.addi %add3A_1114, %add3A_1115 : i32
        %slice3A_1117 = vector.extract_strided_slice %get3A_639 {offsets = [12], sizes = [1], strides = [1]} : vector<16xf32> to vector<1xf32>
        %squeeze3A_1118 = vector.extract %slice3A_1117[0] : f32 from vector<1xf32>
        %get3A_1119 = arith.index_cast %add3A_1116 : i32 to index
        %get3A_1120 = arith.constant 0 : index
        %get3A_1121 = tpu.vector_load %arg11[%get3A_1119, %get3A_1120] {strides = array<i32>} : memref<512x32xbf16, #tpu.memory_space<vmem>>, vector<32xbf16>,
        %unpack3A_1122 = tpu.unpack_subelements %get3A_1121, 0 {pack_format = #tpu.pack_format<interleaved>} : vector<32xbf16> -> vector<16xf32>
        %unpack3A_1123 = tpu.unpack_subelements %get3A_1121, 1 {pack_format = #tpu.pack_format<interleaved>} : vector<32xbf16> -> vector<16xf32>
        %mul3A_1124 = vector.broadcast %squeeze3A_1118 : f32 to vector<16xf32>
        %mul3A_1125 = arith.mulf %mul3A_1124, %unpack3A_1122 : vector<16xf32>
        %add3A_1126 = arith.addf %scan3A_629, %mul3A_1125 : vector<16xf32>
        %mul3A_1127 = vector.broadcast %squeeze3A_1118 : f32 to vector<16xf32>
        %mul3A_1128 = arith.mulf %mul3A_1127, %unpack3A_1123 : vector<16xf32>
        %add3A_1129 = arith.addf %scan3A_630, %mul3A_1128 : vector<16xf32>
        %add3A_1130 = arith.constant 28 : i32
        %add3A_1131 = arith.addi %mul3A_632, %add3A_1130 : i32
        %add3A_1132 = arith.constant 1 : i32
        %add3A_1133 = arith.addi %add3A_1131, %add3A_1132 : i32
        %slice3A_1134 = vector.extract_strided_slice %get3A_639 {offsets = [13], sizes = [1], strides = [1]} : vector<16xf32> to vector<1xf32>
        %squeeze3A_1135 = vector.extract %slice3A_1134[0] : f32 from vector<1xf32>
        %get3A_1136 = arith.index_cast %add3A_1133 : i32 to index
        %get3A_1137 = arith.constant 0 : index
        %get3A_1138 = tpu.vector_load %arg11[%get3A_1136, %get3A_1137] {strides = array<i32>} : memref<512x32xbf16, #tpu.memory_space<vmem>>, vector<32xbf16>,
        %unpack3A_1139 = tpu.unpack_subelements %get3A_1138, 0 {pack_format = #tpu.pack_format<interleaved>} : vector<32xbf16> -> vector<16xf32>
        %unpack3A_1140 = tpu.unpack_subelements %get3A_1138, 1 {pack_format = #tpu.pack_format<interleaved>} : vector<32xbf16> -> vector<16xf32>
        %mul3A_1141 = vector.broadcast %squeeze3A_1135 : f32 to vector<16xf32>
        %mul3A_1142 = arith.mulf %mul3A_1141, %unpack3A_1139 : vector<16xf32>
        %add3A_1143 = arith.addf %add3A_1126, %mul3A_1142 : vector<16xf32>
        %mul3A_1144 = vector.broadcast %squeeze3A_1135 : f32 to vector<16xf32>
        %mul3A_1145 = arith.mulf %mul3A_1144, %unpack3A_1140 : vector<16xf32>
        %add3A_1146 = arith.addf %add3A_1129, %mul3A_1145 : vector<16xf32>
        %add3A_1147 = arith.constant 28 : i32
        %add3A_1148 = arith.addi %mul3A_632, %add3A_1147 : i32
        %add3A_1149 = arith.constant 2 : i32
        %add3A_1150 = arith.addi %add3A_1148, %add3A_1149 : i32
        %slice3A_1151 = vector.extract_strided_slice %get3A_639 {offsets = [14], sizes = [1], strides = [1]} : vector<16xf32> to vector<1xf32>
        %squeeze3A_1152 = vector.extract %slice3A_1151[0] : f32 from vector<1xf32>
        %get3A_1153 = arith.index_cast %add3A_1150 : i32 to index
        %get3A_1154 = arith.constant 0 : index
        %get3A_1155 = tpu.vector_load %arg11[%get3A_1153, %get3A_1154] {strides = array<i32>} : memref<512x32xbf16, #tpu.memory_space<vmem>>, vector<32xbf16>,
        %unpack3A_1156 = tpu.unpack_subelements %get3A_1155, 0 {pack_format = #tpu.pack_format<interleaved>} : vector<32xbf16> -> vector<16xf32>
        %unpack3A_1157 = tpu.unpack_subelements %get3A_1155, 1 {pack_format = #tpu.pack_format<interleaved>} : vector<32xbf16> -> vector<16xf32>
        %mul3A_1158 = vector.broadcast %squeeze3A_1152 : f32 to vector<16xf32>
        %mul3A_1159 = arith.mulf %mul3A_1158, %unpack3A_1156 : vector<16xf32>
        %add3A_1160 = arith.addf %add3A_1143, %mul3A_1159 : vector<16xf32>
        %mul3A_1161 = vector.broadcast %squeeze3A_1152 : f32 to vector<16xf32>
        %mul3A_1162 = arith.mulf %mul3A_1161, %unpack3A_1157 : vector<16xf32>
        %add3A_1163 = arith.addf %add3A_1146, %mul3A_1162 : vector<16xf32>
        %add3A_1164 = arith.constant 28 : i32
        %add3A_1165 = arith.addi %mul3A_632, %add3A_1164 : i32
        %add3A_1166 = arith.constant 3 : i32
        %add3A_1167 = arith.addi %add3A_1165, %add3A_1166 : i32
        %slice3A_1168 = vector.extract_strided_slice %get3A_639 {offsets = [15], sizes = [1], strides = [1]} : vector<16xf32> to vector<1xf32>
        %squeeze3A_1169 = vector.extract %slice3A_1168[0] : f32 from vector<1xf32>
        %get3A_1170 = arith.index_cast %add3A_1167 : i32 to index
        %get3A_1171 = arith.constant 0 : index
        %get3A_1172 = tpu.vector_load %arg11[%get3A_1170, %get3A_1171] {strides = array<i32>} : memref<512x32xbf16, #tpu.memory_space<vmem>>, vector<32xbf16>,
        %unpack3A_1173 = tpu.unpack_subelements %get3A_1172, 0 {pack_format = #tpu.pack_format<interleaved>} : vector<32xbf16> -> vector<16xf32>
        %unpack3A_1174 = tpu.unpack_subelements %get3A_1172, 1 {pack_format = #tpu.pack_format<interleaved>} : vector<32xbf16> -> vector<16xf32>
        %mul3A_1175 = vector.broadcast %squeeze3A_1169 : f32 to vector<16xf32>
        %mul3A_1176 = arith.mulf %mul3A_1175, %unpack3A_1173 : vector<16xf32>
        %add3A_1177 = arith.addf %add3A_1160, %mul3A_1176 : vector<16xf32>
        %mul3A_1178 = vector.broadcast %squeeze3A_1169 : f32 to vector<16xf32>
        %mul3A_1179 = arith.mulf %mul3A_1178, %unpack3A_1174 : vector<16xf32>
        %add3A_1180 = arith.addf %add3A_1163, %mul3A_1179 : vector<16xf32>
        scf.yield %add3A_701, %add3A_704, %add3A_769, %add3A_772, %add3A_837, %add3A_840, %add3A_905, %add3A_908, %add3A_973, %add3A_976, %add3A_1041, %add3A_1044, %add3A_1109, %add3A_1112, %add3A_1177, %add3A_1180 : vector<16xf32>, vector<16xf32>, vector<16xf32>, vector<16xf32>, vector<16xf32>, vector<16xf32>, vector<16xf32>, vector<16xf32>, vector<16xf32>, vector<16xf32>, vector<16xf32>, vector<16xf32>, vector<16xf32>, vector<16xf32>, vector<16xf32>, vector<16xf32>
      }
      %scan3A_523 = arith.constant 16 : i32
      %swap3A_524 = arith.index_cast %add3A_515 : i32 to index
      %swap3A_525 = arith.constant 0 : index
      %swap3A_526 = tpu.vector_load %arg12[%swap3A_524, %swap3A_525] {strides = array<i32>} : memref<64x256xf32, #tpu.memory_space<vmem>>, vector<16xf32>,
      tpu.vector_store %arg12[%swap3A_524, %swap3A_525], %scan3A_522#0 {strides = array<i32>} : memref<64x256xf32, #tpu.memory_space<vmem>>, vector<16xf32>,
      %swap3A_527 = arith.index_cast %add3A_515 : i32 to index
      %swap3A_528 = arith.constant 16 : index
      %swap3A_529 = tpu.vector_load %arg12[%swap3A_527, %swap3A_528] {strides = array<i32>} : memref<64x256xf32, #tpu.memory_space<vmem>>, vector<16xf32>,
      tpu.vector_store %arg12[%swap3A_527, %swap3A_528], %scan3A_522#1 {strides = array<i32>} : memref<64x256xf32, #tpu.memory_space<vmem>>, vector<16xf32>,
      %swap3A_530 = arith.index_cast %add3A_515 : i32 to index
      %swap3A_531 = arith.constant 32 : index
      %swap3A_532 = tpu.vector_load %arg12[%swap3A_530, %swap3A_531] {strides = array<i32>} : memref<64x256xf32, #tpu.memory_space<vmem>>, vector<16xf32>,
      tpu.vector_store %arg12[%swap3A_530, %swap3A_531], %scan3A_522#2 {strides = array<i32>} : memref<64x256xf32, #tpu.memory_space<vmem>>, vector<16xf32>,
      %swap3A_533 = arith.index_cast %add3A_515 : i32 to index
      %swap3A_534 = arith.constant 48 : index
      %swap3A_535 = tpu.vector_load %arg12[%swap3A_533, %swap3A_534] {strides = array<i32>} : memref<64x256xf32, #tpu.memory_space<vmem>>, vector<16xf32>,
      tpu.vector_store %arg12[%swap3A_533, %swap3A_534], %scan3A_522#3 {strides = array<i32>} : memref<64x256xf32, #tpu.memory_space<vmem>>, vector<16xf32>,
      %swap3A_536 = arith.index_cast %add3A_515 : i32 to index
      %swap3A_537 = arith.constant 64 : index
      %swap3A_538 = tpu.vector_load %arg12[%swap3A_536, %swap3A_537] {strides = array<i32>} : memref<64x256xf32, #tpu.memory_space<vmem>>, vector<16xf32>,
      tpu.vector_store %arg12[%swap3A_536, %swap3A_537], %scan3A_522#4 {strides = array<i32>} : memref<64x256xf32, #tpu.memory_space<vmem>>, vector<16xf32>,
      %swap3A_539 = arith.index_cast %add3A_515 : i32 to index
      %swap3A_540 = arith.constant 80 : index
      %swap3A_541 = tpu.vector_load %arg12[%swap3A_539, %swap3A_540] {strides = array<i32>} : memref<64x256xf32, #tpu.memory_space<vmem>>, vector<16xf32>,
      tpu.vector_store %arg12[%swap3A_539, %swap3A_540], %scan3A_522#5 {strides = array<i32>} : memref<64x256xf32, #tpu.memory_space<vmem>>, vector<16xf32>,
      %swap3A_542 = arith.index_cast %add3A_515 : i32 to index
      %swap3A_543 = arith.constant 96 : index
      %swap3A_544 = tpu.vector_load %arg12[%swap3A_542, %swap3A_543] {strides = array<i32>} : memref<64x256xf32, #tpu.memory_space<vmem>>, vector<16xf32>,
      tpu.vector_store %arg12[%swap3A_542, %swap3A_543], %scan3A_522#6 {strides = array<i32>} : memref<64x256xf32, #tpu.memory_space<vmem>>, vector<16xf32>,
      %swap3A_545 = arith.index_cast %add3A_515 : i32 to index
      %swap3A_546 = arith.constant 112 : index
      %swap3A_547 = tpu.vector_load %arg12[%swap3A_545, %swap3A_546] {strides = array<i32>} : memref<64x256xf32, #tpu.memory_space<vmem>>, vector<16xf32>,
      tpu.vector_store %arg12[%swap3A_545, %swap3A_546], %scan3A_522#7 {strides = array<i32>} : memref<64x256xf32, #tpu.memory_space<vmem>>, vector<16xf32>,
      %swap3A_548 = arith.index_cast %add3A_515 : i32 to index
      %swap3A_549 = arith.constant 128 : index
      %swap3A_550 = tpu.vector_load %arg12[%swap3A_548, %swap3A_549] {strides = array<i32>} : memref<64x256xf32, #tpu.memory_space<vmem>>, vector<16xf32>,
      tpu.vector_store %arg12[%swap3A_548, %swap3A_549], %scan3A_522#8 {strides = array<i32>} : memref<64x256xf32, #tpu.memory_space<vmem>>, vector<16xf32>,
      %swap3A_551 = arith.index_cast %add3A_515 : i32 to index
      %swap3A_552 = arith.constant 144 : index
      %swap3A_553 = tpu.vector_load %arg12[%swap3A_551, %swap3A_552] {strides = array<i32>} : memref<64x256xf32, #tpu.memory_space<vmem>>, vector<16xf32>,
      tpu.vector_store %arg12[%swap3A_551, %swap3A_552], %scan3A_522#9 {strides = array<i32>} : memref<64x256xf32, #tpu.memory_space<vmem>>, vector<16xf32>,
      %swap3A_554 = arith.index_cast %add3A_515 : i32 to index
      %swap3A_555 = arith.constant 160 : index
      %swap3A_556 = tpu.vector_load %arg12[%swap3A_554, %swap3A_555] {strides = array<i32>} : memref<64x256xf32, #tpu.memory_space<vmem>>, vector<16xf32>,
      tpu.vector_store %arg12[%swap3A_554, %swap3A_555], %scan3A_522#10 {strides = array<i32>} : memref<64x256xf32, #tpu.memory_space<vmem>>, vector<16xf32>,
      %swap3A_557 = arith.index_cast %add3A_515 : i32 to index
      %swap3A_558 = arith.constant 176 : index
      %swap3A_559 = tpu.vector_load %arg12[%swap3A_557, %swap3A_558] {strides = array<i32>} : memref<64x256xf32, #tpu.memory_space<vmem>>, vector<16xf32>,
      tpu.vector_store %arg12[%swap3A_557, %swap3A_558], %scan3A_522#11 {strides = array<i32>} : memref<64x256xf32, #tpu.memory_space<vmem>>, vector<16xf32>,
      %swap3A_560 = arith.index_cast %add3A_515 : i32 to index
      %swap3A_561 = arith.constant 192 : index
      %swap3A_562 = tpu.vector_load %arg12[%swap3A_560, %swap3A_561] {strides = array<i32>} : memref<64x256xf32, #tpu.memory_space<vmem>>, vector<16xf32>,
      tpu.vector_store %arg12[%swap3A_560, %swap3A_561], %scan3A_522#12 {strides = array<i32>} : memref<64x256xf32, #tpu.memory_space<vmem>>, vector<16xf32>,
      %swap3A_563 = arith.index_cast %add3A_515 : i32 to index
      %swap3A_564 = arith.constant 208 : index
      %swap3A_565 = tpu.vector_load %arg12[%swap3A_563, %swap3A_564] {strides = array<i32>} : memref<64x256xf32, #tpu.memory_space<vmem>>, vector<16xf32>,
      tpu.vector_store %arg12[%swap3A_563, %swap3A_564], %scan3A_522#13 {strides = array<i32>} : memref<64x256xf32, #tpu.memory_space<vmem>>, vector<16xf32>,
      %swap3A_566 = arith.index_cast %add3A_515 : i32 to index
      %swap3A_567 = arith.constant 224 : index
      %swap3A_568 = tpu.vector_load %arg12[%swap3A_566, %swap3A_567] {strides = array<i32>} : memref<64x256xf32, #tpu.memory_space<vmem>>, vector<16xf32>,
      tpu.vector_store %arg12[%swap3A_566, %swap3A_567], %scan3A_522#14 {strides = array<i32>} : memref<64x256xf32, #tpu.memory_space<vmem>>, vector<16xf32>,
      %swap3A_569 = arith.index_cast %add3A_515 : i32 to index
      %swap3A_570 = arith.constant 240 : index
      %swap3A_571 = tpu.vector_load %arg12[%swap3A_569, %swap3A_570] {strides = array<i32>} : memref<64x256xf32, #tpu.memory_space<vmem>>, vector<16xf32>,
      tpu.vector_store %arg12[%swap3A_569, %swap3A_570], %scan3A_522#15 {strides = array<i32>} : memref<64x256xf32, #tpu.memory_space<vmem>>, vector<16xf32>,
      %add3A_572 = arith.constant 3 : i32
      %add3A_573 = arith.addi %mul3A_192, %add3A_572 : i32
      %add3A_574 = arith.constant 4 : i32
      %add3A_575 = arith.addi %add3A_573, %add3A_574 : i32
      %min3A_576 = arith.constant 63 : i32
      %min3A_577 = arith.minsi %add3A_575, %min3A_576 : i32
      %dma_start3A_578 = arith.constant 0 : i32
      %dma_start3A_579 = arith.constant 0 : i32
      %dma_start3A_580 = tpu.memref_slice %arg11[%dma_start3A_578, %dma_start3A_579] : memref<512x32xbf16, #tpu.memory_space<vmem>> -> memref<128x32xbf16, #tpu.memory_space<vmem>>
      %dma_start3A_581 = arith.constant 0 : i32
      %dma_start3A_582 = tpu.memref_slice %arg6[%min3A_577, %dma_start3A_581] : memref<64x512xi32, #tpu.memory_space<vmem>> -> memref<1x128xi32, #tpu.memory_space<vmem>>
      %dma_start3A_583 = tpu.memref_squeeze %dma_start3A_582 : memref<1x128xi32, #tpu.memory_space<vmem>> -> memref<128xi32, #tpu.memory_space<vmem>>
      %dma_start3A_584 = arith.constant 0 : i32
      %dma_start3A_585 = arith.constant 0 : i32
      %dma_start3A_586 = tpu.memref_slice %arg2[%dma_start3A_584, %dma_start3A_585] : memref<87040x32xbf16, #tpu.memory_space<hbm>> -> memref<87040x32xbf16, #tpu.memory_space<hbm>>
      tpu.enqueue_indirect_dma source(%dma_start3A_586 : memref<87040x32xbf16, #tpu.memory_space<hbm>>) target(%dma_start3A_580 : memref<128x32xbf16, #tpu.memory_space<vmem>>) offsets(%dma_start3A_583 : memref<128xi32, #tpu.memory_space<vmem>>) semaphore(%arg16 : memref<!tpu.dma_semaphore, #tpu.memory_space<semaphore_mem>>)
      %dma_start3A_587 = arith.constant 128 : i32
      %dma_start3A_588 = arith.constant 0 : i32
      %dma_start3A_589 = tpu.memref_slice %arg11[%dma_start3A_587, %dma_start3A_588] : memref<512x32xbf16, #tpu.memory_space<vmem>> -> memref<128x32xbf16, #tpu.memory_space<vmem>>
      %dma_start3A_590 = arith.constant 128 : i32
      %dma_start3A_591 = tpu.memref_slice %arg6[%min3A_577, %dma_start3A_590] : memref<64x512xi32, #tpu.memory_space<vmem>> -> memref<1x128xi32, #tpu.memory_space<vmem>>
      %dma_start3A_592 = tpu.memref_squeeze %dma_start3A_591 : memref<1x128xi32, #tpu.memory_space<vmem>> -> memref<128xi32, #tpu.memory_space<vmem>>
      %dma_start3A_593 = arith.constant 0 : i32
      %dma_start3A_594 = arith.constant 0 : i32
      %dma_start3A_595 = tpu.memref_slice %arg2[%dma_start3A_593, %dma_start3A_594] : memref<87040x32xbf16, #tpu.memory_space<hbm>> -> memref<87040x32xbf16, #tpu.memory_space<hbm>>
      tpu.enqueue_indirect_dma source(%dma_start3A_595 : memref<87040x32xbf16, #tpu.memory_space<hbm>>) target(%dma_start3A_589 : memref<128x32xbf16, #tpu.memory_space<vmem>>) offsets(%dma_start3A_592 : memref<128xi32, #tpu.memory_space<vmem>>) semaphore(%arg16 : memref<!tpu.dma_semaphore, #tpu.memory_space<semaphore_mem>>)
      %dma_start3A_596 = arith.constant 256 : i32
      %dma_start3A_597 = arith.constant 0 : i32
      %dma_start3A_598 = tpu.memref_slice %arg11[%dma_start3A_596, %dma_start3A_597] : memref<512x32xbf16, #tpu.memory_space<vmem>> -> memref<128x32xbf16, #tpu.memory_space<vmem>>
      %dma_start3A_599 = arith.constant 256 : i32
      %dma_start3A_600 = tpu.memref_slice %arg6[%min3A_577, %dma_start3A_599] : memref<64x512xi32, #tpu.memory_space<vmem>> -> memref<1x128xi32, #tpu.memory_space<vmem>>
      %dma_start3A_601 = tpu.memref_squeeze %dma_start3A_600 : memref<1x128xi32, #tpu.memory_space<vmem>> -> memref<128xi32, #tpu.memory_space<vmem>>
      %dma_start3A_602 = arith.constant 0 : i32
      %dma_start3A_603 = arith.constant 0 : i32
      %dma_start3A_604 = tpu.memref_slice %arg2[%dma_start3A_602, %dma_start3A_603] : memref<87040x32xbf16, #tpu.memory_space<hbm>> -> memref<87040x32xbf16, #tpu.memory_space<hbm>>
      tpu.enqueue_indirect_dma source(%dma_start3A_604 : memref<87040x32xbf16, #tpu.memory_space<hbm>>) target(%dma_start3A_598 : memref<128x32xbf16, #tpu.memory_space<vmem>>) offsets(%dma_start3A_601 : memref<128xi32, #tpu.memory_space<vmem>>) semaphore(%arg16 : memref<!tpu.dma_semaphore, #tpu.memory_space<semaphore_mem>>)
      %dma_start3A_605 = arith.constant 384 : i32
      %dma_start3A_606 = arith.constant 0 : i32
      %dma_start3A_607 = tpu.memref_slice %arg11[%dma_start3A_605, %dma_start3A_606] : memref<512x32xbf16, #tpu.memory_space<vmem>> -> memref<128x32xbf16, #tpu.memory_space<vmem>>
      %dma_start3A_608 = arith.constant 384 : i32
      %dma_start3A_609 = tpu.memref_slice %arg6[%min3A_577, %dma_start3A_608] : memref<64x512xi32, #tpu.memory_space<vmem>> -> memref<1x128xi32, #tpu.memory_space<vmem>>
      %dma_start3A_610 = tpu.memref_squeeze %dma_start3A_609 : memref<1x128xi32, #tpu.memory_space<vmem>> -> memref<128xi32, #tpu.memory_space<vmem>>
      %dma_start3A_611 = arith.constant 0 : i32
      %dma_start3A_612 = arith.constant 0 : i32
      %dma_start3A_613 = tpu.memref_slice %arg2[%dma_start3A_611, %dma_start3A_612] : memref<87040x32xbf16, #tpu.memory_space<hbm>> -> memref<87040x32xbf16, #tpu.memory_space<hbm>>
      tpu.enqueue_indirect_dma source(%dma_start3A_613 : memref<87040x32xbf16, #tpu.memory_space<hbm>>) target(%dma_start3A_607 : memref<128x32xbf16, #tpu.memory_space<vmem>>) offsets(%dma_start3A_610 : memref<128xi32, #tpu.memory_space<vmem>>) semaphore(%arg16 : memref<!tpu.dma_semaphore, #tpu.memory_space<semaphore_mem>>)
    }
    %scan3A_166 = arith.constant 16 : i32
    %dma_wait3A = arith.constant 0 : i32
    %dma_wait3A_167 = arith.constant 0 : i32
    %dma_wait3A_168 = tpu.memref_slice %arg2[%dma_wait3A, %dma_wait3A_167] : memref<87040x32xbf16, #tpu.memory_space<hbm>> -> memref<512x32xbf16, #tpu.memory_space<hbm>>
    %dma_wait3A_169 = arith.constant 0 : i32
    %dma_wait3A_170 = arith.constant 0 : i32
    %dma_wait3A_171 = tpu.memref_slice %arg2[%dma_wait3A_169, %dma_wait3A_170] : memref<87040x32xbf16, #tpu.memory_space<hbm>> -> memref<512x32xbf16, #tpu.memory_space<hbm>>
    tpu.wait_dma2 semaphore(%arg13 : memref<!tpu.dma_semaphore, #tpu.memory_space<semaphore_mem>>) src(%dma_wait3A_171 : memref<512x32xbf16, #tpu.memory_space<hbm>>) dst(%arg8 : memref<512x32xbf16, #tpu.memory_space<vmem>>)
    %dma_wait3A_172 = arith.constant 0 : i32
    %dma_wait3A_173 = arith.constant 0 : i32
    %dma_wait3A_174 = tpu.memref_slice %arg2[%dma_wait3A_172, %dma_wait3A_173] : memref<87040x32xbf16, #tpu.memory_space<hbm>> -> memref<512x32xbf16, #tpu.memory_space<hbm>>
    %dma_wait3A_175 = arith.constant 0 : i32
    %dma_wait3A_176 = arith.constant 0 : i32
    %dma_wait3A_177 = tpu.memref_slice %arg2[%dma_wait3A_175, %dma_wait3A_176] : memref<87040x32xbf16, #tpu.memory_space<hbm>> -> memref<512x32xbf16, #tpu.memory_space<hbm>>
    tpu.wait_dma2 semaphore(%arg14 : memref<!tpu.dma_semaphore, #tpu.memory_space<semaphore_mem>>) src(%dma_wait3A_177 : memref<512x32xbf16, #tpu.memory_space<hbm>>) dst(%arg9 : memref<512x32xbf16, #tpu.memory_space<vmem>>)
    %dma_wait3A_178 = arith.constant 0 : i32
    %dma_wait3A_179 = arith.constant 0 : i32
    %dma_wait3A_180 = tpu.memref_slice %arg2[%dma_wait3A_178, %dma_wait3A_179] : memref<87040x32xbf16, #tpu.memory_space<hbm>> -> memref<512x32xbf16, #tpu.memory_space<hbm>>
    %dma_wait3A_181 = arith.constant 0 : i32
    %dma_wait3A_182 = arith.constant 0 : i32
    %dma_wait3A_183 = tpu.memref_slice %arg2[%dma_wait3A_181, %dma_wait3A_182] : memref<87040x32xbf16, #tpu.memory_space<hbm>> -> memref<512x32xbf16, #tpu.memory_space<hbm>>
    tpu.wait_dma2 semaphore(%arg15 : memref<!tpu.dma_semaphore, #tpu.memory_space<semaphore_mem>>) src(%dma_wait3A_183 : memref<512x32xbf16, #tpu.memory_space<hbm>>) dst(%arg10 : memref<512x32xbf16, #tpu.memory_space<vmem>>)
    %dma_wait3A_184 = arith.constant 0 : i32
    %dma_wait3A_185 = arith.constant 0 : i32
    %dma_wait3A_186 = tpu.memref_slice %arg2[%dma_wait3A_184, %dma_wait3A_185] : memref<87040x32xbf16, #tpu.memory_space<hbm>> -> memref<512x32xbf16, #tpu.memory_space<hbm>>
    %dma_wait3A_187 = arith.constant 0 : i32
    %dma_wait3A_188 = arith.constant 0 : i32
    %dma_wait3A_189 = tpu.memref_slice %arg2[%dma_wait3A_187, %dma_wait3A_188] : memref<87040x32xbf16, #tpu.memory_space<hbm>> -> memref<512x32xbf16, #tpu.memory_space<hbm>>
    tpu.wait_dma2 semaphore(%arg16 : memref<!tpu.dma_semaphore, #tpu.memory_space<semaphore_mem>>) src(%dma_wait3A_189 : memref<512x32xbf16, #tpu.memory_space<hbm>>) dst(%arg11 : memref<512x32xbf16, #tpu.memory_space<vmem>>)
    "tpu.region"() ({
      %run_scoped3A = tpu.sem_alloc : memref<!tpu.dma_semaphore, #tpu.memory_space<semaphore_mem>>
      %dma_start3A_190 = arith.constant 0 : i32
      %dma_start3A_191 = tpu.memref_slice %arg5[%mul3A_2, %dma_start3A_190] : memref<2048x256xf32, #tpu.memory_space<hbm>> -> memref<64x256xf32, #tpu.memory_space<hbm>>
      %dma_start3A_192 = arith.constant 0 : i32
      %dma_start3A_193 = tpu.memref_slice %arg5[%mul3A_2, %dma_start3A_192] : memref<2048x256xf32, #tpu.memory_space<hbm>> -> memref<64x256xf32, #tpu.memory_space<hbm>>
      tpu.enqueue_dma source(%arg12 : memref<64x256xf32, #tpu.memory_space<vmem>>) target(%dma_start3A_193 : memref<64x256xf32, #tpu.memory_space<hbm>>) target_semaphore(%run_scoped3A : memref<!tpu.dma_semaphore, #tpu.memory_space<semaphore_mem>>)
      %dma_wait3A_194 = arith.constant 0 : i32
      %dma_wait3A_195 = tpu.memref_slice %arg5[%mul3A_2, %dma_wait3A_194] : memref<2048x256xf32, #tpu.memory_space<hbm>> -> memref<64x256xf32, #tpu.memory_space<hbm>>
      %dma_wait3A_196 = arith.constant 0 : i32
      %dma_wait3A_197 = tpu.memref_slice %arg5[%mul3A_2, %dma_wait3A_196] : memref<2048x256xf32, #tpu.memory_space<hbm>> -> memref<64x256xf32, #tpu.memory_space<hbm>>
      tpu.wait_dma2 semaphore(%run_scoped3A : memref<!tpu.dma_semaphore, #tpu.memory_space<semaphore_mem>>) src(%arg12 : memref<64x256xf32, #tpu.memory_space<vmem>>) dst(%dma_wait3A_197 : memref<64x256xf32, #tpu.memory_space<hbm>>)
      tpu.yield
    }) : () -> ()
    return
  }
}

module attributes {stable_mosaic.version = 14 : i64} {
  func.func @_kb_body(%arg0: i32, %arg1: i32, %arg2: memref<1x8x64x4x256xf32, #tpu.memory_space<vmem>>, %arg3: memref<256x256xf32, #tpu.memory_space<vmem>>, %arg4: memref<8x256xf32, #tpu.memory_space<vmem>>, %arg5: memref<2x10880x128xbf16, #tpu.memory_space<vmem>>) attributes {dimension_semantics = [#tpu.dimension_semantics<arbitrary>, #tpu.dimension_semantics<arbitrary>], iteration_bounds = array<i64: 2, 8>, scalar_prefetch = 0 : i64, scratch_operands = 0 : i64, tpu.core_type = #tpu.core_type<tc>, window_params = [{transform_indices = @transform_0, window_bounds = array<i64: 1, 8, 64, 4, 256>}, {pipeline_mode = #tpu.pipeline_mode<synchronous>, transform_indices = @transform_1, window_bounds = array<i64: 256, 256>}, {pipeline_mode = #tpu.pipeline_mode<synchronous>, transform_indices = @transform_2, window_bounds = array<i64: 8, 256>}, {pipeline_mode = #tpu.pipeline_mode<synchronous>, transform_indices = @transform_3, window_bounds = array<i64: 2, 10880, 128>}]} {
    %get3A = arith.constant 0 : index
    %get3A_0 = arith.constant 0 : index
    %get3A_1 = vector.load %arg3[%get3A, %get3A_0] : memref<256x256xf32, #tpu.memory_space<vmem>>, vector<256x256xf32>
    %lt3A = arith.constant 8 : i32
    %lt3A_2 = arith.cmpi slt, %arg1, %lt3A : i32
    %convert_element_type3A = arith.extui %lt3A_2 : i1 to i32
    %cond3A = arith.constant 0 : i32
    %cond3A_3 = arith.cmpi ne, %convert_element_type3A, %cond3A : i32
    scf.if %cond3A_3 {
      %get3A_19 = arith.constant 0 : index
      %get3A_20 = arith.constant 0 : index
      %get3A_21 = arith.constant 0 : index
      %get3A_22 = arith.constant 0 : index
      %get3A_23 = arith.constant 0 : index
      %get3A_24 = vector.load %arg2[%get3A_19, %get3A_20, %get3A_21, %get3A_22, %get3A_23] : memref<1x8x64x4x256xf32, #tpu.memory_space<vmem>>, vector<1x8x64x1x256xf32>
      %get3A_25 = vector.shape_cast %get3A_24 : vector<1x8x64x1x256xf32> to vector<8x64x256xf32>
      %reshape3A = vector.shape_cast %get3A_25 : vector<8x64x256xf32> to vector<512x256xf32>
      %mul3A = arith.constant 4096 : i32
      %mul3A_26 = arith.muli %arg0, %mul3A : i32
      %add3A = arith.constant 0 : i32
      %add3A_27 = arith.addi %add3A, %mul3A_26 : i32
      %mul3A_28 = arith.constant 8 : i32
      %mul3A_29 = arith.muli %arg1, %mul3A_28 : i32
      %mul3A_30 = arith.constant 64 : i32
      %mul3A_31 = arith.muli %mul3A_29, %mul3A_30 : i32
      %add3A_32 = arith.addi %add3A_27, %mul3A_31 : i32
      %slice3A = vector.extract_strided_slice %get3A_1 {offsets = [0, 0], sizes = [256, 128], strides = [1, 1]} : vector<256x256xf32> to vector<256x128xf32>
      %dot_general3A = arith.constant dense<0.000000e+00> : vector<512x128xf32>
      %dot_general3A_33 = tpu.matmul %reshape3A, %slice3A, %dot_general3A {dimension_numbers = #tpu.dot_dimension_numbers<[1], [0], [0], [1], [0, 0, 1, 1], [], []>, transpose_lhs_hint = false} : vector<512x256xf32>, vector<256x128xf32>, vector<512x128xf32> -> vector<512x128xf32>
      %get3A_34 = arith.constant 0 : index
      %get3A_35 = arith.constant 0 : index
      %get3A_36 = vector.load %arg4[%get3A_34, %get3A_35] : memref<8x256xf32, #tpu.memory_space<vmem>>, vector<1x128xf32>
      %add3A_37 = vector.broadcast %get3A_36 : vector<1x128xf32> to vector<512x128xf32>
      %add3A_38 = arith.addf %dot_general3A_33, %add3A_37 : vector<512x128xf32>
      %convert_element_type3A_39 = arith.truncf %add3A_38 : vector<512x128xf32> to vector<512x128xbf16>
      %swap3A = arith.constant 0 : index
      %swap3A_40 = arith.index_cast %add3A_32 : i32 to index
      %swap3A_41 = arith.constant 0 : index
      %swap3A_42 = vector.load %arg5[%swap3A, %swap3A_40, %swap3A_41] : memref<2x10880x128xbf16, #tpu.memory_space<vmem>>, vector<1x512x128xbf16>
      %swap3A_43 = vector.shape_cast %swap3A_42 : vector<1x512x128xbf16> to vector<512x128xbf16>
      %swap3A_44 = vector.shape_cast %convert_element_type3A_39 : vector<512x128xbf16> to vector<1x512x128xbf16>
      tpu.vector_store %arg5[%swap3A, %swap3A_40, %swap3A_41], %swap3A_44 {strides = array<i32>} : memref<2x10880x128xbf16, #tpu.memory_space<vmem>>, vector<1x512x128xbf16>,
      %slice3A_45 = vector.extract_strided_slice %get3A_1 {offsets = [0, 128], sizes = [256, 128], strides = [1, 1]} : vector<256x256xf32> to vector<256x128xf32>
      %dot_general3A_46 = arith.constant dense<0.000000e+00> : vector<512x128xf32>
      %dot_general3A_47 = tpu.matmul %reshape3A, %slice3A_45, %dot_general3A_46 {dimension_numbers = #tpu.dot_dimension_numbers<[1], [0], [0], [1], [0, 0, 1, 1], [], []>, transpose_lhs_hint = false} : vector<512x256xf32>, vector<256x128xf32>, vector<512x128xf32> -> vector<512x128xf32>
      %get3A_48 = arith.constant 0 : index
      %get3A_49 = arith.constant 128 : index
      %get3A_50 = vector.load %arg4[%get3A_48, %get3A_49] : memref<8x256xf32, #tpu.memory_space<vmem>>, vector<1x128xf32>
      %add3A_51 = vector.broadcast %get3A_50 : vector<1x128xf32> to vector<512x128xf32>
      %add3A_52 = arith.addf %dot_general3A_47, %add3A_51 : vector<512x128xf32>
      %convert_element_type3A_53 = arith.truncf %add3A_52 : vector<512x128xf32> to vector<512x128xbf16>
      %swap3A_54 = arith.constant 1 : index
      %swap3A_55 = arith.index_cast %add3A_32 : i32 to index
      %swap3A_56 = arith.constant 0 : index
      %swap3A_57 = vector.load %arg5[%swap3A_54, %swap3A_55, %swap3A_56] : memref<2x10880x128xbf16, #tpu.memory_space<vmem>>, vector<1x512x128xbf16>
      %swap3A_58 = vector.shape_cast %swap3A_57 : vector<1x512x128xbf16> to vector<512x128xbf16>
      %swap3A_59 = vector.shape_cast %convert_element_type3A_53 : vector<512x128xbf16> to vector<1x512x128xbf16>
      tpu.vector_store %arg5[%swap3A_54, %swap3A_55, %swap3A_56], %swap3A_59 {strides = array<i32>} : memref<2x10880x128xbf16, #tpu.memory_space<vmem>>, vector<1x512x128xbf16>,
    } else {
    }
    %lt3A_4 = arith.constant 4 : i32
    %lt3A_5 = arith.cmpi slt, %arg1, %lt3A_4 : i32
    %convert_element_type3A_6 = arith.extui %lt3A_5 : i1 to i32
    %cond3A_7 = arith.constant 0 : i32
    %cond3A_8 = arith.cmpi ne, %convert_element_type3A_6, %cond3A_7 : i32
    scf.if %cond3A_8 {
      %get3A_19 = arith.constant 0 : index
      %get3A_20 = arith.constant 0 : index
      %get3A_21 = arith.constant 0 : index
      %get3A_22 = arith.constant 1 : index
      %get3A_23 = arith.constant 0 : index
      %get3A_24 = vector.load %arg2[%get3A_19, %get3A_20, %get3A_21, %get3A_22, %get3A_23] : memref<1x8x64x4x256xf32, #tpu.memory_space<vmem>>, vector<1x8x32x1x256xf32>
      %get3A_25 = vector.shape_cast %get3A_24 : vector<1x8x32x1x256xf32> to vector<8x32x256xf32>
      %reshape3A = vector.shape_cast %get3A_25 : vector<8x32x256xf32> to vector<256x256xf32>
      %mul3A = arith.constant 1024 : i32
      %mul3A_26 = arith.muli %arg0, %mul3A : i32
      %add3A = arith.constant 8192 : i32
      %add3A_27 = arith.addi %add3A, %mul3A_26 : i32
      %mul3A_28 = arith.constant 8 : i32
      %mul3A_29 = arith.muli %arg1, %mul3A_28 : i32
      %mul3A_30 = arith.constant 32 : i32
      %mul3A_31 = arith.muli %mul3A_29, %mul3A_30 : i32
      %add3A_32 = arith.addi %add3A_27, %mul3A_31 : i32
      %slice3A = vector.extract_strided_slice %get3A_1 {offsets = [0, 0], sizes = [256, 128], strides = [1, 1]} : vector<256x256xf32> to vector<256x128xf32>
      %dot_general3A = arith.constant dense<0.000000e+00> : vector<256x128xf32>
      %dot_general3A_33 = tpu.matmul %reshape3A, %slice3A, %dot_general3A {dimension_numbers = #tpu.dot_dimension_numbers<[1], [0], [0], [1], [0, 0, 1, 1], [], []>, transpose_lhs_hint = false} : vector<256x256xf32>, vector<256x128xf32>, vector<256x128xf32> -> vector<256x128xf32>
      %get3A_34 = arith.constant 0 : index
      %get3A_35 = arith.constant 0 : index
      %get3A_36 = vector.load %arg4[%get3A_34, %get3A_35] : memref<8x256xf32, #tpu.memory_space<vmem>>, vector<1x128xf32>
      %add3A_37 = vector.broadcast %get3A_36 : vector<1x128xf32> to vector<256x128xf32>
      %add3A_38 = arith.addf %dot_general3A_33, %add3A_37 : vector<256x128xf32>
      %convert_element_type3A_39 = arith.truncf %add3A_38 : vector<256x128xf32> to vector<256x128xbf16>
      %swap3A = arith.constant 0 : index
      %swap3A_40 = arith.index_cast %add3A_32 : i32 to index
      %swap3A_41 = arith.constant 0 : index
      %swap3A_42 = vector.load %arg5[%swap3A, %swap3A_40, %swap3A_41] : memref<2x10880x128xbf16, #tpu.memory_space<vmem>>, vector<1x256x128xbf16>
      %swap3A_43 = vector.shape_cast %swap3A_42 : vector<1x256x128xbf16> to vector<256x128xbf16>
      %swap3A_44 = vector.shape_cast %convert_element_type3A_39 : vector<256x128xbf16> to vector<1x256x128xbf16>
      tpu.vector_store %arg5[%swap3A, %swap3A_40, %swap3A_41], %swap3A_44 {strides = array<i32>} : memref<2x10880x128xbf16, #tpu.memory_space<vmem>>, vector<1x256x128xbf16>,
      %slice3A_45 = vector.extract_strided_slice %get3A_1 {offsets = [0, 128], sizes = [256, 128], strides = [1, 1]} : vector<256x256xf32> to vector<256x128xf32>
      %dot_general3A_46 = arith.constant dense<0.000000e+00> : vector<256x128xf32>
      %dot_general3A_47 = tpu.matmul %reshape3A, %slice3A_45, %dot_general3A_46 {dimension_numbers = #tpu.dot_dimension_numbers<[1], [0], [0], [1], [0, 0, 1, 1], [], []>, transpose_lhs_hint = false} : vector<256x256xf32>, vector<256x128xf32>, vector<256x128xf32> -> vector<256x128xf32>
      %get3A_48 = arith.constant 0 : index
      %get3A_49 = arith.constant 128 : index
      %get3A_50 = vector.load %arg4[%get3A_48, %get3A_49] : memref<8x256xf32, #tpu.memory_space<vmem>>, vector<1x128xf32>
      %add3A_51 = vector.broadcast %get3A_50 : vector<1x128xf32> to vector<256x128xf32>
      %add3A_52 = arith.addf %dot_general3A_47, %add3A_51 : vector<256x128xf32>
      %convert_element_type3A_53 = arith.truncf %add3A_52 : vector<256x128xf32> to vector<256x128xbf16>
      %swap3A_54 = arith.constant 1 : index
      %swap3A_55 = arith.index_cast %add3A_32 : i32 to index
      %swap3A_56 = arith.constant 0 : index
      %swap3A_57 = vector.load %arg5[%swap3A_54, %swap3A_55, %swap3A_56] : memref<2x10880x128xbf16, #tpu.memory_space<vmem>>, vector<1x256x128xbf16>
      %swap3A_58 = vector.shape_cast %swap3A_57 : vector<1x256x128xbf16> to vector<256x128xbf16>
      %swap3A_59 = vector.shape_cast %convert_element_type3A_53 : vector<256x128xbf16> to vector<1x256x128xbf16>
      tpu.vector_store %arg5[%swap3A_54, %swap3A_55, %swap3A_56], %swap3A_59 {strides = array<i32>} : memref<2x10880x128xbf16, #tpu.memory_space<vmem>>, vector<1x256x128xbf16>,
    } else {
    }
    %lt3A_9 = arith.constant 2 : i32
    %lt3A_10 = arith.cmpi slt, %arg1, %lt3A_9 : i32
    %convert_element_type3A_11 = arith.extui %lt3A_10 : i1 to i32
    %cond3A_12 = arith.constant 0 : i32
    %cond3A_13 = arith.cmpi ne, %convert_element_type3A_11, %cond3A_12 : i32
    scf.if %cond3A_13 {
      %get3A_19 = arith.constant 0 : index
      %get3A_20 = arith.constant 0 : index
      %get3A_21 = arith.constant 0 : index
      %get3A_22 = arith.constant 2 : index
      %get3A_23 = arith.constant 0 : index
      %get3A_24 = vector.load %arg2[%get3A_19, %get3A_20, %get3A_21, %get3A_22, %get3A_23] : memref<1x8x64x4x256xf32, #tpu.memory_space<vmem>>, vector<1x8x16x1x256xf32>
      %get3A_25 = vector.shape_cast %get3A_24 : vector<1x8x16x1x256xf32> to vector<8x16x256xf32>
      %reshape3A = vector.shape_cast %get3A_25 : vector<8x16x256xf32> to vector<128x256xf32>
      %mul3A = arith.constant 256 : i32
      %mul3A_26 = arith.muli %arg0, %mul3A : i32
      %add3A = arith.constant 10240 : i32
      %add3A_27 = arith.addi %add3A, %mul3A_26 : i32
      %mul3A_28 = arith.constant 8 : i32
      %mul3A_29 = arith.muli %arg1, %mul3A_28 : i32
      %mul3A_30 = arith.constant 16 : i32
      %mul3A_31 = arith.muli %mul3A_29, %mul3A_30 : i32
      %add3A_32 = arith.addi %add3A_27, %mul3A_31 : i32
      %slice3A = vector.extract_strided_slice %get3A_1 {offsets = [0, 0], sizes = [256, 128], strides = [1, 1]} : vector<256x256xf32> to vector<256x128xf32>
      %dot_general3A = arith.constant dense<0.000000e+00> : vector<128x128xf32>
      %dot_general3A_33 = tpu.matmul %reshape3A, %slice3A, %dot_general3A {dimension_numbers = #tpu.dot_dimension_numbers<[1], [0], [0], [1], [0, 0, 1, 1], [], []>, transpose_lhs_hint = false} : vector<128x256xf32>, vector<256x128xf32>, vector<128x128xf32> -> vector<128x128xf32>
      %get3A_34 = arith.constant 0 : index
      %get3A_35 = arith.constant 0 : index
      %get3A_36 = vector.load %arg4[%get3A_34, %get3A_35] : memref<8x256xf32, #tpu.memory_space<vmem>>, vector<1x128xf32>
      %add3A_37 = vector.broadcast %get3A_36 : vector<1x128xf32> to vector<128x128xf32>
      %add3A_38 = arith.addf %dot_general3A_33, %add3A_37 : vector<128x128xf32>
      %convert_element_type3A_39 = arith.truncf %add3A_38 : vector<128x128xf32> to vector<128x128xbf16>
      %swap3A = arith.constant 0 : index
      %swap3A_40 = arith.index_cast %add3A_32 : i32 to index
      %swap3A_41 = arith.constant 0 : index
      %swap3A_42 = vector.load %arg5[%swap3A, %swap3A_40, %swap3A_41] : memref<2x10880x128xbf16, #tpu.memory_space<vmem>>, vector<1x128x128xbf16>
      %swap3A_43 = vector.shape_cast %swap3A_42 : vector<1x128x128xbf16> to vector<128x128xbf16>
      %swap3A_44 = vector.shape_cast %convert_element_type3A_39 : vector<128x128xbf16> to vector<1x128x128xbf16>
      tpu.vector_store %arg5[%swap3A, %swap3A_40, %swap3A_41], %swap3A_44 {strides = array<i32>} : memref<2x10880x128xbf16, #tpu.memory_space<vmem>>, vector<1x128x128xbf16>,
      %slice3A_45 = vector.extract_strided_slice %get3A_1 {offsets = [0, 128], sizes = [256, 128], strides = [1, 1]} : vector<256x256xf32> to vector<256x128xf32>
      %dot_general3A_46 = arith.constant dense<0.000000e+00> : vector<128x128xf32>
      %dot_general3A_47 = tpu.matmul %reshape3A, %slice3A_45, %dot_general3A_46 {dimension_numbers = #tpu.dot_dimension_numbers<[1], [0], [0], [1], [0, 0, 1, 1], [], []>, transpose_lhs_hint = false} : vector<128x256xf32>, vector<256x128xf32>, vector<128x128xf32> -> vector<128x128xf32>
      %get3A_48 = arith.constant 0 : index
      %get3A_49 = arith.constant 128 : index
      %get3A_50 = vector.load %arg4[%get3A_48, %get3A_49] : memref<8x256xf32, #tpu.memory_space<vmem>>, vector<1x128xf32>
      %add3A_51 = vector.broadcast %get3A_50 : vector<1x128xf32> to vector<128x128xf32>
      %add3A_52 = arith.addf %dot_general3A_47, %add3A_51 : vector<128x128xf32>
      %convert_element_type3A_53 = arith.truncf %add3A_52 : vector<128x128xf32> to vector<128x128xbf16>
      %swap3A_54 = arith.constant 1 : index
      %swap3A_55 = arith.index_cast %add3A_32 : i32 to index
      %swap3A_56 = arith.constant 0 : index
      %swap3A_57 = vector.load %arg5[%swap3A_54, %swap3A_55, %swap3A_56] : memref<2x10880x128xbf16, #tpu.memory_space<vmem>>, vector<1x128x128xbf16>
      %swap3A_58 = vector.shape_cast %swap3A_57 : vector<1x128x128xbf16> to vector<128x128xbf16>
      %swap3A_59 = vector.shape_cast %convert_element_type3A_53 : vector<128x128xbf16> to vector<1x128x128xbf16>
      tpu.vector_store %arg5[%swap3A_54, %swap3A_55, %swap3A_56], %swap3A_59 {strides = array<i32>} : memref<2x10880x128xbf16, #tpu.memory_space<vmem>>, vector<1x128x128xbf16>,
    } else {
    }
    %lt3A_14 = arith.constant 1 : i32
    %lt3A_15 = arith.cmpi slt, %arg1, %lt3A_14 : i32
    %convert_element_type3A_16 = arith.extui %lt3A_15 : i1 to i32
    %cond3A_17 = arith.constant 0 : i32
    %cond3A_18 = arith.cmpi ne, %convert_element_type3A_16, %cond3A_17 : i32
    scf.if %cond3A_18 {
      %get3A_19 = arith.constant 0 : index
      %get3A_20 = arith.constant 0 : index
      %get3A_21 = arith.constant 0 : index
      %get3A_22 = arith.constant 3 : index
      %get3A_23 = arith.constant 0 : index
      %get3A_24 = vector.load %arg2[%get3A_19, %get3A_20, %get3A_21, %get3A_22, %get3A_23] : memref<1x8x64x4x256xf32, #tpu.memory_space<vmem>>, vector<1x8x8x1x256xf32>
      %get3A_25 = vector.shape_cast %get3A_24 : vector<1x8x8x1x256xf32> to vector<8x8x256xf32>
      %reshape3A = vector.shape_cast %get3A_25 : vector<8x8x256xf32> to vector<64x256xf32>
      %mul3A = arith.constant 64 : i32
      %mul3A_26 = arith.muli %arg0, %mul3A : i32
      %add3A = arith.constant 10752 : i32
      %add3A_27 = arith.addi %add3A, %mul3A_26 : i32
      %mul3A_28 = arith.constant 8 : i32
      %mul3A_29 = arith.muli %arg1, %mul3A_28 : i32
      %mul3A_30 = arith.constant 8 : i32
      %mul3A_31 = arith.muli %mul3A_29, %mul3A_30 : i32
      %add3A_32 = arith.addi %add3A_27, %mul3A_31 : i32
      %slice3A = vector.extract_strided_slice %get3A_1 {offsets = [0, 0], sizes = [256, 128], strides = [1, 1]} : vector<256x256xf32> to vector<256x128xf32>
      %dot_general3A = arith.constant dense<0.000000e+00> : vector<64x128xf32>
      %dot_general3A_33 = tpu.matmul %reshape3A, %slice3A, %dot_general3A {dimension_numbers = #tpu.dot_dimension_numbers<[1], [0], [0], [1], [0, 0, 1, 1], [], []>, transpose_lhs_hint = false} : vector<64x256xf32>, vector<256x128xf32>, vector<64x128xf32> -> vector<64x128xf32>
      %get3A_34 = arith.constant 0 : index
      %get3A_35 = arith.constant 0 : index
      %get3A_36 = vector.load %arg4[%get3A_34, %get3A_35] : memref<8x256xf32, #tpu.memory_space<vmem>>, vector<1x128xf32>
      %add3A_37 = vector.broadcast %get3A_36 : vector<1x128xf32> to vector<64x128xf32>
      %add3A_38 = arith.addf %dot_general3A_33, %add3A_37 : vector<64x128xf32>
      %convert_element_type3A_39 = arith.truncf %add3A_38 : vector<64x128xf32> to vector<64x128xbf16>
      %swap3A = arith.constant 0 : index
      %swap3A_40 = arith.index_cast %add3A_32 : i32 to index
      %swap3A_41 = arith.constant 0 : index
      %swap3A_42 = vector.load %arg5[%swap3A, %swap3A_40, %swap3A_41] : memref<2x10880x128xbf16, #tpu.memory_space<vmem>>, vector<1x64x128xbf16>
      %swap3A_43 = vector.shape_cast %swap3A_42 : vector<1x64x128xbf16> to vector<64x128xbf16>
      %swap3A_44 = vector.shape_cast %convert_element_type3A_39 : vector<64x128xbf16> to vector<1x64x128xbf16>
      tpu.vector_store %arg5[%swap3A, %swap3A_40, %swap3A_41], %swap3A_44 {strides = array<i32>} : memref<2x10880x128xbf16, #tpu.memory_space<vmem>>, vector<1x64x128xbf16>,
      %slice3A_45 = vector.extract_strided_slice %get3A_1 {offsets = [0, 128], sizes = [256, 128], strides = [1, 1]} : vector<256x256xf32> to vector<256x128xf32>
      %dot_general3A_46 = arith.constant dense<0.000000e+00> : vector<64x128xf32>
      %dot_general3A_47 = tpu.matmul %reshape3A, %slice3A_45, %dot_general3A_46 {dimension_numbers = #tpu.dot_dimension_numbers<[1], [0], [0], [1], [0, 0, 1, 1], [], []>, transpose_lhs_hint = false} : vector<64x256xf32>, vector<256x128xf32>, vector<64x128xf32> -> vector<64x128xf32>
      %get3A_48 = arith.constant 0 : index
      %get3A_49 = arith.constant 128 : index
      %get3A_50 = vector.load %arg4[%get3A_48, %get3A_49] : memref<8x256xf32, #tpu.memory_space<vmem>>, vector<1x128xf32>
      %add3A_51 = vector.broadcast %get3A_50 : vector<1x128xf32> to vector<64x128xf32>
      %add3A_52 = arith.addf %dot_general3A_47, %add3A_51 : vector<64x128xf32>
      %convert_element_type3A_53 = arith.truncf %add3A_52 : vector<64x128xf32> to vector<64x128xbf16>
      %swap3A_54 = arith.constant 1 : index
      %swap3A_55 = arith.index_cast %add3A_32 : i32 to index
      %swap3A_56 = arith.constant 0 : index
      %swap3A_57 = vector.load %arg5[%swap3A_54, %swap3A_55, %swap3A_56] : memref<2x10880x128xbf16, #tpu.memory_space<vmem>>, vector<1x64x128xbf16>
      %swap3A_58 = vector.shape_cast %swap3A_57 : vector<1x64x128xbf16> to vector<64x128xbf16>
      %swap3A_59 = vector.shape_cast %convert_element_type3A_53 : vector<64x128xbf16> to vector<1x64x128xbf16>
      tpu.vector_store %arg5[%swap3A_54, %swap3A_55, %swap3A_56], %swap3A_59 {strides = array<i32>} : memref<2x10880x128xbf16, #tpu.memory_space<vmem>>, vector<1x64x128xbf16>,
    } else {
    }
    return
  }
  func.func @transform_0(%arg0: i32, %arg1: i32) -> (i32, i32, i32, i32, i32) {
    %c0_i32 = arith.constant 0 : i32
    %c0_i32_0 = arith.constant 0 : i32
    %c0_i32_1 = arith.constant 0 : i32
    %c0_i32_2 = arith.constant 0 : i32
    return %arg0, %arg1, %c0_i32, %c0_i32_0, %c0_i32_1 : i32, i32, i32, i32, i32
  }
  func.func @transform_1(%arg0: i32, %arg1: i32) -> (i32, i32) {
    %c0_i32 = arith.constant 0 : i32
    %c0_i32_0 = arith.constant 0 : i32
    %c0_i32_1 = arith.constant 0 : i32
    return %c0_i32, %c0_i32_0 : i32, i32
  }
  func.func @transform_2(%arg0: i32, %arg1: i32) -> (i32, i32) {
    %c0_i32 = arith.constant 0 : i32
    %c0_i32_0 = arith.constant 0 : i32
    %c0_i32_1 = arith.constant 0 : i32
    return %c0_i32, %c0_i32_0 : i32, i32
  }
  func.func @transform_3(%arg0: i32, %arg1: i32) -> (i32, i32, i32) {
    %c0_i32 = arith.constant 0 : i32
    %c0_i32_0 = arith.constant 0 : i32
    %c0_i32_1 = arith.constant 0 : i32
    %c0_i32_2 = arith.constant 0 : i32
    return %c0_i32, %c0_i32_0, %c0_i32_1 : i32, i32, i32
  }
}

module attributes {stable_mosaic.version = 14 : i64} {
  func.func @_ka_body(%arg0: i32, %arg1: memref<256x256xf32, #tpu.memory_space<vmem>>, %arg2: memref<256x128xf32, #tpu.memory_space<vmem>>, %arg3: memref<256x256xf32, #tpu.memory_space<vmem>>, %arg4: memref<256x128xf32, #tpu.memory_space<vmem>>, %arg5: memref<256x512xf32, #tpu.memory_space<vmem>>, %arg6: memref<256x512xf32, #tpu.memory_space<vmem>>, %arg7: memref<128x128xf32, #tpu.memory_space<vmem>>, %arg8: memref<128x512xf32, #tpu.memory_space<vmem>>, %arg9: memref<8x512xf32, #tpu.memory_space<vmem>>, %arg10: memref<8x256xf32, #tpu.memory_space<vmem>>, %arg11: memref<8x512xi32, #tpu.memory_space<vmem>>, %arg12: memref<256x512xi32, #tpu.memory_space<vmem>>, %arg13: memref<256x512xf32, #tpu.memory_space<vmem>>) attributes {dimension_semantics = [#tpu.dimension_semantics<arbitrary>], iteration_bounds = array<i64: 8>, scalar_prefetch = 0 : i64, scratch_operands = 0 : i64, tpu.core_type = #tpu.core_type<tc>, window_params = [{transform_indices = @transform_0, window_bounds = array<i64: 256, 256>}, {transform_indices = @transform_1, window_bounds = array<i64: 256, 128>}, {pipeline_mode = #tpu.pipeline_mode<synchronous>, transform_indices = @transform_2, window_bounds = array<i64: 256, 256>}, {pipeline_mode = #tpu.pipeline_mode<synchronous>, transform_indices = @transform_3, window_bounds = array<i64: 256, 128>}, {pipeline_mode = #tpu.pipeline_mode<synchronous>, transform_indices = @transform_4, window_bounds = array<i64: 256, 512>}, {pipeline_mode = #tpu.pipeline_mode<synchronous>, transform_indices = @transform_5, window_bounds = array<i64: 256, 512>}, {pipeline_mode = #tpu.pipeline_mode<synchronous>, transform_indices = @transform_6, window_bounds = array<i64: 128, 128>}, {pipeline_mode = #tpu.pipeline_mode<synchronous>, transform_indices = @transform_7, window_bounds = array<i64: 128, 512>}, {pipeline_mode = #tpu.pipeline_mode<synchronous>, transform_indices = @transform_8, window_bounds = array<i64: 8, 512>}, {pipeline_mode = #tpu.pipeline_mode<synchronous>, transform_indices = @transform_9, window_bounds = array<i64: 8, 256>}, {pipeline_mode = #tpu.pipeline_mode<synchronous>, transform_indices = @transform_10, window_bounds = array<i64: 8, 512>}, {transform_indices = @transform_11, window_bounds = array<i64: 256, 512>}, {transform_indices = @transform_12, window_bounds = array<i64: 256, 512>}]} {
    %get3A = arith.constant 0 : index
    %get3A_0 = arith.constant 0 : index
    %get3A_1 = vector.load %arg1[%get3A, %get3A_0] : memref<256x256xf32, #tpu.memory_space<vmem>>, vector<256x256xf32>
    %get3A_2 = arith.constant 0 : index
    %get3A_3 = arith.constant 0 : index
    %get3A_4 = vector.load %arg9[%get3A_2, %get3A_3] : memref<8x512xf32, #tpu.memory_space<vmem>>, vector<8x512xf32>
    %get3A_5 = arith.constant 0 : index
    %get3A_6 = arith.constant 0 : index
    %get3A_7 = vector.load %arg3[%get3A_5, %get3A_6] : memref<256x256xf32, #tpu.memory_space<vmem>>, vector<256x256xf32>
    %dot_general3A = arith.constant dense<0.000000e+00> : vector<256x256xf32>
    %dot_general3A_8 = tpu.matmul %get3A_1, %get3A_7, %dot_general3A {dimension_numbers = #tpu.dot_dimension_numbers<[1], [0], [0], [1], [0, 0, 1, 1], [], []>, transpose_lhs_hint = false} : vector<256x256xf32>, vector<256x256xf32>, vector<256x256xf32> -> vector<256x256xf32>
    %get3A_9 = arith.constant 0 : index
    %get3A_10 = arith.constant 0 : index
    %get3A_11 = vector.load %arg10[%get3A_9, %get3A_10] : memref<8x256xf32, #tpu.memory_space<vmem>>, vector<1x256xf32>
    %add3A = vector.broadcast %get3A_11 : vector<1x256xf32> to vector<256x256xf32>
    %add3A_12 = arith.addf %dot_general3A_8, %add3A : vector<256x256xf32>
    %get3A_13 = arith.constant 0 : index
    %get3A_14 = arith.constant 0 : index
    %get3A_15 = vector.load %arg5[%get3A_13, %get3A_14] : memref<256x512xf32, #tpu.memory_space<vmem>>, vector<256x512xf32>
    %dot_general3A_16 = arith.constant dense<0.000000e+00> : vector<256x512xf32>
    %dot_general3A_17 = tpu.matmul %add3A_12, %get3A_15, %dot_general3A_16 {dimension_numbers = #tpu.dot_dimension_numbers<[1], [0], [0], [1], [0, 0, 1, 1], [], []>, transpose_lhs_hint = false} : vector<256x256xf32>, vector<256x512xf32>, vector<256x512xf32> -> vector<256x512xf32>
    %get3A_18 = arith.constant 0 : index
    %get3A_19 = arith.constant 0 : index
    %get3A_20 = vector.load %arg6[%get3A_18, %get3A_19] : memref<256x512xf32, #tpu.memory_space<vmem>>, vector<256x512xf32>
    %dot_general3A_21 = arith.constant dense<0.000000e+00> : vector<256x512xf32>
    %dot_general3A_22 = tpu.matmul %add3A_12, %get3A_20, %dot_general3A_21 {dimension_numbers = #tpu.dot_dimension_numbers<[1], [0], [0], [1], [0, 0, 1, 1], [], []>, transpose_lhs_hint = false} : vector<256x256xf32>, vector<256x512xf32>, vector<256x512xf32> -> vector<256x512xf32>
    %get3A_23 = arith.constant 0 : index
    %get3A_24 = arith.constant 0 : index
    %get3A_25 = vector.load %arg4[%get3A_23, %get3A_24] : memref<256x128xf32, #tpu.memory_space<vmem>>, vector<256x128xf32>
    %dot_general3A_26 = arith.constant dense<0.000000e+00> : vector<256x128xf32>
    %dot_general3A_27 = tpu.matmul %get3A_1, %get3A_25, %dot_general3A_26 {dimension_numbers = #tpu.dot_dimension_numbers<[1], [0], [0], [1], [0, 0, 1, 1], [], []>, transpose_lhs_hint = false} : vector<256x256xf32>, vector<256x128xf32>, vector<256x128xf32> -> vector<256x128xf32>
    %get3A_28 = arith.constant 1 : index
    %get3A_29 = arith.constant 0 : index
    %get3A_30 = vector.load %arg10[%get3A_28, %get3A_29] : memref<8x256xf32, #tpu.memory_space<vmem>>, vector<1x128xf32>
    %add3A_31 = vector.broadcast %get3A_30 : vector<1x128xf32> to vector<256x128xf32>
    %add3A_32 = arith.addf %dot_general3A_27, %add3A_31 : vector<256x128xf32>
    %exp3A = math.exp %add3A_32 : vector<256x128xf32>
    %get3A_33 = arith.constant 0 : index
    %get3A_34 = arith.constant 0 : index
    %get3A_35 = vector.load %arg7[%get3A_33, %get3A_34] : memref<128x128xf32, #tpu.memory_space<vmem>>, vector<128x128xf32>
    %dot_general3A_36 = arith.constant dense<0.000000e+00> : vector<256x128xf32>
    %dot_general3A_37 = tpu.matmul %exp3A, %get3A_35, %dot_general3A_36 {dimension_numbers = #tpu.dot_dimension_numbers<[1], [0], [0], [1], [0, 0, 1, 1], [], []>, transpose_lhs_hint = false} : vector<256x128xf32>, vector<128x128xf32>, vector<256x128xf32> -> vector<256x128xf32>
    %div3A = arith.divf %exp3A, %dot_general3A_37 : vector<256x128xf32>
    %get3A_38 = arith.constant 0 : index
    %get3A_39 = arith.constant 0 : index
    %get3A_40 = vector.load %arg8[%get3A_38, %get3A_39] : memref<128x512xf32, #tpu.memory_space<vmem>>, vector<128x512xf32>
    %dot_general3A_41 = arith.constant dense<0.000000e+00> : vector<256x512xf32>
    %dot_general3A_42 = tpu.matmul %div3A, %get3A_40, %dot_general3A_41 {dimension_numbers = #tpu.dot_dimension_numbers<[1], [0], [0], [1], [0, 0, 1, 1], [], []>, transpose_lhs_hint = false} : vector<256x128xf32>, vector<128x512xf32>, vector<256x512xf32> -> vector<256x512xf32>
    %get3A_43 = arith.constant 0 : index
    %get3A_44 = arith.constant 0 : index
    %get3A_45 = vector.load %arg2[%get3A_43, %get3A_44] : memref<256x128xf32, #tpu.memory_space<vmem>>, vector<256x1xf32>
    %get3A_46 = arith.constant 0 : index
    %get3A_47 = arith.constant 1 : index
    %get3A_48 = vector.load %arg2[%get3A_46, %get3A_47] : memref<256x128xf32, #tpu.memory_space<vmem>>, vector<256x1xf32>
    %get3A_49 = arith.constant 0 : index
    %get3A_50 = arith.constant 2 : index
    %get3A_51 = vector.load %arg2[%get3A_49, %get3A_50] : memref<256x128xf32, #tpu.memory_space<vmem>>, vector<256x1xf32>
    %slice3A = vector.extract_strided_slice %get3A_4 {offsets = [0, 0], sizes = [1, 512], strides = [1, 1]} : vector<8x512xf32> to vector<1x512xf32>
    %mul3A = vector.broadcast %get3A_45 : vector<256x1xf32> to vector<256x512xf32>
    %mul3A_52 = vector.broadcast %slice3A : vector<1x512xf32> to vector<256x512xf32>
    %mul3A_53 = arith.mulf %mul3A, %mul3A_52 : vector<256x512xf32>
    %add3A_54 = arith.addf %mul3A_53, %dot_general3A_17 : vector<256x512xf32>
    %slice3A_55 = vector.extract_strided_slice %get3A_4 {offsets = [2, 0], sizes = [1, 512], strides = [1, 1]} : vector<8x512xf32> to vector<1x512xf32>
    %jit3A = arith.constant 0.000000e+00 : f32
    %max3A = vector.broadcast %jit3A : f32 to vector<256x512xf32>
    %max3A_56 = arith.maximumf %max3A, %add3A_54 : vector<256x512xf32>
    %min3A = vector.broadcast %slice3A_55 : vector<1x512xf32> to vector<256x512xf32>
    %min3A_57 = arith.minimumf %min3A, %max3A_56 : vector<256x512xf32>
    %slice3A_58 = vector.extract_strided_slice %get3A_4 {offsets = [1, 0], sizes = [1, 512], strides = [1, 1]} : vector<8x512xf32> to vector<1x512xf32>
    %mul3A_59 = vector.broadcast %get3A_48 : vector<256x1xf32> to vector<256x512xf32>
    %mul3A_60 = vector.broadcast %slice3A_58 : vector<1x512xf32> to vector<256x512xf32>
    %mul3A_61 = arith.mulf %mul3A_59, %mul3A_60 : vector<256x512xf32>
    %add3A_62 = arith.addf %mul3A_61, %dot_general3A_22 : vector<256x512xf32>
    %slice3A_63 = vector.extract_strided_slice %get3A_4 {offsets = [3, 0], sizes = [1, 512], strides = [1, 1]} : vector<8x512xf32> to vector<1x512xf32>
    %jit3A_64 = arith.constant 0.000000e+00 : f32
    %max3A_65 = vector.broadcast %jit3A_64 : f32 to vector<256x512xf32>
    %max3A_66 = arith.maximumf %max3A_65, %add3A_62 : vector<256x512xf32>
    %min3A_67 = vector.broadcast %slice3A_63 : vector<1x512xf32> to vector<256x512xf32>
    %min3A_68 = arith.minimumf %min3A_67, %max3A_66 : vector<256x512xf32>
    %floor3A = math.floor %min3A_57 : vector<256x512xf32>
    %floor3A_69 = math.floor %min3A_68 : vector<256x512xf32>
    %sub3A = arith.subf %min3A_57, %floor3A : vector<256x512xf32>
    %sub3A_70 = arith.subf %min3A_68, %floor3A_69 : vector<256x512xf32>
    %iota3A = tpu.iota {dimensions = array<i32: 1>} : vector<256x512xi32>
    %and3A = arith.constant 2 : i32
    %and3A_71 = vector.broadcast %and3A : i32 to vector<256x512xi32>
    %and3A_72 = arith.andi %iota3A, %and3A_71 : vector<256x512xi32>
    %ne3A = arith.constant 0 : i32
    %ne3A_73 = vector.broadcast %ne3A : i32 to vector<256x512xi32>
    %ne3A_74 = arith.cmpi ne, %and3A_72, %ne3A_73 : vector<256x512xi32>
    %and3A_75 = arith.constant 1 : i32
    %and3A_76 = vector.broadcast %and3A_75 : i32 to vector<256x512xi32>
    %and3A_77 = arith.andi %iota3A, %and3A_76 : vector<256x512xi32>
    %ne3A_78 = arith.constant 0 : i32
    %ne3A_79 = vector.broadcast %ne3A_78 : i32 to vector<256x512xi32>
    %ne3A_80 = arith.cmpi ne, %and3A_77, %ne3A_79 : vector<256x512xi32>
    %add3A_81 = arith.constant 1.000000e+00 : f32
    %add3A_82 = vector.broadcast %add3A_81 : f32 to vector<256x512xf32>
    %add3A_83 = arith.addf %floor3A, %add3A_82 : vector<256x512xf32>
    %select_n3A = arith.select %ne3A_74, %add3A_83, %floor3A : vector<256x512xi1>, vector<256x512xf32>
    %slice3A_84 = vector.extract_strided_slice %get3A_4 {offsets = [2, 0], sizes = [1, 512], strides = [1, 1]} : vector<8x512xf32> to vector<1x512xf32>
    %sub3A_85 = arith.constant 1.000000e+00 : f32
    %sub3A_86 = vector.broadcast %sub3A_85 : f32 to vector<1x512xf32>
    %sub3A_87 = arith.subf %slice3A_84, %sub3A_86 : vector<1x512xf32>
    %jit3A_88 = arith.constant 0.000000e+00 : f32
    %max3A_89 = vector.broadcast %jit3A_88 : f32 to vector<256x512xf32>
    %max3A_90 = arith.maximumf %max3A_89, %select_n3A : vector<256x512xf32>
    %min3A_91 = vector.broadcast %sub3A_87 : vector<1x512xf32> to vector<256x512xf32>
    %min3A_92 = arith.minimumf %min3A_91, %max3A_90 : vector<256x512xf32>
    %convert_element_type3A = arith.fptosi %min3A_92 : vector<256x512xf32> to vector<256x512xi32>
    %add3A_93 = arith.constant 1.000000e+00 : f32
    %add3A_94 = vector.broadcast %add3A_93 : f32 to vector<256x512xf32>
    %add3A_95 = arith.addf %floor3A_69, %add3A_94 : vector<256x512xf32>
    %select_n3A_96 = arith.select %ne3A_80, %add3A_95, %floor3A_69 : vector<256x512xi1>, vector<256x512xf32>
    %slice3A_97 = vector.extract_strided_slice %get3A_4 {offsets = [3, 0], sizes = [1, 512], strides = [1, 1]} : vector<8x512xf32> to vector<1x512xf32>
    %sub3A_98 = arith.constant 1.000000e+00 : f32
    %sub3A_99 = vector.broadcast %sub3A_98 : f32 to vector<1x512xf32>
    %sub3A_100 = arith.subf %slice3A_97, %sub3A_99 : vector<1x512xf32>
    %jit3A_101 = arith.constant 0.000000e+00 : f32
    %max3A_102 = vector.broadcast %jit3A_101 : f32 to vector<256x512xf32>
    %max3A_103 = arith.maximumf %max3A_102, %select_n3A_96 : vector<256x512xf32>
    %min3A_104 = vector.broadcast %sub3A_100 : vector<1x512xf32> to vector<256x512xf32>
    %min3A_105 = arith.minimumf %min3A_104, %max3A_103 : vector<256x512xf32>
    %convert_element_type3A_106 = arith.fptosi %min3A_105 : vector<256x512xf32> to vector<256x512xi32>
    %sub3A_107 = arith.constant 1.000000e+00 : f32
    %sub3A_108 = vector.broadcast %sub3A_107 : f32 to vector<256x512xf32>
    %sub3A_109 = arith.subf %sub3A_108, %sub3A : vector<256x512xf32>
    %select_n3A_110 = arith.select %ne3A_74, %sub3A, %sub3A_109 : vector<256x512xi1>, vector<256x512xf32>
    %sub3A_111 = arith.constant 1.000000e+00 : f32
    %sub3A_112 = vector.broadcast %sub3A_111 : f32 to vector<256x512xf32>
    %sub3A_113 = arith.subf %sub3A_112, %sub3A_70 : vector<256x512xf32>
    %select_n3A_114 = arith.select %ne3A_80, %sub3A_70, %sub3A_113 : vector<256x512xi1>, vector<256x512xf32>
    %shift_right_arithmetic3A = arith.constant 2 : i32
    %shift_right_arithmetic3A_115 = vector.broadcast %shift_right_arithmetic3A : i32 to vector<256x512xi32>
    %shift_right_arithmetic3A_116 = arith.shrsi %iota3A, %shift_right_arithmetic3A_115 : vector<256x512xi32>
    %and3A_117 = arith.constant 7 : i32
    %and3A_118 = vector.broadcast %and3A_117 : i32 to vector<256x512xi32>
    %and3A_119 = arith.andi %shift_right_arithmetic3A_116, %and3A_118 : vector<256x512xi32>
    %get3A_120 = arith.constant 0 : index
    %get3A_121 = arith.constant 0 : index
    %get3A_122 = vector.load %arg11[%get3A_120, %get3A_121] : memref<8x512xi32, #tpu.memory_space<vmem>>, vector<1x512xi32>
    %convert_element_type3A_123 = arith.fptosi %get3A_51 : vector<256x1xf32> to vector<256x1xi32>
    %get3A_124 = arith.constant 1 : index
    %get3A_125 = arith.constant 0 : index
    %get3A_126 = vector.load %arg11[%get3A_124, %get3A_125] : memref<8x512xi32, #tpu.memory_space<vmem>>, vector<1x512xi32>
    %mul3A_127 = vector.broadcast %convert_element_type3A_123 : vector<256x1xi32> to vector<256x512xi32>
    %mul3A_128 = vector.broadcast %get3A_126 : vector<1x512xi32> to vector<256x512xi32>
    %mul3A_129 = arith.muli %mul3A_127, %mul3A_128 : vector<256x512xi32>
    %add3A_130 = vector.broadcast %get3A_122 : vector<1x512xi32> to vector<256x512xi32>
    %add3A_131 = arith.addi %add3A_130, %mul3A_129 : vector<256x512xi32>
    %get3A_132 = arith.constant 2 : index
    %get3A_133 = arith.constant 0 : index
    %get3A_134 = vector.load %arg11[%get3A_132, %get3A_133] : memref<8x512xi32, #tpu.memory_space<vmem>>, vector<1x512xi32>
    %mul3A_135 = vector.broadcast %get3A_134 : vector<1x512xi32> to vector<256x512xi32>
    %mul3A_136 = arith.muli %convert_element_type3A, %mul3A_135 : vector<256x512xi32>
    %add3A_137 = arith.addi %add3A_131, %mul3A_136 : vector<256x512xi32>
    %add3A_138 = arith.addi %add3A_137, %convert_element_type3A_106 : vector<256x512xi32>
    %shift_right_arithmetic3A_139 = arith.constant 2 : i32
    %shift_right_arithmetic3A_140 = vector.broadcast %shift_right_arithmetic3A_139 : i32 to vector<256x512xi32>
    %shift_right_arithmetic3A_141 = arith.shrsi %and3A_119, %shift_right_arithmetic3A_140 : vector<256x512xi32>
    %mul3A_142 = arith.constant 10880 : i32
    %mul3A_143 = vector.broadcast %mul3A_142 : i32 to vector<256x512xi32>
    %mul3A_144 = arith.muli %shift_right_arithmetic3A_141, %mul3A_143 : vector<256x512xi32>
    %add3A_145 = arith.addi %mul3A_144, %add3A_138 : vector<256x512xi32>
    %mul3A_146 = arith.constant 4 : i32
    %mul3A_147 = vector.broadcast %mul3A_146 : i32 to vector<256x512xi32>
    %mul3A_148 = arith.muli %add3A_145, %mul3A_147 : vector<256x512xi32>
    %and3A_149 = arith.constant 3 : i32
    %and3A_150 = vector.broadcast %and3A_149 : i32 to vector<256x512xi32>
    %and3A_151 = arith.andi %and3A_119, %and3A_150 : vector<256x512xi32>
    %add3A_152 = arith.addi %mul3A_148, %and3A_151 : vector<256x512xi32>
    %swap3A = arith.constant 0 : index
    %swap3A_153 = arith.constant 0 : index
    %swap3A_154 = vector.load %arg12[%swap3A, %swap3A_153] : memref<256x512xi32, #tpu.memory_space<vmem>>, vector<256x512xi32>
    tpu.vector_store %arg12[%swap3A, %swap3A_153], %add3A_152 {strides = array<i32>} : memref<256x512xi32, #tpu.memory_space<vmem>>, vector<256x512xi32>,
    %mul3A_155 = arith.mulf %dot_general3A_42, %select_n3A_110 : vector<256x512xf32>
    %mul3A_156 = arith.mulf %mul3A_155, %select_n3A_114 : vector<256x512xf32>
    %swap3A_157 = arith.constant 0 : index
    %swap3A_158 = arith.constant 0 : index
    %swap3A_159 = vector.load %arg13[%swap3A_157, %swap3A_158] : memref<256x512xf32, #tpu.memory_space<vmem>>, vector<256x512xf32>
    tpu.vector_store %arg13[%swap3A_157, %swap3A_158], %mul3A_156 {strides = array<i32>} : memref<256x512xf32, #tpu.memory_space<vmem>>, vector<256x512xf32>,
    return
  }
  func.func @transform_0(%arg0: i32) -> (i32, i32) {
    %c0_i32 = arith.constant 0 : i32
    %c0_i32_0 = arith.constant 0 : i32
    return %arg0, %c0_i32 : i32, i32
  }
  func.func @transform_1(%arg0: i32) -> (i32, i32) {
    %c0_i32 = arith.constant 0 : i32
    %c0_i32_0 = arith.constant 0 : i32
    return %arg0, %c0_i32 : i32, i32
  }
  func.func @transform_2(%arg0: i32) -> (i32, i32) {
    %c0_i32 = arith.constant 0 : i32
    %c0_i32_0 = arith.constant 0 : i32
    %c0_i32_1 = arith.constant 0 : i32
    return %c0_i32, %c0_i32_0 : i32, i32
  }
  func.func @transform_3(%arg0: i32) -> (i32, i32) {
    %c0_i32 = arith.constant 0 : i32
    %c0_i32_0 = arith.constant 0 : i32
    %c0_i32_1 = arith.constant 0 : i32
    return %c0_i32, %c0_i32_0 : i32, i32
  }
  func.func @transform_4(%arg0: i32) -> (i32, i32) {
    %c0_i32 = arith.constant 0 : i32
    %c0_i32_0 = arith.constant 0 : i32
    %c0_i32_1 = arith.constant 0 : i32
    return %c0_i32, %c0_i32_0 : i32, i32
  }
  func.func @transform_5(%arg0: i32) -> (i32, i32) {
    %c0_i32 = arith.constant 0 : i32
    %c0_i32_0 = arith.constant 0 : i32
    %c0_i32_1 = arith.constant 0 : i32
    return %c0_i32, %c0_i32_0 : i32, i32
  }
  func.func @transform_6(%arg0: i32) -> (i32, i32) {
    %c0_i32 = arith.constant 0 : i32
    %c0_i32_0 = arith.constant 0 : i32
    %c0_i32_1 = arith.constant 0 : i32
    return %c0_i32, %c0_i32_0 : i32, i32
  }
  func.func @transform_7(%arg0: i32) -> (i32, i32) {
    %c0_i32 = arith.constant 0 : i32
    %c0_i32_0 = arith.constant 0 : i32
    %c0_i32_1 = arith.constant 0 : i32
    return %c0_i32, %c0_i32_0 : i32, i32
  }
  func.func @transform_8(%arg0: i32) -> (i32, i32) {
    %c0_i32 = arith.constant 0 : i32
    %c0_i32_0 = arith.constant 0 : i32
    %c0_i32_1 = arith.constant 0 : i32
    return %c0_i32, %c0_i32_0 : i32, i32
  }
  func.func @transform_9(%arg0: i32) -> (i32, i32) {
    %c0_i32 = arith.constant 0 : i32
    %c0_i32_0 = arith.constant 0 : i32
    %c0_i32_1 = arith.constant 0 : i32
    return %c0_i32, %c0_i32_0 : i32, i32
  }
  func.func @transform_10(%arg0: i32) -> (i32, i32) {
    %c0_i32 = arith.constant 0 : i32
    %c0_i32_0 = arith.constant 0 : i32
    %c0_i32_1 = arith.constant 0 : i32
    return %c0_i32, %c0_i32_0 : i32, i32
  }
  func.func @transform_11(%arg0: i32) -> (i32, i32) {
    %c0_i32 = arith.constant 0 : i32
    %c0_i32_0 = arith.constant 0 : i32
    return %arg0, %c0_i32 : i32, i32
  }
  func.func @transform_12(%arg0: i32) -> (i32, i32) {
    %c0_i32 = arith.constant 0 : i32
    %c0_i32_0 = arith.constant 0 : i32
    return %arg0, %c0_i32 : i32, i32
  }
}

module attributes {stable_mosaic.version = 14 : i64} {
  func.func @_proj_perm_body(%arg0: i32, %arg1: memref<256x256xf32, #tpu.memory_space<vmem>>, %arg2: memref<256x256xf32, #tpu.memory_space<vmem>>, %arg3: memref<256x256xf32, #tpu.memory_space<vmem>>, %arg4: memref<8x256xf32, #tpu.memory_space<vmem>>, %arg5: memref<256x256xf32, #tpu.memory_space<vmem>>) attributes {dimension_semantics = [#tpu.dimension_semantics<arbitrary>], iteration_bounds = array<i64: 8>, scalar_prefetch = 0 : i64, scratch_operands = 0 : i64, tpu.core_type = #tpu.core_type<tc>, window_params = [{transform_indices = @transform_0, window_bounds = array<i64: 256, 256>}, {pipeline_mode = #tpu.pipeline_mode<synchronous>, transform_indices = @transform_1, window_bounds = array<i64: 256, 256>}, {pipeline_mode = #tpu.pipeline_mode<synchronous>, transform_indices = @transform_2, window_bounds = array<i64: 256, 256>}, {pipeline_mode = #tpu.pipeline_mode<synchronous>, transform_indices = @transform_3, window_bounds = array<i64: 8, 256>}, {transform_indices = @transform_4, window_bounds = array<i64: 256, 256>}]} {
    %get3A = arith.constant 0 : index
    %get3A_0 = arith.constant 0 : index
    %get3A_1 = vector.load %arg1[%get3A, %get3A_0] : memref<256x256xf32, #tpu.memory_space<vmem>>, vector<256x256xf32>
    %get3A_2 = arith.constant 0 : index
    %get3A_3 = arith.constant 0 : index
    %get3A_4 = vector.load %arg2[%get3A_2, %get3A_3] : memref<256x256xf32, #tpu.memory_space<vmem>>, vector<256x256xf32>
    %dot_general3A = arith.constant dense<0.000000e+00> : vector<256x256xf32>
    %dot_general3A_5 = tpu.matmul %get3A_1, %get3A_4, %dot_general3A {dimension_numbers = #tpu.dot_dimension_numbers<[1], [0], [0], [1], [0, 0, 1, 1], [], []>, transpose_lhs_hint = false} : vector<256x256xf32>, vector<256x256xf32>, vector<256x256xf32> -> vector<256x256xf32>
    %get3A_6 = arith.constant 0 : index
    %get3A_7 = arith.constant 0 : index
    %get3A_8 = vector.load %arg3[%get3A_6, %get3A_7] : memref<256x256xf32, #tpu.memory_space<vmem>>, vector<256x256xf32>
    %dot_general3A_9 = arith.constant dense<0.000000e+00> : vector<256x256xf32>
    %dot_general3A_10 = tpu.matmul %dot_general3A_5, %get3A_8, %dot_general3A_9 {dimension_numbers = #tpu.dot_dimension_numbers<[1], [0], [0], [1], [0, 0, 1, 1], [], []>, transpose_lhs_hint = false} : vector<256x256xf32>, vector<256x256xf32>, vector<256x256xf32> -> vector<256x256xf32>
    %get3A_11 = arith.constant 0 : index
    %get3A_12 = arith.constant 0 : index
    %get3A_13 = vector.load %arg4[%get3A_11, %get3A_12] : memref<8x256xf32, #tpu.memory_space<vmem>>, vector<1x256xf32>
    %add3A = vector.broadcast %get3A_13 : vector<1x256xf32> to vector<256x256xf32>
    %add3A_14 = arith.addf %dot_general3A_10, %add3A : vector<256x256xf32>
    %swap3A = arith.constant 0 : index
    %swap3A_15 = arith.constant 0 : index
    %swap3A_16 = vector.load %arg5[%swap3A, %swap3A_15] : memref<256x256xf32, #tpu.memory_space<vmem>>, vector<256x256xf32>
    tpu.vector_store %arg5[%swap3A, %swap3A_15], %add3A_14 {strides = array<i32>} : memref<256x256xf32, #tpu.memory_space<vmem>>, vector<256x256xf32>,
    return
  }
  func.func @transform_0(%arg0: i32) -> (i32, i32) {
    %c0_i32 = arith.constant 0 : i32
    %c0_i32_0 = arith.constant 0 : i32
    return %arg0, %c0_i32 : i32, i32
  }
  func.func @transform_1(%arg0: i32) -> (i32, i32) {
    %c0_i32 = arith.constant 0 : i32
    %c0_i32_0 = arith.constant 0 : i32
    %c0_i32_1 = arith.constant 0 : i32
    return %c0_i32, %c0_i32_0 : i32, i32
  }
  func.func @transform_2(%arg0: i32) -> (i32, i32) {
    %c0_i32 = arith.constant 0 : i32
    %c0_i32_0 = arith.constant 0 : i32
    %c0_i32_1 = arith.constant 0 : i32
    return %c0_i32, %c0_i32_0 : i32, i32
  }
  func.func @transform_3(%arg0: i32) -> (i32, i32) {
    %c0_i32 = arith.constant 0 : i32
    %c0_i32_0 = arith.constant 0 : i32
    %c0_i32_1 = arith.constant 0 : i32
    return %c0_i32, %c0_i32_0 : i32, i32
  }
  func.func @transform_4(%arg0: i32) -> (i32, i32) {
    %c0_i32 = arith.constant 0 : i32
    %c0_i32_0 = arith.constant 0 : i32
    return %arg0, %c0_i32 : i32, i32
  }
}

</mosaic_0001>

<sc_bundles>
// kernel: kernel.6.cloned.1.call-start
scs
__scs_entry_jumppad:
0x0: {  	(pc) =	sbr.rel $0x88, $3  }
0x1: {  	(tag) =	ssettag $0x0;
	lr =	simm.s32 $0x1  }
0x2: {  	[smem:$0x3F94] =	sst lr;
	_ =	strace $0xD0000000  }
0x3: {  	_ = 	snop  }
0x4: {  	_ = 	snop  }
0x5: {  	_ = 	snop  }
0x6: {  	_ = 	snop  }
0x7: {  	_ = 	snop  }
__scs_overlays_trampoline_lowered:
0x8: {  	[smem:$0x3FA3] =	sst s0  }
0x9: {  	[smem:$0x3FA4] =	sst s1  }
0xa: {  	[smem:$0x3FA5] =	sst s2  }
0xb: {  	[smem:$0x3FA6] =	sst s3  }
0xc: {  	[smem:$0x3FA7] =	sst s4  }
0xd: {  	[smem:$0x3FA8] =	sst s5  }
0xe: {  	[smem:$0x3FA9] =	sst s6  }
0xf: {  	[smem:$0x3FAA] =	sst s7  }
0x10: {  	[smem:$0x3FAB] =	sst s8  }
0x11: {  	[smem:$0x3FAC] =	sst s9;
	s0 =	simm.s32 @!p0 $0x0  }
0x12: {  	s1 =	sld [smem:$0x3F92];
	s0 =	simm.s32 @p0 $0x1  }
0x13: {  	[smem:$0x3FAD] =	sst s0;
	s0 =	simm.s32 @!p1 $0x0  }
0x14: {  	s2 =	sld [smem:$0x3F91];
	s0 =	simm.s32 @p1 $0x1  }
0x15: {  	[smem:$0x3FAE] =	sst s0;
	s0 =	simm.s32 @!p2 $0x0  }
0x16: {  	s3 =	sld [smem:$0x3FDB];
	s0 =	simm.s32 @p2 $0x1  }
0x17: {  	s4 =	simm.s32 $0x1BF5;
	[smem:$0x3FB0] =	sst s0  }
0x18: {  	s0 =	sld [smem:$0x3F93];
	_ =	swait.ge [sflag:s4], $0x0  }
0x19: {  	s7 =	sld [smem:$0x3F94]  }
0x1a: {  	s8 =	sadd.s32 $0xFFFFE003, lr  }
0x1b: {  	s9 =	sadd.s32 $0xFFFFFEF7, lr;
	s5 =	simm.s32 $0xFFFFFFFF;
	p2 =	slt.u32 s8, $0xFFFFF086  }
0x1c: {  	p1 =	slt.u32 s9, $0xF7A;
	s5 =	simm.s32 @!p2 $0x0  }
0x1d: {  	s5 =	simm.s32 @p1 $0x1;
	p0 =	seq.s32 s7, s2  }
0x1e: {  	s7 =	smul.u32 @!p0 $0xF7A, s2;
	p2 =	seq.s32 @!p0 s5, $0x0  }
0x1f: {  	s9 =	smul.u32 $0xF7A, s1;
	s8 =	simm.s32 @!p0 $0x1BF5;
	p2 =	por !p2, p0  }
0x20: {  	[sflag:s8] =	ssyncset.s32 @!p0 $0xFFFFF086;
	s6 =	sadd.s32 @!p0 s3, s7;
	s7 =	simm.s32 @!p0 $0x108  }
0x21: {  	s3 =	sadd.s32 s3, s9;
	s6 =	sadd.s32 @!p0 $0x88, s6;
	s7 =	simm.s32 @p2 $0x1082  }
0x22: {  	[simem:s7], [sflag:s8] =	dma.local @!p0 [hbm:s6], $0xF7A  }
0x23: {  	s9 =	sor.u32 $0xD0000000, s2;
	s6 =	simm.s32 $0x108;
	_ =	swait.ge @!p0 [sflag:s8], $0x0  }
0x24: {  	s3 =	sadd.s32 $0x88, s3;
	s6 =	simm.s32 @!p1 $0x1082;
	[sflag:s4] =	ssyncset.s32 $0xFFFFF086  }
0x25: {  	[simem:s6], [sflag:s4] =	dma.local [hbm:s3], $0xF7A  }
0x26: {  	[smem:$0x3F94] =	sst s1;
	(tag) =	ssettag s2;
	_ =	strace s9  }
0x27: {  	s1 =	sld [smem:$0x3FA4]  }
0x28: {  	s2 =	sld [smem:$0x3FA5]  }
0x29: {  	s4 =	sld [smem:$0x3FA7]  }
0x2a: {  	p0 =	seq.s32 s5, $0x0;
	s5 =	sld [smem:$0x3FA8]  }
0x2b: {  	s6 =	sld [smem:$0x3FA9]  }
0x2c: {  	s7 =	sld [smem:$0x3FAA]  }
0x2d: {  	s3 =	simm.s32 $0x108;
	s8 =	sld [smem:$0x3FAB]  }
0x2e: {  	s3 =	simm.s32 @!p0 $0x1082;
	s9 =	sld [smem:$0x3FAC]  }
0x2f: {  	lr =	sadd.s32 s0, s3;
	s0 =	sld [smem:$0x3FA3]  }
0x30: {  	s3 =	sld [smem:$0x3FA6]  }
0x31: {  	[smem:$0x3FAF] =	sst s10  }
0x32: {  	s10 =	sld [smem:$0x3FAD];
	_ =	sdelay $0x3  }
0x33: {  	p0 =	seq.s32 s10, $0x1;
	s10 =	sld [smem:$0x3FAF];
	_ =	sdelay $0x3  }
0x34: {  	[smem:$0x3FAF] =	sst s10  }
0x35: {  	s10 =	sld [smem:$0x3FAE];
	_ =	sdelay $0x3  }
0x36: {  	p1 =	seq.s32 s10, $0x1;
	s10 =	sld [smem:$0x3FAF];
	_ =	sdelay $0x3  }
0x37: {  	[smem:$0x3FAF] =	sst s10  }
0x38: {  	s10 =	sld [smem:$0x3FB0]  }
0x39: {  	_ = 	snop;
	(pc) =	sbr.ind lr, $3  }
0x3a: {  	_ = 	snop  }
0x3b: {  	_ = 	snop  }
0x3c: {  	p2 =	seq.s32 s10, $0x1;
	s10 =	sld [smem:$0x3FAF]  }
0x3d: {  	_ =	shalt  }
0x3e: {  	_ =	shalt  }
0x3f: {  	_ =	shalt  }
0x40: {  	_ =	shalt  }
0x41: {  	_ =	shalt  }
0x42: {  	_ =	shalt  }
0x43: {  	_ =	shalt  }
0x44: {  	_ =	shalt  }
0x45: {  	_ =	shalt  }
0x46: {  	_ =	shalt  }
0x47: {  	_ =	shalt  }
0x48: {  	_ =	shalt  }
0x49: {  	_ =	shalt  }
0x4a: {  	_ =	shalt  }
0x4b: {  	_ =	shalt  }
0x4c: {  	_ =	shalt  }
0x4d: {  	_ =	shalt  }
0x4e: {  	_ =	shalt  }
0x4f: {  	_ =	shalt  }
0x50: {  	_ =	shalt  }
0x51: {  	_ =	shalt  }
0x52: {  	_ =	shalt  }
0x53: {  	_ =	shalt  }
0x54: {  	_ =	shalt  }
0x55: {  	_ =	shalt  }
0x56: {  	_ =	shalt  }
0x57: {  	_ =	shalt  }
0x58: {  	_ =	shalt  }
0x59: {  	_ =	shalt  }
0x5a: {  	_ =	shalt  }
0x5b: {  	_ =	shalt  }
0x5c: {  	_ =	shalt  }
0x5d: {  	_ =	shalt  }
0x5e: {  	_ =	shalt  }
0x5f: {  	_ =	shalt  }
0x60: {  	_ =	shalt  }
0x61: {  	_ =	shalt  }
0x62: {  	_ =	shalt  }
0x63: {  	_ =	shalt  }
0x64: {  	_ =	shalt  }
0x65: {  	_ =	shalt  }
0x66: {  	_ =	shalt  }
0x67: {  	_ =	shalt  }
0x68: {  	_ =	shalt  }
0x69: {  	_ =	shalt  }
0x6a: {  	_ =	shalt  }
0x6b: {  	_ =	shalt  }
0x6c: {  	_ =	shalt  }
0x6d: {  	_ =	shalt  }
0x6e: {  	_ =	shalt  }
0x6f: {  	_ =	shalt  }
0x70: {  	_ =	shalt  }
0x71: {  	_ =	shalt  }
0x72: {  	_ =	shalt  }
0x73: {  	_ =	shalt  }
0x74: {  	_ =	shalt  }
0x75: {  	_ =	shalt  }
0x76: {  	_ =	shalt  }
0x77: {  	_ =	shalt  }
0x78: {  	_ =	shalt  }
0x79: {  	_ =	shalt  }
0x7a: {  	_ =	shalt  }
0x7b: {  	_ =	shalt  }
0x7c: {  	_ =	shalt  }
0x7d: {  	_ =	shalt  }
0x7e: {  	_ =	shalt  }
0x7f: {  	_ =	shalt  }
0x80: {  	_ =	shalt  }
0x81: {  	_ =	shalt  }
0x82: {  	_ =	shalt  }
0x83: {  	_ =	shalt  }
0x84: {  	_ =	shalt  }
0x85: {  	_ =	shalt  }
0x86: {  	_ =	shalt  }
0x87: {  	_ =	shalt  }
.Lfunc_end0:
.L_simem_size_0:
called_computation_lowered:
.L_overlay_start_0:
0x88: {  	s2 =	sld [smem:$0x3FD9]  }
0x89: {  	s3 =	sld [smem:$0x3FFE];
	_ =	sdelay $0x1  }
0x8a: {  	s1 =	srdreg.scid  }
0x8b: {  	s0 =	sand.u32 $0x1, s1  }
0x8c: {  	s16 =	sshll.u32 s0, $0xA;
	s2 =	sadd.s32 s3, s2  }
0x8d: {  	s2 =	sadd.s32 s2, s16  }
0x8e: {  	[smem:$0x3FBB] =	sst s2  }
0x8f: {  	_ = 	snop  }
0x90: {  	(tm) =	ssettm $0x1  }
0x91: {  	s17 =	sld [smem:$0x3FFB];
	_ =	sdelay $0x3  }
0x92: {  	_ =	strace s17  }
0x93: {  	s2 =	sld [smem:$0x3FFC];
	_ =	sdelay $0x3  }
0x94: {  	_ =	strace s2  }
0x95: {  	s2 =	sld [smem:$0x3FFD];
	_ =	sdelay $0x3  }
0x96: {  	_ =	strace s2  }
0x97: {  	_ =	strace $0x8FFFFFFF  }
0x98: {  	s18 =	sld [smem:$0x3FDB];
	_ =	sdelay $0x1  }
0x99: {  	s19 =	simm.s32 $_scs_section_size  }
0x9a: {  	s4 =	simm.s32 $_size__tile_overlayer_lowered;
	s5 =	simm.s32 $_tile_overlayer_lowered  }
0x9b: {  	s22 =	simm.s32 $0x1BFF;
	s21 =	sshll.u32 s5, $0x1;
	s2 =	sadd.s32 s19, s18  }
0x9c: {  	s6 =	simm.s32 $0x0;
	s20 =	sshll.u32 s4, $0x1;
	s4 =	sadd.s32 s21, s2  }
0x9d: {  	[timem:s6], [sflag:s22] =	dma.local [hbm:s4], s20  }
0x9e: {  	_ =	swait.ge [sflag:s22], s20  }
0x9f: {  	s3 =	ssub.s32 $0x0, s20;
	[sflag:s22] =	ssyncset.done $0x0  }
0xa0: {  	[sflag:s22] =	ssyncadd.s32 s3;
	_ =	sdelay $0x1  }
0xa1: {  	s23 =	simm.s32 $0x1B8B  }
0xa2: {  	_ =	swait.ge [sflag:s23], $0x1  }
0xa3: {  	[sflag:s23] =	ssyncset.done $0x0  }
0xa4: {  	s25 =	simm.s32 $0x1B8E;
	s24 =	sld [smem:$0x3FFE];
	[sflag:s23] =	ssyncadd.s32 $0xFFFFFFFF  }
0xa5: {  	s26 =	simm.s32 $execute0_lowered;
	[smem:$0x3FD2] =	sst s25  }
0xa6: {  	s4 =	sshll.u32 s26, $0x1;
	_ =	strace $0x80000046;
	[dreg:$0x1] =	wrdreg $0xFFFFFFFF  }
0xa7: {  	s28 =	simm.s32 $_size_execute0_lowered;
	s2 =	sadd.s32 s2, s4;
	[dreg:$0x0] =	wrdreg $0x0  }
0xa8: {  	s4 =	sshll.u32 s28, $0x1;
	[dreg:$0x2] =	wrdreg s2  }
0xa9: {  	[dreg:$0x3] =	wrdreg s4  }
0xaa: {  	[dreg:$0x4] =	wrdreg $0xC0  }
0xab: {  	_ =	task [dreg:s6], $0x5FFFF  }
0xac: {  	[dreg:$0x1] =	wrdreg $0xFFFFFFFF  }
0xad: {  	[dreg:$0x0] =	wrdreg $0x60  }
0xae: {  	[dreg:$0x2] =	wrdreg s24  }
0xaf: {  	[dreg:$0x3] =	wrdreg $0x9  }
0xb0: {  	_ =	task.clear_ibuf [dreg:s6], $0x4FFFF;
	_ =	strace $0x90000046  }
0xb1: {  	s29 =	simm.s32 $0x9;
	_ =	strace $0x80000048  }
0xb2: {  	_ =	swait.ge [sflag:s29], $0x1  }
0xb3: {  	[sflag:s29] =	ssyncadd.s32 $0xFFFFFFFF  }
0xb4: {  	_ =	strace $0x90000048  }
0xb5: {  	_ =	sfence  }
0xb6: {  	s30 =	sld [smem:$0x0];
	_ =	sdelay $0x2  }
0xb7: {  	s31 =	sshll.u32 s1, $0xD;
	s1 =	sshrl.u32 s1, $0x2  }
0xb8: {  	s3 =	sand.u32 $0x4000, s31;
	s1 =	sadd.s32 s1, s30  }
0xb9: {  	s0 =	sor.u32 s3, s0;
	s1 =	sshll.u32 s1, $0x11  }
0xba: {  	s0 =	sor.u32 s1, s0  }
0xbb: {  	s0 =	sadd.s32 $0x8F2B, s0  }
0xbc: {  	[sflag:s0] =	ssyncadd.remote.s32 $0x1  }
0xbd: {  	_ =	sfence.sel $0xFFFF  }
0xbe: {  	[dreg:$0x0] =	wrdreg $0xFFFFFFFF;
	(pc) =	sbr.abs _section_cstart, $3  }
0xbf: {  	[dreg:$0x1] =	wrdreg $0xFFFFFFFF  }
0xc0: {  	_ =	task.clear_ibuf [dreg:s6], $0x2FFFF;
	_ =	strace $0x9FFFFFFF  }
0xc1: {  	(tm) =	ssettm $0x7FFFFFFF  }
tec
execute0_lowered:
.L_overlay_start_1:
0x0: {  	(tag) =	ssettag $0x1  }
0x1: {  	s0 =	rddreg [dreg:$0x0];
	s1 =	srdreg.scid;
	s6 =	simm.s32 $0x0  }
0x2: {  	s2 =	stileid.u32;
	s10 =	simm.s32 $0x80;
	s12 =	simm.s32 $0x10800  }
0x3: {  	s14 =	simm.s32 $0x11000;
	s16 =	simm.s32 $0x11800;
	s18 =	simm.s32 $0x12000  }
0x4: {  	s20 =	simm.s32 $0x12800;
	s22 =	simm.s32 $0x13000;
	s29 =	simm.s32 $0x14800  }
0x5: {  	s31 =	simm.s32 $0x15000;
	s13 =	simm.s32 $0x16000;
	s17 =	simm.s32 $0x16800  }
0x6: {  	s21 =	simm.s32 $0x17000;
	s28 =	simm.s32 $0x1;
	s30 =	simm.s32 $0x2  }
0x7: {  	s9 =	simm.s32 $0x4;
	s1 =	sand.u32 $0x1, s1;
	[smem:$0x7FF] =	sst s6  }
0x8: {  	s2 =	sshll.u32 s2, $0x7;
	s3 =	sshll.u32 s1, $0x6;
	s1 =	ssub.s32 $0x2, s1  }
0x9: {  	_ =	strace $0x80000047;
	s2 =	sor.u32 s3, s2;
	s5 =	sshrl.u32 s1, $0x1  }
0xa: {  	s3 =	sadd.s32 $0x2800, s0;
	s4 =	sshll.u32 s2, $0x6;
	s1 =	ssub.s32 s1, s5  }
0xb: {  	s2 =	sshll.u32 s2, $0x5;
	s4 =	sadd.s32 s4, s0;
	s26 =	smax.u32 s1, $0x1  }
0xc: {  	s5 =	simm.s32 $0x0;
	s24 =	sadd.s32 $0x2D000, s4;
	[dreg:$0x5] =	wrdreg s26  }
0xd: {  	s0 =	sadd.s32 s2, s0;
	s25 =	sadd.s32 $0x4D000, s4;
	[dreg:$0x2] =	wrdreg s24  }
0xe: {  	s1 =	simm.s32 $0x15800;
	s0 =	sadd.s32 $0x6D000, s0;
	[dreg:$0x3] =	wrdreg s25  }
0xf: {  	s4 =	simm.s32 $0x5;
	s26 =	simm.s32 $0x14000;
	[dreg:$0x4] =	wrdreg s0  }
0x10: {  	s24 =	simm.s32 $0x13800;
	s25 =	simm.s32 $0x17800;
	s0 =	simm.s32 $0x3  }
.LBB2_1:
0x11: {  	[dreg:$0x6] =	wrdreg s5  }
0x12: {  	s2 =	rddreg [dreg:$0x2]  }
0x13: {  	[tilespmem:s6], [sflag:$0x5] =	stream.linear.gather [hbm4b:s2+s6], $0x8000, $0x38;
	[tilespmem:$0x1C000] =	vst v63  }
0x14: {  	_ =	swait.ge [sflag:s4], $0x8000  }
0x15: {  	[sflag:s4] =	ssyncset.done $0x0  }
0x16: {  	s23 =	simm.s32 $0x8000;
	s19 =	rddreg [dreg:$0x3];
	[sflag:s4] =	ssyncadd.s32 $0xFFFF8000  }
0x17: {  	[tilespmem:s23], [sflag:$0x5] =	stream.linear.gather [hbm4b:s19+s6], $0x8000, $0x38;
	[tilespmem:$0x1C000] =	vst v63  }
0x18: {  	_ =	swait.ge [sflag:s4], $0x8000  }
0x19: {  	[sflag:s4] =	ssyncset.done $0x0  }
0x1a: {  	s7 =	simm.s32 $0x10000;
	[sflag:s4] =	ssyncadd.s32 $0xFFFF8000  }
0x1b: {  	[tilespmem:s7], [sflag:$0x1] =	stream.indirect.gather [hbm4b:s3+s10], $0x10, s6, s10, $0xb8;
	[tilespmem:$0x1C000] =	vst v63  }
0x1c: {  	_ = 	snop  }
0x1d: {  	[tilespmem:s12], [sflag:$0x1] =	stream.indirect.gather [hbm4b:s3+s10], $0x10, s10, s10, $0xb8;
	[tilespmem:$0x1C000] =	vst v63  }
0x1e: {  	s8 =	simm.s32 $0x100  }
0x1f: {  	[tilespmem:s14], [sflag:$0x1] =	stream.indirect.gather [hbm4b:s3+s10], $0x10, s8, s10, $0xb8;
	[tilespmem:$0x1C000] =	vst v63  }
0x20: {  	s11 =	simm.s32 $0x180  }
0x21: {  	[tilespmem:s16], [sflag:$0x1] =	stream.indirect.gather [hbm4b:s3+s10], $0x10, s11, s10, $0xb8;
	[tilespmem:$0x1C000] =	vst v63  }
0x22: {  	s15 =	simm.s32 $0x200  }
0x23: {  	[tilespmem:s18], [sflag:$0x2] =	stream.indirect.gather [hbm4b:s3+s10], $0x10, s15, s10, $0xb8;
	[tilespmem:$0x1C000] =	vst v63  }
0x24: {  	s19 =	simm.s32 $0x280  }
0x25: {  	[tilespmem:s20], [sflag:$0x2] =	stream.indirect.gather [hbm4b:s3+s10], $0x10, s19, s10, $0xb8;
	[tilespmem:$0x1C000] =	vst v63  }
0x26: {  	s23 =	simm.s32 $0x300  }
0x27: {  	[tilespmem:s22], [sflag:$0x2] =	stream.indirect.gather [hbm4b:s3+s10], $0x10, s23, s10, $0xb8;
	[tilespmem:$0x1C000] =	vst v63  }
0x28: {  	s4 =	simm.s32 $0x380  }
0x29: {  	[tilespmem:s24], [sflag:$0x2] =	stream.indirect.gather [hbm4b:s3+s10], $0x10, s4, s10, $0xb8;
	[tilespmem:$0x1C000] =	vst v63  }
0x2a: {  	s5 =	simm.s32 $0x400  }
0x2b: {  	[tilespmem:s26], [sflag:$0x3] =	stream.indirect.gather [hbm4b:s3+s10], $0x10, s5, s10, $0xb8;
	[tilespmem:$0x1C000] =	vst v63  }
0x2c: {  	s6 =	simm.s32 $0x480  }
0x2d: {  	[tilespmem:s29], [sflag:$0x3] =	stream.indirect.gather [hbm4b:s3+s10], $0x10, s6, s10, $0xb8;
	[tilespmem:$0x1C000] =	vst v63  }
0x2e: {  	s7 =	simm.s32 $0x500  }
0x2f: {  	[tilespmem:s31], [sflag:$0x3] =	stream.indirect.gather [hbm4b:s3+s10], $0x10, s7, s10, $0xb8;
	[tilespmem:$0x1C000] =	vst v63  }
0x30: {  	s8 =	simm.s32 $0x580  }
0x31: {  	[tilespmem:s1], [sflag:$0x3] =	stream.indirect.gather [hbm4b:s3+s10], $0x10, s8, s10, $0xb8;
	[tilespmem:$0x1C000] =	vst v63  }
0x32: {  	s11 =	simm.s32 $0x600  }
0x33: {  	[tilespmem:s13], [sflag:$0x4] =	stream.indirect.gather [hbm4b:s3+s10], $0x10, s11, s10, $0xb8;
	[tilespmem:$0x1C000] =	vst v63  }
0x34: {  	s15 =	simm.s32 $0x680  }
0x35: {  	[tilespmem:s17], [sflag:$0x4] =	stream.indirect.gather [hbm4b:s3+s10], $0x10, s15, s10, $0xb8;
	[tilespmem:$0x1C000] =	vst v63  }
0x36: {  	s19 =	simm.s32 $0x700  }
0x37: {  	[tilespmem:s21], [sflag:$0x4] =	stream.indirect.gather [hbm4b:s3+s10], $0x10, s19, s10, $0xb8;
	[tilespmem:$0x1C000] =	vst v63  }
0x38: {  	s23 =	simm.s32 $0x780;
	s4 =	simm.s32 $0x8410;
	s5 =	simm.s32 $0x8610  }
0x39: {  	[tilespmem:s25], [sflag:$0x4] =	stream.indirect.gather [hbm4b:s3+s10], $0x10, s23, s10, $0xb8;
	[tilespmem:$0x1C000] =	vst v63  }
0x3a: {  	s6 =	simm.s32 $0x0;
	s15 =	simm.s32 $0x8210;
	s23 =	simm.s32 $0x8010  }
.LBB2_2:
0x3b: {  	_ =	swait.ge [sflag:s28], $0x2000  }
0x3c: {  	[sflag:s28] =	ssyncset.done $0x0  }
0x3d: {  	s2 =	simm.s32 $0x10100;
	[sflag:s28] =	ssyncadd.s32 $0xFFFFE000  }
0x3e: {  	v8 =	vmov s23;
	v0 =	vld [tilespmem:s2+$0xFFFFFF30]  }
0x3f: {  	v1 =	vld [tilespmem:s2+$0xFFFFFF70]  }
0x40: {  	v2 =	vld [tilespmem:s2+$0xFFFFFFB0]  }
0x41: {  	v4 =	vld [tilespmem:s2+$0xFFFFFFF0]  }
0x42: {  	s7 =	simm.s32 $0x0;
	v7 =	vld [tilespmem:s2+$0xB0]  }
0x43: {  	v3 =	vld.idx.msk [tilespmem:v8+s7+$0xFFFFFFF0 ss:$0x1], $0xffff  }
0x44: {  	v5 =	vld [tilespmem:s2+$0x30]  }
0x45: {  	v9 =	vld.idx.msk [tilespmem:v8+s7+$0x0 ss:$0x1], $0xffff;
	v12 =	vunpack.i.u.bf16.f32 v0  }
0x46: {  	v0 =	vunpack.i.l.bf16.f32 v0;
	v13 =	vunpack.i.u.bf16.f32 v1;
	v16 =	vunpack.i.u.bf16.f32 v2  }
0x47: {  	v6 =	vld [tilespmem:s2+$0x70];
	v15 =	vunpack.i.l.bf16.f32 v2;
	v17 =	vunpack.i.u.bf16.f32 v4;
	v23 =	vunpack.i.u.bf16.f32 v7  }
0x48: {  	v26 =	vunpack.i.l.bf16.f32 v7;
	v7 =	vbroadcast v3, $0x3;
	v24 =	vbroadcast v3, $0x7  }
0x49: {  	v10 =	vld [tilespmem:s2+$0xF0];
	v18 =	vunpack.i.l.bf16.f32 v4;
	v27 =	vbroadcast v3, $0xB;
	v28 =	vbroadcast v3, $0xF  }
0x4a: {  	v19 =	vunpack.i.u.bf16.f32 v5;
	v32 =	vbroadcast v9, $0x3;
	v33 =	vbroadcast v9, $0x7  }
0x4b: {  	v11 =	vld [tilespmem:s2+$0xFFFFFF20];
	v20 =	vunpack.i.l.bf16.f32 v5;
	v35 =	vbroadcast v9, $0xB;
	v4 =	vbroadcast v9, $0xF  }
0x4c: {  	v21 =	vunpack.i.u.bf16.f32 v6;
	v39 =	vbroadcast v3, $0x2;
	v40 =	vbroadcast v3, $0x6  }
0x4d: {  	v14 =	vld [tilespmem:s2+$0xFFFFFF60];
	v22 =	vunpack.i.l.bf16.f32 v6;
	v42 =	vbroadcast v3, $0xA;
	v43 =	vbroadcast v3, $0xE  }
0x4e: {  	v62 =	vunpack.i.u.bf16.f32 v10;
	v46 =	vbroadcast v9, $0x2;
	v47 =	vbroadcast v9, $0x6  }
0x4f: {  	v29 =	vld [tilespmem:s2+$0x20];
	v63 =	vunpack.i.l.bf16.f32 v10;
	v49 =	vbroadcast v9, $0xA;
	v50 =	vbroadcast v3, $0x1  }
0x50: {  	v60 =	vld [tilespmem:s2+$0xFFFFFF50];
	v10 =	vunpack.i.u.bf16.f32 v11;
	v51 =	vbroadcast v3, $0x5;
	v53 =	vbroadcast v3, $0x9  }
0x51: {  	v5 =	vld [tilespmem:s2+$0xFFFFFFA0];
	v2 =	vunpack.i.l.bf16.f32 v11;
	v54 =	vbroadcast v3, $0xD;
	v59 =	vbroadcast v9, $0x1  }
0x52: {  	v6 =	vld [tilespmem:s2+$0xFFFFFFE0];
	v30 =	vunpack.i.u.bf16.f32 v14;
	v57 =	vbroadcast v3, $0x0;
	[tilespmem:$0x1FF70] =	vst v4;
	v4 =	vbroadcast v9, $0xE  }
0x53: {  	v31 =	vunpack.i.l.bf16.f32 v14;
	v14 =	vld [tilespmem:s2+$0x60];
	v0 =	vmul.f32 v0, v7;
	v11 =	vmul.f32 v12, v7  }
0x54: {  	v37 =	vld [tilespmem:s2+$0xE0];
	v48 =	vunpack.i.u.bf16.f32 v29;
	v7 =	vmul.f32 v13, v24;
	v38 =	vmul.f32 v17, v28  }
0x55: {  	v45 =	vunpack.i.l.bf16.f32 v29;
	v29 =	vmul.f32 v20, v32;
	v12 =	vmul.f32 v2, v39  }
0x56: {  	[tilespmem:$0x1FF60] =	vst v8;
	v55 =	vld [tilespmem:s2+$0xFFFFFF10];
	v20 =	vunpack.i.u.bf16.f32 v60;
	v13 =	vmul.f32 v10, v39;
	v8 =	vmul.f32 v30, v40  }
0x57: {  	v34 =	vunpack.i.u.bf16.f32 v5;
	v36 =	vunpack.i.l.bf16.f32 v5;
	v41 =	vunpack.i.u.bf16.f32 v6  }
0x58: {  	v44 =	vunpack.i.l.bf16.f32 v6;
	v52 =	vunpack.i.u.bf16.f32 v14;
	v56 =	vunpack.i.l.bf16.f32 v14  }
0x59: {  	v14 =	vunpack.i.u.bf16.f32 v37;
	v6 =	vmul.f32 v19, v32;
	v20 =	vmul.f32 v20, v51  }
0x5a: {  	v39 =	vld [tilespmem:s2+$0x50];
	[tilespmem:$0x1FF80] =	vst v4;
	v4 =	vunpack.i.l.bf16.f32 v37;
	v37 =	vmul.f32 v18, v28;
	v10 =	vmul.f32 v34, v42  }
0x5b: {  	v5 =	vld [tilespmem:s2+$0xA0];
	v19 =	vunpack.i.l.bf16.f32 v55;
	v25 =	vmul.f32 v56, v47;
	v2 =	vmul.f32 v52, v47  }
0x5c: {  	v52 =	vbroadcast v3, $0x4;
	v19 =	vmul.f32 v19, v50;
	[tilespmem:$0x1FF90] =	vst v4  }
0x5d: {  	v18 =	vld [tilespmem:s2+$0xFFFFFFD0];
	v4 =	vunpack.i.u.bf16.f32 v55;
	[tilespmem:$0x1FFA0] =	vst v6;
	v6 =	vmul.f32 v22, v33;
	v55 =	vmul.f32 v36, v42  }
0x5e: {  	v42 =	vmul.f32 v45, v46;
	v45 =	vmul.f32 v48, v46  }
0x5f: {  	v1 =	vunpack.i.l.bf16.f32 v1;
	v47 =	vld [tilespmem:s2+$0x90];
	v4 =	vmul.f32 v4, v50;
	[tilespmem:$0x1FFB0] =	vst v6;
	v6 =	vmul.f32 v26, v35  }
0x60: {  	v36 =	vunpack.i.u.bf16.f32 v39;
	v39 =	vunpack.i.l.bf16.f32 v39;
	v58 =	vunpack.i.u.bf16.f32 v5  }
0x61: {  	v61 =	vunpack.i.l.bf16.f32 v5;
	v5 =	vmul.f32 v1, v24;
	v1 =	vmul.f32 v15, v27  }
0x62: {  	[tilespmem:$0x1FFC0] =	vst v6;
	v6 =	vmul.f32 v23, v35;
	v23 =	vld [tilespmem:s2+$0xFFFFFF00];
	v35 =	vmul.f32 v31, v40;
	v34 =	vunpack.i.u.bf16.f32 v18  }
0x63: {  	v18 =	vunpack.i.l.bf16.f32 v18;
	[tilespmem:$0x1FFE0] =	vst v1;
	v1 =	vmul.f32 v16, v27;
	v27 =	vmul.f32 v21, v33;
	v33 =	vld [tilespmem:s2+$0xFFFFFF40]  }
0x64: {  	v40 =	vmul.f32 v61, v49;
	v61 =	vld [tilespmem:s2+$0xFFFFFF80];
	v46 =	vunpack.i.l.bf16.f32 v47;
	v21 =	vunpack.i.l.bf16.f32 v60  }
0x65: {  	v60 =	vmul.f32 v44, v43;
	v16 =	vimm.f32 $0.0e+00;
	v18 =	vmul.f32 v18, v54;
	[tilespmem:$0x1FFD0] =	vst v6  }
0x66: {  	v44 =	vunpack.i.u.bf16.f32 v47;
	v6 =	vmul.f32 v41, v43;
	v43 =	vmul.f32 v58, v49;
	[tilespmem:$0x1FFF0] =	vst v1;
	v1 =	vld [tilespmem:s2+$0xFFFFFF90]  }
0x67: {  	v22 =	vld [tilespmem:s2+$0x10];
	v21 =	vmul.f32 v21, v51;
	v48 =	vunpack.i.l.bf16.f32 v23;
	v23 =	vunpack.i.u.bf16.f32 v23  }
0x68: {  	v32 =	vmul.f32 v48, v57;
	v56 =	vunpack.i.l.bf16.f32 v33;
	v23 =	vmul.f32 v23, v57  }
0x69: {  	v33 =	vunpack.i.u.bf16.f32 v33;
	v57 =	vunpack.i.u.bf16.f32 v61;
	v48 =	vbroadcast v9, $0x4  }
0x6a: {  	v41 =	vmul.f32 v56, v52;
	v33 =	vmul.f32 v33, v52;
	v58 =	vadd.f32 v32, v16  }
0x6b: {  	v52 =	vbroadcast v3, $0x8;
	v56 =	vbroadcast v3, $0xC;
	v26 =	vunpack.i.u.bf16.f32 v1  }
0x6c: {  	v15 =	vunpack.i.l.bf16.f32 v1;
	v1 =	vunpack.i.u.bf16.f32 v22;
	v19 =	vadd.f32 v19, v58  }
0x6d: {  	v22 =	vunpack.i.l.bf16.f32 v22;
	v32 =	vbroadcast v9, $0x5;
	v41 =	vadd.f32 v41, v16  }
0x6e: {  	v23 =	vadd.f32 v23, v16;
	v16 =	vimm.f32 $0.0e+00;
	v3 =	vadd.f32 v12, v19;
	v19 =	vld [tilespmem:s2+$0xFFFFFFC0]  }
0x6f: {  	v15 =	vmul.f32 v15, v53;
	v26 =	vmul.f32 v26, v53;
	v21 =	vadd.f32 v21, v41  }
0x70: {  	v51 =	vadd.f32 v33, v16;
	v4 =	vadd.f32 v4, v23;
	v33 =	vbroadcast v9, $0x9  }
0x71: {  	v23 =	vbroadcast v9, $0xD;
	v12 =	vunpack.i.l.bf16.f32 v61;
	v21 =	vadd.f32 v35, v21  }
0x72: {  	v20 =	vadd.f32 v20, v51;
	v58 =	vmul.f32 v12, v52;
	v30 =	vadd.f32 v0, v3;
	v0 =	vld [tilespmem:s2+$0x0]  }
0x73: {  	v24 =	vadd.f32 v5, v21;
	v21 =	vunpack.i.l.bf16.f32 v19;
	v19 =	vunpack.i.u.bf16.f32 v19  }
0x74: {  	v13 =	vadd.f32 v13, v4;
	v5 =	vimm.f32 $0.0e+00;
	v19 =	vmul.f32 v19, v56  }
0x75: {  	v4 =	vbroadcast v9, $0x0;
	v61 =	vmul.f32 v57, v52;
	v50 =	vadd.f32 v58, v5  }
0x76: {  	v52 =	vmul.f32 v34, v54;
	v20 =	vadd.f32 v8, v20;
	v19 =	vadd.f32 v19, v5  }
0x77: {  	v49 =	vld [tilespmem:s2+$0x80];
	v51 =	vadd.f32 v61, v5;
	v3 =	vadd.f32 v15, v50;
	v61 =	vunpack.i.l.bf16.f32 v0  }
0x78: {  	v53 =	vld [tilespmem:s2+$0xC0];
	v47 =	vunpack.i.u.bf16.f32 v0;
	v54 =	vmul.f32 v61, v4;
	v19 =	vadd.f32 v52, v19  }
0x79: {  	v52 =	vmul.f32 v1, v59;
	v1 =	vadd.f32 v55, v3;
	v55 =	vmul.f32 v47, v4;
	v4 =	vld [tilespmem:$0x1FFE0]  }
0x7a: {  	v16 =	vimm.f32 $0.0e+00;
	v41 =	vbroadcast v9, $0x8;
	v35 =	vbroadcast v9, $0xC;
	v8 =	vld [tilespmem:s2+$0xD0]  }
0x7b: {  	v9 =	vimm.f32 $0.0e+00;
	v17 =	vadd.f32 v7, v20;
	v20 =	vld [tilespmem:s2+$0x40];
	v21 =	vmul.f32 v21, v56  }
0x7c: {  	v28 =	vadd.f32 v11, v13;
	v58 =	vunpack.i.l.bf16.f32 v49;
	v26 =	vadd.f32 v26, v51  }
0x7d: {  	v50 =	vunpack.i.u.bf16.f32 v49;
	v51 =	vmul.f32 v22, v59;
	v21 =	vadd.f32 v21, v5  }
0x7e: {  	v49 =	vunpack.i.u.bf16.f32 v53;
	v53 =	vunpack.i.l.bf16.f32 v53;
	v12 =	vadd.f32 v4, v1;
	v1 =	vld [tilespmem:$0x1FFF0]  }
0x7f: {  	v15 =	vimm.f32 $0.0e+00;
	v31 =	vunpack.i.u.bf16.f32 v8;
	v18 =	vadd.f32 v18, v21  }
0x80: {  	v34 =	vunpack.i.l.bf16.f32 v8;
	v8 =	vimm.f32 $0.0e+00;
	v0 =	vunpack.i.u.bf16.f32 v20  }
0x81: {  	v20 =	vunpack.i.l.bf16.f32 v20;
	v3 =	vadd.f32 v10, v26;
	v26 =	vadd.f32 v60, v18  }
0x82: {  	v56 =	vadd.f32 v6, v19;
	v6 =	vimm.f32 $0.0e+00;
	v19 =	vimm.f32 $0.0e+00  }
0x83: {  	s7 =	simm.s32 $0x80;
	v18 =	vimm.f32 $0.0e+00;
	v13 =	vadd.f32 v1, v3;
	v1 =	vmul.f32 v20, v48  }
.LBB2_3:
0x84: {  	v3 =	vadd.f32 v37, v26;
	_ =	sdelay $0x1  }
0x85: {  	[tilespmem:$0x1FE90] =	vst v3;
	v3 =	vadd.f32 v38, v56;
	_ =	sdelay $0x1  }
0x86: {  	[tilespmem:$0x1FEA0] =	vst v3;
	v3 =	vadd.f32 v54, v5;
	_ =	sdelay $0x1  }
0x87: {  	v3 =	vadd.f32 v51, v3;
	_ =	sdelay $0x1  }
0x88: {  	v3 =	vadd.f32 v42, v3;
	_ =	sdelay $0x1  }
0x89: {  	v3 =	vadd.f32 v29, v3  }
0x8a: {  	v20 =	vadd.f32 v55, v6  }
0x8b: {  	[tilespmem:$0x1FF30] =	vst v3;
	v3 =	vld [tilespmem:$0x1FFA0]  }
0x8c: {  	v20 =	vadd.f32 v52, v20;
	_ =	sdelay $0x1  }
0x8d: {  	v20 =	vadd.f32 v45, v20;
	_ =	sdelay $0x1  }
0x8e: {  	v0 =	vmul.f32 v0, v48;
	v3 =	vadd.f32 v3, v20  }
0x8f: {  	v60 =	vmul.f32 v39, v32;
	v1 =	vadd.f32 v1, v8  }
0x90: {  	v21 =	vmul.f32 v36, v32;
	v0 =	vadd.f32 v0, v9;
	[tilespmem:$0x1FF50] =	vst v3;
	v3 =	vld [tilespmem:$0x1FFB0]  }
0x91: {  	v1 =	vadd.f32 v60, v1  }
0x92: {  	v0 =	vadd.f32 v21, v0  }
0x93: {  	v1 =	vadd.f32 v25, v1  }
0x94: {  	s2 =	sadd.s32 $0x200, s2;
	v0 =	vadd.f32 v2, v0  }
0x95: {  	v29 =	vld [tilespmem:s2+$0xFFFFFFB0];
	v1 =	vadd.f32 v3, v1  }
0x96: {  	v0 =	vadd.f32 v27, v0;
	v27 =	vld [tilespmem:s2+$0x30]  }
0x97: {  	[tilespmem:$0x1FEC0] =	vst v1;
	v1 =	vld [tilespmem:s2+$0xFFFFFFF0];
	_ =	sdelay $0x3  }
0x98: {  	v4 =	vld [tilespmem:$0x1FF90];
	v26 =	vunpack.i.u.bf16.f32 v29;
	v8 =	vunpack.i.l.bf16.f32 v29  }
0x99: {  	v3 =	vld [tilespmem:$0x1FF80];
	v38 =	vunpack.i.u.bf16.f32 v1;
	v29 =	vunpack.i.l.bf16.f32 v1;
	v1 =	vunpack.i.u.bf16.f32 v27  }
0x9a: {  	[tilespmem:$0x1FD10] =	vst v1;
	v1 =	vld [tilespmem:$0x1FF60];
	_ =	sdelay $0x2  }
0x9b: {  	[tilespmem:$0x1FDA0] =	vst v28  }
0x9c: {  	v28 =	vmul.f32 v53, v35;
	[tilespmem:$0x1FF00] =	vst v0;
	v0 =	vmul.f32 v49, v35  }
0x9d: {  	[tilespmem:$0x1FDD0] =	vst v17;
	v7 =	vmul.f32 v4, v3;
	v5 =	vmul.f32 v14, v3;
	v3 =	vld [tilespmem:$0x1FF70]  }
0x9e: {  	[tilespmem:$0x1FDC0] =	vst v24;
	v24 =	vmul.f32 v34, v23;
	v17 =	vadd.f32 v28, v16  }
0x9f: {  	s8 =	sshra.s32 s7, $0x2;
	v16 =	vmul.f32 v31, v23;
	v0 =	vadd.f32 v0, v15  }
0xa0: {  	v17 =	vadd.f32 v24, v17;
	v34 =	vld.idx.msk [tilespmem:v1+s8+$0xFFFFFFF0 ss:$0x1], $0xffff  }
0xa1: {  	v0 =	vadd.f32 v16, v0  }
0xa2: {  	v23 =	vld [tilespmem:s2+$0x70];
	v7 =	vadd.f32 v7, v17;
	v2 =	vmul.f32 v63, v3  }
0xa3: {  	v28 =	vld [tilespmem:s2+$0xB0];
	v0 =	vadd.f32 v5, v0;
	v4 =	vmul.f32 v62, v3  }
0xa4: {  	v6 =	vld [tilespmem:s2+$0xF0];
	v45 =	vmul.f32 v58, v41;
	v2 =	vadd.f32 v2, v7  }
0xa5: {  	v31 =	vld [tilespmem:s2+$0xFFFFFFA0];
	v0 =	vadd.f32 v4, v0;
	v11 =	vbroadcast v34, $0xB  }
0xa6: {  	v61 =	vmul.f32 v46, v33;
	v47 =	vmul.f32 v50, v41;
	v19 =	vadd.f32 v45, v19;
	v49 =	vld [tilespmem:s2+$0x60];
	[tilespmem:$0x1FE70] =	vst v2  }
0xa7: {  	v3 =	vld [tilespmem:$0x1FFC0];
	[tilespmem:$0x1FE30] =	vst v0;
	v2 =	vunpack.i.u.bf16.f32 v23;
	v8 =	vmul.f32 v8, v11  }
0xa8: {  	v44 =	vmul.f32 v44, v33;
	v18 =	vadd.f32 v47, v18;
	v19 =	vadd.f32 v61, v19;
	v0 =	vld [tilespmem:s2+$0xFFFFFFE0];
	[tilespmem:$0x1FD20] =	vst v2  }
0xa9: {  	v9 =	vunpack.i.l.bf16.f32 v28;
	v2 =	vunpack.i.u.bf16.f32 v28;
	v28 =	vld.idx.msk [tilespmem:v1+s8+$0x0 ss:$0x1], $0xffff;
	[tilespmem:$0x1FF20] =	vst v8;
	v8 =	vmul.f32 v26, v11  }
0xaa: {  	v50 =	vunpack.i.l.bf16.f32 v27;
	v16 =	vadd.f32 v40, v19;
	v27 =	vunpack.i.l.bf16.f32 v23;
	v23 =	vld [tilespmem:s2+$0xA0];
	[tilespmem:$0x1FD30] =	vst v2  }
0xab: {  	v18 =	vadd.f32 v44, v18;
	v2 =	vunpack.i.u.bf16.f32 v6;
	[tilespmem:$0x1FF40] =	vst v8;
	v8 =	vld [tilespmem:$0x1FD10]  }
0xac: {  	v3 =	vadd.f32 v3, v16;
	v1 =	vunpack.i.u.bf16.f32 v31;
	[tilespmem:$0x1FEF0] =	vst v2  }
0xad: {  	v18 =	vadd.f32 v43, v18;
	v2 =	vunpack.i.l.bf16.f32 v6;
	[tilespmem:$0x1FD40] =	vst v1;
	v6 =	vld [tilespmem:s2+$0xE0];
	v1 =	vunpack.i.u.bf16.f32 v0  }
0xae: {  	[tilespmem:$0x1FDF0] =	vst v3;
	v43 =	vunpack.i.l.bf16.f32 v0;
	v0 =	vunpack.i.u.bf16.f32 v49;
	v16 =	vbroadcast v28, $0x3  }
0xaf: {  	[tilespmem:$0x1FD70] =	vst v0;
	v0 =	vunpack.i.l.bf16.f32 v49  }
0xb0: {  	[tilespmem:$0x1FD60] =	vst v0;
	v0 =	vunpack.i.u.bf16.f32 v23;
	v17 =	vbroadcast v28, $0x7;
	v8 =	vmul.f32 v8, v16  }
0xb1: {  	v37 =	vld [tilespmem:s2+$0xFFFFFF50];
	[tilespmem:$0x1FD80] =	vst v0  }
0xb2: {  	v3 =	vld [tilespmem:$0x1FFD0];
	v0 =	vunpack.i.u.bf16.f32 v6;
	[tilespmem:$0x1FFA0] =	vst v8;
	v8 =	vmul.f32 v27, v17  }
0xb3: {  	[tilespmem:$0x1FE40] =	vst v0  }
0xb4: {  	v0 =	vunpack.i.l.bf16.f32 v6;
	[tilespmem:$0x1FFB0] =	vst v8;
	v8 =	vld [tilespmem:$0x1FD20]  }
0xb5: {  	v46 =	vld [tilespmem:s2+$0xFFFFFF30];
	[tilespmem:$0x1FF90] =	vst v0;
	v0 =	vbroadcast v28, $0xF  }
0xb6: {  	[tilespmem:$0x1FD90] =	vst v30;
	v48 =	vld [tilespmem:s2+$0xFFFFFF70];
	v14 =	vbroadcast v34, $0xF  }
0xb7: {  	v30 =	vld [tilespmem:s2+$0xFFFFFF20];
	v3 =	vadd.f32 v3, v18;
	v18 =	vbroadcast v28, $0xB;
	[tilespmem:$0x1FF70] =	vst v0;
	v0 =	vunpack.i.u.bf16.f32 v37  }
0xb8: {  	v4 =	vld [tilespmem:s2+$0x20];
	[tilespmem:$0x1FDE0] =	vst v0;
	v0 =	vunpack.i.l.bf16.f32 v37;
	v37 =	vmul.f32 v29, v14  }
0xb9: {  	v44 =	vld [tilespmem:s2+$0xFFFFFF90];
	v29 =	vmul.f32 v8, v17;
	v8 =	vmul.f32 v9, v18  }
0xba: {  	[tilespmem:$0x1FE60] =	vst v13;
	v5 =	vld [tilespmem:s2+$0xFFFFFF60]  }
0xbb: {  	v13 =	vunpack.i.u.bf16.f32 v46;
	[tilespmem:$0x1FFC0] =	vst v8;
	v8 =	vld [tilespmem:$0x1FD30]  }
0xbc: {  	[tilespmem:$0x1FE50] =	vst v12;
	v12 =	vunpack.i.l.bf16.f32 v48;
	v10 =	vunpack.i.l.bf16.f32 v30;
	v42 =	vunpack.i.u.bf16.f32 v48  }
0xbd: {  	v45 =	vunpack.i.u.bf16.f32 v4;
	v53 =	vunpack.i.l.bf16.f32 v4;
	v40 =	vbroadcast v34, $0x3  }
0xbe: {  	v41 =	vld [tilespmem:s2+$0x90];
	[tilespmem:$0x1FD50] =	vst v1;
	v1 =	vunpack.i.l.bf16.f32 v44;
	v4 =	vbroadcast v34, $0x7;
	v20 =	vbroadcast v34, $0x2  }
0xbf: {  	v55 =	vunpack.i.u.bf16.f32 v5;
	v22 =	vbroadcast v34, $0xA;
	[tilespmem:$0x1FE00] =	vst v1;
	v1 =	vbroadcast v28, $0x2  }
0xc0: {  	v63 =	vld [tilespmem:s2+$0xFFFFFF40];
	v24 =	vunpack.i.l.bf16.f32 v5;
	[tilespmem:$0x1FF10] =	vst v2;
	v2 =	vbroadcast v28, $0x6;
	v8 =	vmul.f32 v8, v18  }
0xc1: {  	v49 =	vunpack.i.l.bf16.f32 v23;
	v23 =	vld [tilespmem:s2+$0xFFFFFFD0];
	v5 =	vbroadcast v28, $0xE;
	v54 =	vbroadcast v28, $0x1  }
0xc2: {  	v56 =	vunpack.i.l.bf16.f32 v31;
	v32 =	vbroadcast v28, $0x5;
	v33 =	vbroadcast v28, $0x9;
	[tilespmem:$0x1FFD0] =	vst v8;
	v8 =	vld [tilespmem:$0x1FD40]  }
0xc3: {  	v52 =	vunpack.i.l.bf16.f32 v41;
	v51 =	vbroadcast v28, $0xD;
	v61 =	vbroadcast v28, $0x0  }
0xc4: {  	v15 =	vunpack.i.l.bf16.f32 v46;
	v48 =	vbroadcast v28, $0x4;
	v35 =	vbroadcast v28, $0xC  }
0xc5: {  	v62 =	vunpack.i.u.bf16.f32 v30;
	v12 =	vmul.f32 v12, v4;
	v4 =	vmul.f32 v42, v4;
	v42 =	vld [tilespmem:s2+$0x0]  }
0xc6: {  	v38 =	vmul.f32 v38, v14;
	v56 =	vmul.f32 v56, v22;
	[tilespmem:$0x1FE20] =	vst v3;
	v3 =	vunpack.i.u.bf16.f32 v23  }
0xc7: {  	[tilespmem:$0x1FEB0] =	vst v3;
	v3 =	vbroadcast v28, $0xA;
	v14 =	vunpack.i.l.bf16.f32 v63;
	v22 =	vmul.f32 v8, v22;
	v8 =	vld [tilespmem:$0x1FD50]  }
0xc8: {  	v36 =	vld [tilespmem:s2+$0xFFFFFF10];
	[tilespmem:$0x1FDB0] =	vst v0;
	v0 =	vunpack.i.u.bf16.f32 v44;
	v44 =	vunpack.i.u.bf16.f32 v41;
	v41 =	vbroadcast v28, $0x8  }
0xc9: {  	v28 =	vmul.f32 v15, v40;
	v15 =	vmul.f32 v13, v40;
	v13 =	vunpack.i.u.bf16.f32 v63  }
0xca: {  	v46 =	vld [tilespmem:s2+$0x10];
	v63 =	vunpack.i.u.bf16.f32 v42;
	[tilespmem:$0x1FE10] =	vst v0;
	v0 =	vbroadcast v34, $0xE;
	v18 =	vmul.f32 v10, v20  }
0xcb: {  	v20 =	vmul.f32 v62, v20;
	v62 =	vunpack.i.l.bf16.f32 v42;
	v42 =	vmul.f32 v53, v1;
	v53 =	vld [tilespmem:$0x1FD80]  }
0xcc: {  	v9 =	vmul.f32 v8, v0;
	v8 =	vld [tilespmem:s2+$0xC0]  }
0xcd: {  	v58 =	vunpack.i.u.bf16.f32 v36;
	v19 =	vunpack.i.l.bf16.f32 v36;
	v36 =	vld [tilespmem:s2+$0xD0];
	v21 =	vbroadcast v34, $0x6  }
0xce: {  	v60 =	vld [tilespmem:s2+$0xFFFFFF00];
	v59 =	vbroadcast v34, $0x0;
	v31 =	vbroadcast v34, $0x4  }
0xcf: {  	[tilespmem:$0x1FF80] =	vst v5;
	v5 =	vbroadcast v34, $0x1;
	v24 =	vmul.f32 v24, v21;
	v7 =	vunpack.i.l.bf16.f32 v23  }
0xd0: {  	v25 =	vld [tilespmem:s2+$0xFFFFFF80];
	v23 =	vunpack.i.u.bf16.f32 v46;
	v40 =	vmul.f32 v49, v3;
	v10 =	vmul.f32 v43, v0  }
0xd1: {  	v43 =	vmul.f32 v53, v3;
	v49 =	vunpack.i.u.bf16.f32 v8;
	v53 =	vunpack.i.l.bf16.f32 v8;
	v8 =	vld [tilespmem:$0x1FD90]  }
0xd2: {  	v21 =	vmul.f32 v55, v21;
	[tilespmem:$0x1FEE0] =	vst v23;
	v23 =	vunpack.i.l.bf16.f32 v46;
	v46 =	vunpack.i.l.bf16.f32 v36  }
0xd3: {  	v55 =	vld [tilespmem:s2+$0x80];
	[tilespmem:$0x1FED0] =	vst v23;
	v23 =	vunpack.i.u.bf16.f32 v36;
	v36 =	vunpack.i.u.bf16.f32 v60;
	v60 =	vunpack.i.l.bf16.f32 v60  }
0xd4: {  	v3 =	vmul.f32 v19, v5;
	v19 =	vmul.f32 v60, v59;
	v60 =	vld [tilespmem:$0x1FDC0]  }
0xd5: {  	v11 =	vmul.f32 v50, v16;
	v16 =	vunpack.i.u.bf16.f32 v25;
	v17 =	vunpack.i.l.bf16.f32 v25;
	v25 =	vld [tilespmem:s2+$0x40]  }
0xd6: {  	v8 =	vadd.f32 v19, v8;
	v19 =	vld [tilespmem:$0x1FDA0]  }
0xd7: {  	v50 =	vld [tilespmem:$0x1FD70];
	v14 =	vmul.f32 v14, v31  }
0xd8: {  	v13 =	vmul.f32 v13, v31;
	v31 =	vld [tilespmem:$0x1FDB0]  }
0xd9: {  	v59 =	vmul.f32 v36, v59;
	v14 =	vadd.f32 v14, v60;
	v60 =	vld [tilespmem:$0x1FDE0]  }
0xda: {  	v45 =	vmul.f32 v45, v1;
	v1 =	vunpack.i.l.bf16.f32 v25;
	v0 =	vunpack.i.u.bf16.f32 v25;
	v25 =	vld [tilespmem:$0x1FD60]  }
0xdb: {  	v19 =	vadd.f32 v59, v19;
	v59 =	vld [tilespmem:$0x1FDD0];
	_ =	sdelay $0x2  }
0xdc: {  	v6 =	vbroadcast v34, $0x5;
	v5 =	vmul.f32 v58, v5;
	v58 =	vunpack.i.l.bf16.f32 v55  }
0xdd: {  	v25 =	vmul.f32 v25, v2;
	v2 =	vmul.f32 v50, v2;
	v50 =	vunpack.i.u.bf16.f32 v55  }
0xde: {  	v55 =	vmul.f32 v31, v6;
	v6 =	vmul.f32 v60, v6;
	v13 =	vadd.f32 v13, v59  }
0xdf: {  	v3 =	vadd.f32 v3, v8;
	v8 =	vld [tilespmem:$0x1FE00]  }
0xe0: {  	v6 =	vadd.f32 v6, v13;
	v13 =	vld [tilespmem:$0x1FE10];
	_ =	sdelay $0x1  }
0xe1: {  	v30 =	vbroadcast v34, $0x8;
	v26 =	vld [tilespmem:s2+$0xFFFFFFC0];
	v5 =	vadd.f32 v5, v19  }
0xe2: {  	[tilespmem:$0x1FE80] =	vst v7;
	v7 =	vbroadcast v34, $0x9  }
0xe3: {  	v16 =	vmul.f32 v16, v30;
	v3 =	vadd.f32 v18, v3;
	v5 =	vadd.f32 v20, v5  }
0xe4: {  	v8 =	vmul.f32 v8, v7;
	v7 =	vmul.f32 v13, v7  }
0xe5: {  	v13 =	vmul.f32 v17, v30;
	v30 =	vadd.f32 v28, v3;
	v28 =	vadd.f32 v15, v5;
	v5 =	vld [tilespmem:$0x1FE50]  }
0xe6: {  	v27 =	vunpack.i.u.bf16.f32 v26;
	v6 =	vadd.f32 v21, v6  }
0xe7: {  	v57 =	vbroadcast v34, $0xD;
	v34 =	vbroadcast v34, $0xC  }
0xe8: {  	v17 =	vadd.f32 v4, v6;
	v6 =	vld [tilespmem:$0x1FE60]  }
0xe9: {  	v4 =	vmul.f32 v27, v34;
	v27 =	vmov v29;
	v29 =	vmov v11;
	v11 =	vld [tilespmem:$0x1FE80]  }
0xea: {  	v14 =	vadd.f32 v55, v14;
	v5 =	vadd.f32 v13, v5;
	v13 =	vld [tilespmem:$0x1FE90];
	_ =	sdelay $0x1  }
0xeb: {  	v47 =	vld [tilespmem:s2+$0x50];
	v26 =	vunpack.i.l.bf16.f32 v26;
	v14 =	vadd.f32 v24, v14  }
0xec: {  	v55 =	vmul.f32 v63, v61;
	v63 =	vld [tilespmem:$0x1FF10];
	v3 =	vmul.f32 v26, v34  }
0xed: {  	v24 =	vadd.f32 v12, v14;
	v14 =	vld [tilespmem:$0x1FE40];
	v6 =	vadd.f32 v16, v6  }
0xee: {  	v18 =	vld [tilespmem:$0x1FE20];
	v12 =	vmul.f32 v11, v57;
	v3 =	vadd.f32 v3, v13  }
0xef: {  	v6 =	vadd.f32 v7, v6;
	v7 =	vld [tilespmem:$0x1FED0]  }
0xf0: {  	v11 =	vld [tilespmem:$0x1FEB0];
	v3 =	vadd.f32 v12, v3  }
0xf1: {  	v13 =	vld [tilespmem:$0x1FEA0]  }
0xf2: {  	v26 =	vadd.f32 v10, v3;
	v3 =	vld [tilespmem:$0x1FF20]  }
0xf3: {  	v19 =	vld [tilespmem:$0x1FDF0];
	v5 =	vadd.f32 v8, v5  }
0xf4: {  	v31 =	vmov v23;
	v23 =	vmov v51;
	v51 =	vmul.f32 v7, v54;
	v7 =	vld [tilespmem:$0x1FEE0]  }
0xf5: {  	v15 =	vld [tilespmem:$0x1FE30];
	v5 =	vadd.f32 v56, v5  }
0xf6: {  	v16 =	vld [tilespmem:$0x1FE70];
	v4 =	vadd.f32 v4, v13;
	v13 =	vmul.f32 v11, v57  }
0xf7: {  	p0 =	sne.s32 s7, $0x780;
	v12 =	vadd.f32 v3, v5;
	v3 =	vld [tilespmem:$0x1FF40]  }
.Ltmp0:
0xf8: {  	v8 =	vld [tilespmem:$0x1FEC0];
	v4 =	vadd.f32 v13, v4;
	(pc) =	sbr.rel @p0 .LBB2_3-.Ltmp0, $4  }
0xf9: {  	v39 =	vunpack.i.u.bf16.f32 v47;
	v34 =	vmovc v46;
	v46 =	vmovc v52;
	v52 =	vmul.f32 v7, v54;
	v54 =	vmul.f32 v62, v61;
	v62 =	vld [tilespmem:$0x1FEF0]  }
0xfa: {  	v6 =	vadd.f32 v22, v6;
	v56 =	vadd.f32 v9, v4;
	v9 =	vld [tilespmem:$0x1FF00]  }
0xfb: {  	v47 =	vunpack.i.l.bf16.f32 v47;
	v5 =	vld [tilespmem:$0x1FF30]  }
0xfc: {  	s7 =	sadd.s32 $0x80, s7;
	v1 =	vmul.f32 v1, v48;
	v36 =	vmovc v39;
	v39 =	vmov v47;
	v13 =	vadd.f32 v3, v6;
	v6 =	vld [tilespmem:$0x1FF50]  }
0xfd: {  	v3 =	vadd.f32 v37, v26;
	v0 =	vmul.f32 v0, v48;
	v10 =	vmul.f32 v50, v41  }
0xfe: {  	v4 =	vadd.f32 v38, v56;
	v7 =	vmul.f32 v39, v32;
	s2 =	sshll.u32 s6, $0xA;
	v1 =	vadd.f32 v1, v8  }
0xff: {  	v8 =	vmul.f32 v36, v32;
	s2 =	sand.u32 $0x3FFFFC00, s2;
	v0 =	vadd.f32 v0, v9;
	v10 =	vadd.f32 v10, v18  }
0x100: {  	[tilespmem:s2+$0x18040] =	vst v12;
	v12 =	vmul.f32 v49, v35;
	v5 =	vadd.f32 v54, v5;
	v1 =	vadd.f32 v7, v1  }
0x101: {  	[tilespmem:s2+$0x18030] =	vst v17;
	v17 =	vld [tilespmem:$0x1FFB0];
	v7 =	vmul.f32 v44, v33;
	v6 =	vadd.f32 v55, v6;
	v0 =	vadd.f32 v8, v0  }
0x102: {  	[tilespmem:s2+$0x18060] =	vst v3;
	v8 =	vmul.f32 v58, v41;
	v3 =	vadd.f32 v12, v15;
	v5 =	vadd.f32 v51, v5  }
0x103: {  	v11 =	vld [tilespmem:$0x1FFA0];
	v1 =	vadd.f32 v25, v1;
	v7 =	vadd.f32 v7, v10  }
0x104: {  	v9 =	vmul.f32 v46, v33;
	v12 =	vld [tilespmem:$0x1FF80];
	v6 =	vadd.f32 v52, v6;
	v8 =	vadd.f32 v8, v19  }
0x105: {  	v0 =	vadd.f32 v2, v0;
	v5 =	vadd.f32 v42, v5  }
0x106: {  	v1 =	vadd.f32 v17, v1;
	v8 =	vadd.f32 v9, v8;
	v9 =	vmul.f32 v31, v23  }
0x107: {  	[tilespmem:s2+$0x18070] =	vst v4;
	v4 =	vld [tilespmem:$0x1FF90];
	v6 =	vadd.f32 v45, v6;
	v5 =	vadd.f32 v29, v5  }
0x108: {  	[tilespmem:s2+$0x18000] =	vst v30;
	v2 =	vadd.f32 v43, v7;
	v3 =	vadd.f32 v9, v3;
	v9 =	vld [tilespmem:$0x1FF70]  }
0x109: {  	v7 =	vld [tilespmem:$0x1FFC0];
	v6 =	vadd.f32 v11, v6;
	v11 =	vmul.f32 v53, v35;
	[tilespmem:s2+$0x18080] =	vst v5;
	v5 =	vmul.f32 v14, v12  }
0x10a: {  	[tilespmem:s2+$0x18050] =	vst v13  }
0x10b: {  	v13 =	vmul.f32 v34, v23;
	[tilespmem:s2+$0x180A0] =	vst v1;
	v11 =	vadd.f32 v11, v16;
	v1 =	vadd.f32 v5, v3;
	v5 =	vld [tilespmem:$0x1FFD0]  }
0x10c: {  	[tilespmem:s2+$0x18010] =	vst v28;
	v0 =	vadd.f32 v27, v0;
	v8 =	vadd.f32 v40, v8  }
0x10d: {  	[tilespmem:s2+$0x18020] =	vst v24;
	v4 =	vmul.f32 v4, v12;
	v10 =	vadd.f32 v13, v11;
	v3 =	vmul.f32 v62, v9  }
0x10e: {  	[tilespmem:s2+$0x180B0] =	vst v0;
	v7 =	vadd.f32 v7, v8  }
0x10f: {  	[tilespmem:s2+$0x18090] =	vst v6;
	v6 =	vmul.f32 v63, v9;
	v4 =	vadd.f32 v4, v10;
	v1 =	vadd.f32 v3, v1  }
0x110: {  	s7 =	sshll.u32 s6, $0x2;
	[tilespmem:s2+$0x180C0] =	vst v7;
	v2 =	vadd.f32 v5, v2  }
0x111: {  	s8 =	smin.u32 s7, $0x3B;
	v0 =	vadd.f32 v6, v4;
	[tilespmem:s2+$0x180F0] =	vst v1  }
0x112: {  	s8 =	sshll.u32 s8, $0x9;
	[tilespmem:s2+$0x180D0] =	vst v2  }
0x113: {  	s11 =	simm.s32 $0x10000;
	s19 =	sadd.s32 $0x800, s8;
	[tilespmem:s2+$0x180E0] =	vst v0  }
0x114: {  	[tilespmem:s11], [sflag:$0x1] =	stream.indirect.gather [hbm4b:s3+s10], $0x10, s19, s10, $0xb8;
	[tilespmem:$0x1C000] =	vst v63  }
0x115: {  	s11 =	sadd.s32 $0x880, s8  }
0x116: {  	[tilespmem:s12], [sflag:$0x1] =	stream.indirect.gather [hbm4b:s3+s10], $0x10, s11, s10, $0xb8;
	[tilespmem:$0x1C000] =	vst v63  }
0x117: {  	s19 =	sadd.s32 $0x900, s8  }
0x118: {  	[tilespmem:s14], [sflag:$0x1] =	stream.indirect.gather [hbm4b:s3+s10], $0x10, s19, s10, $0xb8;
	[tilespmem:$0x1C000] =	vst v63  }
0x119: {  	s11 =	sadd.s32 $0x980, s8  }
0x11a: {  	[tilespmem:s16], [sflag:$0x1] =	stream.indirect.gather [hbm4b:s3+s10], $0x10, s11, s10, $0xb8;
	[tilespmem:$0x1C000] =	vst v63  }
0x11b: {  	_ =	swait.ge [sflag:s30], $0x2000  }
0x11c: {  	[sflag:s30] =	ssyncset.done $0x0  }
0x11d: {  	s2 =	simm.s32 $0x12100;
	[sflag:s30] =	ssyncadd.s32 $0xFFFFE000  }
0x11e: {  	v8 =	vmov s15;
	v0 =	vld [tilespmem:s2+$0xFFFFFF30]  }
0x11f: {  	v1 =	vld [tilespmem:s2+$0xFFFFFF70]  }
0x120: {  	v2 =	vld [tilespmem:s2+$0xFFFFFFB0]  }
0x121: {  	v4 =	vld [tilespmem:s2+$0xFFFFFFF0]  }
0x122: {  	s19 =	simm.s32 $0x0;
	v7 =	vld [tilespmem:s2+$0xB0]  }
0x123: {  	v3 =	vld.idx.msk [tilespmem:v8+s19+$0xFFFFFFF0 ss:$0x1], $0xffff  }
0x124: {  	v5 =	vld [tilespmem:s2+$0x30]  }
0x125: {  	v9 =	vld.idx.msk [tilespmem:v8+s19+$0x0 ss:$0x1], $0xffff  }
0x126: {  	v12 =	vunpack.i.u.bf16.f32 v0;
	v0 =	vunpack.i.l.bf16.f32 v0;
	v13 =	vunpack.i.u.bf16.f32 v1  }
0x127: {  	v6 =	vld [tilespmem:s2+$0x70];
	v16 =	vunpack.i.u.bf16.f32 v2;
	v15 =	vunpack.i.l.bf16.f32 v2;
	v17 =	vunpack.i.u.bf16.f32 v4  }
0x128: {  	v23 =	vunpack.i.u.bf16.f32 v7;
	v27 =	vunpack.i.l.bf16.f32 v7;
	v7 =	vbroadcast v3, $0x3  }
0x129: {  	v10 =	vld [tilespmem:s2+$0xF0];
	v18 =	vunpack.i.l.bf16.f32 v4;
	v24 =	vbroadcast v3, $0x7;
	v25 =	vbroadcast v3, $0xB  }
0x12a: {  	v19 =	vunpack.i.u.bf16.f32 v5;
	v28 =	vbroadcast v3, $0xF;
	v32 =	vbroadcast v9, $0x3  }
0x12b: {  	v11 =	vld [tilespmem:s2+$0xFFFFFF20];
	v20 =	vunpack.i.l.bf16.f32 v5;
	v33 =	vbroadcast v9, $0x7;
	v35 =	vbroadcast v9, $0xB  }
0x12c: {  	v21 =	vunpack.i.u.bf16.f32 v6;
	v4 =	vbroadcast v9, $0xF;
	v39 =	vbroadcast v3, $0x2  }
0x12d: {  	v14 =	vld [tilespmem:s2+$0xFFFFFF60];
	v22 =	vunpack.i.l.bf16.f32 v6;
	v40 =	vbroadcast v3, $0x6;
	v42 =	vbroadcast v3, $0xA  }
0x12e: {  	v62 =	vunpack.i.u.bf16.f32 v10;
	v43 =	vbroadcast v3, $0xE;
	v46 =	vbroadcast v9, $0x2  }
0x12f: {  	v29 =	vld [tilespmem:s2+$0x20];
	v63 =	vunpack.i.l.bf16.f32 v10;
	v47 =	vbroadcast v9, $0x6;
	v49 =	vbroadcast v9, $0xA  }
0x130: {  	v37 =	vld [tilespmem:s2+$0xE0];
	v10 =	vunpack.i.u.bf16.f32 v11;
	v50 =	vbroadcast v3, $0x1;
	v51 =	vbroadcast v3, $0x5  }
0x131: {  	v60 =	vld [tilespmem:s2+$0xFFFFFF50];
	v2 =	vunpack.i.l.bf16.f32 v11;
	v53 =	vbroadcast v3, $0x9;
	v54 =	vbroadcast v3, $0xD  }
0x132: {  	v5 =	vld [tilespmem:s2+$0xFFFFFFA0];
	v30 =	vunpack.i.u.bf16.f32 v14;
	v59 =	vbroadcast v9, $0x1;
	v57 =	vbroadcast v3, $0x0  }
0x133: {  	v6 =	vld [tilespmem:s2+$0xFFFFFFE0];
	v31 =	vunpack.i.l.bf16.f32 v14;
	[tilespmem:$0x1FC80] =	vst v4;
	v4 =	vbroadcast v9, $0xE;
	v0 =	vmul.f32 v0, v7  }
0x134: {  	v14 =	vld [tilespmem:s2+$0x60];
	v48 =	vunpack.i.u.bf16.f32 v29;
	v11 =	vmul.f32 v12, v7;
	v7 =	vmul.f32 v13, v24  }
0x135: {  	v55 =	vld [tilespmem:s2+$0xFFFFFF10];
	v45 =	vunpack.i.l.bf16.f32 v29;
	v38 =	vmul.f32 v17, v28;
	v29 =	vmul.f32 v20, v32  }
0x136: {  	[tilespmem:$0x1FC70] =	vst v8;
	v20 =	vunpack.i.u.bf16.f32 v60;
	v12 =	vmul.f32 v2, v39;
	v13 =	vmul.f32 v10, v39  }
0x137: {  	v8 =	vmul.f32 v30, v40;
	v20 =	vmul.f32 v20, v51;
	[tilespmem:$0x1FC90] =	vst v4;
	v4 =	vunpack.i.l.bf16.f32 v37  }
0x138: {  	v34 =	vunpack.i.u.bf16.f32 v5;
	v36 =	vunpack.i.l.bf16.f32 v5;
	v41 =	vunpack.i.u.bf16.f32 v6  }
0x139: {  	v44 =	vunpack.i.l.bf16.f32 v6;
	v52 =	vunpack.i.u.bf16.f32 v14;
	v56 =	vunpack.i.l.bf16.f32 v14  }
0x13a: {  	v14 =	vunpack.i.u.bf16.f32 v37;
	[tilespmem:$0x1FCA0] =	vst v4;
	v37 =	vmul.f32 v18, v28;
	v4 =	vunpack.i.u.bf16.f32 v55  }
0x13b: {  	v6 =	vmul.f32 v19, v32;
	v19 =	vunpack.i.l.bf16.f32 v55;
	v55 =	vmul.f32 v36, v42  }
0x13c: {  	v5 =	vld [tilespmem:s2+$0xA0];
	v10 =	vmul.f32 v34, v42;
	v42 =	vmul.f32 v45, v46  }
0x13d: {  	v39 =	vld [tilespmem:s2+$0x50];
	v45 =	vmul.f32 v48, v46;
	v26 =	vmul.f32 v56, v47  }
0x13e: {  	v18 =	vld [tilespmem:s2+$0xFFFFFFD0];
	v2 =	vmul.f32 v52, v47;
	[tilespmem:$0x1FCB0] =	vst v6;
	v6 =	vmul.f32 v22, v33  }
0x13f: {  	v52 =	vbroadcast v3, $0x4;
	v19 =	vmul.f32 v19, v50  }
0x140: {  	v1 =	vunpack.i.l.bf16.f32 v1;
	v4 =	vmul.f32 v4, v50;
	v47 =	vld [tilespmem:s2+$0x90];
	[tilespmem:$0x1FCC0] =	vst v6;
	v6 =	vmul.f32 v27, v35  }
0x141: {  	v58 =	vunpack.i.u.bf16.f32 v5;
	v61 =	vunpack.i.l.bf16.f32 v5;
	v5 =	vmul.f32 v1, v24  }
0x142: {  	v36 =	vunpack.i.u.bf16.f32 v39;
	v1 =	vmul.f32 v15, v25;
	[tilespmem:$0x1FCD0] =	vst v6;
	v6 =	vmul.f32 v23, v35  }
0x143: {  	v34 =	vunpack.i.u.bf16.f32 v18;
	v23 =	vld [tilespmem:s2+$0xFFFFFF00];
	v35 =	vmul.f32 v31, v40;
	v40 =	vmul.f32 v61, v49  }
0x144: {  	v18 =	vunpack.i.l.bf16.f32 v18;
	[tilespmem:$0x1FCF0] =	vst v1;
	v1 =	vmul.f32 v16, v25;
	v25 =	vmul.f32 v21, v33;
	v33 =	vld [tilespmem:s2+$0xFFFFFF40]  }
0x145: {  	v61 =	vld [tilespmem:s2+$0xFFFFFF80];
	v46 =	vunpack.i.l.bf16.f32 v47;
	v18 =	vmul.f32 v18, v54;
	v21 =	vunpack.i.l.bf16.f32 v60  }
0x146: {  	v60 =	vmul.f32 v44, v43;
	v16 =	vimm.f32 $0.0e+00;
	v44 =	vunpack.i.l.bf16.f32 v39;
	[tilespmem:$0x1FCE0] =	vst v6  }
0x147: {  	v39 =	vunpack.i.u.bf16.f32 v47;
	v6 =	vmul.f32 v41, v43;
	v43 =	vmul.f32 v58, v49;
	[tilespmem:$0x1FD00] =	vst v1;
	v1 =	vld [tilespmem:s2+$0xFFFFFF90]  }
0x148: {  	v22 =	vld [tilespmem:s2+$0x10];
	v21 =	vmul.f32 v21, v51;
	v48 =	vunpack.i.l.bf16.f32 v23;
	v23 =	vunpack.i.u.bf16.f32 v23  }
0x149: {  	v32 =	vmul.f32 v48, v57;
	v56 =	vunpack.i.l.bf16.f32 v33;
	v23 =	vmul.f32 v23, v57  }
0x14a: {  	v33 =	vunpack.i.u.bf16.f32 v33;
	v57 =	vunpack.i.u.bf16.f32 v61;
	v48 =	vbroadcast v9, $0x4  }
0x14b: {  	v41 =	vmul.f32 v56, v52;
	v33 =	vmul.f32 v33, v52;
	v58 =	vadd.f32 v32, v16  }
0x14c: {  	v52 =	vbroadcast v3, $0x8;
	v56 =	vbroadcast v3, $0xC;
	v27 =	vunpack.i.u.bf16.f32 v1  }
0x14d: {  	v15 =	vunpack.i.l.bf16.f32 v1;
	v1 =	vunpack.i.u.bf16.f32 v22;
	v19 =	vadd.f32 v19, v58  }
0x14e: {  	v22 =	vunpack.i.l.bf16.f32 v22;
	v32 =	vbroadcast v9, $0x5;
	v41 =	vadd.f32 v41, v16  }
0x14f: {  	v23 =	vadd.f32 v23, v16;
	v16 =	vimm.f32 $0.0e+00;
	v3 =	vadd.f32 v12, v19;
	v19 =	vld [tilespmem:s2+$0xFFFFFFC0]  }
0x150: {  	v15 =	vmul.f32 v15, v53;
	v27 =	vmul.f32 v27, v53;
	v21 =	vadd.f32 v21, v41  }
0x151: {  	v51 =	vadd.f32 v33, v16;
	v4 =	vadd.f32 v4, v23;
	v33 =	vbroadcast v9, $0x9  }
0x152: {  	v23 =	vbroadcast v9, $0xD;
	v12 =	vunpack.i.l.bf16.f32 v61;
	v21 =	vadd.f32 v35, v21  }
0x153: {  	v20 =	vadd.f32 v20, v51;
	v58 =	vmul.f32 v12, v52;
	v30 =	vadd.f32 v0, v3;
	v0 =	vld [tilespmem:s2+$0x0]  }
0x154: {  	v24 =	vadd.f32 v5, v21;
	v21 =	vunpack.i.l.bf16.f32 v19;
	v19 =	vunpack.i.u.bf16.f32 v19  }
0x155: {  	v13 =	vadd.f32 v13, v4;
	v5 =	vimm.f32 $0.0e+00;
	v19 =	vmul.f32 v19, v56  }
0x156: {  	v4 =	vbroadcast v9, $0x0;
	v61 =	vmul.f32 v57, v52;
	v50 =	vadd.f32 v58, v5  }
0x157: {  	v52 =	vmul.f32 v34, v54;
	v20 =	vadd.f32 v8, v20;
	v19 =	vadd.f32 v19, v5  }
0x158: {  	v49 =	vld [tilespmem:s2+$0x80];
	v51 =	vadd.f32 v61, v5;
	v3 =	vadd.f32 v15, v50;
	v61 =	vunpack.i.l.bf16.f32 v0  }
0x159: {  	v53 =	vld [tilespmem:s2+$0xC0];
	v47 =	vunpack.i.u.bf16.f32 v0;
	v54 =	vmul.f32 v61, v4;
	v19 =	vadd.f32 v52, v19  }
0x15a: {  	v52 =	vmul.f32 v1, v59;
	v1 =	vadd.f32 v55, v3;
	v55 =	vmul.f32 v47, v4;
	v4 =	vld [tilespmem:$0x1FCF0]  }
0x15b: {  	v16 =	vimm.f32 $0.0e+00;
	v41 =	vbroadcast v9, $0x8;
	v35 =	vbroadcast v9, $0xC;
	v8 =	vld [tilespmem:s2+$0xD0]  }
0x15c: {  	v9 =	vimm.f32 $0.0e+00;
	v17 =	vadd.f32 v7, v20;
	v20 =	vld [tilespmem:s2+$0x40];
	v21 =	vmul.f32 v21, v56  }
0x15d: {  	v28 =	vadd.f32 v11, v13;
	v58 =	vunpack.i.l.bf16.f32 v49;
	v27 =	vadd.f32 v27, v51  }
0x15e: {  	v50 =	vunpack.i.u.bf16.f32 v49;
	v51 =	vmul.f32 v22, v59;
	v21 =	vadd.f32 v21, v5  }
0x15f: {  	v49 =	vunpack.i.u.bf16.f32 v53;
	v53 =	vunpack.i.l.bf16.f32 v53;
	v12 =	vadd.f32 v4, v1;
	v1 =	vld [tilespmem:$0x1FD00]  }
0x160: {  	v15 =	vimm.f32 $0.0e+00;
	v31 =	vunpack.i.u.bf16.f32 v8;
	v18 =	vadd.f32 v18, v21  }
0x161: {  	v34 =	vunpack.i.l.bf16.f32 v8;
	v8 =	vimm.f32 $0.0e+00;
	v0 =	vunpack.i.u.bf16.f32 v20  }
0x162: {  	v20 =	vunpack.i.l.bf16.f32 v20;
	v3 =	vadd.f32 v10, v27;
	v27 =	vadd.f32 v60, v18  }
0x163: {  	v56 =	vadd.f32 v6, v19;
	v6 =	vimm.f32 $0.0e+00;
	v19 =	vimm.f32 $0.0e+00  }
0x164: {  	s8 =	sor.u32 $0x1, s7;
	s19 =	simm.s32 $0x80;
	v18 =	vimm.f32 $0.0e+00;
	v13 =	vadd.f32 v1, v3;
	v1 =	vmul.f32 v20, v48  }
.LBB2_5:
0x165: {  	v3 =	vadd.f32 v37, v27;
	_ =	sdelay $0x1  }
0x166: {  	[tilespmem:$0x1FBA0] =	vst v3;
	v3 =	vadd.f32 v38, v56;
	_ =	sdelay $0x1  }
0x167: {  	[tilespmem:$0x1FBB0] =	vst v3;
	v3 =	vadd.f32 v54, v5;
	_ =	sdelay $0x1  }
0x168: {  	v3 =	vadd.f32 v51, v3;
	_ =	sdelay $0x1  }
0x169: {  	v3 =	vadd.f32 v42, v3;
	_ =	sdelay $0x1  }
0x16a: {  	v3 =	vadd.f32 v29, v3  }
0x16b: {  	v20 =	vadd.f32 v55, v6  }
0x16c: {  	[tilespmem:$0x1FC40] =	vst v3;
	v3 =	vld [tilespmem:$0x1FCB0]  }
0x16d: {  	v20 =	vadd.f32 v52, v20;
	_ =	sdelay $0x1  }
0x16e: {  	v20 =	vadd.f32 v45, v20;
	_ =	sdelay $0x1  }
0x16f: {  	v0 =	vmul.f32 v0, v48;
	v3 =	vadd.f32 v3, v20  }
0x170: {  	v55 =	vmul.f32 v44, v32;
	v1 =	vadd.f32 v1, v8  }
0x171: {  	v21 =	vmul.f32 v36, v32;
	v0 =	vadd.f32 v0, v9;
	[tilespmem:$0x1FC60] =	vst v3;
	v3 =	vld [tilespmem:$0x1FCC0]  }
0x172: {  	v1 =	vadd.f32 v55, v1  }
0x173: {  	v0 =	vadd.f32 v21, v0  }
0x174: {  	v1 =	vadd.f32 v26, v1  }
0x175: {  	s2 =	sadd.s32 $0x200, s2;
	v0 =	vadd.f32 v2, v0  }
0x176: {  	v29 =	vld [tilespmem:s2+$0xFFFFFFB0];
	v1 =	vadd.f32 v3, v1  }
0x177: {  	v0 =	vadd.f32 v25, v0;
	v25 =	vld [tilespmem:s2+$0x30]  }
0x178: {  	[tilespmem:$0x1FBD0] =	vst v1;
	v1 =	vld [tilespmem:s2+$0xFFFFFFF0];
	_ =	sdelay $0x3  }
0x179: {  	v27 =	vunpack.i.u.bf16.f32 v29;
	v8 =	vunpack.i.l.bf16.f32 v29  }
0x17a: {  	v4 =	vld [tilespmem:$0x1FCA0];
	v38 =	vunpack.i.u.bf16.f32 v1;
	v29 =	vunpack.i.l.bf16.f32 v1;
	v1 =	vunpack.i.u.bf16.f32 v25  }
0x17b: {  	[tilespmem:$0x1FA20] =	vst v1;
	v1 =	vld [tilespmem:$0x1FC70]  }
0x17c: {  	v3 =	vld [tilespmem:$0x1FC90];
	_ =	sdelay $0x3  }
0x17d: {  	[tilespmem:$0x1FAB0] =	vst v28;
	v28 =	vmul.f32 v53, v35  }
0x17e: {  	[tilespmem:$0x1FAE0] =	vst v17;
	v7 =	vmul.f32 v4, v3;
	v5 =	vmul.f32 v14, v3;
	v3 =	vld [tilespmem:$0x1FC80]  }
0x17f: {  	[tilespmem:$0x1FAD0] =	vst v24;
	v24 =	vmul.f32 v34, v23;
	s11 =	sshra.s32 s19, $0x2;
	v17 =	vadd.f32 v28, v16  }
0x180: {  	v34 =	vld.idx.msk [tilespmem:v1+s11+$0xFFFFFFF0 ss:$0x1], $0xffff  }
0x181: {  	v17 =	vadd.f32 v24, v17  }
0x182: {  	v16 =	vmul.f32 v31, v23;
	v23 =	vld [tilespmem:s2+$0x70]  }
0x183: {  	v7 =	vadd.f32 v7, v17;
	v2 =	vmul.f32 v63, v3  }
0x184: {  	v28 =	vld [tilespmem:s2+$0xB0]  }
0x185: {  	v2 =	vadd.f32 v2, v7;
	v11 =	vbroadcast v34, $0xB  }
0x186: {  	v58 =	vmul.f32 v58, v41;
	v59 =	vld [tilespmem:s2+$0xFFFFFF30];
	[tilespmem:$0x1FC10] =	vst v0  }
0x187: {  	v61 =	vld [tilespmem:s2+$0xFFFFFF70];
	v56 =	vmul.f32 v46, v33;
	[tilespmem:$0x1FB80] =	vst v2;
	v2 =	vunpack.i.u.bf16.f32 v23;
	v8 =	vmul.f32 v8, v11  }
0x188: {  	v19 =	vadd.f32 v58, v19;
	v0 =	vmul.f32 v49, v35;
	v4 =	vmul.f32 v62, v3;
	v3 =	vld [tilespmem:$0x1FCD0];
	[tilespmem:$0x1FA30] =	vst v2  }
0x189: {  	v9 =	vunpack.i.l.bf16.f32 v28;
	v2 =	vunpack.i.u.bf16.f32 v28;
	v28 =	vld.idx.msk [tilespmem:v1+s11+$0x0 ss:$0x1], $0xffff;
	[tilespmem:$0x1FC30] =	vst v8;
	v8 =	vmul.f32 v27, v11  }
0x18a: {  	[tilespmem:$0x1FAA0] =	vst v30;
	v30 =	vld [tilespmem:s2+$0xFFFFFF20];
	v19 =	vadd.f32 v56, v19;
	v0 =	vadd.f32 v0, v15  }
0x18b: {  	[tilespmem:$0x1FC50] =	vst v8;
	v8 =	vld [tilespmem:$0x1FA20]  }
0x18c: {  	v36 =	vld [tilespmem:s2+$0x60];
	v0 =	vadd.f32 v16, v0;
	v16 =	vadd.f32 v40, v19  }
0x18d: {  	v37 =	vld [tilespmem:s2+$0xFFFFFF10]  }
0x18e: {  	v60 =	vmul.f32 v50, v41;
	v41 =	vld [tilespmem:s2+$0x90];
	v3 =	vadd.f32 v3, v16;
	v16 =	vbroadcast v28, $0x3  }
0x18f: {  	[tilespmem:$0x1FB60] =	vst v12;
	v57 =	vmul.f32 v39, v33;
	v6 =	vld [tilespmem:s2+$0xF0];
	v0 =	vadd.f32 v5, v0  }
0x190: {  	[tilespmem:$0x1FB70] =	vst v13;
	v18 =	vadd.f32 v60, v18;
	v31 =	vld [tilespmem:s2+$0xFFFFFFA0];
	v17 =	vbroadcast v28, $0x7;
	v8 =	vmul.f32 v8, v16  }
0x191: {  	v50 =	vunpack.i.l.bf16.f32 v25;
	v5 =	vld [tilespmem:s2+$0xFFFFFF60];
	v25 =	vunpack.i.l.bf16.f32 v23;
	v0 =	vadd.f32 v4, v0;
	[tilespmem:$0x1FB00] =	vst v3  }
0x192: {  	v18 =	vadd.f32 v57, v18;
	v13 =	vunpack.i.u.bf16.f32 v59;
	v3 =	vld [tilespmem:$0x1FCE0];
	[tilespmem:$0x1FCB0] =	vst v8;
	v8 =	vmul.f32 v25, v17  }
0x193: {  	v12 =	vunpack.i.l.bf16.f32 v61;
	v10 =	vunpack.i.l.bf16.f32 v30;
	v58 =	vunpack.i.u.bf16.f32 v37;
	[tilespmem:$0x1FB40] =	vst v0;
	v0 =	vld [tilespmem:s2+$0xFFFFFFE0]  }
0x194: {  	v39 =	vunpack.i.u.bf16.f32 v41;
	v52 =	vunpack.i.l.bf16.f32 v41;
	v18 =	vadd.f32 v43, v18;
	[tilespmem:$0x1FCC0] =	vst v8;
	v8 =	vld [tilespmem:$0x1FA30]  }
0x195: {  	v42 =	vunpack.i.u.bf16.f32 v61;
	v56 =	vunpack.i.l.bf16.f32 v31;
	v19 =	vunpack.i.l.bf16.f32 v37;
	v4 =	vld [tilespmem:s2+$0x20]  }
0x196: {  	v55 =	vunpack.i.u.bf16.f32 v5;
	v23 =	vld [tilespmem:s2+$0xA0];
	[tilespmem:$0x1FA40] =	vst v2;
	v2 =	vunpack.i.u.bf16.f32 v6;
	v14 =	vbroadcast v34, $0xF  }
0x197: {  	v47 =	vld [tilespmem:s2+$0xFFFFFF90];
	v1 =	vunpack.i.u.bf16.f32 v31;
	[tilespmem:$0x1FC00] =	vst v2;
	v3 =	vadd.f32 v3, v18;
	v18 =	vbroadcast v28, $0xB  }
0x198: {  	v24 =	vunpack.i.l.bf16.f32 v5;
	v2 =	vunpack.i.l.bf16.f32 v6;
	[tilespmem:$0x1FA50] =	vst v1;
	v37 =	vmul.f32 v29, v14  }
0x199: {  	[tilespmem:$0x1FC20] =	vst v2;
	v1 =	vunpack.i.u.bf16.f32 v0;
	v29 =	vmul.f32 v8, v17;
	v8 =	vmul.f32 v9, v18  }
0x19a: {  	v6 =	vld [tilespmem:s2+$0xE0];
	v45 =	vunpack.i.u.bf16.f32 v4;
	v53 =	vunpack.i.l.bf16.f32 v4;
	v43 =	vunpack.i.l.bf16.f32 v0;
	[tilespmem:$0x1FA60] =	vst v1  }
0x19b: {  	v0 =	vunpack.i.u.bf16.f32 v36;
	v49 =	vunpack.i.l.bf16.f32 v23;
	v40 =	vbroadcast v34, $0x3;
	[tilespmem:$0x1FCD0] =	vst v8;
	v8 =	vld [tilespmem:$0x1FA40]  }
0x19c: {  	[tilespmem:$0x1FA80] =	vst v0;
	v1 =	vunpack.i.l.bf16.f32 v47;
	v4 =	vbroadcast v34, $0x7;
	v20 =	vbroadcast v34, $0x2  }
0x19d: {  	v35 =	vld [tilespmem:s2+$0x50];
	v0 =	vunpack.i.l.bf16.f32 v36;
	v22 =	vbroadcast v34, $0xA;
	[tilespmem:$0x1FB10] =	vst v1;
	v1 =	vbroadcast v28, $0x2  }
0x19e: {  	v46 =	vld [tilespmem:s2+$0xFFFFFF50];
	[tilespmem:$0x1FA70] =	vst v0;
	v0 =	vunpack.i.u.bf16.f32 v23;
	v2 =	vbroadcast v28, $0x6;
	v5 =	vbroadcast v28, $0xE  }
0x19f: {  	v63 =	vld [tilespmem:s2+$0xFFFFFF40];
	v54 =	vbroadcast v28, $0x1;
	v32 =	vbroadcast v28, $0x5;
	[tilespmem:$0x1FA90] =	vst v0;
	v0 =	vunpack.i.u.bf16.f32 v6  }
0x1a0: {  	v23 =	vld [tilespmem:s2+$0xFFFFFFD0];
	v33 =	vbroadcast v28, $0x9;
	[tilespmem:$0x1FB50] =	vst v0;
	v0 =	vunpack.i.l.bf16.f32 v6;
	v8 =	vmul.f32 v8, v18  }
0x1a1: {  	v48 =	vld [tilespmem:s2+$0x10];
	v15 =	vunpack.i.l.bf16.f32 v59;
	v51 =	vbroadcast v28, $0xD;
	v61 =	vbroadcast v28, $0x0;
	[tilespmem:$0x1FCA0] =	vst v0  }
0x1a2: {  	v44 =	vunpack.i.l.bf16.f32 v35;
	v41 =	vbroadcast v28, $0x8;
	v0 =	vbroadcast v28, $0xF;
	[tilespmem:$0x1FCE0] =	vst v8;
	v8 =	vld [tilespmem:$0x1FA50]  }
0x1a3: {  	v62 =	vunpack.i.u.bf16.f32 v30;
	v12 =	vmul.f32 v12, v4;
	v4 =	vmul.f32 v42, v4;
	[tilespmem:$0x1FB30] =	vst v3  }
0x1a4: {  	v38 =	vmul.f32 v38, v14;
	v14 =	vunpack.i.l.bf16.f32 v63;
	[tilespmem:$0x1FC80] =	vst v0;
	v0 =	vunpack.i.u.bf16.f32 v46  }
0x1a5: {  	v42 =	vld [tilespmem:s2+$0x0];
	v56 =	vmul.f32 v56, v22;
	v3 =	vunpack.i.u.bf16.f32 v23;
	v7 =	vunpack.i.l.bf16.f32 v23;
	[tilespmem:$0x1FAF0] =	vst v0  }
0x1a6: {  	v23 =	vunpack.i.u.bf16.f32 v48;
	v0 =	vunpack.i.l.bf16.f32 v46;
	[tilespmem:$0x1FBC0] =	vst v3;
	v3 =	vbroadcast v28, $0xA  }
0x1a7: {  	[tilespmem:$0x1FBF0] =	vst v23;
	v23 =	vunpack.i.l.bf16.f32 v48;
	v48 =	vbroadcast v28, $0x4;
	v22 =	vmul.f32 v8, v22;
	v8 =	vld [tilespmem:$0x1FA60]  }
0x1a8: {  	[tilespmem:$0x1FAC0] =	vst v0;
	v0 =	vunpack.i.u.bf16.f32 v47;
	v47 =	vunpack.i.u.bf16.f32 v35;
	v35 =	vbroadcast v28, $0xC  }
0x1a9: {  	v28 =	vmul.f32 v15, v40;
	v15 =	vmul.f32 v13, v40;
	v13 =	vunpack.i.u.bf16.f32 v63  }
0x1aa: {  	v63 =	vunpack.i.u.bf16.f32 v42;
	[tilespmem:$0x1FB20] =	vst v0;
	v0 =	vbroadcast v34, $0xE;
	v18 =	vmul.f32 v10, v20  }
0x1ab: {  	v20 =	vmul.f32 v62, v20;
	v62 =	vunpack.i.l.bf16.f32 v42;
	v42 =	vmul.f32 v53, v1;
	v53 =	vld [tilespmem:$0x1FA90]  }
0x1ac: {  	v9 =	vmul.f32 v8, v0;
	v8 =	vld [tilespmem:s2+$0xC0]  }
0x1ad: {  	v36 =	vld [tilespmem:s2+$0xD0]  }
0x1ae: {  	v60 =	vld [tilespmem:s2+$0xFFFFFF00];
	v21 =	vbroadcast v34, $0x6;
	v59 =	vbroadcast v34, $0x0  }
0x1af: {  	v31 =	vbroadcast v34, $0x4;
	[tilespmem:$0x1FC90] =	vst v5;
	v5 =	vbroadcast v34, $0x1  }
0x1b0: {  	v26 =	vld [tilespmem:s2+$0xFFFFFF80];
	v40 =	vmul.f32 v49, v3;
	v10 =	vmul.f32 v43, v0  }
0x1b1: {  	v43 =	vmul.f32 v53, v3;
	v49 =	vunpack.i.u.bf16.f32 v8;
	v53 =	vunpack.i.l.bf16.f32 v8;
	v8 =	vld [tilespmem:$0x1FAA0]  }
0x1b2: {  	v24 =	vmul.f32 v24, v21;
	v21 =	vmul.f32 v55, v21;
	v46 =	vunpack.i.l.bf16.f32 v36  }
0x1b3: {  	v55 =	vld [tilespmem:s2+$0x80];
	[tilespmem:$0x1FBE0] =	vst v23;
	v23 =	vunpack.i.u.bf16.f32 v36;
	v36 =	vunpack.i.u.bf16.f32 v60;
	v60 =	vunpack.i.l.bf16.f32 v60  }
0x1b4: {  	v3 =	vmul.f32 v19, v5;
	v19 =	vmul.f32 v60, v59;
	v60 =	vld [tilespmem:$0x1FAD0]  }
0x1b5: {  	v11 =	vmul.f32 v50, v16;
	v16 =	vunpack.i.u.bf16.f32 v26;
	v17 =	vunpack.i.l.bf16.f32 v26;
	v26 =	vld [tilespmem:s2+$0x40]  }
0x1b6: {  	v8 =	vadd.f32 v19, v8;
	v19 =	vld [tilespmem:$0x1FAB0]  }
0x1b7: {  	v14 =	vmul.f32 v14, v31;
	v50 =	vld [tilespmem:$0x1FA80]  }
0x1b8: {  	v13 =	vmul.f32 v13, v31;
	v31 =	vld [tilespmem:$0x1FAC0]  }
0x1b9: {  	v59 =	vmul.f32 v36, v59;
	v14 =	vadd.f32 v14, v60;
	v60 =	vld [tilespmem:$0x1FAF0]  }
0x1ba: {  	v45 =	vmul.f32 v45, v1;
	v1 =	vunpack.i.l.bf16.f32 v26;
	v0 =	vunpack.i.u.bf16.f32 v26;
	v26 =	vld [tilespmem:$0x1FA70]  }
0x1bb: {  	v19 =	vadd.f32 v59, v19;
	v59 =	vld [tilespmem:$0x1FAE0];
	_ =	sdelay $0x2  }
0x1bc: {  	v6 =	vbroadcast v34, $0x5;
	v5 =	vmul.f32 v58, v5;
	v58 =	vunpack.i.l.bf16.f32 v55  }
0x1bd: {  	v26 =	vmul.f32 v26, v2;
	v2 =	vmul.f32 v50, v2;
	v50 =	vunpack.i.u.bf16.f32 v55  }
0x1be: {  	v55 =	vmul.f32 v31, v6;
	v6 =	vmul.f32 v60, v6;
	v13 =	vadd.f32 v13, v59  }
0x1bf: {  	v3 =	vadd.f32 v3, v8;
	v8 =	vld [tilespmem:$0x1FB10]  }
0x1c0: {  	v6 =	vadd.f32 v6, v13;
	v13 =	vld [tilespmem:$0x1FB20];
	_ =	sdelay $0x1  }
0x1c1: {  	v30 =	vbroadcast v34, $0x8;
	v27 =	vld [tilespmem:s2+$0xFFFFFFC0];
	v5 =	vadd.f32 v5, v19  }
0x1c2: {  	[tilespmem:$0x1FB90] =	vst v7;
	v7 =	vbroadcast v34, $0x9  }
0x1c3: {  	v16 =	vmul.f32 v16, v30;
	v3 =	vadd.f32 v18, v3;
	v5 =	vadd.f32 v20, v5  }
0x1c4: {  	v8 =	vmul.f32 v8, v7;
	v7 =	vmul.f32 v13, v7  }
0x1c5: {  	v13 =	vmul.f32 v17, v30;
	v30 =	vadd.f32 v28, v3;
	v28 =	vadd.f32 v15, v5;
	v5 =	vld [tilespmem:$0x1FB60]  }
0x1c6: {  	v25 =	vunpack.i.u.bf16.f32 v27;
	v6 =	vadd.f32 v21, v6  }
0x1c7: {  	v57 =	vbroadcast v34, $0xD;
	v34 =	vbroadcast v34, $0xC  }
0x1c8: {  	v17 =	vadd.f32 v4, v6;
	v6 =	vld [tilespmem:$0x1FB70]  }
0x1c9: {  	v4 =	vmul.f32 v25, v34;
	v25 =	vmov v29;
	v29 =	vmov v11;
	v11 =	vld [tilespmem:$0x1FB90]  }
0x1ca: {  	v14 =	vadd.f32 v55, v14;
	v5 =	vadd.f32 v13, v5;
	v13 =	vld [tilespmem:$0x1FBA0];
	_ =	sdelay $0x1  }
0x1cb: {  	v27 =	vunpack.i.l.bf16.f32 v27;
	v14 =	vadd.f32 v24, v14  }
0x1cc: {  	v55 =	vmul.f32 v63, v61;
	v63 =	vld [tilespmem:$0x1FC20];
	v3 =	vmul.f32 v27, v34  }
0x1cd: {  	v24 =	vadd.f32 v12, v14;
	v14 =	vld [tilespmem:$0x1FB50];
	v6 =	vadd.f32 v16, v6  }
0x1ce: {  	v18 =	vld [tilespmem:$0x1FB30];
	v12 =	vmul.f32 v11, v57;
	v3 =	vadd.f32 v3, v13  }
0x1cf: {  	v6 =	vadd.f32 v7, v6;
	v7 =	vld [tilespmem:$0x1FBE0]  }
0x1d0: {  	v11 =	vld [tilespmem:$0x1FBC0];
	v3 =	vadd.f32 v12, v3  }
0x1d1: {  	v13 =	vld [tilespmem:$0x1FBB0]  }
0x1d2: {  	v27 =	vadd.f32 v10, v3;
	v3 =	vld [tilespmem:$0x1FC30]  }
0x1d3: {  	v19 =	vld [tilespmem:$0x1FB00];
	v5 =	vadd.f32 v8, v5  }
0x1d4: {  	v31 =	vmov v23;
	v23 =	vmov v51;
	v51 =	vmul.f32 v7, v54;
	v7 =	vld [tilespmem:$0x1FBF0]  }
0x1d5: {  	v15 =	vld [tilespmem:$0x1FB40];
	v5 =	vadd.f32 v56, v5  }
0x1d6: {  	v16 =	vld [tilespmem:$0x1FB80];
	v4 =	vadd.f32 v4, v13;
	v13 =	vmul.f32 v11, v57  }
0x1d7: {  	p0 =	sne.s32 s19, $0x780;
	v12 =	vadd.f32 v3, v5;
	v3 =	vld [tilespmem:$0x1FC50]  }
.Ltmp1:
0x1d8: {  	v8 =	vld [tilespmem:$0x1FBD0];
	v4 =	vadd.f32 v13, v4;
	(pc) =	sbr.rel @p0 .LBB2_5-.Ltmp1, $4  }
0x1d9: {  	v34 =	vmovc v46;
	v46 =	vmov v52;
	v52 =	vmul.f32 v7, v54;
	v54 =	vmul.f32 v62, v61;
	v62 =	vld [tilespmem:$0x1FC00]  }
0x1da: {  	v6 =	vadd.f32 v22, v6;
	v56 =	vadd.f32 v9, v4;
	v9 =	vld [tilespmem:$0x1FC10]  }
0x1db: {  	v5 =	vld [tilespmem:$0x1FC40]  }
0x1dc: {  	s19 =	sadd.s32 $0x80, s19;
	v1 =	vmul.f32 v1, v48;
	v36 =	vmov v47;
	v13 =	vadd.f32 v3, v6;
	v6 =	vld [tilespmem:$0x1FC60]  }
0x1dd: {  	v3 =	vadd.f32 v37, v27;
	v0 =	vmul.f32 v0, v48;
	v10 =	vmul.f32 v50, v41  }
0x1de: {  	v4 =	vadd.f32 v38, v56;
	v7 =	vmul.f32 v44, v32;
	s2 =	sshll.u32 s8, $0x8;
	v1 =	vadd.f32 v1, v8  }
0x1df: {  	v8 =	vmul.f32 v36, v32;
	s2 =	sand.u32 $0x3FFFFF00, s2;
	v0 =	vadd.f32 v0, v9;
	v10 =	vadd.f32 v10, v18  }
0x1e0: {  	[tilespmem:s2+$0x18040] =	vst v12;
	v12 =	vmul.f32 v49, v35;
	v5 =	vadd.f32 v54, v5;
	v1 =	vadd.f32 v7, v1  }
0x1e1: {  	[tilespmem:s2+$0x18030] =	vst v17;
	v17 =	vld [tilespmem:$0x1FCC0];
	v7 =	vmul.f32 v39, v33;
	v6 =	vadd.f32 v55, v6;
	v0 =	vadd.f32 v8, v0  }
0x1e2: {  	[tilespmem:s2+$0x18060] =	vst v3;
	v8 =	vmul.f32 v58, v41;
	v3 =	vadd.f32 v12, v15;
	v5 =	vadd.f32 v51, v5  }
0x1e3: {  	v11 =	vld [tilespmem:$0x1FCB0];
	v1 =	vadd.f32 v26, v1;
	v7 =	vadd.f32 v7, v10  }
0x1e4: {  	v9 =	vmul.f32 v46, v33;
	v12 =	vld [tilespmem:$0x1FC90];
	v6 =	vadd.f32 v52, v6;
	v8 =	vadd.f32 v8, v19  }
0x1e5: {  	v0 =	vadd.f32 v2, v0;
	v5 =	vadd.f32 v42, v5  }
0x1e6: {  	v1 =	vadd.f32 v17, v1;
	v8 =	vadd.f32 v9, v8;
	v9 =	vmul.f32 v31, v23  }
0x1e7: {  	[tilespmem:s2+$0x18070] =	vst v4;
	v4 =	vld [tilespmem:$0x1FCA0];
	v6 =	vadd.f32 v45, v6;
	v5 =	vadd.f32 v29, v5  }
0x1e8: {  	[tilespmem:s2+$0x18000] =	vst v30;
	v2 =	vadd.f32 v43, v7;
	v3 =	vadd.f32 v9, v3;
	v9 =	vld [tilespmem:$0x1FC80]  }
0x1e9: {  	v7 =	vld [tilespmem:$0x1FCD0];
	v6 =	vadd.f32 v11, v6;
	v11 =	vmul.f32 v53, v35;
	[tilespmem:s2+$0x18080] =	vst v5;
	v5 =	vmul.f32 v14, v12  }
0x1ea: {  	[tilespmem:s2+$0x18050] =	vst v13  }
0x1eb: {  	v13 =	vmul.f32 v34, v23;
	[tilespmem:s2+$0x180A0] =	vst v1;
	v11 =	vadd.f32 v11, v16;
	v1 =	vadd.f32 v5, v3;
	v5 =	vld [tilespmem:$0x1FCE0]  }
0x1ec: {  	[tilespmem:s2+$0x18010] =	vst v28;
	v0 =	vadd.f32 v25, v0;
	v8 =	vadd.f32 v40, v8  }
0x1ed: {  	[tilespmem:s2+$0x18020] =	vst v24;
	v4 =	vmul.f32 v4, v12;
	v10 =	vadd.f32 v13, v11;
	v3 =	vmul.f32 v62, v9  }
0x1ee: {  	[tilespmem:s2+$0x180B0] =	vst v0;
	v7 =	vadd.f32 v7, v8  }
0x1ef: {  	[tilespmem:s2+$0x18090] =	vst v6;
	v6 =	vmul.f32 v63, v9;
	v4 =	vadd.f32 v4, v10;
	v1 =	vadd.f32 v3, v1  }
0x1f0: {  	[tilespmem:s2+$0x180C0] =	vst v7;
	v2 =	vadd.f32 v5, v2  }
0x1f1: {  	s11 =	smin.u32 s7, $0x3A;
	v0 =	vadd.f32 v6, v4;
	[tilespmem:s2+$0x180F0] =	vst v1  }
0x1f2: {  	s8 =	sshll.u32 s11, $0x9;
	[tilespmem:s2+$0x180D0] =	vst v2  }
0x1f3: {  	s19 =	sadd.s32 $0xA00, s8;
	[tilespmem:s2+$0x180E0] =	vst v0  }
0x1f4: {  	[tilespmem:s18], [sflag:$0x2] =	stream.indirect.gather [hbm4b:s3+s10], $0x10, s19, s10, $0xb8;
	[tilespmem:$0x1C000] =	vst v63  }
0x1f5: {  	s11 =	sadd.s32 $0xA80, s8  }
0x1f6: {  	[tilespmem:s20], [sflag:$0x2] =	stream.indirect.gather [hbm4b:s3+s10], $0x10, s11, s10, $0xb8;
	[tilespmem:$0x1C000] =	vst v63  }
0x1f7: {  	s19 =	sadd.s32 $0xB00, s8  }
0x1f8: {  	[tilespmem:s22], [sflag:$0x2] =	stream.indirect.gather [hbm4b:s3+s10], $0x10, s19, s10, $0xb8;
	[tilespmem:$0x1C000] =	vst v63  }
0x1f9: {  	s11 =	sadd.s32 $0xB80, s8  }
0x1fa: {  	[tilespmem:s24], [sflag:$0x2] =	stream.indirect.gather [hbm4b:s3+s10], $0x10, s11, s10, $0xb8;
	[tilespmem:$0x1C000] =	vst v63  }
0x1fb: {  	_ =	swait.ge [sflag:s0], $0x2000  }
0x1fc: {  	[sflag:s0] =	ssyncset.done $0x0  }
0x1fd: {  	s2 =	simm.s32 $0x14100;
	[sflag:s0] =	ssyncadd.s32 $0xFFFFE000  }
0x1fe: {  	v8 =	vmov s4;
	v0 =	vld [tilespmem:s2+$0xFFFFFF30]  }
0x1ff: {  	v1 =	vld [tilespmem:s2+$0xFFFFFF70]  }
0x200: {  	v2 =	vld [tilespmem:s2+$0xFFFFFFB0]  }
0x201: {  	v4 =	vld [tilespmem:s2+$0xFFFFFFF0]  }
0x202: {  	s19 =	simm.s32 $0x0;
	v7 =	vld [tilespmem:s2+$0xB0]  }
0x203: {  	v3 =	vld.idx.msk [tilespmem:v8+s19+$0xFFFFFFF0 ss:$0x1], $0xffff  }
0x204: {  	v5 =	vld [tilespmem:s2+$0x30]  }
0x205: {  	v9 =	vld.idx.msk [tilespmem:v8+s19+$0x0 ss:$0x1], $0xffff  }
0x206: {  	v12 =	vunpack.i.u.bf16.f32 v0;
	v0 =	vunpack.i.l.bf16.f32 v0;
	v13 =	vunpack.i.u.bf16.f32 v1  }
0x207: {  	v6 =	vld [tilespmem:s2+$0x70];
	v16 =	vunpack.i.u.bf16.f32 v2;
	v15 =	vunpack.i.l.bf16.f32 v2;
	v17 =	vunpack.i.u.bf16.f32 v4  }
0x208: {  	v23 =	vunpack.i.u.bf16.f32 v7;
	v27 =	vunpack.i.l.bf16.f32 v7;
	v7 =	vbroadcast v3, $0x3  }
0x209: {  	v10 =	vld [tilespmem:s2+$0xF0];
	v18 =	vunpack.i.l.bf16.f32 v4;
	v24 =	vbroadcast v3, $0x7;
	v25 =	vbroadcast v3, $0xB  }
0x20a: {  	v19 =	vunpack.i.u.bf16.f32 v5;
	v28 =	vbroadcast v3, $0xF;
	v32 =	vbroadcast v9, $0x3  }
0x20b: {  	v11 =	vld [tilespmem:s2+$0xFFFFFF20];
	v20 =	vunpack.i.l.bf16.f32 v5;
	v33 =	vbroadcast v9, $0x7;
	v35 =	vbroadcast v9, $0xB  }
0x20c: {  	v21 =	vunpack.i.u.bf16.f32 v6;
	v4 =	vbroadcast v9, $0xF;
	v39 =	vbroadcast v3, $0x2  }
0x20d: {  	v14 =	vld [tilespmem:s2+$0xFFFFFF60];
	v22 =	vunpack.i.l.bf16.f32 v6;
	v40 =	vbroadcast v3, $0x6;
	v42 =	vbroadcast v3, $0xA  }
0x20e: {  	v62 =	vunpack.i.u.bf16.f32 v10;
	v43 =	vbroadcast v3, $0xE;
	v46 =	vbroadcast v9, $0x2  }
0x20f: {  	v29 =	vld [tilespmem:s2+$0x20];
	v63 =	vunpack.i.l.bf16.f32 v10;
	v47 =	vbroadcast v9, $0x6;
	v49 =	vbroadcast v9, $0xA  }
0x210: {  	v37 =	vld [tilespmem:s2+$0xE0];
	v10 =	vunpack.i.u.bf16.f32 v11;
	v50 =	vbroadcast v3, $0x1;
	v51 =	vbroadcast v3, $0x5  }
0x211: {  	v60 =	vld [tilespmem:s2+$0xFFFFFF50];
	v2 =	vunpack.i.l.bf16.f32 v11;
	v53 =	vbroadcast v3, $0x9;
	v54 =	vbroadcast v3, $0xD  }
0x212: {  	v5 =	vld [tilespmem:s2+$0xFFFFFFA0];
	v30 =	vunpack.i.u.bf16.f32 v14;
	v59 =	vbroadcast v9, $0x1;
	v57 =	vbroadcast v3, $0x0  }
0x213: {  	v6 =	vld [tilespmem:s2+$0xFFFFFFE0];
	v31 =	vunpack.i.l.bf16.f32 v14;
	[tilespmem:$0x1F990] =	vst v4;
	v4 =	vbroadcast v9, $0xE;
	v0 =	vmul.f32 v0, v7  }
0x214: {  	v14 =	vld [tilespmem:s2+$0x60];
	v48 =	vunpack.i.u.bf16.f32 v29;
	v11 =	vmul.f32 v12, v7;
	v7 =	vmul.f32 v13, v24  }
0x215: {  	v55 =	vld [tilespmem:s2+$0xFFFFFF10];
	v45 =	vunpack.i.l.bf16.f32 v29;
	v38 =	vmul.f32 v17, v28;
	v29 =	vmul.f32 v20, v32  }
0x216: {  	[tilespmem:$0x1F980] =	vst v8;
	v20 =	vunpack.i.u.bf16.f32 v60;
	v12 =	vmul.f32 v2, v39;
	v13 =	vmul.f32 v10, v39  }
0x217: {  	v8 =	vmul.f32 v30, v40;
	v20 =	vmul.f32 v20, v51;
	[tilespmem:$0x1F9A0] =	vst v4;
	v4 =	vunpack.i.l.bf16.f32 v37  }
0x218: {  	v34 =	vunpack.i.u.bf16.f32 v5;
	v36 =	vunpack.i.l.bf16.f32 v5;
	v41 =	vunpack.i.u.bf16.f32 v6  }
0x219: {  	v44 =	vunpack.i.l.bf16.f32 v6;
	v52 =	vunpack.i.u.bf16.f32 v14;
	v56 =	vunpack.i.l.bf16.f32 v14  }
0x21a: {  	v14 =	vunpack.i.u.bf16.f32 v37;
	[tilespmem:$0x1F9B0] =	vst v4;
	v37 =	vmul.f32 v18, v28;
	v4 =	vunpack.i.u.bf16.f32 v55  }
0x21b: {  	v6 =	vmul.f32 v19, v32;
	v19 =	vunpack.i.l.bf16.f32 v55;
	v55 =	vmul.f32 v36, v42  }
0x21c: {  	v5 =	vld [tilespmem:s2+$0xA0];
	v10 =	vmul.f32 v34, v42;
	v42 =	vmul.f32 v45, v46  }
0x21d: {  	v39 =	vld [tilespmem:s2+$0x50];
	v45 =	vmul.f32 v48, v46;
	v26 =	vmul.f32 v56, v47  }
0x21e: {  	v18 =	vld [tilespmem:s2+$0xFFFFFFD0];
	v2 =	vmul.f32 v52, v47;
	[tilespmem:$0x1F9C0] =	vst v6;
	v6 =	vmul.f32 v22, v33  }
0x21f: {  	v52 =	vbroadcast v3, $0x4;
	v19 =	vmul.f32 v19, v50  }
0x220: {  	v1 =	vunpack.i.l.bf16.f32 v1;
	v4 =	vmul.f32 v4, v50;
	v47 =	vld [tilespmem:s2+$0x90];
	[tilespmem:$0x1F9D0] =	vst v6;
	v6 =	vmul.f32 v27, v35  }
0x221: {  	v58 =	vunpack.i.u.bf16.f32 v5;
	v61 =	vunpack.i.l.bf16.f32 v5;
	v5 =	vmul.f32 v1, v24  }
0x222: {  	v36 =	vunpack.i.u.bf16.f32 v39;
	v1 =	vmul.f32 v15, v25;
	[tilespmem:$0x1F9E0] =	vst v6;
	v6 =	vmul.f32 v23, v35  }
0x223: {  	v34 =	vunpack.i.u.bf16.f32 v18;
	v23 =	vld [tilespmem:s2+$0xFFFFFF00];
	v35 =	vmul.f32 v31, v40;
	v40 =	vmul.f32 v61, v49  }
0x224: {  	v18 =	vunpack.i.l.bf16.f32 v18;
	[tilespmem:$0x1FA00] =	vst v1;
	v1 =	vmul.f32 v16, v25;
	v25 =	vmul.f32 v21, v33;
	v33 =	vld [tilespmem:s2+$0xFFFFFF40]  }
0x225: {  	v61 =	vld [tilespmem:s2+$0xFFFFFF80];
	v46 =	vunpack.i.l.bf16.f32 v47;
	v18 =	vmul.f32 v18, v54;
	v21 =	vunpack.i.l.bf16.f32 v60  }
0x226: {  	v60 =	vmul.f32 v44, v43;
	v16 =	vimm.f32 $0.0e+00;
	v44 =	vunpack.i.l.bf16.f32 v39;
	[tilespmem:$0x1F9F0] =	vst v6  }
0x227: {  	v39 =	vunpack.i.u.bf16.f32 v47;
	v6 =	vmul.f32 v41, v43;
	v43 =	vmul.f32 v58, v49;
	[tilespmem:$0x1FA10] =	vst v1;
	v1 =	vld [tilespmem:s2+$0xFFFFFF90]  }
0x228: {  	v22 =	vld [tilespmem:s2+$0x10];
	v21 =	vmul.f32 v21, v51;
	v48 =	vunpack.i.l.bf16.f32 v23;
	v23 =	vunpack.i.u.bf16.f32 v23  }
0x229: {  	v32 =	vmul.f32 v48, v57;
	v56 =	vunpack.i.l.bf16.f32 v33;
	v23 =	vmul.f32 v23, v57  }
0x22a: {  	v33 =	vunpack.i.u.bf16.f32 v33;
	v57 =	vunpack.i.u.bf16.f32 v61;
	v48 =	vbroadcast v9, $0x4  }
0x22b: {  	v41 =	vmul.f32 v56, v52;
	v33 =	vmul.f32 v33, v52;
	v58 =	vadd.f32 v32, v16  }
0x22c: {  	v52 =	vbroadcast v3, $0x8;
	v56 =	vbroadcast v3, $0xC;
	v27 =	vunpack.i.u.bf16.f32 v1  }
0x22d: {  	v15 =	vunpack.i.l.bf16.f32 v1;
	v1 =	vunpack.i.u.bf16.f32 v22;
	v19 =	vadd.f32 v19, v58  }
0x22e: {  	v22 =	vunpack.i.l.bf16.f32 v22;
	v32 =	vbroadcast v9, $0x5;
	v41 =	vadd.f32 v41, v16  }
0x22f: {  	v23 =	vadd.f32 v23, v16;
	v16 =	vimm.f32 $0.0e+00;
	v3 =	vadd.f32 v12, v19;
	v19 =	vld [tilespmem:s2+$0xFFFFFFC0]  }
0x230: {  	v15 =	vmul.f32 v15, v53;
	v27 =	vmul.f32 v27, v53;
	v21 =	vadd.f32 v21, v41  }
0x231: {  	v51 =	vadd.f32 v33, v16;
	v4 =	vadd.f32 v4, v23;
	v33 =	vbroadcast v9, $0x9  }
0x232: {  	v23 =	vbroadcast v9, $0xD;
	v12 =	vunpack.i.l.bf16.f32 v61;
	v21 =	vadd.f32 v35, v21  }
0x233: {  	v20 =	vadd.f32 v20, v51;
	v58 =	vmul.f32 v12, v52;
	v30 =	vadd.f32 v0, v3;
	v0 =	vld [tilespmem:s2+$0x0]  }
0x234: {  	v24 =	vadd.f32 v5, v21;
	v21 =	vunpack.i.l.bf16.f32 v19;
	v19 =	vunpack.i.u.bf16.f32 v19  }
0x235: {  	v13 =	vadd.f32 v13, v4;
	v5 =	vimm.f32 $0.0e+00;
	v19 =	vmul.f32 v19, v56  }
0x236: {  	v4 =	vbroadcast v9, $0x0;
	v61 =	vmul.f32 v57, v52;
	v50 =	vadd.f32 v58, v5  }
0x237: {  	v52 =	vmul.f32 v34, v54;
	v20 =	vadd.f32 v8, v20;
	v19 =	vadd.f32 v19, v5  }
0x238: {  	v49 =	vld [tilespmem:s2+$0x80];
	v51 =	vadd.f32 v61, v5;
	v3 =	vadd.f32 v15, v50;
	v61 =	vunpack.i.l.bf16.f32 v0  }
0x239: {  	v53 =	vld [tilespmem:s2+$0xC0];
	v47 =	vunpack.i.u.bf16.f32 v0;
	v54 =	vmul.f32 v61, v4;
	v19 =	vadd.f32 v52, v19  }
0x23a: {  	v52 =	vmul.f32 v1, v59;
	v1 =	vadd.f32 v55, v3;
	v55 =	vmul.f32 v47, v4;
	v4 =	vld [tilespmem:$0x1FA00]  }
0x23b: {  	v16 =	vimm.f32 $0.0e+00;
	v41 =	vbroadcast v9, $0x8;
	v35 =	vbroadcast v9, $0xC;
	v8 =	vld [tilespmem:s2+$0xD0]  }
0x23c: {  	v9 =	vimm.f32 $0.0e+00;
	v17 =	vadd.f32 v7, v20;
	v20 =	vld [tilespmem:s2+$0x40];
	v21 =	vmul.f32 v21, v56  }
0x23d: {  	v28 =	vadd.f32 v11, v13;
	v58 =	vunpack.i.l.bf16.f32 v49;
	v27 =	vadd.f32 v27, v51  }
0x23e: {  	v50 =	vunpack.i.u.bf16.f32 v49;
	v51 =	vmul.f32 v22, v59;
	v21 =	vadd.f32 v21, v5  }
0x23f: {  	v49 =	vunpack.i.u.bf16.f32 v53;
	v53 =	vunpack.i.l.bf16.f32 v53;
	v12 =	vadd.f32 v4, v1;
	v1 =	vld [tilespmem:$0x1FA10]  }
0x240: {  	v15 =	vimm.f32 $0.0e+00;
	v31 =	vunpack.i.u.bf16.f32 v8;
	v18 =	vadd.f32 v18, v21  }
0x241: {  	v34 =	vunpack.i.l.bf16.f32 v8;
	v8 =	vimm.f32 $0.0e+00;
	v0 =	vunpack.i.u.bf16.f32 v20  }
0x242: {  	v20 =	vunpack.i.l.bf16.f32 v20;
	v3 =	vadd.f32 v10, v27;
	v27 =	vadd.f32 v60, v18  }
0x243: {  	v56 =	vadd.f32 v6, v19;
	v6 =	vimm.f32 $0.0e+00;
	v19 =	vimm.f32 $0.0e+00  }
0x244: {  	s8 =	sor.u32 $0x2, s7;
	s19 =	simm.s32 $0x80;
	v18 =	vimm.f32 $0.0e+00;
	v13 =	vadd.f32 v1, v3;
	v1 =	vmul.f32 v20, v48  }
.LBB2_7:
0x245: {  	v3 =	vadd.f32 v37, v27;
	_ =	sdelay $0x1  }
0x246: {  	[tilespmem:$0x1F8B0] =	vst v3;
	v3 =	vadd.f32 v38, v56;
	_ =	sdelay $0x1  }
0x247: {  	[tilespmem:$0x1F8C0] =	vst v3;
	v3 =	vadd.f32 v54, v5;
	_ =	sdelay $0x1  }
0x248: {  	v3 =	vadd.f32 v51, v3;
	_ =	sdelay $0x1  }
0x249: {  	v3 =	vadd.f32 v42, v3;
	_ =	sdelay $0x1  }
0x24a: {  	v3 =	vadd.f32 v29, v3  }
0x24b: {  	v20 =	vadd.f32 v55, v6  }
0x24c: {  	[tilespmem:$0x1F950] =	vst v3;
	v3 =	vld [tilespmem:$0x1F9C0]  }
0x24d: {  	v20 =	vadd.f32 v52, v20;
	_ =	sdelay $0x1  }
0x24e: {  	v20 =	vadd.f32 v45, v20;
	_ =	sdelay $0x1  }
0x24f: {  	v0 =	vmul.f32 v0, v48;
	v3 =	vadd.f32 v3, v20  }
0x250: {  	v55 =	vmul.f32 v44, v32;
	v1 =	vadd.f32 v1, v8  }
0x251: {  	v21 =	vmul.f32 v36, v32;
	v0 =	vadd.f32 v0, v9;
	[tilespmem:$0x1F970] =	vst v3;
	v3 =	vld [tilespmem:$0x1F9D0]  }
0x252: {  	v1 =	vadd.f32 v55, v1  }
0x253: {  	v0 =	vadd.f32 v21, v0  }
0x254: {  	v1 =	vadd.f32 v26, v1  }
0x255: {  	s2 =	sadd.s32 $0x200, s2;
	v0 =	vadd.f32 v2, v0  }
0x256: {  	v29 =	vld [tilespmem:s2+$0xFFFFFFB0];
	v1 =	vadd.f32 v3, v1  }
0x257: {  	v0 =	vadd.f32 v25, v0;
	v25 =	vld [tilespmem:s2+$0x30]  }
0x258: {  	[tilespmem:$0x1F8E0] =	vst v1;
	v1 =	vld [tilespmem:s2+$0xFFFFFFF0];
	_ =	sdelay $0x3  }
0x259: {  	v27 =	vunpack.i.u.bf16.f32 v29;
	v8 =	vunpack.i.l.bf16.f32 v29  }
0x25a: {  	v4 =	vld [tilespmem:$0x1F9B0];
	v38 =	vunpack.i.u.bf16.f32 v1;
	v29 =	vunpack.i.l.bf16.f32 v1;
	v1 =	vunpack.i.u.bf16.f32 v25  }
0x25b: {  	[tilespmem:$0x1F730] =	vst v1;
	v1 =	vld [tilespmem:$0x1F980]  }
0x25c: {  	v3 =	vld [tilespmem:$0x1F9A0];
	_ =	sdelay $0x3  }
0x25d: {  	[tilespmem:$0x1F7C0] =	vst v28;
	v28 =	vmul.f32 v53, v35  }
0x25e: {  	[tilespmem:$0x1F7F0] =	vst v17;
	v7 =	vmul.f32 v4, v3;
	v5 =	vmul.f32 v14, v3;
	v3 =	vld [tilespmem:$0x1F990]  }
0x25f: {  	[tilespmem:$0x1F7E0] =	vst v24;
	v24 =	vmul.f32 v34, v23;
	s11 =	sshra.s32 s19, $0x2;
	v17 =	vadd.f32 v28, v16  }
0x260: {  	v34 =	vld.idx.msk [tilespmem:v1+s11+$0xFFFFFFF0 ss:$0x1], $0xffff  }
0x261: {  	v17 =	vadd.f32 v24, v17  }
0x262: {  	v16 =	vmul.f32 v31, v23;
	v23 =	vld [tilespmem:s2+$0x70]  }
0x263: {  	v7 =	vadd.f32 v7, v17;
	v2 =	vmul.f32 v63, v3  }
0x264: {  	v28 =	vld [tilespmem:s2+$0xB0]  }
0x265: {  	v2 =	vadd.f32 v2, v7;
	v11 =	vbroadcast v34, $0xB  }
0x266: {  	v58 =	vmul.f32 v58, v41;
	v59 =	vld [tilespmem:s2+$0xFFFFFF30];
	[tilespmem:$0x1F920] =	vst v0  }
0x267: {  	v61 =	vld [tilespmem:s2+$0xFFFFFF70];
	v56 =	vmul.f32 v46, v33;
	[tilespmem:$0x1F890] =	vst v2;
	v2 =	vunpack.i.u.bf16.f32 v23;
	v8 =	vmul.f32 v8, v11  }
0x268: {  	v19 =	vadd.f32 v58, v19;
	v0 =	vmul.f32 v49, v35;
	v4 =	vmul.f32 v62, v3;
	v3 =	vld [tilespmem:$0x1F9E0];
	[tilespmem:$0x1F740] =	vst v2  }
0x269: {  	v9 =	vunpack.i.l.bf16.f32 v28;
	v2 =	vunpack.i.u.bf16.f32 v28;
	v28 =	vld.idx.msk [tilespmem:v1+s11+$0x0 ss:$0x1], $0xffff;
	[tilespmem:$0x1F940] =	vst v8;
	v8 =	vmul.f32 v27, v11  }
0x26a: {  	[tilespmem:$0x1F7B0] =	vst v30;
	v30 =	vld [tilespmem:s2+$0xFFFFFF20];
	v19 =	vadd.f32 v56, v19;
	v0 =	vadd.f32 v0, v15  }
0x26b: {  	[tilespmem:$0x1F960] =	vst v8;
	v8 =	vld [tilespmem:$0x1F730]  }
0x26c: {  	v36 =	vld [tilespmem:s2+$0x60];
	v0 =	vadd.f32 v16, v0;
	v16 =	vadd.f32 v40, v19  }
0x26d: {  	v37 =	vld [tilespmem:s2+$0xFFFFFF10]  }
0x26e: {  	v60 =	vmul.f32 v50, v41;
	v41 =	vld [tilespmem:s2+$0x90];
	v3 =	vadd.f32 v3, v16;
	v16 =	vbroadcast v28, $0x3  }
0x26f: {  	[tilespmem:$0x1F870] =	vst v12;
	v57 =	vmul.f32 v39, v33;
	v6 =	vld [tilespmem:s2+$0xF0];
	v0 =	vadd.f32 v5, v0  }
0x270: {  	[tilespmem:$0x1F880] =	vst v13;
	v18 =	vadd.f32 v60, v18;
	v31 =	vld [tilespmem:s2+$0xFFFFFFA0];
	v17 =	vbroadcast v28, $0x7;
	v8 =	vmul.f32 v8, v16  }
0x271: {  	v50 =	vunpack.i.l.bf16.f32 v25;
	v5 =	vld [tilespmem:s2+$0xFFFFFF60];
	v25 =	vunpack.i.l.bf16.f32 v23;
	v0 =	vadd.f32 v4, v0;
	[tilespmem:$0x1F810] =	vst v3  }
0x272: {  	v18 =	vadd.f32 v57, v18;
	v13 =	vunpack.i.u.bf16.f32 v59;
	v3 =	vld [tilespmem:$0x1F9F0];
	[tilespmem:$0x1F9C0] =	vst v8;
	v8 =	vmul.f32 v25, v17  }
0x273: {  	v12 =	vunpack.i.l.bf16.f32 v61;
	v10 =	vunpack.i.l.bf16.f32 v30;
	v58 =	vunpack.i.u.bf16.f32 v37;
	[tilespmem:$0x1F850] =	vst v0;
	v0 =	vld [tilespmem:s2+$0xFFFFFFE0]  }
0x274: {  	v39 =	vunpack.i.u.bf16.f32 v41;
	v52 =	vunpack.i.l.bf16.f32 v41;
	v18 =	vadd.f32 v43, v18;
	[tilespmem:$0x1F9D0] =	vst v8;
	v8 =	vld [tilespmem:$0x1F740]  }
0x275: {  	v42 =	vunpack.i.u.bf16.f32 v61;
	v56 =	vunpack.i.l.bf16.f32 v31;
	v19 =	vunpack.i.l.bf16.f32 v37;
	v4 =	vld [tilespmem:s2+$0x20]  }
0x276: {  	v55 =	vunpack.i.u.bf16.f32 v5;
	v23 =	vld [tilespmem:s2+$0xA0];
	[tilespmem:$0x1F750] =	vst v2;
	v2 =	vunpack.i.u.bf16.f32 v6;
	v14 =	vbroadcast v34, $0xF  }
0x277: {  	v47 =	vld [tilespmem:s2+$0xFFFFFF90];
	v1 =	vunpack.i.u.bf16.f32 v31;
	[tilespmem:$0x1F910] =	vst v2;
	v3 =	vadd.f32 v3, v18;
	v18 =	vbroadcast v28, $0xB  }
0x278: {  	v24 =	vunpack.i.l.bf16.f32 v5;
	v2 =	vunpack.i.l.bf16.f32 v6;
	[tilespmem:$0x1F760] =	vst v1;
	v37 =	vmul.f32 v29, v14  }
0x279: {  	[tilespmem:$0x1F930] =	vst v2;
	v1 =	vunpack.i.u.bf16.f32 v0;
	v29 =	vmul.f32 v8, v17;
	v8 =	vmul.f32 v9, v18  }
0x27a: {  	v6 =	vld [tilespmem:s2+$0xE0];
	v45 =	vunpack.i.u.bf16.f32 v4;
	v53 =	vunpack.i.l.bf16.f32 v4;
	v43 =	vunpack.i.l.bf16.f32 v0;
	[tilespmem:$0x1F770] =	vst v1  }
0x27b: {  	v0 =	vunpack.i.u.bf16.f32 v36;
	v49 =	vunpack.i.l.bf16.f32 v23;
	v40 =	vbroadcast v34, $0x3;
	[tilespmem:$0x1F9E0] =	vst v8;
	v8 =	vld [tilespmem:$0x1F750]  }
0x27c: {  	[tilespmem:$0x1F790] =	vst v0;
	v1 =	vunpack.i.l.bf16.f32 v47;
	v4 =	vbroadcast v34, $0x7;
	v20 =	vbroadcast v34, $0x2  }
0x27d: {  	v35 =	vld [tilespmem:s2+$0x50];
	v0 =	vunpack.i.l.bf16.f32 v36;
	v22 =	vbroadcast v34, $0xA;
	[tilespmem:$0x1F820] =	vst v1;
	v1 =	vbroadcast v28, $0x2  }
0x27e: {  	v46 =	vld [tilespmem:s2+$0xFFFFFF50];
	[tilespmem:$0x1F780] =	vst v0;
	v0 =	vunpack.i.u.bf16.f32 v23;
	v2 =	vbroadcast v28, $0x6;
	v5 =	vbroadcast v28, $0xE  }
0x27f: {  	v63 =	vld [tilespmem:s2+$0xFFFFFF40];
	v54 =	vbroadcast v28, $0x1;
	v32 =	vbroadcast v28, $0x5;
	[tilespmem:$0x1F7A0] =	vst v0;
	v0 =	vunpack.i.u.bf16.f32 v6  }
0x280: {  	v23 =	vld [tilespmem:s2+$0xFFFFFFD0];
	v33 =	vbroadcast v28, $0x9;
	[tilespmem:$0x1F860] =	vst v0;
	v0 =	vunpack.i.l.bf16.f32 v6;
	v8 =	vmul.f32 v8, v18  }
0x281: {  	v48 =	vld [tilespmem:s2+$0x10];
	v15 =	vunpack.i.l.bf16.f32 v59;
	v51 =	vbroadcast v28, $0xD;
	v61 =	vbroadcast v28, $0x0;
	[tilespmem:$0x1F9B0] =	vst v0  }
0x282: {  	v44 =	vunpack.i.l.bf16.f32 v35;
	v41 =	vbroadcast v28, $0x8;
	v0 =	vbroadcast v28, $0xF;
	[tilespmem:$0x1F9F0] =	vst v8;
	v8 =	vld [tilespmem:$0x1F760]  }
0x283: {  	v62 =	vunpack.i.u.bf16.f32 v30;
	v12 =	vmul.f32 v12, v4;
	v4 =	vmul.f32 v42, v4;
	[tilespmem:$0x1F840] =	vst v3  }
0x284: {  	v38 =	vmul.f32 v38, v14;
	v14 =	vunpack.i.l.bf16.f32 v63;
	[tilespmem:$0x1F990] =	vst v0;
	v0 =	vunpack.i.u.bf16.f32 v46  }
0x285: {  	v42 =	vld [tilespmem:s2+$0x0];
	v56 =	vmul.f32 v56, v22;
	v3 =	vunpack.i.u.bf16.f32 v23;
	v7 =	vunpack.i.l.bf16.f32 v23;
	[tilespmem:$0x1F800] =	vst v0  }
0x286: {  	v23 =	vunpack.i.u.bf16.f32 v48;
	v0 =	vunpack.i.l.bf16.f32 v46;
	[tilespmem:$0x1F8D0] =	vst v3;
	v3 =	vbroadcast v28, $0xA  }
0x287: {  	[tilespmem:$0x1F900] =	vst v23;
	v23 =	vunpack.i.l.bf16.f32 v48;
	v48 =	vbroadcast v28, $0x4;
	v22 =	vmul.f32 v8, v22;
	v8 =	vld [tilespmem:$0x1F770]  }
0x288: {  	[tilespmem:$0x1F7D0] =	vst v0;
	v0 =	vunpack.i.u.bf16.f32 v47;
	v47 =	vunpack.i.u.bf16.f32 v35;
	v35 =	vbroadcast v28, $0xC  }
0x289: {  	v28 =	vmul.f32 v15, v40;
	v15 =	vmul.f32 v13, v40;
	v13 =	vunpack.i.u.bf16.f32 v63  }
0x28a: {  	v63 =	vunpack.i.u.bf16.f32 v42;
	[tilespmem:$0x1F830] =	vst v0;
	v0 =	vbroadcast v34, $0xE;
	v18 =	vmul.f32 v10, v20  }
0x28b: {  	v20 =	vmul.f32 v62, v20;
	v62 =	vunpack.i.l.bf16.f32 v42;
	v42 =	vmul.f32 v53, v1;
	v53 =	vld [tilespmem:$0x1F7A0]  }
0x28c: {  	v9 =	vmul.f32 v8, v0;
	v8 =	vld [tilespmem:s2+$0xC0]  }
0x28d: {  	v36 =	vld [tilespmem:s2+$0xD0]  }
0x28e: {  	v60 =	vld [tilespmem:s2+$0xFFFFFF00];
	v21 =	vbroadcast v34, $0x6;
	v59 =	vbroadcast v34, $0x0  }
0x28f: {  	v31 =	vbroadcast v34, $0x4;
	[tilespmem:$0x1F9A0] =	vst v5;
	v5 =	vbroadcast v34, $0x1  }
0x290: {  	v26 =	vld [tilespmem:s2+$0xFFFFFF80];
	v40 =	vmul.f32 v49, v3;
	v10 =	vmul.f32 v43, v0  }
0x291: {  	v43 =	vmul.f32 v53, v3;
	v49 =	vunpack.i.u.bf16.f32 v8;
	v53 =	vunpack.i.l.bf16.f32 v8;
	v8 =	vld [tilespmem:$0x1F7B0]  }
0x292: {  	v24 =	vmul.f32 v24, v21;
	v21 =	vmul.f32 v55, v21;
	v46 =	vunpack.i.l.bf16.f32 v36  }
0x293: {  	v55 =	vld [tilespmem:s2+$0x80];
	[tilespmem:$0x1F8F0] =	vst v23;
	v23 =	vunpack.i.u.bf16.f32 v36;
	v36 =	vunpack.i.u.bf16.f32 v60;
	v60 =	vunpack.i.l.bf16.f32 v60  }
0x294: {  	v3 =	vmul.f32 v19, v5;
	v19 =	vmul.f32 v60, v59;
	v60 =	vld [tilespmem:$0x1F7E0]  }
0x295: {  	v11 =	vmul.f32 v50, v16;
	v16 =	vunpack.i.u.bf16.f32 v26;
	v17 =	vunpack.i.l.bf16.f32 v26;
	v26 =	vld [tilespmem:s2+$0x40]  }
0x296: {  	v8 =	vadd.f32 v19, v8;
	v19 =	vld [tilespmem:$0x1F7C0]  }
0x297: {  	v14 =	vmul.f32 v14, v31;
	v50 =	vld [tilespmem:$0x1F790]  }
0x298: {  	v13 =	vmul.f32 v13, v31;
	v31 =	vld [tilespmem:$0x1F7D0]  }
0x299: {  	v59 =	vmul.f32 v36, v59;
	v14 =	vadd.f32 v14, v60;
	v60 =	vld [tilespmem:$0x1F800]  }
0x29a: {  	v45 =	vmul.f32 v45, v1;
	v1 =	vunpack.i.l.bf16.f32 v26;
	v0 =	vunpack.i.u.bf16.f32 v26;
	v26 =	vld [tilespmem:$0x1F780]  }
0x29b: {  	v19 =	vadd.f32 v59, v19;
	v59 =	vld [tilespmem:$0x1F7F0];
	_ =	sdelay $0x2  }
0x29c: {  	v6 =	vbroadcast v34, $0x5;
	v5 =	vmul.f32 v58, v5;
	v58 =	vunpack.i.l.bf16.f32 v55  }
0x29d: {  	v26 =	vmul.f32 v26, v2;
	v2 =	vmul.f32 v50, v2;
	v50 =	vunpack.i.u.bf16.f32 v55  }
0x29e: {  	v55 =	vmul.f32 v31, v6;
	v6 =	vmul.f32 v60, v6;
	v13 =	vadd.f32 v13, v59  }
0x29f: {  	v3 =	vadd.f32 v3, v8;
	v8 =	vld [tilespmem:$0x1F820]  }
0x2a0: {  	v6 =	vadd.f32 v6, v13;
	v13 =	vld [tilespmem:$0x1F830];
	_ =	sdelay $0x1  }
0x2a1: {  	v30 =	vbroadcast v34, $0x8;
	v27 =	vld [tilespmem:s2+$0xFFFFFFC0];
	v5 =	vadd.f32 v5, v19  }
0x2a2: {  	[tilespmem:$0x1F8A0] =	vst v7;
	v7 =	vbroadcast v34, $0x9  }
0x2a3: {  	v16 =	vmul.f32 v16, v30;
	v3 =	vadd.f32 v18, v3;
	v5 =	vadd.f32 v20, v5  }
0x2a4: {  	v8 =	vmul.f32 v8, v7;
	v7 =	vmul.f32 v13, v7  }
0x2a5: {  	v13 =	vmul.f32 v17, v30;
	v30 =	vadd.f32 v28, v3;
	v28 =	vadd.f32 v15, v5;
	v5 =	vld [tilespmem:$0x1F870]  }
0x2a6: {  	v25 =	vunpack.i.u.bf16.f32 v27;
	v6 =	vadd.f32 v21, v6  }
0x2a7: {  	v57 =	vbroadcast v34, $0xD;
	v34 =	vbroadcast v34, $0xC  }
0x2a8: {  	v17 =	vadd.f32 v4, v6;
	v6 =	vld [tilespmem:$0x1F880]  }
0x2a9: {  	v4 =	vmul.f32 v25, v34;
	v25 =	vmov v29;
	v29 =	vmov v11;
	v11 =	vld [tilespmem:$0x1F8A0]  }
0x2aa: {  	v14 =	vadd.f32 v55, v14;
	v5 =	vadd.f32 v13, v5;
	v13 =	vld [tilespmem:$0x1F8B0];
	_ =	sdelay $0x1  }
0x2ab: {  	v27 =	vunpack.i.l.bf16.f32 v27;
	v14 =	vadd.f32 v24, v14  }
0x2ac: {  	v55 =	vmul.f32 v63, v61;
	v63 =	vld [tilespmem:$0x1F930];
	v3 =	vmul.f32 v27, v34  }
0x2ad: {  	v24 =	vadd.f32 v12, v14;
	v14 =	vld [tilespmem:$0x1F860];
	v6 =	vadd.f32 v16, v6  }
0x2ae: {  	v18 =	vld [tilespmem:$0x1F840];
	v12 =	vmul.f32 v11, v57;
	v3 =	vadd.f32 v3, v13  }
0x2af: {  	v6 =	vadd.f32 v7, v6;
	v7 =	vld [tilespmem:$0x1F8F0]  }
0x2b0: {  	v11 =	vld [tilespmem:$0x1F8D0];
	v3 =	vadd.f32 v12, v3  }
0x2b1: {  	v13 =	vld [tilespmem:$0x1F8C0]  }
0x2b2: {  	v27 =	vadd.f32 v10, v3;
	v3 =	vld [tilespmem:$0x1F940]  }
0x2b3: {  	v19 =	vld [tilespmem:$0x1F810];
	v5 =	vadd.f32 v8, v5  }
0x2b4: {  	v31 =	vmov v23;
	v23 =	vmov v51;
	v51 =	vmul.f32 v7, v54;
	v7 =	vld [tilespmem:$0x1F900]  }
0x2b5: {  	v15 =	vld [tilespmem:$0x1F850];
	v5 =	vadd.f32 v56, v5  }
0x2b6: {  	v16 =	vld [tilespmem:$0x1F890];
	v4 =	vadd.f32 v4, v13;
	v13 =	vmul.f32 v11, v57  }
0x2b7: {  	p0 =	sne.s32 s19, $0x780;
	v12 =	vadd.f32 v3, v5;
	v3 =	vld [tilespmem:$0x1F960]  }
.Ltmp2:
0x2b8: {  	v8 =	vld [tilespmem:$0x1F8E0];
	v4 =	vadd.f32 v13, v4;
	(pc) =	sbr.rel @p0 .LBB2_7-.Ltmp2, $4  }
0x2b9: {  	v34 =	vmovc v46;
	v46 =	vmov v52;
	v52 =	vmul.f32 v7, v54;
	v54 =	vmul.f32 v62, v61;
	v62 =	vld [tilespmem:$0x1F910]  }
0x2ba: {  	v6 =	vadd.f32 v22, v6;
	v56 =	vadd.f32 v9, v4;
	v9 =	vld [tilespmem:$0x1F920]  }
0x2bb: {  	v5 =	vld [tilespmem:$0x1F950]  }
0x2bc: {  	s19 =	sadd.s32 $0x80, s19;
	v1 =	vmul.f32 v1, v48;
	v36 =	vmov v47;
	v13 =	vadd.f32 v3, v6;
	v6 =	vld [tilespmem:$0x1F970]  }
0x2bd: {  	v3 =	vadd.f32 v37, v27;
	v0 =	vmul.f32 v0, v48;
	v10 =	vmul.f32 v50, v41  }
0x2be: {  	v4 =	vadd.f32 v38, v56;
	v7 =	vmul.f32 v44, v32;
	s2 =	sshll.u32 s8, $0x8;
	v1 =	vadd.f32 v1, v8  }
0x2bf: {  	v8 =	vmul.f32 v36, v32;
	s2 =	sand.u32 $0x3FFFFF00, s2;
	v0 =	vadd.f32 v0, v9;
	v10 =	vadd.f32 v10, v18  }
0x2c0: {  	[tilespmem:s2+$0x18040] =	vst v12;
	v12 =	vmul.f32 v49, v35;
	v5 =	vadd.f32 v54, v5;
	v1 =	vadd.f32 v7, v1  }
0x2c1: {  	[tilespmem:s2+$0x18030] =	vst v17;
	v17 =	vld [tilespmem:$0x1F9D0];
	v7 =	vmul.f32 v39, v33;
	v6 =	vadd.f32 v55, v6;
	v0 =	vadd.f32 v8, v0  }
0x2c2: {  	[tilespmem:s2+$0x18060] =	vst v3;
	v8 =	vmul.f32 v58, v41;
	v3 =	vadd.f32 v12, v15;
	v5 =	vadd.f32 v51, v5  }
0x2c3: {  	v11 =	vld [tilespmem:$0x1F9C0];
	v1 =	vadd.f32 v26, v1;
	v7 =	vadd.f32 v7, v10  }
0x2c4: {  	v9 =	vmul.f32 v46, v33;
	v12 =	vld [tilespmem:$0x1F9A0];
	v6 =	vadd.f32 v52, v6;
	v8 =	vadd.f32 v8, v19  }
0x2c5: {  	v0 =	vadd.f32 v2, v0;
	v5 =	vadd.f32 v42, v5  }
0x2c6: {  	v1 =	vadd.f32 v17, v1;
	v8 =	vadd.f32 v9, v8;
	v9 =	vmul.f32 v31, v23  }
0x2c7: {  	[tilespmem:s2+$0x18070] =	vst v4;
	v4 =	vld [tilespmem:$0x1F9B0];
	v6 =	vadd.f32 v45, v6;
	v5 =	vadd.f32 v29, v5  }
0x2c8: {  	[tilespmem:s2+$0x18000] =	vst v30;
	v2 =	vadd.f32 v43, v7;
	v3 =	vadd.f32 v9, v3;
	v9 =	vld [tilespmem:$0x1F990]  }
0x2c9: {  	v7 =	vld [tilespmem:$0x1F9E0];
	v6 =	vadd.f32 v11, v6;
	v11 =	vmul.f32 v53, v35;
	[tilespmem:s2+$0x18080] =	vst v5;
	v5 =	vmul.f32 v14, v12  }
0x2ca: {  	[tilespmem:s2+$0x18050] =	vst v13  }
0x2cb: {  	v13 =	vmul.f32 v34, v23;
	[tilespmem:s2+$0x180A0] =	vst v1;
	v11 =	vadd.f32 v11, v16;
	v1 =	vadd.f32 v5, v3;
	v5 =	vld [tilespmem:$0x1F9F0]  }
0x2cc: {  	[tilespmem:s2+$0x18010] =	vst v28;
	v0 =	vadd.f32 v25, v0;
	v8 =	vadd.f32 v40, v8  }
0x2cd: {  	[tilespmem:s2+$0x18020] =	vst v24;
	v4 =	vmul.f32 v4, v12;
	v10 =	vadd.f32 v13, v11;
	v3 =	vmul.f32 v62, v9  }
0x2ce: {  	[tilespmem:s2+$0x180B0] =	vst v0;
	v7 =	vadd.f32 v7, v8  }
0x2cf: {  	[tilespmem:s2+$0x18090] =	vst v6;
	v6 =	vmul.f32 v63, v9;
	v4 =	vadd.f32 v4, v10;
	v1 =	vadd.f32 v3, v1  }
0x2d0: {  	[tilespmem:s2+$0x180C0] =	vst v7;
	v2 =	vadd.f32 v5, v2  }
0x2d1: {  	s11 =	smin.u32 s7, $0x39;
	v0 =	vadd.f32 v6, v4;
	[tilespmem:s2+$0x180F0] =	vst v1  }
0x2d2: {  	s8 =	sshll.u32 s11, $0x9;
	[tilespmem:s2+$0x180D0] =	vst v2  }
0x2d3: {  	s19 =	sadd.s32 $0xC00, s8;
	[tilespmem:s2+$0x180E0] =	vst v0  }
0x2d4: {  	[tilespmem:s26], [sflag:$0x3] =	stream.indirect.gather [hbm4b:s3+s10], $0x10, s19, s10, $0xb8;
	[tilespmem:$0x1C000] =	vst v63  }
0x2d5: {  	s11 =	sadd.s32 $0xC80, s8  }
0x2d6: {  	[tilespmem:s29], [sflag:$0x3] =	stream.indirect.gather [hbm4b:s3+s10], $0x10, s11, s10, $0xb8;
	[tilespmem:$0x1C000] =	vst v63  }
0x2d7: {  	s19 =	sadd.s32 $0xD00, s8  }
0x2d8: {  	[tilespmem:s31], [sflag:$0x3] =	stream.indirect.gather [hbm4b:s3+s10], $0x10, s19, s10, $0xb8;
	[tilespmem:$0x1C000] =	vst v63  }
0x2d9: {  	s11 =	sadd.s32 $0xD80, s8  }
0x2da: {  	[tilespmem:s1], [sflag:$0x3] =	stream.indirect.gather [hbm4b:s3+s10], $0x10, s11, s10, $0xb8;
	[tilespmem:$0x1C000] =	vst v63  }
0x2db: {  	_ =	swait.ge [sflag:s9], $0x2000  }
0x2dc: {  	[sflag:s9] =	ssyncset.done $0x0  }
0x2dd: {  	s2 =	simm.s32 $0x16100;
	[sflag:s9] =	ssyncadd.s32 $0xFFFFE000  }
0x2de: {  	v8 =	vmov s5;
	v0 =	vld [tilespmem:s2+$0xFFFFFF30]  }
0x2df: {  	v1 =	vld [tilespmem:s2+$0xFFFFFF70]  }
0x2e0: {  	v2 =	vld [tilespmem:s2+$0xFFFFFFB0]  }
0x2e1: {  	v4 =	vld [tilespmem:s2+$0xFFFFFFF0]  }
0x2e2: {  	s19 =	simm.s32 $0x0;
	v7 =	vld [tilespmem:s2+$0xB0]  }
0x2e3: {  	v3 =	vld.idx.msk [tilespmem:v8+s19+$0xFFFFFFF0 ss:$0x1], $0xffff  }
0x2e4: {  	v5 =	vld [tilespmem:s2+$0x30]  }
0x2e5: {  	v9 =	vld.idx.msk [tilespmem:v8+s19+$0x0 ss:$0x1], $0xffff  }
0x2e6: {  	v12 =	vunpack.i.u.bf16.f32 v0;
	v0 =	vunpack.i.l.bf16.f32 v0;
	v13 =	vunpack.i.u.bf16.f32 v1  }
0x2e7: {  	v6 =	vld [tilespmem:s2+$0x70];
	v16 =	vunpack.i.u.bf16.f32 v2;
	v15 =	vunpack.i.l.bf16.f32 v2;
	v17 =	vunpack.i.u.bf16.f32 v4  }
0x2e8: {  	v23 =	vunpack.i.u.bf16.f32 v7;
	v27 =	vunpack.i.l.bf16.f32 v7;
	v7 =	vbroadcast v3, $0x3  }
0x2e9: {  	v10 =	vld [tilespmem:s2+$0xF0];
	v18 =	vunpack.i.l.bf16.f32 v4;
	v24 =	vbroadcast v3, $0x7;
	v25 =	vbroadcast v3, $0xB  }
0x2ea: {  	v19 =	vunpack.i.u.bf16.f32 v5;
	v28 =	vbroadcast v3, $0xF;
	v32 =	vbroadcast v9, $0x3  }
0x2eb: {  	v11 =	vld [tilespmem:s2+$0xFFFFFF20];
	v20 =	vunpack.i.l.bf16.f32 v5;
	v33 =	vbroadcast v9, $0x7;
	v35 =	vbroadcast v9, $0xB  }
0x2ec: {  	v21 =	vunpack.i.u.bf16.f32 v6;
	v4 =	vbroadcast v9, $0xF;
	v39 =	vbroadcast v3, $0x2  }
0x2ed: {  	v14 =	vld [tilespmem:s2+$0xFFFFFF60];
	v22 =	vunpack.i.l.bf16.f32 v6;
	v40 =	vbroadcast v3, $0x6;
	v42 =	vbroadcast v3, $0xA  }
0x2ee: {  	v62 =	vunpack.i.u.bf16.f32 v10;
	v43 =	vbroadcast v3, $0xE;
	v46 =	vbroadcast v9, $0x2  }
0x2ef: {  	v29 =	vld [tilespmem:s2+$0x20];
	v63 =	vunpack.i.l.bf16.f32 v10;
	v47 =	vbroadcast v9, $0x6;
	v49 =	vbroadcast v9, $0xA  }
0x2f0: {  	v37 =	vld [tilespmem:s2+$0xE0];
	v10 =	vunpack.i.u.bf16.f32 v11;
	v50 =	vbroadcast v3, $0x1;
	v51 =	vbroadcast v3, $0x5  }
0x2f1: {  	v60 =	vld [tilespmem:s2+$0xFFFFFF50];
	v2 =	vunpack.i.l.bf16.f32 v11;
	v53 =	vbroadcast v3, $0x9;
	v54 =	vbroadcast v3, $0xD  }
0x2f2: {  	v5 =	vld [tilespmem:s2+$0xFFFFFFA0];
	v30 =	vunpack.i.u.bf16.f32 v14;
	v59 =	vbroadcast v9, $0x1;
	v57 =	vbroadcast v3, $0x0  }
0x2f3: {  	v6 =	vld [tilespmem:s2+$0xFFFFFFE0];
	v31 =	vunpack.i.l.bf16.f32 v14;
	[tilespmem:$0x1F6A0] =	vst v4;
	v4 =	vbroadcast v9, $0xE;
	v0 =	vmul.f32 v0, v7  }
0x2f4: {  	v14 =	vld [tilespmem:s2+$0x60];
	v48 =	vunpack.i.u.bf16.f32 v29;
	v11 =	vmul.f32 v12, v7;
	v7 =	vmul.f32 v13, v24  }
0x2f5: {  	v55 =	vld [tilespmem:s2+$0xFFFFFF10];
	v45 =	vunpack.i.l.bf16.f32 v29;
	v38 =	vmul.f32 v17, v28;
	v29 =	vmul.f32 v20, v32  }
0x2f6: {  	[tilespmem:$0x1F690] =	vst v8;
	v20 =	vunpack.i.u.bf16.f32 v60;
	v12 =	vmul.f32 v2, v39;
	v13 =	vmul.f32 v10, v39  }
0x2f7: {  	v8 =	vmul.f32 v30, v40;
	v20 =	vmul.f32 v20, v51;
	[tilespmem:$0x1F6B0] =	vst v4;
	v4 =	vunpack.i.l.bf16.f32 v37  }
0x2f8: {  	v34 =	vunpack.i.u.bf16.f32 v5;
	v36 =	vunpack.i.l.bf16.f32 v5;
	v41 =	vunpack.i.u.bf16.f32 v6  }
0x2f9: {  	v44 =	vunpack.i.l.bf16.f32 v6;
	v52 =	vunpack.i.u.bf16.f32 v14;
	v56 =	vunpack.i.l.bf16.f32 v14  }
0x2fa: {  	v14 =	vunpack.i.u.bf16.f32 v37;
	[tilespmem:$0x1F6C0] =	vst v4;
	v37 =	vmul.f32 v18, v28;
	v4 =	vunpack.i.u.bf16.f32 v55  }
0x2fb: {  	v6 =	vmul.f32 v19, v32;
	v19 =	vunpack.i.l.bf16.f32 v55;
	v55 =	vmul.f32 v36, v42  }
0x2fc: {  	v5 =	vld [tilespmem:s2+$0xA0];
	v10 =	vmul.f32 v34, v42;
	v42 =	vmul.f32 v45, v46  }
0x2fd: {  	v39 =	vld [tilespmem:s2+$0x50];
	v45 =	vmul.f32 v48, v46;
	v26 =	vmul.f32 v56, v47  }
0x2fe: {  	v18 =	vld [tilespmem:s2+$0xFFFFFFD0];
	v2 =	vmul.f32 v52, v47;
	[tilespmem:$0x1F6D0] =	vst v6;
	v6 =	vmul.f32 v22, v33  }
0x2ff: {  	v52 =	vbroadcast v3, $0x4;
	v19 =	vmul.f32 v19, v50  }
0x300: {  	v1 =	vunpack.i.l.bf16.f32 v1;
	v4 =	vmul.f32 v4, v50;
	v47 =	vld [tilespmem:s2+$0x90];
	[tilespmem:$0x1F6E0] =	vst v6;
	v6 =	vmul.f32 v27, v35  }
0x301: {  	v58 =	vunpack.i.u.bf16.f32 v5;
	v61 =	vunpack.i.l.bf16.f32 v5;
	v5 =	vmul.f32 v1, v24  }
0x302: {  	v36 =	vunpack.i.u.bf16.f32 v39;
	v1 =	vmul.f32 v15, v25;
	[tilespmem:$0x1F6F0] =	vst v6;
	v6 =	vmul.f32 v23, v35  }
0x303: {  	v34 =	vunpack.i.u.bf16.f32 v18;
	v23 =	vld [tilespmem:s2+$0xFFFFFF00];
	v35 =	vmul.f32 v31, v40;
	v40 =	vmul.f32 v61, v49  }
0x304: {  	v18 =	vunpack.i.l.bf16.f32 v18;
	[tilespmem:$0x1F710] =	vst v1;
	v1 =	vmul.f32 v16, v25;
	v25 =	vmul.f32 v21, v33;
	v33 =	vld [tilespmem:s2+$0xFFFFFF40]  }
0x305: {  	v61 =	vld [tilespmem:s2+$0xFFFFFF80];
	v46 =	vunpack.i.l.bf16.f32 v47;
	v18 =	vmul.f32 v18, v54;
	v21 =	vunpack.i.l.bf16.f32 v60  }
0x306: {  	v60 =	vmul.f32 v44, v43;
	v16 =	vimm.f32 $0.0e+00;
	v44 =	vunpack.i.l.bf16.f32 v39;
	[tilespmem:$0x1F700] =	vst v6  }
0x307: {  	v39 =	vunpack.i.u.bf16.f32 v47;
	v6 =	vmul.f32 v41, v43;
	v43 =	vmul.f32 v58, v49;
	[tilespmem:$0x1F720] =	vst v1;
	v1 =	vld [tilespmem:s2+$0xFFFFFF90]  }
0x308: {  	v22 =	vld [tilespmem:s2+$0x10];
	v21 =	vmul.f32 v21, v51;
	v48 =	vunpack.i.l.bf16.f32 v23;
	v23 =	vunpack.i.u.bf16.f32 v23  }
0x309: {  	v32 =	vmul.f32 v48, v57;
	v56 =	vunpack.i.l.bf16.f32 v33;
	v23 =	vmul.f32 v23, v57  }
0x30a: {  	v33 =	vunpack.i.u.bf16.f32 v33;
	v57 =	vunpack.i.u.bf16.f32 v61;
	v48 =	vbroadcast v9, $0x4  }
0x30b: {  	v41 =	vmul.f32 v56, v52;
	v33 =	vmul.f32 v33, v52;
	v58 =	vadd.f32 v32, v16  }
0x30c: {  	v52 =	vbroadcast v3, $0x8;
	v56 =	vbroadcast v3, $0xC;
	v27 =	vunpack.i.u.bf16.f32 v1  }
0x30d: {  	v15 =	vunpack.i.l.bf16.f32 v1;
	v1 =	vunpack.i.u.bf16.f32 v22;
	v19 =	vadd.f32 v19, v58  }
0x30e: {  	v22 =	vunpack.i.l.bf16.f32 v22;
	v32 =	vbroadcast v9, $0x5;
	v41 =	vadd.f32 v41, v16  }
0x30f: {  	v23 =	vadd.f32 v23, v16;
	v16 =	vimm.f32 $0.0e+00;
	v3 =	vadd.f32 v12, v19;
	v19 =	vld [tilespmem:s2+$0xFFFFFFC0]  }
0x310: {  	v15 =	vmul.f32 v15, v53;
	v27 =	vmul.f32 v27, v53;
	v21 =	vadd.f32 v21, v41  }
0x311: {  	v51 =	vadd.f32 v33, v16;
	v4 =	vadd.f32 v4, v23;
	v33 =	vbroadcast v9, $0x9  }
0x312: {  	v23 =	vbroadcast v9, $0xD;
	v12 =	vunpack.i.l.bf16.f32 v61;
	v21 =	vadd.f32 v35, v21  }
0x313: {  	v20 =	vadd.f32 v20, v51;
	v58 =	vmul.f32 v12, v52;
	v30 =	vadd.f32 v0, v3;
	v0 =	vld [tilespmem:s2+$0x0]  }
0x314: {  	v24 =	vadd.f32 v5, v21;
	v21 =	vunpack.i.l.bf16.f32 v19;
	v19 =	vunpack.i.u.bf16.f32 v19  }
0x315: {  	v13 =	vadd.f32 v13, v4;
	v5 =	vimm.f32 $0.0e+00;
	v19 =	vmul.f32 v19, v56  }
0x316: {  	v4 =	vbroadcast v9, $0x0;
	v61 =	vmul.f32 v57, v52;
	v50 =	vadd.f32 v58, v5  }
0x317: {  	v52 =	vmul.f32 v34, v54;
	v20 =	vadd.f32 v8, v20;
	v19 =	vadd.f32 v19, v5  }
0x318: {  	v49 =	vld [tilespmem:s2+$0x80];
	v51 =	vadd.f32 v61, v5;
	v3 =	vadd.f32 v15, v50;
	v61 =	vunpack.i.l.bf16.f32 v0  }
0x319: {  	v53 =	vld [tilespmem:s2+$0xC0];
	v47 =	vunpack.i.u.bf16.f32 v0;
	v54 =	vmul.f32 v61, v4;
	v19 =	vadd.f32 v52, v19  }
0x31a: {  	v52 =	vmul.f32 v1, v59;
	v1 =	vadd.f32 v55, v3;
	v55 =	vmul.f32 v47, v4;
	v4 =	vld [tilespmem:$0x1F710]  }
0x31b: {  	v16 =	vimm.f32 $0.0e+00;
	v41 =	vbroadcast v9, $0x8;
	v35 =	vbroadcast v9, $0xC;
	v8 =	vld [tilespmem:s2+$0xD0]  }
0x31c: {  	v9 =	vimm.f32 $0.0e+00;
	v17 =	vadd.f32 v7, v20;
	v20 =	vld [tilespmem:s2+$0x40];
	v21 =	vmul.f32 v21, v56  }
0x31d: {  	v28 =	vadd.f32 v11, v13;
	v58 =	vunpack.i.l.bf16.f32 v49;
	v27 =	vadd.f32 v27, v51  }
0x31e: {  	v50 =	vunpack.i.u.bf16.f32 v49;
	v51 =	vmul.f32 v22, v59;
	v21 =	vadd.f32 v21, v5  }
0x31f: {  	v49 =	vunpack.i.u.bf16.f32 v53;
	v53 =	vunpack.i.l.bf16.f32 v53;
	v12 =	vadd.f32 v4, v1;
	v1 =	vld [tilespmem:$0x1F720]  }
0x320: {  	v15 =	vimm.f32 $0.0e+00;
	v31 =	vunpack.i.u.bf16.f32 v8;
	v18 =	vadd.f32 v18, v21  }
0x321: {  	v34 =	vunpack.i.l.bf16.f32 v8;
	v8 =	vimm.f32 $0.0e+00;
	v0 =	vunpack.i.u.bf16.f32 v20  }
0x322: {  	v20 =	vunpack.i.l.bf16.f32 v20;
	v3 =	vadd.f32 v10, v27;
	v27 =	vadd.f32 v60, v18  }
0x323: {  	v56 =	vadd.f32 v6, v19;
	v6 =	vimm.f32 $0.0e+00;
	v19 =	vimm.f32 $0.0e+00  }
0x324: {  	s8 =	sor.u32 $0x3, s7;
	s19 =	simm.s32 $0x80;
	v18 =	vimm.f32 $0.0e+00;
	v13 =	vadd.f32 v1, v3;
	v1 =	vmul.f32 v20, v48  }
.LBB2_9:
0x325: {  	v3 =	vadd.f32 v37, v27;
	_ =	sdelay $0x1  }
0x326: {  	[tilespmem:$0x1F5C0] =	vst v3;
	v3 =	vadd.f32 v38, v56;
	_ =	sdelay $0x1  }
0x327: {  	[tilespmem:$0x1F5D0] =	vst v3;
	v3 =	vadd.f32 v54, v5;
	_ =	sdelay $0x1  }
0x328: {  	v3 =	vadd.f32 v51, v3;
	_ =	sdelay $0x1  }
0x329: {  	v3 =	vadd.f32 v42, v3;
	_ =	sdelay $0x1  }
0x32a: {  	v3 =	vadd.f32 v29, v3  }
0x32b: {  	v20 =	vadd.f32 v55, v6  }
0x32c: {  	[tilespmem:$0x1F660] =	vst v3;
	v3 =	vld [tilespmem:$0x1F6D0]  }
0x32d: {  	v20 =	vadd.f32 v52, v20;
	_ =	sdelay $0x1  }
0x32e: {  	v20 =	vadd.f32 v45, v20;
	_ =	sdelay $0x1  }
0x32f: {  	v0 =	vmul.f32 v0, v48;
	v3 =	vadd.f32 v3, v20  }
0x330: {  	v55 =	vmul.f32 v44, v32;
	v1 =	vadd.f32 v1, v8  }
0x331: {  	v21 =	vmul.f32 v36, v32;
	v0 =	vadd.f32 v0, v9;
	[tilespmem:$0x1F680] =	vst v3;
	v3 =	vld [tilespmem:$0x1F6E0]  }
0x332: {  	v1 =	vadd.f32 v55, v1  }
0x333: {  	v0 =	vadd.f32 v21, v0  }
0x334: {  	v1 =	vadd.f32 v26, v1  }
0x335: {  	s2 =	sadd.s32 $0x200, s2;
	v0 =	vadd.f32 v2, v0  }
0x336: {  	v29 =	vld [tilespmem:s2+$0xFFFFFFB0];
	v1 =	vadd.f32 v3, v1  }
0x337: {  	v0 =	vadd.f32 v25, v0;
	v25 =	vld [tilespmem:s2+$0x30]  }
0x338: {  	[tilespmem:$0x1F5F0] =	vst v1;
	v1 =	vld [tilespmem:s2+$0xFFFFFFF0];
	_ =	sdelay $0x3  }
0x339: {  	v27 =	vunpack.i.u.bf16.f32 v29;
	v8 =	vunpack.i.l.bf16.f32 v29  }
0x33a: {  	v4 =	vld [tilespmem:$0x1F6C0];
	v38 =	vunpack.i.u.bf16.f32 v1;
	v29 =	vunpack.i.l.bf16.f32 v1;
	v1 =	vunpack.i.u.bf16.f32 v25  }
0x33b: {  	[tilespmem:$0x1F440] =	vst v1;
	v1 =	vld [tilespmem:$0x1F690]  }
0x33c: {  	v3 =	vld [tilespmem:$0x1F6B0];
	_ =	sdelay $0x3  }
0x33d: {  	[tilespmem:$0x1F4D0] =	vst v28;
	v28 =	vmul.f32 v53, v35  }
0x33e: {  	[tilespmem:$0x1F500] =	vst v17;
	v7 =	vmul.f32 v4, v3;
	v5 =	vmul.f32 v14, v3;
	v3 =	vld [tilespmem:$0x1F6A0]  }
0x33f: {  	[tilespmem:$0x1F4F0] =	vst v24;
	v24 =	vmul.f32 v34, v23;
	s11 =	sshra.s32 s19, $0x2;
	v17 =	vadd.f32 v28, v16  }
0x340: {  	v34 =	vld.idx.msk [tilespmem:v1+s11+$0xFFFFFFF0 ss:$0x1], $0xffff  }
0x341: {  	v17 =	vadd.f32 v24, v17  }
0x342: {  	v16 =	vmul.f32 v31, v23;
	v23 =	vld [tilespmem:s2+$0x70]  }
0x343: {  	v7 =	vadd.f32 v7, v17;
	v2 =	vmul.f32 v63, v3  }
0x344: {  	v28 =	vld [tilespmem:s2+$0xB0]  }
0x345: {  	v2 =	vadd.f32 v2, v7;
	v11 =	vbroadcast v34, $0xB  }
0x346: {  	v58 =	vmul.f32 v58, v41;
	v59 =	vld [tilespmem:s2+$0xFFFFFF30];
	[tilespmem:$0x1F630] =	vst v0  }
0x347: {  	v61 =	vld [tilespmem:s2+$0xFFFFFF70];
	v56 =	vmul.f32 v46, v33;
	[tilespmem:$0x1F5A0] =	vst v2;
	v2 =	vunpack.i.u.bf16.f32 v23;
	v8 =	vmul.f32 v8, v11  }
0x348: {  	v19 =	vadd.f32 v58, v19;
	v0 =	vmul.f32 v49, v35;
	v4 =	vmul.f32 v62, v3;
	v3 =	vld [tilespmem:$0x1F6F0];
	[tilespmem:$0x1F450] =	vst v2  }
0x349: {  	v9 =	vunpack.i.l.bf16.f32 v28;
	v2 =	vunpack.i.u.bf16.f32 v28;
	v28 =	vld.idx.msk [tilespmem:v1+s11+$0x0 ss:$0x1], $0xffff;
	[tilespmem:$0x1F650] =	vst v8;
	v8 =	vmul.f32 v27, v11  }
0x34a: {  	[tilespmem:$0x1F4C0] =	vst v30;
	v30 =	vld [tilespmem:s2+$0xFFFFFF20];
	v19 =	vadd.f32 v56, v19;
	v0 =	vadd.f32 v0, v15  }
0x34b: {  	[tilespmem:$0x1F670] =	vst v8;
	v8 =	vld [tilespmem:$0x1F440]  }
0x34c: {  	v36 =	vld [tilespmem:s2+$0x60];
	v0 =	vadd.f32 v16, v0;
	v16 =	vadd.f32 v40, v19  }
0x34d: {  	v37 =	vld [tilespmem:s2+$0xFFFFFF10]  }
0x34e: {  	v60 =	vmul.f32 v50, v41;
	v41 =	vld [tilespmem:s2+$0x90];
	v3 =	vadd.f32 v3, v16;
	v16 =	vbroadcast v28, $0x3  }
0x34f: {  	[tilespmem:$0x1F580] =	vst v12;
	v57 =	vmul.f32 v39, v33;
	v6 =	vld [tilespmem:s2+$0xF0];
	v0 =	vadd.f32 v5, v0  }
0x350: {  	[tilespmem:$0x1F590] =	vst v13;
	v18 =	vadd.f32 v60, v18;
	v31 =	vld [tilespmem:s2+$0xFFFFFFA0];
	v17 =	vbroadcast v28, $0x7;
	v8 =	vmul.f32 v8, v16  }
0x351: {  	v50 =	vunpack.i.l.bf16.f32 v25;
	v5 =	vld [tilespmem:s2+$0xFFFFFF60];
	v25 =	vunpack.i.l.bf16.f32 v23;
	v0 =	vadd.f32 v4, v0;
	[tilespmem:$0x1F520] =	vst v3  }
0x352: {  	v18 =	vadd.f32 v57, v18;
	v13 =	vunpack.i.u.bf16.f32 v59;
	v3 =	vld [tilespmem:$0x1F700];
	[tilespmem:$0x1F6D0] =	vst v8;
	v8 =	vmul.f32 v25, v17  }
0x353: {  	v12 =	vunpack.i.l.bf16.f32 v61;
	v10 =	vunpack.i.l.bf16.f32 v30;
	v58 =	vunpack.i.u.bf16.f32 v37;
	[tilespmem:$0x1F560] =	vst v0;
	v0 =	vld [tilespmem:s2+$0xFFFFFFE0]  }
0x354: {  	v39 =	vunpack.i.u.bf16.f32 v41;
	v52 =	vunpack.i.l.bf16.f32 v41;
	v18 =	vadd.f32 v43, v18;
	[tilespmem:$0x1F6E0] =	vst v8;
	v8 =	vld [tilespmem:$0x1F450]  }
0x355: {  	v42 =	vunpack.i.u.bf16.f32 v61;
	v56 =	vunpack.i.l.bf16.f32 v31;
	v19 =	vunpack.i.l.bf16.f32 v37;
	v4 =	vld [tilespmem:s2+$0x20]  }
0x356: {  	v55 =	vunpack.i.u.bf16.f32 v5;
	v23 =	vld [tilespmem:s2+$0xA0];
	[tilespmem:$0x1F460] =	vst v2;
	v2 =	vunpack.i.u.bf16.f32 v6;
	v14 =	vbroadcast v34, $0xF  }
0x357: {  	v47 =	vld [tilespmem:s2+$0xFFFFFF90];
	v1 =	vunpack.i.u.bf16.f32 v31;
	[tilespmem:$0x1F620] =	vst v2;
	v3 =	vadd.f32 v3, v18;
	v18 =	vbroadcast v28, $0xB  }
0x358: {  	v24 =	vunpack.i.l.bf16.f32 v5;
	v2 =	vunpack.i.l.bf16.f32 v6;
	[tilespmem:$0x1F470] =	vst v1;
	v37 =	vmul.f32 v29, v14  }
0x359: {  	[tilespmem:$0x1F640] =	vst v2;
	v1 =	vunpack.i.u.bf16.f32 v0;
	v29 =	vmul.f32 v8, v17;
	v8 =	vmul.f32 v9, v18  }
0x35a: {  	v6 =	vld [tilespmem:s2+$0xE0];
	v45 =	vunpack.i.u.bf16.f32 v4;
	v53 =	vunpack.i.l.bf16.f32 v4;
	v43 =	vunpack.i.l.bf16.f32 v0;
	[tilespmem:$0x1F480] =	vst v1  }
0x35b: {  	v0 =	vunpack.i.u.bf16.f32 v36;
	v49 =	vunpack.i.l.bf16.f32 v23;
	v40 =	vbroadcast v34, $0x3;
	[tilespmem:$0x1F6F0] =	vst v8;
	v8 =	vld [tilespmem:$0x1F460]  }
0x35c: {  	[tilespmem:$0x1F4A0] =	vst v0;
	v1 =	vunpack.i.l.bf16.f32 v47;
	v4 =	vbroadcast v34, $0x7;
	v20 =	vbroadcast v34, $0x2  }
0x35d: {  	v35 =	vld [tilespmem:s2+$0x50];
	v0 =	vunpack.i.l.bf16.f32 v36;
	v22 =	vbroadcast v34, $0xA;
	[tilespmem:$0x1F530] =	vst v1;
	v1 =	vbroadcast v28, $0x2  }
0x35e: {  	v46 =	vld [tilespmem:s2+$0xFFFFFF50];
	[tilespmem:$0x1F490] =	vst v0;
	v0 =	vunpack.i.u.bf16.f32 v23;
	v2 =	vbroadcast v28, $0x6;
	v5 =	vbroadcast v28, $0xE  }
0x35f: {  	v63 =	vld [tilespmem:s2+$0xFFFFFF40];
	v54 =	vbroadcast v28, $0x1;
	v32 =	vbroadcast v28, $0x5;
	[tilespmem:$0x1F4B0] =	vst v0;
	v0 =	vunpack.i.u.bf16.f32 v6  }
0x360: {  	v23 =	vld [tilespmem:s2+$0xFFFFFFD0];
	v33 =	vbroadcast v28, $0x9;
	[tilespmem:$0x1F570] =	vst v0;
	v0 =	vunpack.i.l.bf16.f32 v6;
	v8 =	vmul.f32 v8, v18  }
0x361: {  	v48 =	vld [tilespmem:s2+$0x10];
	v15 =	vunpack.i.l.bf16.f32 v59;
	v51 =	vbroadcast v28, $0xD;
	v61 =	vbroadcast v28, $0x0;
	[tilespmem:$0x1F6C0] =	vst v0  }
0x362: {  	v44 =	vunpack.i.l.bf16.f32 v35;
	v41 =	vbroadcast v28, $0x8;
	v0 =	vbroadcast v28, $0xF;
	[tilespmem:$0x1F700] =	vst v8;
	v8 =	vld [tilespmem:$0x1F470]  }
0x363: {  	v62 =	vunpack.i.u.bf16.f32 v30;
	v12 =	vmul.f32 v12, v4;
	v4 =	vmul.f32 v42, v4;
	[tilespmem:$0x1F550] =	vst v3  }
0x364: {  	v38 =	vmul.f32 v38, v14;
	v14 =	vunpack.i.l.bf16.f32 v63;
	[tilespmem:$0x1F6A0] =	vst v0;
	v0 =	vunpack.i.u.bf16.f32 v46  }
0x365: {  	v42 =	vld [tilespmem:s2+$0x0];
	v56 =	vmul.f32 v56, v22;
	v3 =	vunpack.i.u.bf16.f32 v23;
	v7 =	vunpack.i.l.bf16.f32 v23;
	[tilespmem:$0x1F510] =	vst v0  }
0x366: {  	v23 =	vunpack.i.u.bf16.f32 v48;
	v0 =	vunpack.i.l.bf16.f32 v46;
	[tilespmem:$0x1F5E0] =	vst v3;
	v3 =	vbroadcast v28, $0xA  }
0x367: {  	[tilespmem:$0x1F610] =	vst v23;
	v23 =	vunpack.i.l.bf16.f32 v48;
	v48 =	vbroadcast v28, $0x4;
	v22 =	vmul.f32 v8, v22;
	v8 =	vld [tilespmem:$0x1F480]  }
0x368: {  	[tilespmem:$0x1F4E0] =	vst v0;
	v0 =	vunpack.i.u.bf16.f32 v47;
	v47 =	vunpack.i.u.bf16.f32 v35;
	v35 =	vbroadcast v28, $0xC  }
0x369: {  	v28 =	vmul.f32 v15, v40;
	v15 =	vmul.f32 v13, v40;
	v13 =	vunpack.i.u.bf16.f32 v63  }
0x36a: {  	v63 =	vunpack.i.u.bf16.f32 v42;
	[tilespmem:$0x1F540] =	vst v0;
	v0 =	vbroadcast v34, $0xE;
	v18 =	vmul.f32 v10, v20  }
0x36b: {  	v20 =	vmul.f32 v62, v20;
	v62 =	vunpack.i.l.bf16.f32 v42;
	v42 =	vmul.f32 v53, v1;
	v53 =	vld [tilespmem:$0x1F4B0]  }
0x36c: {  	v9 =	vmul.f32 v8, v0;
	v8 =	vld [tilespmem:s2+$0xC0]  }
0x36d: {  	v36 =	vld [tilespmem:s2+$0xD0]  }
0x36e: {  	v60 =	vld [tilespmem:s2+$0xFFFFFF00];
	v21 =	vbroadcast v34, $0x6;
	v59 =	vbroadcast v34, $0x0  }
0x36f: {  	v31 =	vbroadcast v34, $0x4;
	[tilespmem:$0x1F6B0] =	vst v5;
	v5 =	vbroadcast v34, $0x1  }
0x370: {  	v26 =	vld [tilespmem:s2+$0xFFFFFF80];
	v40 =	vmul.f32 v49, v3;
	v10 =	vmul.f32 v43, v0  }
0x371: {  	v43 =	vmul.f32 v53, v3;
	v49 =	vunpack.i.u.bf16.f32 v8;
	v53 =	vunpack.i.l.bf16.f32 v8;
	v8 =	vld [tilespmem:$0x1F4C0]  }
0x372: {  	v24 =	vmul.f32 v24, v21;
	v21 =	vmul.f32 v55, v21;
	v46 =	vunpack.i.l.bf16.f32 v36  }
0x373: {  	v55 =	vld [tilespmem:s2+$0x80];
	[tilespmem:$0x1F600] =	vst v23;
	v23 =	vunpack.i.u.bf16.f32 v36;
	v36 =	vunpack.i.u.bf16.f32 v60;
	v60 =	vunpack.i.l.bf16.f32 v60  }
0x374: {  	v3 =	vmul.f32 v19, v5;
	v19 =	vmul.f32 v60, v59;
	v60 =	vld [tilespmem:$0x1F4F0]  }
0x375: {  	v11 =	vmul.f32 v50, v16;
	v16 =	vunpack.i.u.bf16.f32 v26;
	v17 =	vunpack.i.l.bf16.f32 v26;
	v26 =	vld [tilespmem:s2+$0x40]  }
0x376: {  	v8 =	vadd.f32 v19, v8;
	v19 =	vld [tilespmem:$0x1F4D0]  }
0x377: {  	v14 =	vmul.f32 v14, v31;
	v50 =	vld [tilespmem:$0x1F4A0]  }
0x378: {  	v13 =	vmul.f32 v13, v31;
	v31 =	vld [tilespmem:$0x1F4E0]  }
0x379: {  	v59 =	vmul.f32 v36, v59;
	v14 =	vadd.f32 v14, v60;
	v60 =	vld [tilespmem:$0x1F510]  }
0x37a: {  	v45 =	vmul.f32 v45, v1;
	v1 =	vunpack.i.l.bf16.f32 v26;
	v0 =	vunpack.i.u.bf16.f32 v26;
	v26 =	vld [tilespmem:$0x1F490]  }
0x37b: {  	v19 =	vadd.f32 v59, v19;
	v59 =	vld [tilespmem:$0x1F500];
	_ =	sdelay $0x2  }
0x37c: {  	v6 =	vbroadcast v34, $0x5;
	v5 =	vmul.f32 v58, v5;
	v58 =	vunpack.i.l.bf16.f32 v55  }
0x37d: {  	v26 =	vmul.f32 v26, v2;
	v2 =	vmul.f32 v50, v2;
	v50 =	vunpack.i.u.bf16.f32 v55  }
0x37e: {  	v55 =	vmul.f32 v31, v6;
	v6 =	vmul.f32 v60, v6;
	v13 =	vadd.f32 v13, v59  }
0x37f: {  	v3 =	vadd.f32 v3, v8;
	v8 =	vld [tilespmem:$0x1F530]  }
0x380: {  	v6 =	vadd.f32 v6, v13;
	v13 =	vld [tilespmem:$0x1F540];
	_ =	sdelay $0x1  }
0x381: {  	v30 =	vbroadcast v34, $0x8;
	v27 =	vld [tilespmem:s2+$0xFFFFFFC0];
	v5 =	vadd.f32 v5, v19  }
0x382: {  	[tilespmem:$0x1F5B0] =	vst v7;
	v7 =	vbroadcast v34, $0x9  }
0x383: {  	v16 =	vmul.f32 v16, v30;
	v3 =	vadd.f32 v18, v3;
	v5 =	vadd.f32 v20, v5  }
0x384: {  	v8 =	vmul.f32 v8, v7;
	v7 =	vmul.f32 v13, v7  }
0x385: {  	v13 =	vmul.f32 v17, v30;
	v30 =	vadd.f32 v28, v3;
	v28 =	vadd.f32 v15, v5;
	v5 =	vld [tilespmem:$0x1F580]  }
0x386: {  	v25 =	vunpack.i.u.bf16.f32 v27;
	v6 =	vadd.f32 v21, v6  }
0x387: {  	v57 =	vbroadcast v34, $0xD;
	v34 =	vbroadcast v34, $0xC  }
0x388: {  	v17 =	vadd.f32 v4, v6;
	v6 =	vld [tilespmem:$0x1F590]  }
0x389: {  	v4 =	vmul.f32 v25, v34;
	v25 =	vmov v29;
	v29 =	vmov v11;
	v11 =	vld [tilespmem:$0x1F5B0]  }
0x38a: {  	v14 =	vadd.f32 v55, v14;
	v5 =	vadd.f32 v13, v5;
	v13 =	vld [tilespmem:$0x1F5C0];
	_ =	sdelay $0x1  }
0x38b: {  	v27 =	vunpack.i.l.bf16.f32 v27;
	v14 =	vadd.f32 v24, v14  }
0x38c: {  	v55 =	vmul.f32 v63, v61;
	v63 =	vld [tilespmem:$0x1F640];
	v3 =	vmul.f32 v27, v34  }
0x38d: {  	v24 =	vadd.f32 v12, v14;
	v14 =	vld [tilespmem:$0x1F570];
	v6 =	vadd.f32 v16, v6  }
0x38e: {  	v18 =	vld [tilespmem:$0x1F550];
	v12 =	vmul.f32 v11, v57;
	v3 =	vadd.f32 v3, v13  }
0x38f: {  	v6 =	vadd.f32 v7, v6;
	v7 =	vld [tilespmem:$0x1F600]  }
0x390: {  	v11 =	vld [tilespmem:$0x1F5E0];
	v3 =	vadd.f32 v12, v3  }
0x391: {  	v13 =	vld [tilespmem:$0x1F5D0]  }
0x392: {  	v27 =	vadd.f32 v10, v3;
	v3 =	vld [tilespmem:$0x1F650]  }
0x393: {  	v19 =	vld [tilespmem:$0x1F520];
	v5 =	vadd.f32 v8, v5  }
0x394: {  	v31 =	vmov v23;
	v23 =	vmov v51;
	v51 =	vmul.f32 v7, v54;
	v7 =	vld [tilespmem:$0x1F610]  }
0x395: {  	v15 =	vld [tilespmem:$0x1F560];
	v5 =	vadd.f32 v56, v5  }
0x396: {  	v16 =	vld [tilespmem:$0x1F5A0];
	v4 =	vadd.f32 v4, v13;
	v13 =	vmul.f32 v11, v57  }
0x397: {  	p0 =	sne.s32 s19, $0x780;
	v12 =	vadd.f32 v3, v5;
	v3 =	vld [tilespmem:$0x1F670]  }
.Ltmp3:
0x398: {  	v8 =	vld [tilespmem:$0x1F5F0];
	v4 =	vadd.f32 v13, v4;
	(pc) =	sbr.rel @p0 .LBB2_9-.Ltmp3, $4  }
0x399: {  	v34 =	vmovc v46;
	v46 =	vmov v52;
	v52 =	vmul.f32 v7, v54;
	v54 =	vmul.f32 v62, v61;
	v62 =	vld [tilespmem:$0x1F620]  }
0x39a: {  	v6 =	vadd.f32 v22, v6;
	v56 =	vadd.f32 v9, v4;
	v9 =	vld [tilespmem:$0x1F630]  }
0x39b: {  	v5 =	vld [tilespmem:$0x1F660]  }
0x39c: {  	s19 =	sadd.s32 $0x80, s19;
	v1 =	vmul.f32 v1, v48;
	v36 =	vmov v47;
	v13 =	vadd.f32 v3, v6;
	v6 =	vld [tilespmem:$0x1F680]  }
0x39d: {  	v3 =	vadd.f32 v37, v27;
	v0 =	vmul.f32 v0, v48  }
0x39e: {  	v4 =	vadd.f32 v38, v56;
	v10 =	vmul.f32 v50, v41;
	v48 =	vmul.f32 v49, v35  }
0x39f: {  	v7 =	vmul.f32 v44, v32;
	v1 =	vadd.f32 v1, v8;
	v0 =	vadd.f32 v0, v9  }
0x3a0: {  	v37 =	vmul.f32 v36, v32;
	s2 =	sshll.u32 s8, $0x8;
	v10 =	vadd.f32 v10, v18;
	v50 =	vadd.f32 v48, v15  }
0x3a1: {  	v44 =	vmul.f32 v39, v33;
	v47 =	vld [tilespmem:$0x1F6E0];
	s2 =	sand.u32 $0x3FFFFF00, s2;
	v5 =	vadd.f32 v54, v5;
	v1 =	vadd.f32 v7, v1  }
0x3a2: {  	v57 =	vld [tilespmem:$0x1F6A0];
	[tilespmem:s2+$0x18000] =	vst v30;
	v6 =	vadd.f32 v55, v6;
	v0 =	vadd.f32 v37, v0  }
0x3a3: {  	v38 =	vmul.f32 v46, v33;
	v11 =	vld [tilespmem:$0x1F6D0];
	[tilespmem:s2+$0x18010] =	vst v28;
	v7 =	vadd.f32 v44, v10;
	v5 =	vadd.f32 v51, v5  }
0x3a4: {  	v46 =	vmul.f32 v53, v35;
	[tilespmem:s2+$0x18020] =	vst v24;
	v1 =	vadd.f32 v26, v1;
	v6 =	vadd.f32 v52, v6;
	v52 =	vld [tilespmem:$0x1F6B0]  }
0x3a5: {  	[tilespmem:s2+$0x18030] =	vst v17;
	v51 =	vmul.f32 v31, v23;
	v0 =	vadd.f32 v2, v0;
	v56 =	vadd.f32 v43, v7  }
0x3a6: {  	v53 =	vld [tilespmem:$0x1F6C0];
	[tilespmem:s2+$0x18040] =	vst v12;
	v5 =	vadd.f32 v42, v5;
	v6 =	vadd.f32 v45, v6;
	v45 =	vmul.f32 v58, v41  }
0x3a7: {  	[tilespmem:s2+$0x18060] =	vst v3;
	v61 =	vmul.f32 v62, v57;
	v62 =	vld [tilespmem:$0x1F700];
	v1 =	vadd.f32 v47, v1;
	v3 =	vadd.f32 v51, v50  }
0x3a8: {  	v49 =	vmul.f32 v34, v23;
	[tilespmem:s2+$0x18050] =	vst v13;
	v0 =	vadd.f32 v25, v0;
	v8 =	vadd.f32 v45, v19  }
0x3a9: {  	v59 =	vld [tilespmem:$0x1F6F0];
	[tilespmem:s2+$0x18070] =	vst v4;
	v6 =	vadd.f32 v11, v6;
	v11 =	vadd.f32 v46, v16;
	v55 =	vmul.f32 v14, v52  }
0x3aa: {  	v5 =	vadd.f32 v29, v5;
	[tilespmem:s2+$0x180A0] =	vst v1;
	v8 =	vadd.f32 v38, v8  }
0x3ab: {  	[tilespmem:s2+$0x180B0] =	vst v0;
	v4 =	vmul.f32 v53, v52;
	v54 =	vadd.f32 v49, v11;
	v60 =	vadd.f32 v55, v3  }
0x3ac: {  	v2 =	vadd.f32 v62, v56;
	[tilespmem:s2+$0x18080] =	vst v5;
	v8 =	vadd.f32 v40, v8  }
0x3ad: {  	v58 =	vmul.f32 v63, v57;
	[tilespmem:s2+$0x18090] =	vst v6;
	v4 =	vadd.f32 v4, v54;
	v1 =	vadd.f32 v61, v60  }
0x3ae: {  	[tilespmem:s2+$0x180D0] =	vst v2;
	v7 =	vadd.f32 v59, v8  }
0x3af: {  	s7 =	smin.u32 s7, $0x38;
	v63 =	vadd.f32 v58, v4;
	[tilespmem:s2+$0x180F0] =	vst v1  }
0x3b0: {  	s7 =	sshll.u32 s7, $0x9;
	[tilespmem:s2+$0x180C0] =	vst v7  }
0x3b1: {  	s6 =	sadd.s32 $0x1, s6;
	s19 =	sadd.s32 $0xE00, s7;
	[tilespmem:s2+$0x180E0] =	vst v63  }
0x3b2: {  	[tilespmem:s13], [sflag:$0x4] =	stream.indirect.gather [hbm4b:s3+s10], $0x10, s19, s10, $0xb8;
	[tilespmem:$0x1C000] =	vst v63  }
0x3b3: {  	p0 =	sne.s32 s6, $0x10;
	s8 =	sadd.s32 $0xE80, s7  }
0x3b4: {  	[tilespmem:s17], [sflag:$0x4] =	stream.indirect.gather [hbm4b:s3+s10], $0x10, s8, s10, $0xb8;
	[tilespmem:$0x1C000] =	vst v63  }
.Ltmp4:
0x3b5: {  	_ = 	snop;
	(pc) =	sbr.rel @p0 .LBB2_2-.Ltmp4, $4  }
0x3b6: {  	s23 =	sadd.s32 $0x800, s23;
	s15 =	sadd.s32 $0x800, s15;
	s11 =	sadd.s32 $0xF00, s7  }
0x3b7: {  	[tilespmem:s21], [sflag:$0x4] =	stream.indirect.gather [hbm4b:s3+s10], $0x10, s11, s10, $0xb8;
	[tilespmem:$0x1C000] =	vst v63  }
0x3b8: {  	s4 =	sadd.s32 $0x800, s4;
	s5 =	sadd.s32 $0x800, s5;
	s19 =	sadd.s32 $0xF80, s7  }
0x3b9: {  	[tilespmem:s25], [sflag:$0x4] =	stream.indirect.gather [hbm4b:s3+s10], $0x10, s19, s10, $0xb8;
	[tilespmem:$0x1C000] =	vst v63  }
0x3ba: {  	_ =	swait.ge [sflag:s28], $0x2000  }
0x3bb: {  	[sflag:s28] =	ssyncset.done $0x0  }
0x3bc: {  	[sflag:s28] =	ssyncadd.s32 $0xFFFFE000  }
0x3bd: {  	_ =	swait.ge [sflag:s30], $0x2000  }
0x3be: {  	[sflag:s30] =	ssyncset.done $0x0  }
0x3bf: {  	[sflag:s30] =	ssyncadd.s32 $0xFFFFE000  }
0x3c0: {  	_ =	swait.ge [sflag:s0], $0x2000  }
0x3c1: {  	[sflag:s0] =	ssyncset.done $0x0  }
0x3c2: {  	[sflag:s0] =	ssyncadd.s32 $0xFFFFE000  }
0x3c3: {  	_ =	swait.ge [sflag:s9], $0x2000  }
0x3c4: {  	s6 =	simm.s32 $0x0;
	[sflag:s9] =	ssyncset.done $0x0  }
0x3c5: {  	s4 =	simm.s32 $0x18000;
	s2 =	rddreg [dreg:$0x4];
	[sflag:s9] =	ssyncadd.s32 $0xFFFFE000  }
0x3c6: {  	[hbm4b:s2+s6] =	stream.linear.scatter [tilespmem:s4], [sflag:$0x5], $0x4000, $0x38;
	[tilespmem:$0x1C000] =	vst v63  }
0x3c7: {  	s4 =	simm.s32 $0x5  }
0x3c8: {  	_ =	swait.ge [sflag:s4], $0x4000  }
0x3c9: {  	s5 =	rddreg [dreg:$0x6]  }
0x3ca: {  	s23 =	rddreg [dreg:$0x5];
	s5 =	sadd.s32 $0x1, s5  }
0x3cb: {  	p0 =	sne.s32 s5, s23  }
.Ltmp5:
0x3cc: {  	_ = 	snop;
	(pc) =	sbr.rel @p0 .LBB2_1-.Ltmp5, $3  }
0x3cd: {  	_ =	sdelay $0x1  }
0x3ce: {  	[sflag:s4] =	ssyncset.done $0x0  }
0x3cf: {  	[sflag:s4] =	ssyncadd.s32 $0xFFFFC000  }
0x3d0: {  	_ =	sfence.sel $0x180000  }
0x3d1: {  	[bflag:$0x0] =	sbarrier.arrive $0xFFFF  }
0x3d2: {  	_ =	strace $0x90000047  }
0x3d3: {  	s0 =	stileid.u32;
	[bflag:$0x2] =	sbarrier.arrive $0xFFFF  }
0x3d4: {  	p0 =	sne.s32 s0, $0x0;
	s0 =	rddreg [dreg:$0x1]  }
0x3d5: {  	s0 =	sadd.s32 @!p0 $0x100000, s0  }
0x3d6: {  	[sflag:s0] =	ssyncadd.tile.s32 @!p0 $0x1;
	_ =	shalt  }
.Lfunc_end2:
_tile_overlayer_lowered:
.L_overlay_start_2:
0x3d7: {  	(tag) =	ssettag $0x2  }
0x3d8: {  	s0 =	rddreg [dreg:$0x0];
	s2 =	stileid.u32  }
0x3d9: {  	s1 =	rddreg [dreg:$0x1];
	p0 =	sne.s32 s2, $0x0  }
0x3da: {  	s3 =	rddreg [dreg:$0x2];
	[bflag:$0x3] =	sbarrier.arrive $0xFFFF;
	s2 =	simm.s32 @!p0 $0x1C05  }
0x3db: {  	[timem:s3], [sflag:s2] =	dma.local @!p0 [hbm:s0], s1  }
0x3dc: {  	s0 =	simm.s32 @!p0 $0x5  }
0x3dd: {  	_ =	swait.ge @!p0 [sflag:s0], s1  }
0x3de: {  	s1 =	ssub.s32 @!p0 $0x0, s1;
	[sflag:s0] =	ssyncset.done @!p0 $0x0  }
0x3df: {  	[sflag:s0] =	ssyncadd.s32 @!p0 s1  }
0x3e0: {  	[bflag:$0x3] =	sbarrier.arrive $0xFFFF  }
0x3e1: {  	_ =	shalt  }

</sc_bundles>
